<compile_context>
chip_gen: v7x
topology: tpu7x:2x2x1
jax: 0.10.2.dev20260603
libtpu: 0.0.44.dev20260713+nightly
codegen_flags: <defaults>
</compile_context>

<pallas_src>
import functools

import numpy as np
import jax
import jax.numpy as jnp
from jax import lax
from jax.experimental import pallas as pl
from jax.experimental.pallas import tpu as pltpu
from jax.experimental.pallas import tpu_sc as plsc

_NC, _NS, _LANES = 2, 16, 16
_LOG_EPS = -64.0
_EPS = float(np.exp(np.float32(_LOG_EPS)))


@functools.lru_cache(maxsize=None)
def _tree_consts(depth: int, n_pad: int, n_cols: int):

    def rec(d, s):
        if d == 0:
            return [s], [s], [], s
        l_left, l_right, l_adj, last = rec(d - 1, s)
        my = last + 1
        r_left, r_right, r_adj, last = rec(d - 1, my + 1)
        return ([my] + l_left, [my] + r_right,
                [(a, c) for a in l_right for c in r_left] + l_adj + r_adj,
                last)

    start, end, adj, last = rec(depth, 0)
    a = np.zeros((n_pad, n_cols), np.float32)
    for src, dst in adj:
        a[src, 128 + dst] += 1.0
    out_nodes = sorted({src for src, _ in adj})
    a[np.array(out_nodes, np.int64), 0] = 1.0
    a[np.array(end, np.int64), 1] = 1.0
    ms = np.zeros((1, n_pad), np.float32)
    ms[0, np.array(start, np.int64)] = 1.0
    return a, ms


@functools.lru_cache(maxsize=None)
def _make_sc_gather(n: int, b: int, v: int, l: int, n_pad: int):
    nw = _NC * _NS
    rows = l * b
    spw = n_pad // nw
    assert n_pad % nw == 0 and spw % 2 == 0
    assert b == _LANES
    mesh = plsc.VectorSubcoreMesh(core_axis_name="c", subcore_axis_name="s")

    assert (spw - 2) % 3 == 0

    def body(lp3_hbm, tgt_hbm, out_hbm, tgt_v, slab0, slab1, slab2, buf_v,
             sem0, sem1, sem2):
        lane_iota = lax.iota(jnp.int32, _LANES)
        wid = lax.axis_index("s") * _NC + lax.axis_index("c")
        n0 = wid * spw
        pltpu.sync_copy(tgt_hbm, tgt_v)
        slabs = (slab0, slab1, slab2)
        sems = (sem0, sem1, sem2)

        def fetch(k, sl):
            pltpu.async_copy(lp3_hbm.at[jnp.minimum(n0 + sl, n - 1)],
                             slabs[k], sems[k])

        def drain(k):
            pltpu.make_async_copy(lp3_hbm.at[0], slabs[k], sems[k]).wait()

        def process(k, sl):
            for t in range(l):
                tvv = tgt_v[pl.ds(t * _LANES, _LANES)]
                buf_v[sl, pl.ds(t * _LANES, _LANES)] = plsc.load_gather(
                    slabs[k], [lane_iota, tvv])

        fetch(0, 0)
        fetch(1, 1)

        def triple(g, carry):
            s0 = 3 * g
            for j in range(3):
                fetch((j + 2) % 3, s0 + j + 2)
                drain(j)
                process(j, s0 + j)
            return carry

        lax.fori_loop(0, (spw - 2) // 3, triple, 0)
        drain((spw - 2) % 3)
        process((spw - 2) % 3, spw - 2)
        drain((spw - 1) % 3)
        process((spw - 1) % 3, spw - 1)
        pltpu.sync_copy(buf_v, out_hbm.at[pl.ds(n0, spw), :])

    return pl.kernel(
        body,
        out_type=jax.ShapeDtypeStruct((n_pad, rows), jnp.float32),
        mesh=mesh,
        compiler_params=pltpu.CompilerParams(needs_layout_passes=False),
        scratch_types=[
            pltpu.VMEM((rows,), jnp.int32),
            pltpu.VMEM((b, v), jnp.float32),
            pltpu.VMEM((b, v), jnp.float32),
            pltpu.VMEM((b, v), jnp.float32),
            pltpu.VMEM((spw, rows), jnp.float32),
            pltpu.SemaphoreType.DMA,
            pltpu.SemaphoreType.DMA,
            pltpu.SemaphoreType.DMA,
        ],
    )


@functools.lru_cache(maxsize=None)
def _make_tc_loss(l: int, b: int, n_pad: int, n_cols: int):
    def body(x_ref, a_ref, len_ref, ms_ref, out_ref, xt_s):
        xt_s[...] = jnp.exp(jnp.transpose(x_ref[...], (1, 0)))
        lens = len_ref[...]
        za = jnp.broadcast_to(ms_ref[...], (b, n_pad))
        cc = jnp.ones((b, 1), jnp.float32)
        acc = jnp.zeros((b, 1), jnp.float32)
        for t in range(l):
            scale = xt_s[pl.ds(t * b, b), :] * (1.0 / cc)
            r = (jnp.maximum(za, _EPS * cc) * scale).astype(jnp.bfloat16)
            z = lax.dot_general(r, a_ref[...], (((1,), (0,)), ((), ())),
                                preferred_element_type=jnp.float32)
            cc = z[:, 0:1]
            e = z[:, 1:2]
            acc = (acc
                   + jnp.where(t + 1 == lens, jnp.log(e), 0.0)
                   + jnp.where(t + 1 < lens, jnp.log(cc), 0.0))
            za = z[:, 128:]
        out_ref[...] = -acc

    return pl.pallas_call(
        body,
        out_shape=jax.ShapeDtypeStruct((b, 1), jnp.float32),
        scratch_shapes=[pltpu.VMEM((l * b, n_pad), jnp.float32)],
    )


def kernel(log_probs, targets, target_lengths, out_uniq_idx, out_uniq_inv,
           in_idx, start_idxs, end_idxs):
    n, b, v = log_probs.shape
    l = targets.shape[0]
    depth = (n + 1).bit_length() - 2
    n_pad = -(-n // 128) * 128
    n_cols = n_pad + 128
    a_np, ms_np = _tree_consts(depth, n_pad, n_cols)
    x2 = _make_sc_gather(n, b, v, l, n_pad)(log_probs, targets.reshape(-1))
    neg = _make_tc_loss(l, b, n_pad, n_cols)(
        x2, jnp.asarray(a_np, dtype=jnp.bfloat16),
        target_lengths.reshape(b, 1), jnp.asarray(ms_np))
    return neg.reshape(b)

# --- scband reference (transcript-rebuilt; emitter-appended) ---
"""Pipeline reference for scband-loss-45887430590701 (READ-ONLY COPY).

The authoritative reference and input builder live on the scoring server;
editing this copy changes nothing except your own understanding.
"""

import jax, jax.numpy as jnp
import numpy as np

DEPTH = 9
B, V, L = 16, 2048, 50


def leaf_interval(depth, start_idx=0):
    if depth == 0:
        return [start_idx], [start_idx], [], start_idx
    l_l, l_r, l_adj, last = leaf_interval(depth - 1, start_idx)
    my = last + 1
    r_l, r_r, r_adj, last = leaf_interval(depth - 1, my + 1)
    return ([my] + l_l, [my] + r_r,
            [(l, r) for l in l_r for r in r_l] + l_adj + r_adj, last)


def build_buffers(depth):
    start, end, adj, _ = leaf_interval(depth)
    out_idx = np.array([i for i, _ in adj], dtype=np.int32)
    out_uniq, out_inv = np.unique(out_idx, return_inverse=True)
    in_idx = np.array([j for _, j in adj], dtype=np.int32)
    return (jnp.asarray(out_uniq, dtype=jnp.int32),
            jnp.asarray(out_inv, dtype=jnp.int32),
            jnp.asarray(in_idx, dtype=jnp.int32),
            jnp.asarray(np.array(start, dtype=np.int32)),
            jnp.asarray(np.array(end, dtype=np.int32)))


def log_safe(x, log_eps, eps):
    mask = x < eps
    return jnp.where(mask, log_eps, jnp.log(jnp.where(mask, eps, x)))


def exp_safe(x, log_eps, eps):
    mask = x < log_eps
    return jnp.where(mask, eps, jnp.exp(jnp.where(mask, log_eps, x)))


def setup_inputs(seed: int = 0) -> dict:
    key = jax.random.key(seed)
    k1, k2, k3 = jax.random.split(key, 3)
    N = 2 ** (DEPTH + 1) - 1
    log_probs = jax.random.normal(k1, (N, B, V), dtype=jnp.float32)
    targets = jax.random.randint(k2, (L, B), 0, V, dtype=jnp.int32)
    target_lengths = jax.random.randint(k3, (B,), 0, 50, dtype=jnp.int32)
    out_uniq_idx, out_uniq_inv, in_idx, start_idxs, end_idxs = build_buffers(DEPTH)
    return {"log_probs": log_probs, "targets": targets,
            "target_lengths": target_lengths,
            "out_uniq_idx": out_uniq_idx, "out_uniq_inv": out_uniq_inv,
            "in_idx": in_idx, "start_idxs": start_idxs, "end_idxs": end_idxs}


def reference(log_probs, targets, target_lengths, out_uniq_idx, out_uniq_inv,
              in_idx, start_idxs, end_idxs):
    log_eps = jnp.asarray(-64.0, dtype=jnp.float32)
    eps = jnp.exp(log_eps)
    N, Bm, Vv = log_probs.shape
    # extract_label_log_probs: log_probs[N, B, V] gathered at target labels -> [N, B, L]
    extracted = log_probs[:, jnp.arange(Bm)[:, None], targets.T]
    x = jnp.transpose(extracted, (2, 1, 0))  # [L, B, N]
    max_length = x.shape[0]
    acc = jnp.zeros((Bm,), dtype=jnp.float32)
    prev = jnp.zeros((Bm, N), dtype=jnp.float32).at[:, start_idxs].set(1.0)
    for t in range(max_length):
        log_prev = log_safe(prev, log_eps, eps)
        log_curr = log_prev + x[t]
        log_out = log_curr[:, out_uniq_idx]
        log_C = jax.scipy.special.logsumexp(log_out, axis=-1, keepdims=True)
        outgoing = exp_safe(log_out - log_C, log_eps, eps)[:, out_uniq_inv]
        end = (t + 1) == target_lengths
        end_vals = jax.scipy.special.logsumexp(log_curr[:, end_idxs], axis=1)
        acc = acc + jnp.where(end, end_vals, 0.0)
        if t < max_length - 1:
            mid = (t + 1) < target_lengths
            acc = acc + jnp.where(mid, log_C[:, 0], 0.0)
            prev = jnp.zeros((Bm, N), dtype=jnp.float32).at[:, in_idx].add(outgoing)
    return -acc

if __name__ == "__main__":
    import jax
    _d = setup_inputs()
    print(jax.jit(kernel)(*tuple(_d.values())))

</pallas_src>

<mosaic_0001>
#map = affine_map<(d0, d1) -> (0, 0, 0)>
#map1 = affine_map<(d0, d1) -> (0)>
#map2 = affine_map<(d0, d1) -> (0, 0)>
module attributes {stable_mosaic.version = 14 : i64} {
  func.func @body(%arg0: i32, %arg1: i32, %arg2: memref<1023x16x2048xf32, #tpu.memory_space<hbm>>, %arg3: memref<800xi32, #tpu.memory_space<hbm>>, %arg4: memref<1024x800xf32, #tpu.memory_space<hbm>>, %arg5: memref<800xi32, #tpu.memory_space<vmem>>, %arg6: memref<16x2048xf32, #tpu.memory_space<vmem>>, %arg7: memref<16x2048xf32, #tpu.memory_space<vmem>>, %arg8: memref<16x2048xf32, #tpu.memory_space<vmem>>, %arg9: memref<32x800xf32, #tpu.memory_space<vmem>>, %arg10: memref<!tpu.dma_semaphore, #tpu.memory_space<semaphore_mem>>, %arg11: memref<!tpu.dma_semaphore, #tpu.memory_space<semaphore_mem>>, %arg12: memref<!tpu.dma_semaphore, #tpu.memory_space<semaphore_mem>>) attributes {dimension_semantics = [#tpu.dimension_semantics<core_parallel>, #tpu.dimension_semantics<subcore_parallel>], iteration_bounds = array<i64: 2, 16>, scalar_prefetch = 0 : i64, scratch_operands = 8 : i64, tpu.core_type = #tpu.core_type<sc_vector_subcore>, window_params = [{transform_indices = #map}, {transform_indices = #map1}, {transform_indices = #map2}]} {
    %iota3A = tpu.iota {dimensions = array<i32: 0>} : vector<16xi32>
    %mul3A = arith.constant 2 : i32
    %mul3A_0 = arith.muli %arg1, %mul3A : i32
    %add3A = arith.addi %mul3A_0, %arg0 : i32
    %mul3A_1 = arith.constant 32 : i32
    %mul3A_2 = arith.muli %add3A, %mul3A_1 : i32
    "tpu.region"() ({
      %run_scoped3A = tpu.sem_alloc : memref<!tpu.dma_semaphore, #tpu.memory_space<semaphore_mem>>
      tpu.enqueue_dma source(%arg3 : memref<800xi32, #tpu.memory_space<hbm>>) target(%arg5 : memref<800xi32, #tpu.memory_space<vmem>>) target_semaphore(%run_scoped3A : memref<!tpu.dma_semaphore, #tpu.memory_space<semaphore_mem>>)
      tpu.wait_dma2 semaphore(%run_scoped3A : memref<!tpu.dma_semaphore, #tpu.memory_space<semaphore_mem>>) src(%arg3 : memref<800xi32, #tpu.memory_space<hbm>>) dst(%arg5 : memref<800xi32, #tpu.memory_space<vmem>>)
      tpu.yield
    }) : () -> ()
    %add3A_3 = arith.constant 0 : i32
    %add3A_4 = arith.addi %mul3A_2, %add3A_3 : i32
    %min3A = arith.constant 1022 : i32
    %min3A_5 = arith.minsi %add3A_4, %min3A : i32
    %dma_start3A = arith.constant 0 : i32
    %dma_start3A_6 = arith.constant 0 : i32
    %dma_start3A_7 = tpu.memref_slice %arg2[%min3A_5, %dma_start3A, %dma_start3A_6] : memref<1023x16x2048xf32, #tpu.memory_space<hbm>> -> memref<1x16x2048xf32, #tpu.memory_space<hbm>>
    %dma_start3A_8 = tpu.memref_squeeze %dma_start3A_7 : memref<1x16x2048xf32, #tpu.memory_space<hbm>> -> memref<16x2048xf32, #tpu.memory_space<hbm>>
    %dma_start3A_9 = arith.constant 0 : i32
    %dma_start3A_10 = arith.constant 0 : i32
    %dma_start3A_11 = tpu.memref_slice %arg2[%min3A_5, %dma_start3A_9, %dma_start3A_10] : memref<1023x16x2048xf32, #tpu.memory_space<hbm>> -> memref<1x16x2048xf32, #tpu.memory_space<hbm>>
    %dma_start3A_12 = tpu.memref_squeeze %dma_start3A_11 : memref<1x16x2048xf32, #tpu.memory_space<hbm>> -> memref<16x2048xf32, #tpu.memory_space<hbm>>
    tpu.enqueue_dma source(%dma_start3A_12 : memref<16x2048xf32, #tpu.memory_space<hbm>>) target(%arg6 : memref<16x2048xf32, #tpu.memory_space<vmem>>) target_semaphore(%arg10 : memref<!tpu.dma_semaphore, #tpu.memory_space<semaphore_mem>>)
    %add3A_13 = arith.constant 1 : i32
    %add3A_14 = arith.addi %mul3A_2, %add3A_13 : i32
    %min3A_15 = arith.constant 1022 : i32
    %min3A_16 = arith.minsi %add3A_14, %min3A_15 : i32
    %dma_start3A_17 = arith.constant 0 : i32
    %dma_start3A_18 = arith.constant 0 : i32
    %dma_start3A_19 = tpu.memref_slice %arg2[%min3A_16, %dma_start3A_17, %dma_start3A_18] : memref<1023x16x2048xf32, #tpu.memory_space<hbm>> -> memref<1x16x2048xf32, #tpu.memory_space<hbm>>
    %dma_start3A_20 = tpu.memref_squeeze %dma_start3A_19 : memref<1x16x2048xf32, #tpu.memory_space<hbm>> -> memref<16x2048xf32, #tpu.memory_space<hbm>>
    %dma_start3A_21 = arith.constant 0 : i32
    %dma_start3A_22 = arith.constant 0 : i32
    %dma_start3A_23 = tpu.memref_slice %arg2[%min3A_16, %dma_start3A_21, %dma_start3A_22] : memref<1023x16x2048xf32, #tpu.memory_space<hbm>> -> memref<1x16x2048xf32, #tpu.memory_space<hbm>>
    %dma_start3A_24 = tpu.memref_squeeze %dma_start3A_23 : memref<1x16x2048xf32, #tpu.memory_space<hbm>> -> memref<16x2048xf32, #tpu.memory_space<hbm>>
    tpu.enqueue_dma source(%dma_start3A_24 : memref<16x2048xf32, #tpu.memory_space<hbm>>) target(%arg7 : memref<16x2048xf32, #tpu.memory_space<vmem>>) target_semaphore(%arg11 : memref<!tpu.dma_semaphore, #tpu.memory_space<semaphore_mem>>)
    %scan3A = arith.constant 0 : i32
    %scan3A_25 = arith.constant 0 : i32
    %scan3A_26 = arith.constant 10 : i32
    %scan3A_27 = arith.addi %scan3A_25, %scan3A_26 : i32
    %scan3A_28 = arith.constant 1 : i32
    scf.for %scan3A_744 = %scan3A_25 to %scan3A_27 step %scan3A_28  : i32 {
      %mul3A_745 = arith.constant 3 : i32
      %mul3A_746 = arith.muli %mul3A_745, %scan3A_744 : i32
      %add3A_747 = arith.constant 0 : i32
      %add3A_748 = arith.addi %mul3A_746, %add3A_747 : i32
      %add3A_749 = arith.constant 2 : i32
      %add3A_750 = arith.addi %add3A_748, %add3A_749 : i32
      %add3A_751 = arith.addi %mul3A_2, %add3A_750 : i32
      %min3A_752 = arith.constant 1022 : i32
      %min3A_753 = arith.minsi %add3A_751, %min3A_752 : i32
      %dma_start3A_754 = arith.constant 0 : i32
      %dma_start3A_755 = arith.constant 0 : i32
      %dma_start3A_756 = tpu.memref_slice %arg2[%min3A_753, %dma_start3A_754, %dma_start3A_755] : memref<1023x16x2048xf32, #tpu.memory_space<hbm>> -> memref<1x16x2048xf32, #tpu.memory_space<hbm>>
      %dma_start3A_757 = tpu.memref_squeeze %dma_start3A_756 : memref<1x16x2048xf32, #tpu.memory_space<hbm>> -> memref<16x2048xf32, #tpu.memory_space<hbm>>
      %dma_start3A_758 = arith.constant 0 : i32
      %dma_start3A_759 = arith.constant 0 : i32
      %dma_start3A_760 = tpu.memref_slice %arg2[%min3A_753, %dma_start3A_758, %dma_start3A_759] : memref<1023x16x2048xf32, #tpu.memory_space<hbm>> -> memref<1x16x2048xf32, #tpu.memory_space<hbm>>
      %dma_start3A_761 = tpu.memref_squeeze %dma_start3A_760 : memref<1x16x2048xf32, #tpu.memory_space<hbm>> -> memref<16x2048xf32, #tpu.memory_space<hbm>>
      tpu.enqueue_dma source(%dma_start3A_761 : memref<16x2048xf32, #tpu.memory_space<hbm>>) target(%arg8 : memref<16x2048xf32, #tpu.memory_space<vmem>>) target_semaphore(%arg12 : memref<!tpu.dma_semaphore, #tpu.memory_space<semaphore_mem>>)
      %dma_wait3A_762 = arith.constant 0 : i32
      %dma_wait3A_763 = arith.constant 0 : i32
      %dma_wait3A_764 = arith.constant 0 : i32
      %dma_wait3A_765 = tpu.memref_slice %arg2[%dma_wait3A_762, %dma_wait3A_763, %dma_wait3A_764] : memref<1023x16x2048xf32, #tpu.memory_space<hbm>> -> memref<1x16x2048xf32, #tpu.memory_space<hbm>>
      %dma_wait3A_766 = tpu.memref_squeeze %dma_wait3A_765 : memref<1x16x2048xf32, #tpu.memory_space<hbm>> -> memref<16x2048xf32, #tpu.memory_space<hbm>>
      %dma_wait3A_767 = arith.constant 0 : i32
      %dma_wait3A_768 = arith.constant 0 : i32
      %dma_wait3A_769 = tpu.memref_slice %arg2[%dma_wait3A_762, %dma_wait3A_767, %dma_wait3A_768] : memref<1023x16x2048xf32, #tpu.memory_space<hbm>> -> memref<1x16x2048xf32, #tpu.memory_space<hbm>>
      %dma_wait3A_770 = tpu.memref_squeeze %dma_wait3A_769 : memref<1x16x2048xf32, #tpu.memory_space<hbm>> -> memref<16x2048xf32, #tpu.memory_space<hbm>>
      tpu.wait_dma2 semaphore(%arg10 : memref<!tpu.dma_semaphore, #tpu.memory_space<semaphore_mem>>) src(%dma_wait3A_770 : memref<16x2048xf32, #tpu.memory_space<hbm>>) dst(%arg6 : memref<16x2048xf32, #tpu.memory_space<vmem>>)
      %add3A_771 = arith.constant 0 : i32
      %add3A_772 = arith.addi %mul3A_746, %add3A_771 : i32
      %get3A_773 = arith.constant 0 : index
      %get3A_774 = tpu.vector_load %arg5[%get3A_773] {strides = array<i32>} : memref<800xi32, #tpu.memory_space<vmem>>, vector<16xi32>,
      %gather3A_775 = tpu.vector_load_idx %arg6[%iota3A, %get3A_774] : memref<16x2048xf32, #tpu.memory_space<vmem>>[vector<16xi32>, vector<16xi32>], vector<16xf32>,
      %swap3A_776 = arith.index_cast %add3A_772 : i32 to index
      %swap3A_777 = arith.constant 0 : index
      %swap3A_778 = tpu.vector_load %arg9[%swap3A_776, %swap3A_777] {strides = array<i32>} : memref<32x800xf32, #tpu.memory_space<vmem>>, vector<16xf32>,
      tpu.vector_store %arg9[%swap3A_776, %swap3A_777], %gather3A_775 {strides = array<i32>} : memref<32x800xf32, #tpu.memory_space<vmem>>, vector<16xf32>,
      %get3A_779 = arith.constant 16 : index
      %get3A_780 = tpu.vector_load %arg5[%get3A_779] {strides = array<i32>} : memref<800xi32, #tpu.memory_space<vmem>>, vector<16xi32>,
      %gather3A_781 = tpu.vector_load_idx %arg6[%iota3A, %get3A_780] : memref<16x2048xf32, #tpu.memory_space<vmem>>[vector<16xi32>, vector<16xi32>], vector<16xf32>,
      %swap3A_782 = arith.index_cast %add3A_772 : i32 to index
      %swap3A_783 = arith.constant 16 : index
      %swap3A_784 = tpu.vector_load %arg9[%swap3A_782, %swap3A_783] {strides = array<i32>} : memref<32x800xf32, #tpu.memory_space<vmem>>, vector<16xf32>,
      tpu.vector_store %arg9[%swap3A_782, %swap3A_783], %gather3A_781 {strides = array<i32>} : memref<32x800xf32, #tpu.memory_space<vmem>>, vector<16xf32>,
      %get3A_785 = arith.constant 32 : index
      %get3A_786 = tpu.vector_load %arg5[%get3A_785] {strides = array<i32>} : memref<800xi32, #tpu.memory_space<vmem>>, vector<16xi32>,
      %gather3A_787 = tpu.vector_load_idx %arg6[%iota3A, %get3A_786] : memref<16x2048xf32, #tpu.memory_space<vmem>>[vector<16xi32>, vector<16xi32>], vector<16xf32>,
      %swap3A_788 = arith.index_cast %add3A_772 : i32 to index
      %swap3A_789 = arith.constant 32 : index
      %swap3A_790 = tpu.vector_load %arg9[%swap3A_788, %swap3A_789] {strides = array<i32>} : memref<32x800xf32, #tpu.memory_space<vmem>>, vector<16xf32>,
      tpu.vector_store %arg9[%swap3A_788, %swap3A_789], %gather3A_787 {strides = array<i32>} : memref<32x800xf32, #tpu.memory_space<vmem>>, vector<16xf32>,
      %get3A_791 = arith.constant 48 : index
      %get3A_792 = tpu.vector_load %arg5[%get3A_791] {strides = array<i32>} : memref<800xi32, #tpu.memory_space<vmem>>, vector<16xi32>,
      %gather3A_793 = tpu.vector_load_idx %arg6[%iota3A, %get3A_792] : memref<16x2048xf32, #tpu.memory_space<vmem>>[vector<16xi32>, vector<16xi32>], vector<16xf32>,
      %swap3A_794 = arith.index_cast %add3A_772 : i32 to index
      %swap3A_795 = arith.constant 48 : index
      %swap3A_796 = tpu.vector_load %arg9[%swap3A_794, %swap3A_795] {strides = array<i32>} : memref<32x800xf32, #tpu.memory_space<vmem>>, vector<16xf32>,
      tpu.vector_store %arg9[%swap3A_794, %swap3A_795], %gather3A_793 {strides = array<i32>} : memref<32x800xf32, #tpu.memory_space<vmem>>, vector<16xf32>,
      %get3A_797 = arith.constant 64 : index
      %get3A_798 = tpu.vector_load %arg5[%get3A_797] {strides = array<i32>} : memref<800xi32, #tpu.memory_space<vmem>>, vector<16xi32>,
      %gather3A_799 = tpu.vector_load_idx %arg6[%iota3A, %get3A_798] : memref<16x2048xf32, #tpu.memory_space<vmem>>[vector<16xi32>, vector<16xi32>], vector<16xf32>,
      %swap3A_800 = arith.index_cast %add3A_772 : i32 to index
      %swap3A_801 = arith.constant 64 : index
      %swap3A_802 = tpu.vector_load %arg9[%swap3A_800, %swap3A_801] {strides = array<i32>} : memref<32x800xf32, #tpu.memory_space<vmem>>, vector<16xf32>,
      tpu.vector_store %arg9[%swap3A_800, %swap3A_801], %gather3A_799 {strides = array<i32>} : memref<32x800xf32, #tpu.memory_space<vmem>>, vector<16xf32>,
      %get3A_803 = arith.constant 80 : index
      %get3A_804 = tpu.vector_load %arg5[%get3A_803] {strides = array<i32>} : memref<800xi32, #tpu.memory_space<vmem>>, vector<16xi32>,
      %gather3A_805 = tpu.vector_load_idx %arg6[%iota3A, %get3A_804] : memref<16x2048xf32, #tpu.memory_space<vmem>>[vector<16xi32>, vector<16xi32>], vector<16xf32>,
      %swap3A_806 = arith.index_cast %add3A_772 : i32 to index
      %swap3A_807 = arith.constant 80 : index
      %swap3A_808 = tpu.vector_load %arg9[%swap3A_806, %swap3A_807] {strides = array<i32>} : memref<32x800xf32, #tpu.memory_space<vmem>>, vector<16xf32>,
      tpu.vector_store %arg9[%swap3A_806, %swap3A_807], %gather3A_805 {strides = array<i32>} : memref<32x800xf32, #tpu.memory_space<vmem>>, vector<16xf32>,
      %get3A_809 = arith.constant 96 : index
      %get3A_810 = tpu.vector_load %arg5[%get3A_809] {strides = array<i32>} : memref<800xi32, #tpu.memory_space<vmem>>, vector<16xi32>,
      %gather3A_811 = tpu.vector_load_idx %arg6[%iota3A, %get3A_810] : memref<16x2048xf32, #tpu.memory_space<vmem>>[vector<16xi32>, vector<16xi32>], vector<16xf32>,
      %swap3A_812 = arith.index_cast %add3A_772 : i32 to index
      %swap3A_813 = arith.constant 96 : index
      %swap3A_814 = tpu.vector_load %arg9[%swap3A_812, %swap3A_813] {strides = array<i32>} : memref<32x800xf32, #tpu.memory_space<vmem>>, vector<16xf32>,
      tpu.vector_store %arg9[%swap3A_812, %swap3A_813], %gather3A_811 {strides = array<i32>} : memref<32x800xf32, #tpu.memory_space<vmem>>, vector<16xf32>,
      %get3A_815 = arith.constant 112 : index
      %get3A_816 = tpu.vector_load %arg5[%get3A_815] {strides = array<i32>} : memref<800xi32, #tpu.memory_space<vmem>>, vector<16xi32>,
      %gather3A_817 = tpu.vector_load_idx %arg6[%iota3A, %get3A_816] : memref<16x2048xf32, #tpu.memory_space<vmem>>[vector<16xi32>, vector<16xi32>], vector<16xf32>,
      %swap3A_818 = arith.index_cast %add3A_772 : i32 to index
      %swap3A_819 = arith.constant 112 : index
      %swap3A_820 = tpu.vector_load %arg9[%swap3A_818, %swap3A_819] {strides = array<i32>} : memref<32x800xf32, #tpu.memory_space<vmem>>, vector<16xf32>,
      tpu.vector_store %arg9[%swap3A_818, %swap3A_819], %gather3A_817 {strides = array<i32>} : memref<32x800xf32, #tpu.memory_space<vmem>>, vector<16xf32>,
      %get3A_821 = arith.constant 128 : index
      %get3A_822 = tpu.vector_load %arg5[%get3A_821] {strides = array<i32>} : memref<800xi32, #tpu.memory_space<vmem>>, vector<16xi32>,
      %gather3A_823 = tpu.vector_load_idx %arg6[%iota3A, %get3A_822] : memref<16x2048xf32, #tpu.memory_space<vmem>>[vector<16xi32>, vector<16xi32>], vector<16xf32>,
      %swap3A_824 = arith.index_cast %add3A_772 : i32 to index
      %swap3A_825 = arith.constant 128 : index
      %swap3A_826 = tpu.vector_load %arg9[%swap3A_824, %swap3A_825] {strides = array<i32>} : memref<32x800xf32, #tpu.memory_space<vmem>>, vector<16xf32>,
      tpu.vector_store %arg9[%swap3A_824, %swap3A_825], %gather3A_823 {strides = array<i32>} : memref<32x800xf32, #tpu.memory_space<vmem>>, vector<16xf32>,
      %get3A_827 = arith.constant 144 : index
      %get3A_828 = tpu.vector_load %arg5[%get3A_827] {strides = array<i32>} : memref<800xi32, #tpu.memory_space<vmem>>, vector<16xi32>,
      %gather3A_829 = tpu.vector_load_idx %arg6[%iota3A, %get3A_828] : memref<16x2048xf32, #tpu.memory_space<vmem>>[vector<16xi32>, vector<16xi32>], vector<16xf32>,
      %swap3A_830 = arith.index_cast %add3A_772 : i32 to index
      %swap3A_831 = arith.constant 144 : index
      %swap3A_832 = tpu.vector_load %arg9[%swap3A_830, %swap3A_831] {strides = array<i32>} : memref<32x800xf32, #tpu.memory_space<vmem>>, vector<16xf32>,
      tpu.vector_store %arg9[%swap3A_830, %swap3A_831], %gather3A_829 {strides = array<i32>} : memref<32x800xf32, #tpu.memory_space<vmem>>, vector<16xf32>,
      %get3A_833 = arith.constant 160 : index
      %get3A_834 = tpu.vector_load %arg5[%get3A_833] {strides = array<i32>} : memref<800xi32, #tpu.memory_space<vmem>>, vector<16xi32>,
      %gather3A_835 = tpu.vector_load_idx %arg6[%iota3A, %get3A_834] : memref<16x2048xf32, #tpu.memory_space<vmem>>[vector<16xi32>, vector<16xi32>], vector<16xf32>,
      %swap3A_836 = arith.index_cast %add3A_772 : i32 to index
      %swap3A_837 = arith.constant 160 : index
      %swap3A_838 = tpu.vector_load %arg9[%swap3A_836, %swap3A_837] {strides = array<i32>} : memref<32x800xf32, #tpu.memory_space<vmem>>, vector<16xf32>,
      tpu.vector_store %arg9[%swap3A_836, %swap3A_837], %gather3A_835 {strides = array<i32>} : memref<32x800xf32, #tpu.memory_space<vmem>>, vector<16xf32>,
      %get3A_839 = arith.constant 176 : index
      %get3A_840 = tpu.vector_load %arg5[%get3A_839] {strides = array<i32>} : memref<800xi32, #tpu.memory_space<vmem>>, vector<16xi32>,
      %gather3A_841 = tpu.vector_load_idx %arg6[%iota3A, %get3A_840] : memref<16x2048xf32, #tpu.memory_space<vmem>>[vector<16xi32>, vector<16xi32>], vector<16xf32>,
      %swap3A_842 = arith.index_cast %add3A_772 : i32 to index
      %swap3A_843 = arith.constant 176 : index
      %swap3A_844 = tpu.vector_load %arg9[%swap3A_842, %swap3A_843] {strides = array<i32>} : memref<32x800xf32, #tpu.memory_space<vmem>>, vector<16xf32>,
      tpu.vector_store %arg9[%swap3A_842, %swap3A_843], %gather3A_841 {strides = array<i32>} : memref<32x800xf32, #tpu.memory_space<vmem>>, vector<16xf32>,
      %get3A_845 = arith.constant 192 : index
      %get3A_846 = tpu.vector_load %arg5[%get3A_845] {strides = array<i32>} : memref<800xi32, #tpu.memory_space<vmem>>, vector<16xi32>,
      %gather3A_847 = tpu.vector_load_idx %arg6[%iota3A, %get3A_846] : memref<16x2048xf32, #tpu.memory_space<vmem>>[vector<16xi32>, vector<16xi32>], vector<16xf32>,
      %swap3A_848 = arith.index_cast %add3A_772 : i32 to index
      %swap3A_849 = arith.constant 192 : index
      %swap3A_850 = tpu.vector_load %arg9[%swap3A_848, %swap3A_849] {strides = array<i32>} : memref<32x800xf32, #tpu.memory_space<vmem>>, vector<16xf32>,
      tpu.vector_store %arg9[%swap3A_848, %swap3A_849], %gather3A_847 {strides = array<i32>} : memref<32x800xf32, #tpu.memory_space<vmem>>, vector<16xf32>,
      %get3A_851 = arith.constant 208 : index
      %get3A_852 = tpu.vector_load %arg5[%get3A_851] {strides = array<i32>} : memref<800xi32, #tpu.memory_space<vmem>>, vector<16xi32>,
      %gather3A_853 = tpu.vector_load_idx %arg6[%iota3A, %get3A_852] : memref<16x2048xf32, #tpu.memory_space<vmem>>[vector<16xi32>, vector<16xi32>], vector<16xf32>,
      %swap3A_854 = arith.index_cast %add3A_772 : i32 to index
      %swap3A_855 = arith.constant 208 : index
      %swap3A_856 = tpu.vector_load %arg9[%swap3A_854, %swap3A_855] {strides = array<i32>} : memref<32x800xf32, #tpu.memory_space<vmem>>, vector<16xf32>,
      tpu.vector_store %arg9[%swap3A_854, %swap3A_855], %gather3A_853 {strides = array<i32>} : memref<32x800xf32, #tpu.memory_space<vmem>>, vector<16xf32>,
      %get3A_857 = arith.constant 224 : index
      %get3A_858 = tpu.vector_load %arg5[%get3A_857] {strides = array<i32>} : memref<800xi32, #tpu.memory_space<vmem>>, vector<16xi32>,
      %gather3A_859 = tpu.vector_load_idx %arg6[%iota3A, %get3A_858] : memref<16x2048xf32, #tpu.memory_space<vmem>>[vector<16xi32>, vector<16xi32>], vector<16xf32>,
      %swap3A_860 = arith.index_cast %add3A_772 : i32 to index
      %swap3A_861 = arith.constant 224 : index
      %swap3A_862 = tpu.vector_load %arg9[%swap3A_860, %swap3A_861] {strides = array<i32>} : memref<32x800xf32, #tpu.memory_space<vmem>>, vector<16xf32>,
      tpu.vector_store %arg9[%swap3A_860, %swap3A_861], %gather3A_859 {strides = array<i32>} : memref<32x800xf32, #tpu.memory_space<vmem>>, vector<16xf32>,
      %get3A_863 = arith.constant 240 : index
      %get3A_864 = tpu.vector_load %arg5[%get3A_863] {strides = array<i32>} : memref<800xi32, #tpu.memory_space<vmem>>, vector<16xi32>,
      %gather3A_865 = tpu.vector_load_idx %arg6[%iota3A, %get3A_864] : memref<16x2048xf32, #tpu.memory_space<vmem>>[vector<16xi32>, vector<16xi32>], vector<16xf32>,
      %swap3A_866 = arith.index_cast %add3A_772 : i32 to index
      %swap3A_867 = arith.constant 240 : index
      %swap3A_868 = tpu.vector_load %arg9[%swap3A_866, %swap3A_867] {strides = array<i32>} : memref<32x800xf32, #tpu.memory_space<vmem>>, vector<16xf32>,
      tpu.vector_store %arg9[%swap3A_866, %swap3A_867], %gather3A_865 {strides = array<i32>} : memref<32x800xf32, #tpu.memory_space<vmem>>, vector<16xf32>,
      %get3A_869 = arith.constant 256 : index
      %get3A_870 = tpu.vector_load %arg5[%get3A_869] {strides = array<i32>} : memref<800xi32, #tpu.memory_space<vmem>>, vector<16xi32>,
      %gather3A_871 = tpu.vector_load_idx %arg6[%iota3A, %get3A_870] : memref<16x2048xf32, #tpu.memory_space<vmem>>[vector<16xi32>, vector<16xi32>], vector<16xf32>,
      %swap3A_872 = arith.index_cast %add3A_772 : i32 to index
      %swap3A_873 = arith.constant 256 : index
      %swap3A_874 = tpu.vector_load %arg9[%swap3A_872, %swap3A_873] {strides = array<i32>} : memref<32x800xf32, #tpu.memory_space<vmem>>, vector<16xf32>,
      tpu.vector_store %arg9[%swap3A_872, %swap3A_873], %gather3A_871 {strides = array<i32>} : memref<32x800xf32, #tpu.memory_space<vmem>>, vector<16xf32>,
      %get3A_875 = arith.constant 272 : index
      %get3A_876 = tpu.vector_load %arg5[%get3A_875] {strides = array<i32>} : memref<800xi32, #tpu.memory_space<vmem>>, vector<16xi32>,
      %gather3A_877 = tpu.vector_load_idx %arg6[%iota3A, %get3A_876] : memref<16x2048xf32, #tpu.memory_space<vmem>>[vector<16xi32>, vector<16xi32>], vector<16xf32>,
      %swap3A_878 = arith.index_cast %add3A_772 : i32 to index
      %swap3A_879 = arith.constant 272 : index
      %swap3A_880 = tpu.vector_load %arg9[%swap3A_878, %swap3A_879] {strides = array<i32>} : memref<32x800xf32, #tpu.memory_space<vmem>>, vector<16xf32>,
      tpu.vector_store %arg9[%swap3A_878, %swap3A_879], %gather3A_877 {strides = array<i32>} : memref<32x800xf32, #tpu.memory_space<vmem>>, vector<16xf32>,
      %get3A_881 = arith.constant 288 : index
      %get3A_882 = tpu.vector_load %arg5[%get3A_881] {strides = array<i32>} : memref<800xi32, #tpu.memory_space<vmem>>, vector<16xi32>,
      %gather3A_883 = tpu.vector_load_idx %arg6[%iota3A, %get3A_882] : memref<16x2048xf32, #tpu.memory_space<vmem>>[vector<16xi32>, vector<16xi32>], vector<16xf32>,
      %swap3A_884 = arith.index_cast %add3A_772 : i32 to index
      %swap3A_885 = arith.constant 288 : index
      %swap3A_886 = tpu.vector_load %arg9[%swap3A_884, %swap3A_885] {strides = array<i32>} : memref<32x800xf32, #tpu.memory_space<vmem>>, vector<16xf32>,
      tpu.vector_store %arg9[%swap3A_884, %swap3A_885], %gather3A_883 {strides = array<i32>} : memref<32x800xf32, #tpu.memory_space<vmem>>, vector<16xf32>,
      %get3A_887 = arith.constant 304 : index
      %get3A_888 = tpu.vector_load %arg5[%get3A_887] {strides = array<i32>} : memref<800xi32, #tpu.memory_space<vmem>>, vector<16xi32>,
      %gather3A_889 = tpu.vector_load_idx %arg6[%iota3A, %get3A_888] : memref<16x2048xf32, #tpu.memory_space<vmem>>[vector<16xi32>, vector<16xi32>], vector<16xf32>,
      %swap3A_890 = arith.index_cast %add3A_772 : i32 to index
      %swap3A_891 = arith.constant 304 : index
      %swap3A_892 = tpu.vector_load %arg9[%swap3A_890, %swap3A_891] {strides = array<i32>} : memref<32x800xf32, #tpu.memory_space<vmem>>, vector<16xf32>,
      tpu.vector_store %arg9[%swap3A_890, %swap3A_891], %gather3A_889 {strides = array<i32>} : memref<32x800xf32, #tpu.memory_space<vmem>>, vector<16xf32>,
      %get3A_893 = arith.constant 320 : index
      %get3A_894 = tpu.vector_load %arg5[%get3A_893] {strides = array<i32>} : memref<800xi32, #tpu.memory_space<vmem>>, vector<16xi32>,
      %gather3A_895 = tpu.vector_load_idx %arg6[%iota3A, %get3A_894] : memref<16x2048xf32, #tpu.memory_space<vmem>>[vector<16xi32>, vector<16xi32>], vector<16xf32>,
      %swap3A_896 = arith.index_cast %add3A_772 : i32 to index
      %swap3A_897 = arith.constant 320 : index
      %swap3A_898 = tpu.vector_load %arg9[%swap3A_896, %swap3A_897] {strides = array<i32>} : memref<32x800xf32, #tpu.memory_space<vmem>>, vector<16xf32>,
      tpu.vector_store %arg9[%swap3A_896, %swap3A_897], %gather3A_895 {strides = array<i32>} : memref<32x800xf32, #tpu.memory_space<vmem>>, vector<16xf32>,
      %get3A_899 = arith.constant 336 : index
      %get3A_900 = tpu.vector_load %arg5[%get3A_899] {strides = array<i32>} : memref<800xi32, #tpu.memory_space<vmem>>, vector<16xi32>,
      %gather3A_901 = tpu.vector_load_idx %arg6[%iota3A, %get3A_900] : memref<16x2048xf32, #tpu.memory_space<vmem>>[vector<16xi32>, vector<16xi32>], vector<16xf32>,
      %swap3A_902 = arith.index_cast %add3A_772 : i32 to index
      %swap3A_903 = arith.constant 336 : index
      %swap3A_904 = tpu.vector_load %arg9[%swap3A_902, %swap3A_903] {strides = array<i32>} : memref<32x800xf32, #tpu.memory_space<vmem>>, vector<16xf32>,
      tpu.vector_store %arg9[%swap3A_902, %swap3A_903], %gather3A_901 {strides = array<i32>} : memref<32x800xf32, #tpu.memory_space<vmem>>, vector<16xf32>,
      %get3A_905 = arith.constant 352 : index
      %get3A_906 = tpu.vector_load %arg5[%get3A_905] {strides = array<i32>} : memref<800xi32, #tpu.memory_space<vmem>>, vector<16xi32>,
      %gather3A_907 = tpu.vector_load_idx %arg6[%iota3A, %get3A_906] : memref<16x2048xf32, #tpu.memory_space<vmem>>[vector<16xi32>, vector<16xi32>], vector<16xf32>,
      %swap3A_908 = arith.index_cast %add3A_772 : i32 to index
      %swap3A_909 = arith.constant 352 : index
      %swap3A_910 = tpu.vector_load %arg9[%swap3A_908, %swap3A_909] {strides = array<i32>} : memref<32x800xf32, #tpu.memory_space<vmem>>, vector<16xf32>,
      tpu.vector_store %arg9[%swap3A_908, %swap3A_909], %gather3A_907 {strides = array<i32>} : memref<32x800xf32, #tpu.memory_space<vmem>>, vector<16xf32>,
      %get3A_911 = arith.constant 368 : index
      %get3A_912 = tpu.vector_load %arg5[%get3A_911] {strides = array<i32>} : memref<800xi32, #tpu.memory_space<vmem>>, vector<16xi32>,
      %gather3A_913 = tpu.vector_load_idx %arg6[%iota3A, %get3A_912] : memref<16x2048xf32, #tpu.memory_space<vmem>>[vector<16xi32>, vector<16xi32>], vector<16xf32>,
      %swap3A_914 = arith.index_cast %add3A_772 : i32 to index
      %swap3A_915 = arith.constant 368 : index
      %swap3A_916 = tpu.vector_load %arg9[%swap3A_914, %swap3A_915] {strides = array<i32>} : memref<32x800xf32, #tpu.memory_space<vmem>>, vector<16xf32>,
      tpu.vector_store %arg9[%swap3A_914, %swap3A_915], %gather3A_913 {strides = array<i32>} : memref<32x800xf32, #tpu.memory_space<vmem>>, vector<16xf32>,
      %get3A_917 = arith.constant 384 : index
      %get3A_918 = tpu.vector_load %arg5[%get3A_917] {strides = array<i32>} : memref<800xi32, #tpu.memory_space<vmem>>, vector<16xi32>,
      %gather3A_919 = tpu.vector_load_idx %arg6[%iota3A, %get3A_918] : memref<16x2048xf32, #tpu.memory_space<vmem>>[vector<16xi32>, vector<16xi32>], vector<16xf32>,
      %swap3A_920 = arith.index_cast %add3A_772 : i32 to index
      %swap3A_921 = arith.constant 384 : index
      %swap3A_922 = tpu.vector_load %arg9[%swap3A_920, %swap3A_921] {strides = array<i32>} : memref<32x800xf32, #tpu.memory_space<vmem>>, vector<16xf32>,
      tpu.vector_store %arg9[%swap3A_920, %swap3A_921], %gather3A_919 {strides = array<i32>} : memref<32x800xf32, #tpu.memory_space<vmem>>, vector<16xf32>,
      %get3A_923 = arith.constant 400 : index
      %get3A_924 = tpu.vector_load %arg5[%get3A_923] {strides = array<i32>} : memref<800xi32, #tpu.memory_space<vmem>>, vector<16xi32>,
      %gather3A_925 = tpu.vector_load_idx %arg6[%iota3A, %get3A_924] : memref<16x2048xf32, #tpu.memory_space<vmem>>[vector<16xi32>, vector<16xi32>], vector<16xf32>,
      %swap3A_926 = arith.index_cast %add3A_772 : i32 to index
      %swap3A_927 = arith.constant 400 : index
      %swap3A_928 = tpu.vector_load %arg9[%swap3A_926, %swap3A_927] {strides = array<i32>} : memref<32x800xf32, #tpu.memory_space<vmem>>, vector<16xf32>,
      tpu.vector_store %arg9[%swap3A_926, %swap3A_927], %gather3A_925 {strides = array<i32>} : memref<32x800xf32, #tpu.memory_space<vmem>>, vector<16xf32>,
      %get3A_929 = arith.constant 416 : index
      %get3A_930 = tpu.vector_load %arg5[%get3A_929] {strides = array<i32>} : memref<800xi32, #tpu.memory_space<vmem>>, vector<16xi32>,
      %gather3A_931 = tpu.vector_load_idx %arg6[%iota3A, %get3A_930] : memref<16x2048xf32, #tpu.memory_space<vmem>>[vector<16xi32>, vector<16xi32>], vector<16xf32>,
      %swap3A_932 = arith.index_cast %add3A_772 : i32 to index
      %swap3A_933 = arith.constant 416 : index
      %swap3A_934 = tpu.vector_load %arg9[%swap3A_932, %swap3A_933] {strides = array<i32>} : memref<32x800xf32, #tpu.memory_space<vmem>>, vector<16xf32>,
      tpu.vector_store %arg9[%swap3A_932, %swap3A_933], %gather3A_931 {strides = array<i32>} : memref<32x800xf32, #tpu.memory_space<vmem>>, vector<16xf32>,
      %get3A_935 = arith.constant 432 : index
      %get3A_936 = tpu.vector_load %arg5[%get3A_935] {strides = array<i32>} : memref<800xi32, #tpu.memory_space<vmem>>, vector<16xi32>,
      %gather3A_937 = tpu.vector_load_idx %arg6[%iota3A, %get3A_936] : memref<16x2048xf32, #tpu.memory_space<vmem>>[vector<16xi32>, vector<16xi32>], vector<16xf32>,
      %swap3A_938 = arith.index_cast %add3A_772 : i32 to index
      %swap3A_939 = arith.constant 432 : index
      %swap3A_940 = tpu.vector_load %arg9[%swap3A_938, %swap3A_939] {strides = array<i32>} : memref<32x800xf32, #tpu.memory_space<vmem>>, vector<16xf32>,
      tpu.vector_store %arg9[%swap3A_938, %swap3A_939], %gather3A_937 {strides = array<i32>} : memref<32x800xf32, #tpu.memory_space<vmem>>, vector<16xf32>,
      %get3A_941 = arith.constant 448 : index
      %get3A_942 = tpu.vector_load %arg5[%get3A_941] {strides = array<i32>} : memref<800xi32, #tpu.memory_space<vmem>>, vector<16xi32>,
      %gather3A_943 = tpu.vector_load_idx %arg6[%iota3A, %get3A_942] : memref<16x2048xf32, #tpu.memory_space<vmem>>[vector<16xi32>, vector<16xi32>], vector<16xf32>,
      %swap3A_944 = arith.index_cast %add3A_772 : i32 to index
      %swap3A_945 = arith.constant 448 : index
      %swap3A_946 = tpu.vector_load %arg9[%swap3A_944, %swap3A_945] {strides = array<i32>} : memref<32x800xf32, #tpu.memory_space<vmem>>, vector<16xf32>,
      tpu.vector_store %arg9[%swap3A_944, %swap3A_945], %gather3A_943 {strides = array<i32>} : memref<32x800xf32, #tpu.memory_space<vmem>>, vector<16xf32>,
      %get3A_947 = arith.constant 464 : index
      %get3A_948 = tpu.vector_load %arg5[%get3A_947] {strides = array<i32>} : memref<800xi32, #tpu.memory_space<vmem>>, vector<16xi32>,
      %gather3A_949 = tpu.vector_load_idx %arg6[%iota3A, %get3A_948] : memref<16x2048xf32, #tpu.memory_space<vmem>>[vector<16xi32>, vector<16xi32>], vector<16xf32>,
      %swap3A_950 = arith.index_cast %add3A_772 : i32 to index
      %swap3A_951 = arith.constant 464 : index
      %swap3A_952 = tpu.vector_load %arg9[%swap3A_950, %swap3A_951] {strides = array<i32>} : memref<32x800xf32, #tpu.memory_space<vmem>>, vector<16xf32>,
      tpu.vector_store %arg9[%swap3A_950, %swap3A_951], %gather3A_949 {strides = array<i32>} : memref<32x800xf32, #tpu.memory_space<vmem>>, vector<16xf32>,
      %get3A_953 = arith.constant 480 : index
      %get3A_954 = tpu.vector_load %arg5[%get3A_953] {strides = array<i32>} : memref<800xi32, #tpu.memory_space<vmem>>, vector<16xi32>,
      %gather3A_955 = tpu.vector_load_idx %arg6[%iota3A, %get3A_954] : memref<16x2048xf32, #tpu.memory_space<vmem>>[vector<16xi32>, vector<16xi32>], vector<16xf32>,
      %swap3A_956 = arith.index_cast %add3A_772 : i32 to index
      %swap3A_957 = arith.constant 480 : index
      %swap3A_958 = tpu.vector_load %arg9[%swap3A_956, %swap3A_957] {strides = array<i32>} : memref<32x800xf32, #tpu.memory_space<vmem>>, vector<16xf32>,
      tpu.vector_store %arg9[%swap3A_956, %swap3A_957], %gather3A_955 {strides = array<i32>} : memref<32x800xf32, #tpu.memory_space<vmem>>, vector<16xf32>,
      %get3A_959 = arith.constant 496 : index
      %get3A_960 = tpu.vector_load %arg5[%get3A_959] {strides = array<i32>} : memref<800xi32, #tpu.memory_space<vmem>>, vector<16xi32>,
      %gather3A_961 = tpu.vector_load_idx %arg6[%iota3A, %get3A_960] : memref<16x2048xf32, #tpu.memory_space<vmem>>[vector<16xi32>, vector<16xi32>], vector<16xf32>,
      %swap3A_962 = arith.index_cast %add3A_772 : i32 to index
      %swap3A_963 = arith.constant 496 : index
      %swap3A_964 = tpu.vector_load %arg9[%swap3A_962, %swap3A_963] {strides = array<i32>} : memref<32x800xf32, #tpu.memory_space<vmem>>, vector<16xf32>,
      tpu.vector_store %arg9[%swap3A_962, %swap3A_963], %gather3A_961 {strides = array<i32>} : memref<32x800xf32, #tpu.memory_space<vmem>>, vector<16xf32>,
      %get3A_965 = arith.constant 512 : index
      %get3A_966 = tpu.vector_load %arg5[%get3A_965] {strides = array<i32>} : memref<800xi32, #tpu.memory_space<vmem>>, vector<16xi32>,
      %gather3A_967 = tpu.vector_load_idx %arg6[%iota3A, %get3A_966] : memref<16x2048xf32, #tpu.memory_space<vmem>>[vector<16xi32>, vector<16xi32>], vector<16xf32>,
      %swap3A_968 = arith.index_cast %add3A_772 : i32 to index
      %swap3A_969 = arith.constant 512 : index
      %swap3A_970 = tpu.vector_load %arg9[%swap3A_968, %swap3A_969] {strides = array<i32>} : memref<32x800xf32, #tpu.memory_space<vmem>>, vector<16xf32>,
      tpu.vector_store %arg9[%swap3A_968, %swap3A_969], %gather3A_967 {strides = array<i32>} : memref<32x800xf32, #tpu.memory_space<vmem>>, vector<16xf32>,
      %get3A_971 = arith.constant 528 : index
      %get3A_972 = tpu.vector_load %arg5[%get3A_971] {strides = array<i32>} : memref<800xi32, #tpu.memory_space<vmem>>, vector<16xi32>,
      %gather3A_973 = tpu.vector_load_idx %arg6[%iota3A, %get3A_972] : memref<16x2048xf32, #tpu.memory_space<vmem>>[vector<16xi32>, vector<16xi32>], vector<16xf32>,
      %swap3A_974 = arith.index_cast %add3A_772 : i32 to index
      %swap3A_975 = arith.constant 528 : index
      %swap3A_976 = tpu.vector_load %arg9[%swap3A_974, %swap3A_975] {strides = array<i32>} : memref<32x800xf32, #tpu.memory_space<vmem>>, vector<16xf32>,
      tpu.vector_store %arg9[%swap3A_974, %swap3A_975], %gather3A_973 {strides = array<i32>} : memref<32x800xf32, #tpu.memory_space<vmem>>, vector<16xf32>,
      %get3A_977 = arith.constant 544 : index
      %get3A_978 = tpu.vector_load %arg5[%get3A_977] {strides = array<i32>} : memref<800xi32, #tpu.memory_space<vmem>>, vector<16xi32>,
      %gather3A_979 = tpu.vector_load_idx %arg6[%iota3A, %get3A_978] : memref<16x2048xf32, #tpu.memory_space<vmem>>[vector<16xi32>, vector<16xi32>], vector<16xf32>,
      %swap3A_980 = arith.index_cast %add3A_772 : i32 to index
      %swap3A_981 = arith.constant 544 : index
      %swap3A_982 = tpu.vector_load %arg9[%swap3A_980, %swap3A_981] {strides = array<i32>} : memref<32x800xf32, #tpu.memory_space<vmem>>, vector<16xf32>,
      tpu.vector_store %arg9[%swap3A_980, %swap3A_981], %gather3A_979 {strides = array<i32>} : memref<32x800xf32, #tpu.memory_space<vmem>>, vector<16xf32>,
      %get3A_983 = arith.constant 560 : index
      %get3A_984 = tpu.vector_load %arg5[%get3A_983] {strides = array<i32>} : memref<800xi32, #tpu.memory_space<vmem>>, vector<16xi32>,
      %gather3A_985 = tpu.vector_load_idx %arg6[%iota3A, %get3A_984] : memref<16x2048xf32, #tpu.memory_space<vmem>>[vector<16xi32>, vector<16xi32>], vector<16xf32>,
      %swap3A_986 = arith.index_cast %add3A_772 : i32 to index
      %swap3A_987 = arith.constant 560 : index
      %swap3A_988 = tpu.vector_load %arg9[%swap3A_986, %swap3A_987] {strides = array<i32>} : memref<32x800xf32, #tpu.memory_space<vmem>>, vector<16xf32>,
      tpu.vector_store %arg9[%swap3A_986, %swap3A_987], %gather3A_985 {strides = array<i32>} : memref<32x800xf32, #tpu.memory_space<vmem>>, vector<16xf32>,
      %get3A_989 = arith.constant 576 : index
      %get3A_990 = tpu.vector_load %arg5[%get3A_989] {strides = array<i32>} : memref<800xi32, #tpu.memory_space<vmem>>, vector<16xi32>,
      %gather3A_991 = tpu.vector_load_idx %arg6[%iota3A, %get3A_990] : memref<16x2048xf32, #tpu.memory_space<vmem>>[vector<16xi32>, vector<16xi32>], vector<16xf32>,
      %swap3A_992 = arith.index_cast %add3A_772 : i32 to index
      %swap3A_993 = arith.constant 576 : index
      %swap3A_994 = tpu.vector_load %arg9[%swap3A_992, %swap3A_993] {strides = array<i32>} : memref<32x800xf32, #tpu.memory_space<vmem>>, vector<16xf32>,
      tpu.vector_store %arg9[%swap3A_992, %swap3A_993], %gather3A_991 {strides = array<i32>} : memref<32x800xf32, #tpu.memory_space<vmem>>, vector<16xf32>,
      %get3A_995 = arith.constant 592 : index
      %get3A_996 = tpu.vector_load %arg5[%get3A_995] {strides = array<i32>} : memref<800xi32, #tpu.memory_space<vmem>>, vector<16xi32>,
      %gather3A_997 = tpu.vector_load_idx %arg6[%iota3A, %get3A_996] : memref<16x2048xf32, #tpu.memory_space<vmem>>[vector<16xi32>, vector<16xi32>], vector<16xf32>,
      %swap3A_998 = arith.index_cast %add3A_772 : i32 to index
      %swap3A_999 = arith.constant 592 : index
      %swap3A_1000 = tpu.vector_load %arg9[%swap3A_998, %swap3A_999] {strides = array<i32>} : memref<32x800xf32, #tpu.memory_space<vmem>>, vector<16xf32>,
      tpu.vector_store %arg9[%swap3A_998, %swap3A_999], %gather3A_997 {strides = array<i32>} : memref<32x800xf32, #tpu.memory_space<vmem>>, vector<16xf32>,
      %get3A_1001 = arith.constant 608 : index
      %get3A_1002 = tpu.vector_load %arg5[%get3A_1001] {strides = array<i32>} : memref<800xi32, #tpu.memory_space<vmem>>, vector<16xi32>,
      %gather3A_1003 = tpu.vector_load_idx %arg6[%iota3A, %get3A_1002] : memref<16x2048xf32, #tpu.memory_space<vmem>>[vector<16xi32>, vector<16xi32>], vector<16xf32>,
      %swap3A_1004 = arith.index_cast %add3A_772 : i32 to index
      %swap3A_1005 = arith.constant 608 : index
      %swap3A_1006 = tpu.vector_load %arg9[%swap3A_1004, %swap3A_1005] {strides = array<i32>} : memref<32x800xf32, #tpu.memory_space<vmem>>, vector<16xf32>,
      tpu.vector_store %arg9[%swap3A_1004, %swap3A_1005], %gather3A_1003 {strides = array<i32>} : memref<32x800xf32, #tpu.memory_space<vmem>>, vector<16xf32>,
      %get3A_1007 = arith.constant 624 : index
      %get3A_1008 = tpu.vector_load %arg5[%get3A_1007] {strides = array<i32>} : memref<800xi32, #tpu.memory_space<vmem>>, vector<16xi32>,
      %gather3A_1009 = tpu.vector_load_idx %arg6[%iota3A, %get3A_1008] : memref<16x2048xf32, #tpu.memory_space<vmem>>[vector<16xi32>, vector<16xi32>], vector<16xf32>,
      %swap3A_1010 = arith.index_cast %add3A_772 : i32 to index
      %swap3A_1011 = arith.constant 624 : index
      %swap3A_1012 = tpu.vector_load %arg9[%swap3A_1010, %swap3A_1011] {strides = array<i32>} : memref<32x800xf32, #tpu.memory_space<vmem>>, vector<16xf32>,
      tpu.vector_store %arg9[%swap3A_1010, %swap3A_1011], %gather3A_1009 {strides = array<i32>} : memref<32x800xf32, #tpu.memory_space<vmem>>, vector<16xf32>,
      %get3A_1013 = arith.constant 640 : index
      %get3A_1014 = tpu.vector_load %arg5[%get3A_1013] {strides = array<i32>} : memref<800xi32, #tpu.memory_space<vmem>>, vector<16xi32>,
      %gather3A_1015 = tpu.vector_load_idx %arg6[%iota3A, %get3A_1014] : memref<16x2048xf32, #tpu.memory_space<vmem>>[vector<16xi32>, vector<16xi32>], vector<16xf32>,
      %swap3A_1016 = arith.index_cast %add3A_772 : i32 to index
      %swap3A_1017 = arith.constant 640 : index
      %swap3A_1018 = tpu.vector_load %arg9[%swap3A_1016, %swap3A_1017] {strides = array<i32>} : memref<32x800xf32, #tpu.memory_space<vmem>>, vector<16xf32>,
      tpu.vector_store %arg9[%swap3A_1016, %swap3A_1017], %gather3A_1015 {strides = array<i32>} : memref<32x800xf32, #tpu.memory_space<vmem>>, vector<16xf32>,
      %get3A_1019 = arith.constant 656 : index
      %get3A_1020 = tpu.vector_load %arg5[%get3A_1019] {strides = array<i32>} : memref<800xi32, #tpu.memory_space<vmem>>, vector<16xi32>,
      %gather3A_1021 = tpu.vector_load_idx %arg6[%iota3A, %get3A_1020] : memref<16x2048xf32, #tpu.memory_space<vmem>>[vector<16xi32>, vector<16xi32>], vector<16xf32>,
      %swap3A_1022 = arith.index_cast %add3A_772 : i32 to index
      %swap3A_1023 = arith.constant 656 : index
      %swap3A_1024 = tpu.vector_load %arg9[%swap3A_1022, %swap3A_1023] {strides = array<i32>} : memref<32x800xf32, #tpu.memory_space<vmem>>, vector<16xf32>,
      tpu.vector_store %arg9[%swap3A_1022, %swap3A_1023], %gather3A_1021 {strides = array<i32>} : memref<32x800xf32, #tpu.memory_space<vmem>>, vector<16xf32>,
      %get3A_1025 = arith.constant 672 : index
      %get3A_1026 = tpu.vector_load %arg5[%get3A_1025] {strides = array<i32>} : memref<800xi32, #tpu.memory_space<vmem>>, vector<16xi32>,
      %gather3A_1027 = tpu.vector_load_idx %arg6[%iota3A, %get3A_1026] : memref<16x2048xf32, #tpu.memory_space<vmem>>[vector<16xi32>, vector<16xi32>], vector<16xf32>,
      %swap3A_1028 = arith.index_cast %add3A_772 : i32 to index
      %swap3A_1029 = arith.constant 672 : index
      %swap3A_1030 = tpu.vector_load %arg9[%swap3A_1028, %swap3A_1029] {strides = array<i32>} : memref<32x800xf32, #tpu.memory_space<vmem>>, vector<16xf32>,
      tpu.vector_store %arg9[%swap3A_1028, %swap3A_1029], %gather3A_1027 {strides = array<i32>} : memref<32x800xf32, #tpu.memory_space<vmem>>, vector<16xf32>,
      %get3A_1031 = arith.constant 688 : index
      %get3A_1032 = tpu.vector_load %arg5[%get3A_1031] {strides = array<i32>} : memref<800xi32, #tpu.memory_space<vmem>>, vector<16xi32>,
      %gather3A_1033 = tpu.vector_load_idx %arg6[%iota3A, %get3A_1032] : memref<16x2048xf32, #tpu.memory_space<vmem>>[vector<16xi32>, vector<16xi32>], vector<16xf32>,
      %swap3A_1034 = arith.index_cast %add3A_772 : i32 to index
      %swap3A_1035 = arith.constant 688 : index
      %swap3A_1036 = tpu.vector_load %arg9[%swap3A_1034, %swap3A_1035] {strides = array<i32>} : memref<32x800xf32, #tpu.memory_space<vmem>>, vector<16xf32>,
      tpu.vector_store %arg9[%swap3A_1034, %swap3A_1035], %gather3A_1033 {strides = array<i32>} : memref<32x800xf32, #tpu.memory_space<vmem>>, vector<16xf32>,
      %get3A_1037 = arith.constant 704 : index
      %get3A_1038 = tpu.vector_load %arg5[%get3A_1037] {strides = array<i32>} : memref<800xi32, #tpu.memory_space<vmem>>, vector<16xi32>,
      %gather3A_1039 = tpu.vector_load_idx %arg6[%iota3A, %get3A_1038] : memref<16x2048xf32, #tpu.memory_space<vmem>>[vector<16xi32>, vector<16xi32>], vector<16xf32>,
      %swap3A_1040 = arith.index_cast %add3A_772 : i32 to index
      %swap3A_1041 = arith.constant 704 : index
      %swap3A_1042 = tpu.vector_load %arg9[%swap3A_1040, %swap3A_1041] {strides = array<i32>} : memref<32x800xf32, #tpu.memory_space<vmem>>, vector<16xf32>,
      tpu.vector_store %arg9[%swap3A_1040, %swap3A_1041], %gather3A_1039 {strides = array<i32>} : memref<32x800xf32, #tpu.memory_space<vmem>>, vector<16xf32>,
      %get3A_1043 = arith.constant 720 : index
      %get3A_1044 = tpu.vector_load %arg5[%get3A_1043] {strides = array<i32>} : memref<800xi32, #tpu.memory_space<vmem>>, vector<16xi32>,
      %gather3A_1045 = tpu.vector_load_idx %arg6[%iota3A, %get3A_1044] : memref<16x2048xf32, #tpu.memory_space<vmem>>[vector<16xi32>, vector<16xi32>], vector<16xf32>,
      %swap3A_1046 = arith.index_cast %add3A_772 : i32 to index
      %swap3A_1047 = arith.constant 720 : index
      %swap3A_1048 = tpu.vector_load %arg9[%swap3A_1046, %swap3A_1047] {strides = array<i32>} : memref<32x800xf32, #tpu.memory_space<vmem>>, vector<16xf32>,
      tpu.vector_store %arg9[%swap3A_1046, %swap3A_1047], %gather3A_1045 {strides = array<i32>} : memref<32x800xf32, #tpu.memory_space<vmem>>, vector<16xf32>,
      %get3A_1049 = arith.constant 736 : index
      %get3A_1050 = tpu.vector_load %arg5[%get3A_1049] {strides = array<i32>} : memref<800xi32, #tpu.memory_space<vmem>>, vector<16xi32>,
      %gather3A_1051 = tpu.vector_load_idx %arg6[%iota3A, %get3A_1050] : memref<16x2048xf32, #tpu.memory_space<vmem>>[vector<16xi32>, vector<16xi32>], vector<16xf32>,
      %swap3A_1052 = arith.index_cast %add3A_772 : i32 to index
      %swap3A_1053 = arith.constant 736 : index
      %swap3A_1054 = tpu.vector_load %arg9[%swap3A_1052, %swap3A_1053] {strides = array<i32>} : memref<32x800xf32, #tpu.memory_space<vmem>>, vector<16xf32>,
      tpu.vector_store %arg9[%swap3A_1052, %swap3A_1053], %gather3A_1051 {strides = array<i32>} : memref<32x800xf32, #tpu.memory_space<vmem>>, vector<16xf32>,
      %get3A_1055 = arith.constant 752 : index
      %get3A_1056 = tpu.vector_load %arg5[%get3A_1055] {strides = array<i32>} : memref<800xi32, #tpu.memory_space<vmem>>, vector<16xi32>,
      %gather3A_1057 = tpu.vector_load_idx %arg6[%iota3A, %get3A_1056] : memref<16x2048xf32, #tpu.memory_space<vmem>>[vector<16xi32>, vector<16xi32>], vector<16xf32>,
      %swap3A_1058 = arith.index_cast %add3A_772 : i32 to index
      %swap3A_1059 = arith.constant 752 : index
      %swap3A_1060 = tpu.vector_load %arg9[%swap3A_1058, %swap3A_1059] {strides = array<i32>} : memref<32x800xf32, #tpu.memory_space<vmem>>, vector<16xf32>,
      tpu.vector_store %arg9[%swap3A_1058, %swap3A_1059], %gather3A_1057 {strides = array<i32>} : memref<32x800xf32, #tpu.memory_space<vmem>>, vector<16xf32>,
      %get3A_1061 = arith.constant 768 : index
      %get3A_1062 = tpu.vector_load %arg5[%get3A_1061] {strides = array<i32>} : memref<800xi32, #tpu.memory_space<vmem>>, vector<16xi32>,
      %gather3A_1063 = tpu.vector_load_idx %arg6[%iota3A, %get3A_1062] : memref<16x2048xf32, #tpu.memory_space<vmem>>[vector<16xi32>, vector<16xi32>], vector<16xf32>,
      %swap3A_1064 = arith.index_cast %add3A_772 : i32 to index
      %swap3A_1065 = arith.constant 768 : index
      %swap3A_1066 = tpu.vector_load %arg9[%swap3A_1064, %swap3A_1065] {strides = array<i32>} : memref<32x800xf32, #tpu.memory_space<vmem>>, vector<16xf32>,
      tpu.vector_store %arg9[%swap3A_1064, %swap3A_1065], %gather3A_1063 {strides = array<i32>} : memref<32x800xf32, #tpu.memory_space<vmem>>, vector<16xf32>,
      %get3A_1067 = arith.constant 784 : index
      %get3A_1068 = tpu.vector_load %arg5[%get3A_1067] {strides = array<i32>} : memref<800xi32, #tpu.memory_space<vmem>>, vector<16xi32>,
      %gather3A_1069 = tpu.vector_load_idx %arg6[%iota3A, %get3A_1068] : memref<16x2048xf32, #tpu.memory_space<vmem>>[vector<16xi32>, vector<16xi32>], vector<16xf32>,
      %swap3A_1070 = arith.index_cast %add3A_772 : i32 to index
      %swap3A_1071 = arith.constant 784 : index
      %swap3A_1072 = tpu.vector_load %arg9[%swap3A_1070, %swap3A_1071] {strides = array<i32>} : memref<32x800xf32, #tpu.memory_space<vmem>>, vector<16xf32>,
      tpu.vector_store %arg9[%swap3A_1070, %swap3A_1071], %gather3A_1069 {strides = array<i32>} : memref<32x800xf32, #tpu.memory_space<vmem>>, vector<16xf32>,
      %add3A_1073 = arith.constant 1 : i32
      %add3A_1074 = arith.addi %mul3A_746, %add3A_1073 : i32
      %add3A_1075 = arith.constant 2 : i32
      %add3A_1076 = arith.addi %add3A_1074, %add3A_1075 : i32
      %add3A_1077 = arith.addi %mul3A_2, %add3A_1076 : i32
      %min3A_1078 = arith.constant 1022 : i32
      %min3A_1079 = arith.minsi %add3A_1077, %min3A_1078 : i32
      %dma_start3A_1080 = arith.constant 0 : i32
      %dma_start3A_1081 = arith.constant 0 : i32
      %dma_start3A_1082 = tpu.memref_slice %arg2[%min3A_1079, %dma_start3A_1080, %dma_start3A_1081] : memref<1023x16x2048xf32, #tpu.memory_space<hbm>> -> memref<1x16x2048xf32, #tpu.memory_space<hbm>>
      %dma_start3A_1083 = tpu.memref_squeeze %dma_start3A_1082 : memref<1x16x2048xf32, #tpu.memory_space<hbm>> -> memref<16x2048xf32, #tpu.memory_space<hbm>>
      %dma_start3A_1084 = arith.constant 0 : i32
      %dma_start3A_1085 = arith.constant 0 : i32
      %dma_start3A_1086 = tpu.memref_slice %arg2[%min3A_1079, %dma_start3A_1084, %dma_start3A_1085] : memref<1023x16x2048xf32, #tpu.memory_space<hbm>> -> memref<1x16x2048xf32, #tpu.memory_space<hbm>>
      %dma_start3A_1087 = tpu.memref_squeeze %dma_start3A_1086 : memref<1x16x2048xf32, #tpu.memory_space<hbm>> -> memref<16x2048xf32, #tpu.memory_space<hbm>>
      tpu.enqueue_dma source(%dma_start3A_1087 : memref<16x2048xf32, #tpu.memory_space<hbm>>) target(%arg6 : memref<16x2048xf32, #tpu.memory_space<vmem>>) target_semaphore(%arg10 : memref<!tpu.dma_semaphore, #tpu.memory_space<semaphore_mem>>)
      %dma_wait3A_1088 = arith.constant 0 : i32
      %dma_wait3A_1089 = arith.constant 0 : i32
      %dma_wait3A_1090 = arith.constant 0 : i32
      %dma_wait3A_1091 = tpu.memref_slice %arg2[%dma_wait3A_1088, %dma_wait3A_1089, %dma_wait3A_1090] : memref<1023x16x2048xf32, #tpu.memory_space<hbm>> -> memref<1x16x2048xf32, #tpu.memory_space<hbm>>
      %dma_wait3A_1092 = tpu.memref_squeeze %dma_wait3A_1091 : memref<1x16x2048xf32, #tpu.memory_space<hbm>> -> memref<16x2048xf32, #tpu.memory_space<hbm>>
      %dma_wait3A_1093 = arith.constant 0 : i32
      %dma_wait3A_1094 = arith.constant 0 : i32
      %dma_wait3A_1095 = tpu.memref_slice %arg2[%dma_wait3A_1088, %dma_wait3A_1093, %dma_wait3A_1094] : memref<1023x16x2048xf32, #tpu.memory_space<hbm>> -> memref<1x16x2048xf32, #tpu.memory_space<hbm>>
      %dma_wait3A_1096 = tpu.memref_squeeze %dma_wait3A_1095 : memref<1x16x2048xf32, #tpu.memory_space<hbm>> -> memref<16x2048xf32, #tpu.memory_space<hbm>>
      tpu.wait_dma2 semaphore(%arg11 : memref<!tpu.dma_semaphore, #tpu.memory_space<semaphore_mem>>) src(%dma_wait3A_1096 : memref<16x2048xf32, #tpu.memory_space<hbm>>) dst(%arg7 : memref<16x2048xf32, #tpu.memory_space<vmem>>)
      %add3A_1097 = arith.constant 1 : i32
      %add3A_1098 = arith.addi %mul3A_746, %add3A_1097 : i32
      %get3A_1099 = arith.constant 0 : index
      %get3A_1100 = tpu.vector_load %arg5[%get3A_1099] {strides = array<i32>} : memref<800xi32, #tpu.memory_space<vmem>>, vector<16xi32>,
      %gather3A_1101 = tpu.vector_load_idx %arg7[%iota3A, %get3A_1100] : memref<16x2048xf32, #tpu.memory_space<vmem>>[vector<16xi32>, vector<16xi32>], vector<16xf32>,
      %swap3A_1102 = arith.index_cast %add3A_1098 : i32 to index
      %swap3A_1103 = arith.constant 0 : index
      %swap3A_1104 = tpu.vector_load %arg9[%swap3A_1102, %swap3A_1103] {strides = array<i32>} : memref<32x800xf32, #tpu.memory_space<vmem>>, vector<16xf32>,
      tpu.vector_store %arg9[%swap3A_1102, %swap3A_1103], %gather3A_1101 {strides = array<i32>} : memref<32x800xf32, #tpu.memory_space<vmem>>, vector<16xf32>,
      %get3A_1105 = arith.constant 16 : index
      %get3A_1106 = tpu.vector_load %arg5[%get3A_1105] {strides = array<i32>} : memref<800xi32, #tpu.memory_space<vmem>>, vector<16xi32>,
      %gather3A_1107 = tpu.vector_load_idx %arg7[%iota3A, %get3A_1106] : memref<16x2048xf32, #tpu.memory_space<vmem>>[vector<16xi32>, vector<16xi32>], vector<16xf32>,
      %swap3A_1108 = arith.index_cast %add3A_1098 : i32 to index
      %swap3A_1109 = arith.constant 16 : index
      %swap3A_1110 = tpu.vector_load %arg9[%swap3A_1108, %swap3A_1109] {strides = array<i32>} : memref<32x800xf32, #tpu.memory_space<vmem>>, vector<16xf32>,
      tpu.vector_store %arg9[%swap3A_1108, %swap3A_1109], %gather3A_1107 {strides = array<i32>} : memref<32x800xf32, #tpu.memory_space<vmem>>, vector<16xf32>,
      %get3A_1111 = arith.constant 32 : index
      %get3A_1112 = tpu.vector_load %arg5[%get3A_1111] {strides = array<i32>} : memref<800xi32, #tpu.memory_space<vmem>>, vector<16xi32>,
      %gather3A_1113 = tpu.vector_load_idx %arg7[%iota3A, %get3A_1112] : memref<16x2048xf32, #tpu.memory_space<vmem>>[vector<16xi32>, vector<16xi32>], vector<16xf32>,
      %swap3A_1114 = arith.index_cast %add3A_1098 : i32 to index
      %swap3A_1115 = arith.constant 32 : index
      %swap3A_1116 = tpu.vector_load %arg9[%swap3A_1114, %swap3A_1115] {strides = array<i32>} : memref<32x800xf32, #tpu.memory_space<vmem>>, vector<16xf32>,
      tpu.vector_store %arg9[%swap3A_1114, %swap3A_1115], %gather3A_1113 {strides = array<i32>} : memref<32x800xf32, #tpu.memory_space<vmem>>, vector<16xf32>,
      %get3A_1117 = arith.constant 48 : index
      %get3A_1118 = tpu.vector_load %arg5[%get3A_1117] {strides = array<i32>} : memref<800xi32, #tpu.memory_space<vmem>>, vector<16xi32>,
      %gather3A_1119 = tpu.vector_load_idx %arg7[%iota3A, %get3A_1118] : memref<16x2048xf32, #tpu.memory_space<vmem>>[vector<16xi32>, vector<16xi32>], vector<16xf32>,
      %swap3A_1120 = arith.index_cast %add3A_1098 : i32 to index
      %swap3A_1121 = arith.constant 48 : index
      %swap3A_1122 = tpu.vector_load %arg9[%swap3A_1120, %swap3A_1121] {strides = array<i32>} : memref<32x800xf32, #tpu.memory_space<vmem>>, vector<16xf32>,
      tpu.vector_store %arg9[%swap3A_1120, %swap3A_1121], %gather3A_1119 {strides = array<i32>} : memref<32x800xf32, #tpu.memory_space<vmem>>, vector<16xf32>,
      %get3A_1123 = arith.constant 64 : index
      %get3A_1124 = tpu.vector_load %arg5[%get3A_1123] {strides = array<i32>} : memref<800xi32, #tpu.memory_space<vmem>>, vector<16xi32>,
      %gather3A_1125 = tpu.vector_load_idx %arg7[%iota3A, %get3A_1124] : memref<16x2048xf32, #tpu.memory_space<vmem>>[vector<16xi32>, vector<16xi32>], vector<16xf32>,
      %swap3A_1126 = arith.index_cast %add3A_1098 : i32 to index
      %swap3A_1127 = arith.constant 64 : index
      %swap3A_1128 = tpu.vector_load %arg9[%swap3A_1126, %swap3A_1127] {strides = array<i32>} : memref<32x800xf32, #tpu.memory_space<vmem>>, vector<16xf32>,
      tpu.vector_store %arg9[%swap3A_1126, %swap3A_1127], %gather3A_1125 {strides = array<i32>} : memref<32x800xf32, #tpu.memory_space<vmem>>, vector<16xf32>,
      %get3A_1129 = arith.constant 80 : index
      %get3A_1130 = tpu.vector_load %arg5[%get3A_1129] {strides = array<i32>} : memref<800xi32, #tpu.memory_space<vmem>>, vector<16xi32>,
      %gather3A_1131 = tpu.vector_load_idx %arg7[%iota3A, %get3A_1130] : memref<16x2048xf32, #tpu.memory_space<vmem>>[vector<16xi32>, vector<16xi32>], vector<16xf32>,
      %swap3A_1132 = arith.index_cast %add3A_1098 : i32 to index
      %swap3A_1133 = arith.constant 80 : index
      %swap3A_1134 = tpu.vector_load %arg9[%swap3A_1132, %swap3A_1133] {strides = array<i32>} : memref<32x800xf32, #tpu.memory_space<vmem>>, vector<16xf32>,
      tpu.vector_store %arg9[%swap3A_1132, %swap3A_1133], %gather3A_1131 {strides = array<i32>} : memref<32x800xf32, #tpu.memory_space<vmem>>, vector<16xf32>,
      %get3A_1135 = arith.constant 96 : index
      %get3A_1136 = tpu.vector_load %arg5[%get3A_1135] {strides = array<i32>} : memref<800xi32, #tpu.memory_space<vmem>>, vector<16xi32>,
      %gather3A_1137 = tpu.vector_load_idx %arg7[%iota3A, %get3A_1136] : memref<16x2048xf32, #tpu.memory_space<vmem>>[vector<16xi32>, vector<16xi32>], vector<16xf32>,
      %swap3A_1138 = arith.index_cast %add3A_1098 : i32 to index
      %swap3A_1139 = arith.constant 96 : index
      %swap3A_1140 = tpu.vector_load %arg9[%swap3A_1138, %swap3A_1139] {strides = array<i32>} : memref<32x800xf32, #tpu.memory_space<vmem>>, vector<16xf32>,
      tpu.vector_store %arg9[%swap3A_1138, %swap3A_1139], %gather3A_1137 {strides = array<i32>} : memref<32x800xf32, #tpu.memory_space<vmem>>, vector<16xf32>,
      %get3A_1141 = arith.constant 112 : index
      %get3A_1142 = tpu.vector_load %arg5[%get3A_1141] {strides = array<i32>} : memref<800xi32, #tpu.memory_space<vmem>>, vector<16xi32>,
      %gather3A_1143 = tpu.vector_load_idx %arg7[%iota3A, %get3A_1142] : memref<16x2048xf32, #tpu.memory_space<vmem>>[vector<16xi32>, vector<16xi32>], vector<16xf32>,
      %swap3A_1144 = arith.index_cast %add3A_1098 : i32 to index
      %swap3A_1145 = arith.constant 112 : index
      %swap3A_1146 = tpu.vector_load %arg9[%swap3A_1144, %swap3A_1145] {strides = array<i32>} : memref<32x800xf32, #tpu.memory_space<vmem>>, vector<16xf32>,
      tpu.vector_store %arg9[%swap3A_1144, %swap3A_1145], %gather3A_1143 {strides = array<i32>} : memref<32x800xf32, #tpu.memory_space<vmem>>, vector<16xf32>,
      %get3A_1147 = arith.constant 128 : index
      %get3A_1148 = tpu.vector_load %arg5[%get3A_1147] {strides = array<i32>} : memref<800xi32, #tpu.memory_space<vmem>>, vector<16xi32>,
      %gather3A_1149 = tpu.vector_load_idx %arg7[%iota3A, %get3A_1148] : memref<16x2048xf32, #tpu.memory_space<vmem>>[vector<16xi32>, vector<16xi32>], vector<16xf32>,
      %swap3A_1150 = arith.index_cast %add3A_1098 : i32 to index
      %swap3A_1151 = arith.constant 128 : index
      %swap3A_1152 = tpu.vector_load %arg9[%swap3A_1150, %swap3A_1151] {strides = array<i32>} : memref<32x800xf32, #tpu.memory_space<vmem>>, vector<16xf32>,
      tpu.vector_store %arg9[%swap3A_1150, %swap3A_1151], %gather3A_1149 {strides = array<i32>} : memref<32x800xf32, #tpu.memory_space<vmem>>, vector<16xf32>,
      %get3A_1153 = arith.constant 144 : index
      %get3A_1154 = tpu.vector_load %arg5[%get3A_1153] {strides = array<i32>} : memref<800xi32, #tpu.memory_space<vmem>>, vector<16xi32>,
      %gather3A_1155 = tpu.vector_load_idx %arg7[%iota3A, %get3A_1154] : memref<16x2048xf32, #tpu.memory_space<vmem>>[vector<16xi32>, vector<16xi32>], vector<16xf32>,
      %swap3A_1156 = arith.index_cast %add3A_1098 : i32 to index
      %swap3A_1157 = arith.constant 144 : index
      %swap3A_1158 = tpu.vector_load %arg9[%swap3A_1156, %swap3A_1157] {strides = array<i32>} : memref<32x800xf32, #tpu.memory_space<vmem>>, vector<16xf32>,
      tpu.vector_store %arg9[%swap3A_1156, %swap3A_1157], %gather3A_1155 {strides = array<i32>} : memref<32x800xf32, #tpu.memory_space<vmem>>, vector<16xf32>,
      %get3A_1159 = arith.constant 160 : index
      %get3A_1160 = tpu.vector_load %arg5[%get3A_1159] {strides = array<i32>} : memref<800xi32, #tpu.memory_space<vmem>>, vector<16xi32>,
      %gather3A_1161 = tpu.vector_load_idx %arg7[%iota3A, %get3A_1160] : memref<16x2048xf32, #tpu.memory_space<vmem>>[vector<16xi32>, vector<16xi32>], vector<16xf32>,
      %swap3A_1162 = arith.index_cast %add3A_1098 : i32 to index
      %swap3A_1163 = arith.constant 160 : index
      %swap3A_1164 = tpu.vector_load %arg9[%swap3A_1162, %swap3A_1163] {strides = array<i32>} : memref<32x800xf32, #tpu.memory_space<vmem>>, vector<16xf32>,
      tpu.vector_store %arg9[%swap3A_1162, %swap3A_1163], %gather3A_1161 {strides = array<i32>} : memref<32x800xf32, #tpu.memory_space<vmem>>, vector<16xf32>,
      %get3A_1165 = arith.constant 176 : index
      %get3A_1166 = tpu.vector_load %arg5[%get3A_1165] {strides = array<i32>} : memref<800xi32, #tpu.memory_space<vmem>>, vector<16xi32>,
      %gather3A_1167 = tpu.vector_load_idx %arg7[%iota3A, %get3A_1166] : memref<16x2048xf32, #tpu.memory_space<vmem>>[vector<16xi32>, vector<16xi32>], vector<16xf32>,
      %swap3A_1168 = arith.index_cast %add3A_1098 : i32 to index
      %swap3A_1169 = arith.constant 176 : index
      %swap3A_1170 = tpu.vector_load %arg9[%swap3A_1168, %swap3A_1169] {strides = array<i32>} : memref<32x800xf32, #tpu.memory_space<vmem>>, vector<16xf32>,
      tpu.vector_store %arg9[%swap3A_1168, %swap3A_1169], %gather3A_1167 {strides = array<i32>} : memref<32x800xf32, #tpu.memory_space<vmem>>, vector<16xf32>,
      %get3A_1171 = arith.constant 192 : index
      %get3A_1172 = tpu.vector_load %arg5[%get3A_1171] {strides = array<i32>} : memref<800xi32, #tpu.memory_space<vmem>>, vector<16xi32>,
      %gather3A_1173 = tpu.vector_load_idx %arg7[%iota3A, %get3A_1172] : memref<16x2048xf32, #tpu.memory_space<vmem>>[vector<16xi32>, vector<16xi32>], vector<16xf32>,
      %swap3A_1174 = arith.index_cast %add3A_1098 : i32 to index
      %swap3A_1175 = arith.constant 192 : index
      %swap3A_1176 = tpu.vector_load %arg9[%swap3A_1174, %swap3A_1175] {strides = array<i32>} : memref<32x800xf32, #tpu.memory_space<vmem>>, vector<16xf32>,
      tpu.vector_store %arg9[%swap3A_1174, %swap3A_1175], %gather3A_1173 {strides = array<i32>} : memref<32x800xf32, #tpu.memory_space<vmem>>, vector<16xf32>,
      %get3A_1177 = arith.constant 208 : index
      %get3A_1178 = tpu.vector_load %arg5[%get3A_1177] {strides = array<i32>} : memref<800xi32, #tpu.memory_space<vmem>>, vector<16xi32>,
      %gather3A_1179 = tpu.vector_load_idx %arg7[%iota3A, %get3A_1178] : memref<16x2048xf32, #tpu.memory_space<vmem>>[vector<16xi32>, vector<16xi32>], vector<16xf32>,
      %swap3A_1180 = arith.index_cast %add3A_1098 : i32 to index
      %swap3A_1181 = arith.constant 208 : index
      %swap3A_1182 = tpu.vector_load %arg9[%swap3A_1180, %swap3A_1181] {strides = array<i32>} : memref<32x800xf32, #tpu.memory_space<vmem>>, vector<16xf32>,
      tpu.vector_store %arg9[%swap3A_1180, %swap3A_1181], %gather3A_1179 {strides = array<i32>} : memref<32x800xf32, #tpu.memory_space<vmem>>, vector<16xf32>,
      %get3A_1183 = arith.constant 224 : index
      %get3A_1184 = tpu.vector_load %arg5[%get3A_1183] {strides = array<i32>} : memref<800xi32, #tpu.memory_space<vmem>>, vector<16xi32>,
      %gather3A_1185 = tpu.vector_load_idx %arg7[%iota3A, %get3A_1184] : memref<16x2048xf32, #tpu.memory_space<vmem>>[vector<16xi32>, vector<16xi32>], vector<16xf32>,
      %swap3A_1186 = arith.index_cast %add3A_1098 : i32 to index
      %swap3A_1187 = arith.constant 224 : index
      %swap3A_1188 = tpu.vector_load %arg9[%swap3A_1186, %swap3A_1187] {strides = array<i32>} : memref<32x800xf32, #tpu.memory_space<vmem>>, vector<16xf32>,
      tpu.vector_store %arg9[%swap3A_1186, %swap3A_1187], %gather3A_1185 {strides = array<i32>} : memref<32x800xf32, #tpu.memory_space<vmem>>, vector<16xf32>,
      %get3A_1189 = arith.constant 240 : index
      %get3A_1190 = tpu.vector_load %arg5[%get3A_1189] {strides = array<i32>} : memref<800xi32, #tpu.memory_space<vmem>>, vector<16xi32>,
      %gather3A_1191 = tpu.vector_load_idx %arg7[%iota3A, %get3A_1190] : memref<16x2048xf32, #tpu.memory_space<vmem>>[vector<16xi32>, vector<16xi32>], vector<16xf32>,
      %swap3A_1192 = arith.index_cast %add3A_1098 : i32 to index
      %swap3A_1193 = arith.constant 240 : index
      %swap3A_1194 = tpu.vector_load %arg9[%swap3A_1192, %swap3A_1193] {strides = array<i32>} : memref<32x800xf32, #tpu.memory_space<vmem>>, vector<16xf32>,
      tpu.vector_store %arg9[%swap3A_1192, %swap3A_1193], %gather3A_1191 {strides = array<i32>} : memref<32x800xf32, #tpu.memory_space<vmem>>, vector<16xf32>,
      %get3A_1195 = arith.constant 256 : index
      %get3A_1196 = tpu.vector_load %arg5[%get3A_1195] {strides = array<i32>} : memref<800xi32, #tpu.memory_space<vmem>>, vector<16xi32>,
      %gather3A_1197 = tpu.vector_load_idx %arg7[%iota3A, %get3A_1196] : memref<16x2048xf32, #tpu.memory_space<vmem>>[vector<16xi32>, vector<16xi32>], vector<16xf32>,
      %swap3A_1198 = arith.index_cast %add3A_1098 : i32 to index
      %swap3A_1199 = arith.constant 256 : index
      %swap3A_1200 = tpu.vector_load %arg9[%swap3A_1198, %swap3A_1199] {strides = array<i32>} : memref<32x800xf32, #tpu.memory_space<vmem>>, vector<16xf32>,
      tpu.vector_store %arg9[%swap3A_1198, %swap3A_1199], %gather3A_1197 {strides = array<i32>} : memref<32x800xf32, #tpu.memory_space<vmem>>, vector<16xf32>,
      %get3A_1201 = arith.constant 272 : index
      %get3A_1202 = tpu.vector_load %arg5[%get3A_1201] {strides = array<i32>} : memref<800xi32, #tpu.memory_space<vmem>>, vector<16xi32>,
      %gather3A_1203 = tpu.vector_load_idx %arg7[%iota3A, %get3A_1202] : memref<16x2048xf32, #tpu.memory_space<vmem>>[vector<16xi32>, vector<16xi32>], vector<16xf32>,
      %swap3A_1204 = arith.index_cast %add3A_1098 : i32 to index
      %swap3A_1205 = arith.constant 272 : index
      %swap3A_1206 = tpu.vector_load %arg9[%swap3A_1204, %swap3A_1205] {strides = array<i32>} : memref<32x800xf32, #tpu.memory_space<vmem>>, vector<16xf32>,
      tpu.vector_store %arg9[%swap3A_1204, %swap3A_1205], %gather3A_1203 {strides = array<i32>} : memref<32x800xf32, #tpu.memory_space<vmem>>, vector<16xf32>,
      %get3A_1207 = arith.constant 288 : index
      %get3A_1208 = tpu.vector_load %arg5[%get3A_1207] {strides = array<i32>} : memref<800xi32, #tpu.memory_space<vmem>>, vector<16xi32>,
      %gather3A_1209 = tpu.vector_load_idx %arg7[%iota3A, %get3A_1208] : memref<16x2048xf32, #tpu.memory_space<vmem>>[vector<16xi32>, vector<16xi32>], vector<16xf32>,
      %swap3A_1210 = arith.index_cast %add3A_1098 : i32 to index
      %swap3A_1211 = arith.constant 288 : index
      %swap3A_1212 = tpu.vector_load %arg9[%swap3A_1210, %swap3A_1211] {strides = array<i32>} : memref<32x800xf32, #tpu.memory_space<vmem>>, vector<16xf32>,
      tpu.vector_store %arg9[%swap3A_1210, %swap3A_1211], %gather3A_1209 {strides = array<i32>} : memref<32x800xf32, #tpu.memory_space<vmem>>, vector<16xf32>,
      %get3A_1213 = arith.constant 304 : index
      %get3A_1214 = tpu.vector_load %arg5[%get3A_1213] {strides = array<i32>} : memref<800xi32, #tpu.memory_space<vmem>>, vector<16xi32>,
      %gather3A_1215 = tpu.vector_load_idx %arg7[%iota3A, %get3A_1214] : memref<16x2048xf32, #tpu.memory_space<vmem>>[vector<16xi32>, vector<16xi32>], vector<16xf32>,
      %swap3A_1216 = arith.index_cast %add3A_1098 : i32 to index
      %swap3A_1217 = arith.constant 304 : index
      %swap3A_1218 = tpu.vector_load %arg9[%swap3A_1216, %swap3A_1217] {strides = array<i32>} : memref<32x800xf32, #tpu.memory_space<vmem>>, vector<16xf32>,
      tpu.vector_store %arg9[%swap3A_1216, %swap3A_1217], %gather3A_1215 {strides = array<i32>} : memref<32x800xf32, #tpu.memory_space<vmem>>, vector<16xf32>,
      %get3A_1219 = arith.constant 320 : index
      %get3A_1220 = tpu.vector_load %arg5[%get3A_1219] {strides = array<i32>} : memref<800xi32, #tpu.memory_space<vmem>>, vector<16xi32>,
      %gather3A_1221 = tpu.vector_load_idx %arg7[%iota3A, %get3A_1220] : memref<16x2048xf32, #tpu.memory_space<vmem>>[vector<16xi32>, vector<16xi32>], vector<16xf32>,
      %swap3A_1222 = arith.index_cast %add3A_1098 : i32 to index
      %swap3A_1223 = arith.constant 320 : index
      %swap3A_1224 = tpu.vector_load %arg9[%swap3A_1222, %swap3A_1223] {strides = array<i32>} : memref<32x800xf32, #tpu.memory_space<vmem>>, vector<16xf32>,
      tpu.vector_store %arg9[%swap3A_1222, %swap3A_1223], %gather3A_1221 {strides = array<i32>} : memref<32x800xf32, #tpu.memory_space<vmem>>, vector<16xf32>,
      %get3A_1225 = arith.constant 336 : index
      %get3A_1226 = tpu.vector_load %arg5[%get3A_1225] {strides = array<i32>} : memref<800xi32, #tpu.memory_space<vmem>>, vector<16xi32>,
      %gather3A_1227 = tpu.vector_load_idx %arg7[%iota3A, %get3A_1226] : memref<16x2048xf32, #tpu.memory_space<vmem>>[vector<16xi32>, vector<16xi32>], vector<16xf32>,
      %swap3A_1228 = arith.index_cast %add3A_1098 : i32 to index
      %swap3A_1229 = arith.constant 336 : index
      %swap3A_1230 = tpu.vector_load %arg9[%swap3A_1228, %swap3A_1229] {strides = array<i32>} : memref<32x800xf32, #tpu.memory_space<vmem>>, vector<16xf32>,
      tpu.vector_store %arg9[%swap3A_1228, %swap3A_1229], %gather3A_1227 {strides = array<i32>} : memref<32x800xf32, #tpu.memory_space<vmem>>, vector<16xf32>,
      %get3A_1231 = arith.constant 352 : index
      %get3A_1232 = tpu.vector_load %arg5[%get3A_1231] {strides = array<i32>} : memref<800xi32, #tpu.memory_space<vmem>>, vector<16xi32>,
      %gather3A_1233 = tpu.vector_load_idx %arg7[%iota3A, %get3A_1232] : memref<16x2048xf32, #tpu.memory_space<vmem>>[vector<16xi32>, vector<16xi32>], vector<16xf32>,
      %swap3A_1234 = arith.index_cast %add3A_1098 : i32 to index
      %swap3A_1235 = arith.constant 352 : index
      %swap3A_1236 = tpu.vector_load %arg9[%swap3A_1234, %swap3A_1235] {strides = array<i32>} : memref<32x800xf32, #tpu.memory_space<vmem>>, vector<16xf32>,
      tpu.vector_store %arg9[%swap3A_1234, %swap3A_1235], %gather3A_1233 {strides = array<i32>} : memref<32x800xf32, #tpu.memory_space<vmem>>, vector<16xf32>,
      %get3A_1237 = arith.constant 368 : index
      %get3A_1238 = tpu.vector_load %arg5[%get3A_1237] {strides = array<i32>} : memref<800xi32, #tpu.memory_space<vmem>>, vector<16xi32>,
      %gather3A_1239 = tpu.vector_load_idx %arg7[%iota3A, %get3A_1238] : memref<16x2048xf32, #tpu.memory_space<vmem>>[vector<16xi32>, vector<16xi32>], vector<16xf32>,
      %swap3A_1240 = arith.index_cast %add3A_1098 : i32 to index
      %swap3A_1241 = arith.constant 368 : index
      %swap3A_1242 = tpu.vector_load %arg9[%swap3A_1240, %swap3A_1241] {strides = array<i32>} : memref<32x800xf32, #tpu.memory_space<vmem>>, vector<16xf32>,
      tpu.vector_store %arg9[%swap3A_1240, %swap3A_1241], %gather3A_1239 {strides = array<i32>} : memref<32x800xf32, #tpu.memory_space<vmem>>, vector<16xf32>,
      %get3A_1243 = arith.constant 384 : index
      %get3A_1244 = tpu.vector_load %arg5[%get3A_1243] {strides = array<i32>} : memref<800xi32, #tpu.memory_space<vmem>>, vector<16xi32>,
      %gather3A_1245 = tpu.vector_load_idx %arg7[%iota3A, %get3A_1244] : memref<16x2048xf32, #tpu.memory_space<vmem>>[vector<16xi32>, vector<16xi32>], vector<16xf32>,
      %swap3A_1246 = arith.index_cast %add3A_1098 : i32 to index
      %swap3A_1247 = arith.constant 384 : index
      %swap3A_1248 = tpu.vector_load %arg9[%swap3A_1246, %swap3A_1247] {strides = array<i32>} : memref<32x800xf32, #tpu.memory_space<vmem>>, vector<16xf32>,
      tpu.vector_store %arg9[%swap3A_1246, %swap3A_1247], %gather3A_1245 {strides = array<i32>} : memref<32x800xf32, #tpu.memory_space<vmem>>, vector<16xf32>,
      %get3A_1249 = arith.constant 400 : index
      %get3A_1250 = tpu.vector_load %arg5[%get3A_1249] {strides = array<i32>} : memref<800xi32, #tpu.memory_space<vmem>>, vector<16xi32>,
      %gather3A_1251 = tpu.vector_load_idx %arg7[%iota3A, %get3A_1250] : memref<16x2048xf32, #tpu.memory_space<vmem>>[vector<16xi32>, vector<16xi32>], vector<16xf32>,
      %swap3A_1252 = arith.index_cast %add3A_1098 : i32 to index
      %swap3A_1253 = arith.constant 400 : index
      %swap3A_1254 = tpu.vector_load %arg9[%swap3A_1252, %swap3A_1253] {strides = array<i32>} : memref<32x800xf32, #tpu.memory_space<vmem>>, vector<16xf32>,
      tpu.vector_store %arg9[%swap3A_1252, %swap3A_1253], %gather3A_1251 {strides = array<i32>} : memref<32x800xf32, #tpu.memory_space<vmem>>, vector<16xf32>,
      %get3A_1255 = arith.constant 416 : index
      %get3A_1256 = tpu.vector_load %arg5[%get3A_1255] {strides = array<i32>} : memref<800xi32, #tpu.memory_space<vmem>>, vector<16xi32>,
      %gather3A_1257 = tpu.vector_load_idx %arg7[%iota3A, %get3A_1256] : memref<16x2048xf32, #tpu.memory_space<vmem>>[vector<16xi32>, vector<16xi32>], vector<16xf32>,
      %swap3A_1258 = arith.index_cast %add3A_1098 : i32 to index
      %swap3A_1259 = arith.constant 416 : index
      %swap3A_1260 = tpu.vector_load %arg9[%swap3A_1258, %swap3A_1259] {strides = array<i32>} : memref<32x800xf32, #tpu.memory_space<vmem>>, vector<16xf32>,
      tpu.vector_store %arg9[%swap3A_1258, %swap3A_1259], %gather3A_1257 {strides = array<i32>} : memref<32x800xf32, #tpu.memory_space<vmem>>, vector<16xf32>,
      %get3A_1261 = arith.constant 432 : index
      %get3A_1262 = tpu.vector_load %arg5[%get3A_1261] {strides = array<i32>} : memref<800xi32, #tpu.memory_space<vmem>>, vector<16xi32>,
      %gather3A_1263 = tpu.vector_load_idx %arg7[%iota3A, %get3A_1262] : memref<16x2048xf32, #tpu.memory_space<vmem>>[vector<16xi32>, vector<16xi32>], vector<16xf32>,
      %swap3A_1264 = arith.index_cast %add3A_1098 : i32 to index
      %swap3A_1265 = arith.constant 432 : index
      %swap3A_1266 = tpu.vector_load %arg9[%swap3A_1264, %swap3A_1265] {strides = array<i32>} : memref<32x800xf32, #tpu.memory_space<vmem>>, vector<16xf32>,
      tpu.vector_store %arg9[%swap3A_1264, %swap3A_1265], %gather3A_1263 {strides = array<i32>} : memref<32x800xf32, #tpu.memory_space<vmem>>, vector<16xf32>,
      %get3A_1267 = arith.constant 448 : index
      %get3A_1268 = tpu.vector_load %arg5[%get3A_1267] {strides = array<i32>} : memref<800xi32, #tpu.memory_space<vmem>>, vector<16xi32>,
      %gather3A_1269 = tpu.vector_load_idx %arg7[%iota3A, %get3A_1268] : memref<16x2048xf32, #tpu.memory_space<vmem>>[vector<16xi32>, vector<16xi32>], vector<16xf32>,
      %swap3A_1270 = arith.index_cast %add3A_1098 : i32 to index
      %swap3A_1271 = arith.constant 448 : index
      %swap3A_1272 = tpu.vector_load %arg9[%swap3A_1270, %swap3A_1271] {strides = array<i32>} : memref<32x800xf32, #tpu.memory_space<vmem>>, vector<16xf32>,
      tpu.vector_store %arg9[%swap3A_1270, %swap3A_1271], %gather3A_1269 {strides = array<i32>} : memref<32x800xf32, #tpu.memory_space<vmem>>, vector<16xf32>,
      %get3A_1273 = arith.constant 464 : index
      %get3A_1274 = tpu.vector_load %arg5[%get3A_1273] {strides = array<i32>} : memref<800xi32, #tpu.memory_space<vmem>>, vector<16xi32>,
      %gather3A_1275 = tpu.vector_load_idx %arg7[%iota3A, %get3A_1274] : memref<16x2048xf32, #tpu.memory_space<vmem>>[vector<16xi32>, vector<16xi32>], vector<16xf32>,
      %swap3A_1276 = arith.index_cast %add3A_1098 : i32 to index
      %swap3A_1277 = arith.constant 464 : index
      %swap3A_1278 = tpu.vector_load %arg9[%swap3A_1276, %swap3A_1277] {strides = array<i32>} : memref<32x800xf32, #tpu.memory_space<vmem>>, vector<16xf32>,
      tpu.vector_store %arg9[%swap3A_1276, %swap3A_1277], %gather3A_1275 {strides = array<i32>} : memref<32x800xf32, #tpu.memory_space<vmem>>, vector<16xf32>,
      %get3A_1279 = arith.constant 480 : index
      %get3A_1280 = tpu.vector_load %arg5[%get3A_1279] {strides = array<i32>} : memref<800xi32, #tpu.memory_space<vmem>>, vector<16xi32>,
      %gather3A_1281 = tpu.vector_load_idx %arg7[%iota3A, %get3A_1280] : memref<16x2048xf32, #tpu.memory_space<vmem>>[vector<16xi32>, vector<16xi32>], vector<16xf32>,
      %swap3A_1282 = arith.index_cast %add3A_1098 : i32 to index
      %swap3A_1283 = arith.constant 480 : index
      %swap3A_1284 = tpu.vector_load %arg9[%swap3A_1282, %swap3A_1283] {strides = array<i32>} : memref<32x800xf32, #tpu.memory_space<vmem>>, vector<16xf32>,
      tpu.vector_store %arg9[%swap3A_1282, %swap3A_1283], %gather3A_1281 {strides = array<i32>} : memref<32x800xf32, #tpu.memory_space<vmem>>, vector<16xf32>,
      %get3A_1285 = arith.constant 496 : index
      %get3A_1286 = tpu.vector_load %arg5[%get3A_1285] {strides = array<i32>} : memref<800xi32, #tpu.memory_space<vmem>>, vector<16xi32>,
      %gather3A_1287 = tpu.vector_load_idx %arg7[%iota3A, %get3A_1286] : memref<16x2048xf32, #tpu.memory_space<vmem>>[vector<16xi32>, vector<16xi32>], vector<16xf32>,
      %swap3A_1288 = arith.index_cast %add3A_1098 : i32 to index
      %swap3A_1289 = arith.constant 496 : index
      %swap3A_1290 = tpu.vector_load %arg9[%swap3A_1288, %swap3A_1289] {strides = array<i32>} : memref<32x800xf32, #tpu.memory_space<vmem>>, vector<16xf32>,
      tpu.vector_store %arg9[%swap3A_1288, %swap3A_1289], %gather3A_1287 {strides = array<i32>} : memref<32x800xf32, #tpu.memory_space<vmem>>, vector<16xf32>,
      %get3A_1291 = arith.constant 512 : index
      %get3A_1292 = tpu.vector_load %arg5[%get3A_1291] {strides = array<i32>} : memref<800xi32, #tpu.memory_space<vmem>>, vector<16xi32>,
      %gather3A_1293 = tpu.vector_load_idx %arg7[%iota3A, %get3A_1292] : memref<16x2048xf32, #tpu.memory_space<vmem>>[vector<16xi32>, vector<16xi32>], vector<16xf32>,
      %swap3A_1294 = arith.index_cast %add3A_1098 : i32 to index
      %swap3A_1295 = arith.constant 512 : index
      %swap3A_1296 = tpu.vector_load %arg9[%swap3A_1294, %swap3A_1295] {strides = array<i32>} : memref<32x800xf32, #tpu.memory_space<vmem>>, vector<16xf32>,
      tpu.vector_store %arg9[%swap3A_1294, %swap3A_1295], %gather3A_1293 {strides = array<i32>} : memref<32x800xf32, #tpu.memory_space<vmem>>, vector<16xf32>,
      %get3A_1297 = arith.constant 528 : index
      %get3A_1298 = tpu.vector_load %arg5[%get3A_1297] {strides = array<i32>} : memref<800xi32, #tpu.memory_space<vmem>>, vector<16xi32>,
      %gather3A_1299 = tpu.vector_load_idx %arg7[%iota3A, %get3A_1298] : memref<16x2048xf32, #tpu.memory_space<vmem>>[vector<16xi32>, vector<16xi32>], vector<16xf32>,
      %swap3A_1300 = arith.index_cast %add3A_1098 : i32 to index
      %swap3A_1301 = arith.constant 528 : index
      %swap3A_1302 = tpu.vector_load %arg9[%swap3A_1300, %swap3A_1301] {strides = array<i32>} : memref<32x800xf32, #tpu.memory_space<vmem>>, vector<16xf32>,
      tpu.vector_store %arg9[%swap3A_1300, %swap3A_1301], %gather3A_1299 {strides = array<i32>} : memref<32x800xf32, #tpu.memory_space<vmem>>, vector<16xf32>,
      %get3A_1303 = arith.constant 544 : index
      %get3A_1304 = tpu.vector_load %arg5[%get3A_1303] {strides = array<i32>} : memref<800xi32, #tpu.memory_space<vmem>>, vector<16xi32>,
      %gather3A_1305 = tpu.vector_load_idx %arg7[%iota3A, %get3A_1304] : memref<16x2048xf32, #tpu.memory_space<vmem>>[vector<16xi32>, vector<16xi32>], vector<16xf32>,
      %swap3A_1306 = arith.index_cast %add3A_1098 : i32 to index
      %swap3A_1307 = arith.constant 544 : index
      %swap3A_1308 = tpu.vector_load %arg9[%swap3A_1306, %swap3A_1307] {strides = array<i32>} : memref<32x800xf32, #tpu.memory_space<vmem>>, vector<16xf32>,
      tpu.vector_store %arg9[%swap3A_1306, %swap3A_1307], %gather3A_1305 {strides = array<i32>} : memref<32x800xf32, #tpu.memory_space<vmem>>, vector<16xf32>,
      %get3A_1309 = arith.constant 560 : index
      %get3A_1310 = tpu.vector_load %arg5[%get3A_1309] {strides = array<i32>} : memref<800xi32, #tpu.memory_space<vmem>>, vector<16xi32>,
      %gather3A_1311 = tpu.vector_load_idx %arg7[%iota3A, %get3A_1310] : memref<16x2048xf32, #tpu.memory_space<vmem>>[vector<16xi32>, vector<16xi32>], vector<16xf32>,
      %swap3A_1312 = arith.index_cast %add3A_1098 : i32 to index
      %swap3A_1313 = arith.constant 560 : index
      %swap3A_1314 = tpu.vector_load %arg9[%swap3A_1312, %swap3A_1313] {strides = array<i32>} : memref<32x800xf32, #tpu.memory_space<vmem>>, vector<16xf32>,
      tpu.vector_store %arg9[%swap3A_1312, %swap3A_1313], %gather3A_1311 {strides = array<i32>} : memref<32x800xf32, #tpu.memory_space<vmem>>, vector<16xf32>,
      %get3A_1315 = arith.constant 576 : index
      %get3A_1316 = tpu.vector_load %arg5[%get3A_1315] {strides = array<i32>} : memref<800xi32, #tpu.memory_space<vmem>>, vector<16xi32>,
      %gather3A_1317 = tpu.vector_load_idx %arg7[%iota3A, %get3A_1316] : memref<16x2048xf32, #tpu.memory_space<vmem>>[vector<16xi32>, vector<16xi32>], vector<16xf32>,
      %swap3A_1318 = arith.index_cast %add3A_1098 : i32 to index
      %swap3A_1319 = arith.constant 576 : index
      %swap3A_1320 = tpu.vector_load %arg9[%swap3A_1318, %swap3A_1319] {strides = array<i32>} : memref<32x800xf32, #tpu.memory_space<vmem>>, vector<16xf32>,
      tpu.vector_store %arg9[%swap3A_1318, %swap3A_1319], %gather3A_1317 {strides = array<i32>} : memref<32x800xf32, #tpu.memory_space<vmem>>, vector<16xf32>,
      %get3A_1321 = arith.constant 592 : index
      %get3A_1322 = tpu.vector_load %arg5[%get3A_1321] {strides = array<i32>} : memref<800xi32, #tpu.memory_space<vmem>>, vector<16xi32>,
      %gather3A_1323 = tpu.vector_load_idx %arg7[%iota3A, %get3A_1322] : memref<16x2048xf32, #tpu.memory_space<vmem>>[vector<16xi32>, vector<16xi32>], vector<16xf32>,
      %swap3A_1324 = arith.index_cast %add3A_1098 : i32 to index
      %swap3A_1325 = arith.constant 592 : index
      %swap3A_1326 = tpu.vector_load %arg9[%swap3A_1324, %swap3A_1325] {strides = array<i32>} : memref<32x800xf32, #tpu.memory_space<vmem>>, vector<16xf32>,
      tpu.vector_store %arg9[%swap3A_1324, %swap3A_1325], %gather3A_1323 {strides = array<i32>} : memref<32x800xf32, #tpu.memory_space<vmem>>, vector<16xf32>,
      %get3A_1327 = arith.constant 608 : index
      %get3A_1328 = tpu.vector_load %arg5[%get3A_1327] {strides = array<i32>} : memref<800xi32, #tpu.memory_space<vmem>>, vector<16xi32>,
      %gather3A_1329 = tpu.vector_load_idx %arg7[%iota3A, %get3A_1328] : memref<16x2048xf32, #tpu.memory_space<vmem>>[vector<16xi32>, vector<16xi32>], vector<16xf32>,
      %swap3A_1330 = arith.index_cast %add3A_1098 : i32 to index
      %swap3A_1331 = arith.constant 608 : index
      %swap3A_1332 = tpu.vector_load %arg9[%swap3A_1330, %swap3A_1331] {strides = array<i32>} : memref<32x800xf32, #tpu.memory_space<vmem>>, vector<16xf32>,
      tpu.vector_store %arg9[%swap3A_1330, %swap3A_1331], %gather3A_1329 {strides = array<i32>} : memref<32x800xf32, #tpu.memory_space<vmem>>, vector<16xf32>,
      %get3A_1333 = arith.constant 624 : index
      %get3A_1334 = tpu.vector_load %arg5[%get3A_1333] {strides = array<i32>} : memref<800xi32, #tpu.memory_space<vmem>>, vector<16xi32>,
      %gather3A_1335 = tpu.vector_load_idx %arg7[%iota3A, %get3A_1334] : memref<16x2048xf32, #tpu.memory_space<vmem>>[vector<16xi32>, vector<16xi32>], vector<16xf32>,
      %swap3A_1336 = arith.index_cast %add3A_1098 : i32 to index
      %swap3A_1337 = arith.constant 624 : index
      %swap3A_1338 = tpu.vector_load %arg9[%swap3A_1336, %swap3A_1337] {strides = array<i32>} : memref<32x800xf32, #tpu.memory_space<vmem>>, vector<16xf32>,
      tpu.vector_store %arg9[%swap3A_1336, %swap3A_1337], %gather3A_1335 {strides = array<i32>} : memref<32x800xf32, #tpu.memory_space<vmem>>, vector<16xf32>,
      %get3A_1339 = arith.constant 640 : index
      %get3A_1340 = tpu.vector_load %arg5[%get3A_1339] {strides = array<i32>} : memref<800xi32, #tpu.memory_space<vmem>>, vector<16xi32>,
      %gather3A_1341 = tpu.vector_load_idx %arg7[%iota3A, %get3A_1340] : memref<16x2048xf32, #tpu.memory_space<vmem>>[vector<16xi32>, vector<16xi32>], vector<16xf32>,
      %swap3A_1342 = arith.index_cast %add3A_1098 : i32 to index
      %swap3A_1343 = arith.constant 640 : index
      %swap3A_1344 = tpu.vector_load %arg9[%swap3A_1342, %swap3A_1343] {strides = array<i32>} : memref<32x800xf32, #tpu.memory_space<vmem>>, vector<16xf32>,
      tpu.vector_store %arg9[%swap3A_1342, %swap3A_1343], %gather3A_1341 {strides = array<i32>} : memref<32x800xf32, #tpu.memory_space<vmem>>, vector<16xf32>,
      %get3A_1345 = arith.constant 656 : index
      %get3A_1346 = tpu.vector_load %arg5[%get3A_1345] {strides = array<i32>} : memref<800xi32, #tpu.memory_space<vmem>>, vector<16xi32>,
      %gather3A_1347 = tpu.vector_load_idx %arg7[%iota3A, %get3A_1346] : memref<16x2048xf32, #tpu.memory_space<vmem>>[vector<16xi32>, vector<16xi32>], vector<16xf32>,
      %swap3A_1348 = arith.index_cast %add3A_1098 : i32 to index
      %swap3A_1349 = arith.constant 656 : index
      %swap3A_1350 = tpu.vector_load %arg9[%swap3A_1348, %swap3A_1349] {strides = array<i32>} : memref<32x800xf32, #tpu.memory_space<vmem>>, vector<16xf32>,
      tpu.vector_store %arg9[%swap3A_1348, %swap3A_1349], %gather3A_1347 {strides = array<i32>} : memref<32x800xf32, #tpu.memory_space<vmem>>, vector<16xf32>,
      %get3A_1351 = arith.constant 672 : index
      %get3A_1352 = tpu.vector_load %arg5[%get3A_1351] {strides = array<i32>} : memref<800xi32, #tpu.memory_space<vmem>>, vector<16xi32>,
      %gather3A_1353 = tpu.vector_load_idx %arg7[%iota3A, %get3A_1352] : memref<16x2048xf32, #tpu.memory_space<vmem>>[vector<16xi32>, vector<16xi32>], vector<16xf32>,
      %swap3A_1354 = arith.index_cast %add3A_1098 : i32 to index
      %swap3A_1355 = arith.constant 672 : index
      %swap3A_1356 = tpu.vector_load %arg9[%swap3A_1354, %swap3A_1355] {strides = array<i32>} : memref<32x800xf32, #tpu.memory_space<vmem>>, vector<16xf32>,
      tpu.vector_store %arg9[%swap3A_1354, %swap3A_1355], %gather3A_1353 {strides = array<i32>} : memref<32x800xf32, #tpu.memory_space<vmem>>, vector<16xf32>,
      %get3A_1357 = arith.constant 688 : index
      %get3A_1358 = tpu.vector_load %arg5[%get3A_1357] {strides = array<i32>} : memref<800xi32, #tpu.memory_space<vmem>>, vector<16xi32>,
      %gather3A_1359 = tpu.vector_load_idx %arg7[%iota3A, %get3A_1358] : memref<16x2048xf32, #tpu.memory_space<vmem>>[vector<16xi32>, vector<16xi32>], vector<16xf32>,
      %swap3A_1360 = arith.index_cast %add3A_1098 : i32 to index
      %swap3A_1361 = arith.constant 688 : index
      %swap3A_1362 = tpu.vector_load %arg9[%swap3A_1360, %swap3A_1361] {strides = array<i32>} : memref<32x800xf32, #tpu.memory_space<vmem>>, vector<16xf32>,
      tpu.vector_store %arg9[%swap3A_1360, %swap3A_1361], %gather3A_1359 {strides = array<i32>} : memref<32x800xf32, #tpu.memory_space<vmem>>, vector<16xf32>,
      %get3A_1363 = arith.constant 704 : index
      %get3A_1364 = tpu.vector_load %arg5[%get3A_1363] {strides = array<i32>} : memref<800xi32, #tpu.memory_space<vmem>>, vector<16xi32>,
      %gather3A_1365 = tpu.vector_load_idx %arg7[%iota3A, %get3A_1364] : memref<16x2048xf32, #tpu.memory_space<vmem>>[vector<16xi32>, vector<16xi32>], vector<16xf32>,
      %swap3A_1366 = arith.index_cast %add3A_1098 : i32 to index
      %swap3A_1367 = arith.constant 704 : index
      %swap3A_1368 = tpu.vector_load %arg9[%swap3A_1366, %swap3A_1367] {strides = array<i32>} : memref<32x800xf32, #tpu.memory_space<vmem>>, vector<16xf32>,
      tpu.vector_store %arg9[%swap3A_1366, %swap3A_1367], %gather3A_1365 {strides = array<i32>} : memref<32x800xf32, #tpu.memory_space<vmem>>, vector<16xf32>,
      %get3A_1369 = arith.constant 720 : index
      %get3A_1370 = tpu.vector_load %arg5[%get3A_1369] {strides = array<i32>} : memref<800xi32, #tpu.memory_space<vmem>>, vector<16xi32>,
      %gather3A_1371 = tpu.vector_load_idx %arg7[%iota3A, %get3A_1370] : memref<16x2048xf32, #tpu.memory_space<vmem>>[vector<16xi32>, vector<16xi32>], vector<16xf32>,
      %swap3A_1372 = arith.index_cast %add3A_1098 : i32 to index
      %swap3A_1373 = arith.constant 720 : index
      %swap3A_1374 = tpu.vector_load %arg9[%swap3A_1372, %swap3A_1373] {strides = array<i32>} : memref<32x800xf32, #tpu.memory_space<vmem>>, vector<16xf32>,
      tpu.vector_store %arg9[%swap3A_1372, %swap3A_1373], %gather3A_1371 {strides = array<i32>} : memref<32x800xf32, #tpu.memory_space<vmem>>, vector<16xf32>,
      %get3A_1375 = arith.constant 736 : index
      %get3A_1376 = tpu.vector_load %arg5[%get3A_1375] {strides = array<i32>} : memref<800xi32, #tpu.memory_space<vmem>>, vector<16xi32>,
      %gather3A_1377 = tpu.vector_load_idx %arg7[%iota3A, %get3A_1376] : memref<16x2048xf32, #tpu.memory_space<vmem>>[vector<16xi32>, vector<16xi32>], vector<16xf32>,
      %swap3A_1378 = arith.index_cast %add3A_1098 : i32 to index
      %swap3A_1379 = arith.constant 736 : index
      %swap3A_1380 = tpu.vector_load %arg9[%swap3A_1378, %swap3A_1379] {strides = array<i32>} : memref<32x800xf32, #tpu.memory_space<vmem>>, vector<16xf32>,
      tpu.vector_store %arg9[%swap3A_1378, %swap3A_1379], %gather3A_1377 {strides = array<i32>} : memref<32x800xf32, #tpu.memory_space<vmem>>, vector<16xf32>,
      %get3A_1381 = arith.constant 752 : index
      %get3A_1382 = tpu.vector_load %arg5[%get3A_1381] {strides = array<i32>} : memref<800xi32, #tpu.memory_space<vmem>>, vector<16xi32>,
      %gather3A_1383 = tpu.vector_load_idx %arg7[%iota3A, %get3A_1382] : memref<16x2048xf32, #tpu.memory_space<vmem>>[vector<16xi32>, vector<16xi32>], vector<16xf32>,
      %swap3A_1384 = arith.index_cast %add3A_1098 : i32 to index
      %swap3A_1385 = arith.constant 752 : index
      %swap3A_1386 = tpu.vector_load %arg9[%swap3A_1384, %swap3A_1385] {strides = array<i32>} : memref<32x800xf32, #tpu.memory_space<vmem>>, vector<16xf32>,
      tpu.vector_store %arg9[%swap3A_1384, %swap3A_1385], %gather3A_1383 {strides = array<i32>} : memref<32x800xf32, #tpu.memory_space<vmem>>, vector<16xf32>,
      %get3A_1387 = arith.constant 768 : index
      %get3A_1388 = tpu.vector_load %arg5[%get3A_1387] {strides = array<i32>} : memref<800xi32, #tpu.memory_space<vmem>>, vector<16xi32>,
      %gather3A_1389 = tpu.vector_load_idx %arg7[%iota3A, %get3A_1388] : memref<16x2048xf32, #tpu.memory_space<vmem>>[vector<16xi32>, vector<16xi32>], vector<16xf32>,
      %swap3A_1390 = arith.index_cast %add3A_1098 : i32 to index
      %swap3A_1391 = arith.constant 768 : index
      %swap3A_1392 = tpu.vector_load %arg9[%swap3A_1390, %swap3A_1391] {strides = array<i32>} : memref<32x800xf32, #tpu.memory_space<vmem>>, vector<16xf32>,
      tpu.vector_store %arg9[%swap3A_1390, %swap3A_1391], %gather3A_1389 {strides = array<i32>} : memref<32x800xf32, #tpu.memory_space<vmem>>, vector<16xf32>,
      %get3A_1393 = arith.constant 784 : index
      %get3A_1394 = tpu.vector_load %arg5[%get3A_1393] {strides = array<i32>} : memref<800xi32, #tpu.memory_space<vmem>>, vector<16xi32>,
      %gather3A_1395 = tpu.vector_load_idx %arg7[%iota3A, %get3A_1394] : memref<16x2048xf32, #tpu.memory_space<vmem>>[vector<16xi32>, vector<16xi32>], vector<16xf32>,
      %swap3A_1396 = arith.index_cast %add3A_1098 : i32 to index
      %swap3A_1397 = arith.constant 784 : index
      %swap3A_1398 = tpu.vector_load %arg9[%swap3A_1396, %swap3A_1397] {strides = array<i32>} : memref<32x800xf32, #tpu.memory_space<vmem>>, vector<16xf32>,
      tpu.vector_store %arg9[%swap3A_1396, %swap3A_1397], %gather3A_1395 {strides = array<i32>} : memref<32x800xf32, #tpu.memory_space<vmem>>, vector<16xf32>,
      %add3A_1399 = arith.constant 2 : i32
      %add3A_1400 = arith.addi %mul3A_746, %add3A_1399 : i32
      %add3A_1401 = arith.constant 2 : i32
      %add3A_1402 = arith.addi %add3A_1400, %add3A_1401 : i32
      %add3A_1403 = arith.addi %mul3A_2, %add3A_1402 : i32
      %min3A_1404 = arith.constant 1022 : i32
      %min3A_1405 = arith.minsi %add3A_1403, %min3A_1404 : i32
      %dma_start3A_1406 = arith.constant 0 : i32
      %dma_start3A_1407 = arith.constant 0 : i32
      %dma_start3A_1408 = tpu.memref_slice %arg2[%min3A_1405, %dma_start3A_1406, %dma_start3A_1407] : memref<1023x16x2048xf32, #tpu.memory_space<hbm>> -> memref<1x16x2048xf32, #tpu.memory_space<hbm>>
      %dma_start3A_1409 = tpu.memref_squeeze %dma_start3A_1408 : memref<1x16x2048xf32, #tpu.memory_space<hbm>> -> memref<16x2048xf32, #tpu.memory_space<hbm>>
      %dma_start3A_1410 = arith.constant 0 : i32
      %dma_start3A_1411 = arith.constant 0 : i32
      %dma_start3A_1412 = tpu.memref_slice %arg2[%min3A_1405, %dma_start3A_1410, %dma_start3A_1411] : memref<1023x16x2048xf32, #tpu.memory_space<hbm>> -> memref<1x16x2048xf32, #tpu.memory_space<hbm>>
      %dma_start3A_1413 = tpu.memref_squeeze %dma_start3A_1412 : memref<1x16x2048xf32, #tpu.memory_space<hbm>> -> memref<16x2048xf32, #tpu.memory_space<hbm>>
      tpu.enqueue_dma source(%dma_start3A_1413 : memref<16x2048xf32, #tpu.memory_space<hbm>>) target(%arg7 : memref<16x2048xf32, #tpu.memory_space<vmem>>) target_semaphore(%arg11 : memref<!tpu.dma_semaphore, #tpu.memory_space<semaphore_mem>>)
      %dma_wait3A_1414 = arith.constant 0 : i32
      %dma_wait3A_1415 = arith.constant 0 : i32
      %dma_wait3A_1416 = arith.constant 0 : i32
      %dma_wait3A_1417 = tpu.memref_slice %arg2[%dma_wait3A_1414, %dma_wait3A_1415, %dma_wait3A_1416] : memref<1023x16x2048xf32, #tpu.memory_space<hbm>> -> memref<1x16x2048xf32, #tpu.memory_space<hbm>>
      %dma_wait3A_1418 = tpu.memref_squeeze %dma_wait3A_1417 : memref<1x16x2048xf32, #tpu.memory_space<hbm>> -> memref<16x2048xf32, #tpu.memory_space<hbm>>
      %dma_wait3A_1419 = arith.constant 0 : i32
      %dma_wait3A_1420 = arith.constant 0 : i32
      %dma_wait3A_1421 = tpu.memref_slice %arg2[%dma_wait3A_1414, %dma_wait3A_1419, %dma_wait3A_1420] : memref<1023x16x2048xf32, #tpu.memory_space<hbm>> -> memref<1x16x2048xf32, #tpu.memory_space<hbm>>
      %dma_wait3A_1422 = tpu.memref_squeeze %dma_wait3A_1421 : memref<1x16x2048xf32, #tpu.memory_space<hbm>> -> memref<16x2048xf32, #tpu.memory_space<hbm>>
      tpu.wait_dma2 semaphore(%arg12 : memref<!tpu.dma_semaphore, #tpu.memory_space<semaphore_mem>>) src(%dma_wait3A_1422 : memref<16x2048xf32, #tpu.memory_space<hbm>>) dst(%arg8 : memref<16x2048xf32, #tpu.memory_space<vmem>>)
      %add3A_1423 = arith.constant 2 : i32
      %add3A_1424 = arith.addi %mul3A_746, %add3A_1423 : i32
      %get3A_1425 = arith.constant 0 : index
      %get3A_1426 = tpu.vector_load %arg5[%get3A_1425] {strides = array<i32>} : memref<800xi32, #tpu.memory_space<vmem>>, vector<16xi32>,
      %gather3A_1427 = tpu.vector_load_idx %arg8[%iota3A, %get3A_1426] : memref<16x2048xf32, #tpu.memory_space<vmem>>[vector<16xi32>, vector<16xi32>], vector<16xf32>,
      %swap3A_1428 = arith.index_cast %add3A_1424 : i32 to index
      %swap3A_1429 = arith.constant 0 : index
      %swap3A_1430 = tpu.vector_load %arg9[%swap3A_1428, %swap3A_1429] {strides = array<i32>} : memref<32x800xf32, #tpu.memory_space<vmem>>, vector<16xf32>,
      tpu.vector_store %arg9[%swap3A_1428, %swap3A_1429], %gather3A_1427 {strides = array<i32>} : memref<32x800xf32, #tpu.memory_space<vmem>>, vector<16xf32>,
      %get3A_1431 = arith.constant 16 : index
      %get3A_1432 = tpu.vector_load %arg5[%get3A_1431] {strides = array<i32>} : memref<800xi32, #tpu.memory_space<vmem>>, vector<16xi32>,
      %gather3A_1433 = tpu.vector_load_idx %arg8[%iota3A, %get3A_1432] : memref<16x2048xf32, #tpu.memory_space<vmem>>[vector<16xi32>, vector<16xi32>], vector<16xf32>,
      %swap3A_1434 = arith.index_cast %add3A_1424 : i32 to index
      %swap3A_1435 = arith.constant 16 : index
      %swap3A_1436 = tpu.vector_load %arg9[%swap3A_1434, %swap3A_1435] {strides = array<i32>} : memref<32x800xf32, #tpu.memory_space<vmem>>, vector<16xf32>,
      tpu.vector_store %arg9[%swap3A_1434, %swap3A_1435], %gather3A_1433 {strides = array<i32>} : memref<32x800xf32, #tpu.memory_space<vmem>>, vector<16xf32>,
      %get3A_1437 = arith.constant 32 : index
      %get3A_1438 = tpu.vector_load %arg5[%get3A_1437] {strides = array<i32>} : memref<800xi32, #tpu.memory_space<vmem>>, vector<16xi32>,
      %gather3A_1439 = tpu.vector_load_idx %arg8[%iota3A, %get3A_1438] : memref<16x2048xf32, #tpu.memory_space<vmem>>[vector<16xi32>, vector<16xi32>], vector<16xf32>,
      %swap3A_1440 = arith.index_cast %add3A_1424 : i32 to index
      %swap3A_1441 = arith.constant 32 : index
      %swap3A_1442 = tpu.vector_load %arg9[%swap3A_1440, %swap3A_1441] {strides = array<i32>} : memref<32x800xf32, #tpu.memory_space<vmem>>, vector<16xf32>,
      tpu.vector_store %arg9[%swap3A_1440, %swap3A_1441], %gather3A_1439 {strides = array<i32>} : memref<32x800xf32, #tpu.memory_space<vmem>>, vector<16xf32>,
      %get3A_1443 = arith.constant 48 : index
      %get3A_1444 = tpu.vector_load %arg5[%get3A_1443] {strides = array<i32>} : memref<800xi32, #tpu.memory_space<vmem>>, vector<16xi32>,
      %gather3A_1445 = tpu.vector_load_idx %arg8[%iota3A, %get3A_1444] : memref<16x2048xf32, #tpu.memory_space<vmem>>[vector<16xi32>, vector<16xi32>], vector<16xf32>,
      %swap3A_1446 = arith.index_cast %add3A_1424 : i32 to index
      %swap3A_1447 = arith.constant 48 : index
      %swap3A_1448 = tpu.vector_load %arg9[%swap3A_1446, %swap3A_1447] {strides = array<i32>} : memref<32x800xf32, #tpu.memory_space<vmem>>, vector<16xf32>,
      tpu.vector_store %arg9[%swap3A_1446, %swap3A_1447], %gather3A_1445 {strides = array<i32>} : memref<32x800xf32, #tpu.memory_space<vmem>>, vector<16xf32>,
      %get3A_1449 = arith.constant 64 : index
      %get3A_1450 = tpu.vector_load %arg5[%get3A_1449] {strides = array<i32>} : memref<800xi32, #tpu.memory_space<vmem>>, vector<16xi32>,
      %gather3A_1451 = tpu.vector_load_idx %arg8[%iota3A, %get3A_1450] : memref<16x2048xf32, #tpu.memory_space<vmem>>[vector<16xi32>, vector<16xi32>], vector<16xf32>,
      %swap3A_1452 = arith.index_cast %add3A_1424 : i32 to index
      %swap3A_1453 = arith.constant 64 : index
      %swap3A_1454 = tpu.vector_load %arg9[%swap3A_1452, %swap3A_1453] {strides = array<i32>} : memref<32x800xf32, #tpu.memory_space<vmem>>, vector<16xf32>,
      tpu.vector_store %arg9[%swap3A_1452, %swap3A_1453], %gather3A_1451 {strides = array<i32>} : memref<32x800xf32, #tpu.memory_space<vmem>>, vector<16xf32>,
      %get3A_1455 = arith.constant 80 : index
      %get3A_1456 = tpu.vector_load %arg5[%get3A_1455] {strides = array<i32>} : memref<800xi32, #tpu.memory_space<vmem>>, vector<16xi32>,
      %gather3A_1457 = tpu.vector_load_idx %arg8[%iota3A, %get3A_1456] : memref<16x2048xf32, #tpu.memory_space<vmem>>[vector<16xi32>, vector<16xi32>], vector<16xf32>,
      %swap3A_1458 = arith.index_cast %add3A_1424 : i32 to index
      %swap3A_1459 = arith.constant 80 : index
      %swap3A_1460 = tpu.vector_load %arg9[%swap3A_1458, %swap3A_1459] {strides = array<i32>} : memref<32x800xf32, #tpu.memory_space<vmem>>, vector<16xf32>,
      tpu.vector_store %arg9[%swap3A_1458, %swap3A_1459], %gather3A_1457 {strides = array<i32>} : memref<32x800xf32, #tpu.memory_space<vmem>>, vector<16xf32>,
      %get3A_1461 = arith.constant 96 : index
      %get3A_1462 = tpu.vector_load %arg5[%get3A_1461] {strides = array<i32>} : memref<800xi32, #tpu.memory_space<vmem>>, vector<16xi32>,
      %gather3A_1463 = tpu.vector_load_idx %arg8[%iota3A, %get3A_1462] : memref<16x2048xf32, #tpu.memory_space<vmem>>[vector<16xi32>, vector<16xi32>], vector<16xf32>,
      %swap3A_1464 = arith.index_cast %add3A_1424 : i32 to index
      %swap3A_1465 = arith.constant 96 : index
      %swap3A_1466 = tpu.vector_load %arg9[%swap3A_1464, %swap3A_1465] {strides = array<i32>} : memref<32x800xf32, #tpu.memory_space<vmem>>, vector<16xf32>,
      tpu.vector_store %arg9[%swap3A_1464, %swap3A_1465], %gather3A_1463 {strides = array<i32>} : memref<32x800xf32, #tpu.memory_space<vmem>>, vector<16xf32>,
      %get3A_1467 = arith.constant 112 : index
      %get3A_1468 = tpu.vector_load %arg5[%get3A_1467] {strides = array<i32>} : memref<800xi32, #tpu.memory_space<vmem>>, vector<16xi32>,
      %gather3A_1469 = tpu.vector_load_idx %arg8[%iota3A, %get3A_1468] : memref<16x2048xf32, #tpu.memory_space<vmem>>[vector<16xi32>, vector<16xi32>], vector<16xf32>,
      %swap3A_1470 = arith.index_cast %add3A_1424 : i32 to index
      %swap3A_1471 = arith.constant 112 : index
      %swap3A_1472 = tpu.vector_load %arg9[%swap3A_1470, %swap3A_1471] {strides = array<i32>} : memref<32x800xf32, #tpu.memory_space<vmem>>, vector<16xf32>,
      tpu.vector_store %arg9[%swap3A_1470, %swap3A_1471], %gather3A_1469 {strides = array<i32>} : memref<32x800xf32, #tpu.memory_space<vmem>>, vector<16xf32>,
      %get3A_1473 = arith.constant 128 : index
      %get3A_1474 = tpu.vector_load %arg5[%get3A_1473] {strides = array<i32>} : memref<800xi32, #tpu.memory_space<vmem>>, vector<16xi32>,
      %gather3A_1475 = tpu.vector_load_idx %arg8[%iota3A, %get3A_1474] : memref<16x2048xf32, #tpu.memory_space<vmem>>[vector<16xi32>, vector<16xi32>], vector<16xf32>,
      %swap3A_1476 = arith.index_cast %add3A_1424 : i32 to index
      %swap3A_1477 = arith.constant 128 : index
      %swap3A_1478 = tpu.vector_load %arg9[%swap3A_1476, %swap3A_1477] {strides = array<i32>} : memref<32x800xf32, #tpu.memory_space<vmem>>, vector<16xf32>,
      tpu.vector_store %arg9[%swap3A_1476, %swap3A_1477], %gather3A_1475 {strides = array<i32>} : memref<32x800xf32, #tpu.memory_space<vmem>>, vector<16xf32>,
      %get3A_1479 = arith.constant 144 : index
      %get3A_1480 = tpu.vector_load %arg5[%get3A_1479] {strides = array<i32>} : memref<800xi32, #tpu.memory_space<vmem>>, vector<16xi32>,
      %gather3A_1481 = tpu.vector_load_idx %arg8[%iota3A, %get3A_1480] : memref<16x2048xf32, #tpu.memory_space<vmem>>[vector<16xi32>, vector<16xi32>], vector<16xf32>,
      %swap3A_1482 = arith.index_cast %add3A_1424 : i32 to index
      %swap3A_1483 = arith.constant 144 : index
      %swap3A_1484 = tpu.vector_load %arg9[%swap3A_1482, %swap3A_1483] {strides = array<i32>} : memref<32x800xf32, #tpu.memory_space<vmem>>, vector<16xf32>,
      tpu.vector_store %arg9[%swap3A_1482, %swap3A_1483], %gather3A_1481 {strides = array<i32>} : memref<32x800xf32, #tpu.memory_space<vmem>>, vector<16xf32>,
      %get3A_1485 = arith.constant 160 : index
      %get3A_1486 = tpu.vector_load %arg5[%get3A_1485] {strides = array<i32>} : memref<800xi32, #tpu.memory_space<vmem>>, vector<16xi32>,
      %gather3A_1487 = tpu.vector_load_idx %arg8[%iota3A, %get3A_1486] : memref<16x2048xf32, #tpu.memory_space<vmem>>[vector<16xi32>, vector<16xi32>], vector<16xf32>,
      %swap3A_1488 = arith.index_cast %add3A_1424 : i32 to index
      %swap3A_1489 = arith.constant 160 : index
      %swap3A_1490 = tpu.vector_load %arg9[%swap3A_1488, %swap3A_1489] {strides = array<i32>} : memref<32x800xf32, #tpu.memory_space<vmem>>, vector<16xf32>,
      tpu.vector_store %arg9[%swap3A_1488, %swap3A_1489], %gather3A_1487 {strides = array<i32>} : memref<32x800xf32, #tpu.memory_space<vmem>>, vector<16xf32>,
      %get3A_1491 = arith.constant 176 : index
      %get3A_1492 = tpu.vector_load %arg5[%get3A_1491] {strides = array<i32>} : memref<800xi32, #tpu.memory_space<vmem>>, vector<16xi32>,
      %gather3A_1493 = tpu.vector_load_idx %arg8[%iota3A, %get3A_1492] : memref<16x2048xf32, #tpu.memory_space<vmem>>[vector<16xi32>, vector<16xi32>], vector<16xf32>,
      %swap3A_1494 = arith.index_cast %add3A_1424 : i32 to index
      %swap3A_1495 = arith.constant 176 : index
      %swap3A_1496 = tpu.vector_load %arg9[%swap3A_1494, %swap3A_1495] {strides = array<i32>} : memref<32x800xf32, #tpu.memory_space<vmem>>, vector<16xf32>,
      tpu.vector_store %arg9[%swap3A_1494, %swap3A_1495], %gather3A_1493 {strides = array<i32>} : memref<32x800xf32, #tpu.memory_space<vmem>>, vector<16xf32>,
      %get3A_1497 = arith.constant 192 : index
      %get3A_1498 = tpu.vector_load %arg5[%get3A_1497] {strides = array<i32>} : memref<800xi32, #tpu.memory_space<vmem>>, vector<16xi32>,
      %gather3A_1499 = tpu.vector_load_idx %arg8[%iota3A, %get3A_1498] : memref<16x2048xf32, #tpu.memory_space<vmem>>[vector<16xi32>, vector<16xi32>], vector<16xf32>,
      %swap3A_1500 = arith.index_cast %add3A_1424 : i32 to index
      %swap3A_1501 = arith.constant 192 : index
      %swap3A_1502 = tpu.vector_load %arg9[%swap3A_1500, %swap3A_1501] {strides = array<i32>} : memref<32x800xf32, #tpu.memory_space<vmem>>, vector<16xf32>,
      tpu.vector_store %arg9[%swap3A_1500, %swap3A_1501], %gather3A_1499 {strides = array<i32>} : memref<32x800xf32, #tpu.memory_space<vmem>>, vector<16xf32>,
      %get3A_1503 = arith.constant 208 : index
      %get3A_1504 = tpu.vector_load %arg5[%get3A_1503] {strides = array<i32>} : memref<800xi32, #tpu.memory_space<vmem>>, vector<16xi32>,
      %gather3A_1505 = tpu.vector_load_idx %arg8[%iota3A, %get3A_1504] : memref<16x2048xf32, #tpu.memory_space<vmem>>[vector<16xi32>, vector<16xi32>], vector<16xf32>,
      %swap3A_1506 = arith.index_cast %add3A_1424 : i32 to index
      %swap3A_1507 = arith.constant 208 : index
      %swap3A_1508 = tpu.vector_load %arg9[%swap3A_1506, %swap3A_1507] {strides = array<i32>} : memref<32x800xf32, #tpu.memory_space<vmem>>, vector<16xf32>,
      tpu.vector_store %arg9[%swap3A_1506, %swap3A_1507], %gather3A_1505 {strides = array<i32>} : memref<32x800xf32, #tpu.memory_space<vmem>>, vector<16xf32>,
      %get3A_1509 = arith.constant 224 : index
      %get3A_1510 = tpu.vector_load %arg5[%get3A_1509] {strides = array<i32>} : memref<800xi32, #tpu.memory_space<vmem>>, vector<16xi32>,
      %gather3A_1511 = tpu.vector_load_idx %arg8[%iota3A, %get3A_1510] : memref<16x2048xf32, #tpu.memory_space<vmem>>[vector<16xi32>, vector<16xi32>], vector<16xf32>,
      %swap3A_1512 = arith.index_cast %add3A_1424 : i32 to index
      %swap3A_1513 = arith.constant 224 : index
      %swap3A_1514 = tpu.vector_load %arg9[%swap3A_1512, %swap3A_1513] {strides = array<i32>} : memref<32x800xf32, #tpu.memory_space<vmem>>, vector<16xf32>,
      tpu.vector_store %arg9[%swap3A_1512, %swap3A_1513], %gather3A_1511 {strides = array<i32>} : memref<32x800xf32, #tpu.memory_space<vmem>>, vector<16xf32>,
      %get3A_1515 = arith.constant 240 : index
      %get3A_1516 = tpu.vector_load %arg5[%get3A_1515] {strides = array<i32>} : memref<800xi32, #tpu.memory_space<vmem>>, vector<16xi32>,
      %gather3A_1517 = tpu.vector_load_idx %arg8[%iota3A, %get3A_1516] : memref<16x2048xf32, #tpu.memory_space<vmem>>[vector<16xi32>, vector<16xi32>], vector<16xf32>,
      %swap3A_1518 = arith.index_cast %add3A_1424 : i32 to index
      %swap3A_1519 = arith.constant 240 : index
      %swap3A_1520 = tpu.vector_load %arg9[%swap3A_1518, %swap3A_1519] {strides = array<i32>} : memref<32x800xf32, #tpu.memory_space<vmem>>, vector<16xf32>,
      tpu.vector_store %arg9[%swap3A_1518, %swap3A_1519], %gather3A_1517 {strides = array<i32>} : memref<32x800xf32, #tpu.memory_space<vmem>>, vector<16xf32>,
      %get3A_1521 = arith.constant 256 : index
      %get3A_1522 = tpu.vector_load %arg5[%get3A_1521] {strides = array<i32>} : memref<800xi32, #tpu.memory_space<vmem>>, vector<16xi32>,
      %gather3A_1523 = tpu.vector_load_idx %arg8[%iota3A, %get3A_1522] : memref<16x2048xf32, #tpu.memory_space<vmem>>[vector<16xi32>, vector<16xi32>], vector<16xf32>,
      %swap3A_1524 = arith.index_cast %add3A_1424 : i32 to index
      %swap3A_1525 = arith.constant 256 : index
      %swap3A_1526 = tpu.vector_load %arg9[%swap3A_1524, %swap3A_1525] {strides = array<i32>} : memref<32x800xf32, #tpu.memory_space<vmem>>, vector<16xf32>,
      tpu.vector_store %arg9[%swap3A_1524, %swap3A_1525], %gather3A_1523 {strides = array<i32>} : memref<32x800xf32, #tpu.memory_space<vmem>>, vector<16xf32>,
      %get3A_1527 = arith.constant 272 : index
      %get3A_1528 = tpu.vector_load %arg5[%get3A_1527] {strides = array<i32>} : memref<800xi32, #tpu.memory_space<vmem>>, vector<16xi32>,
      %gather3A_1529 = tpu.vector_load_idx %arg8[%iota3A, %get3A_1528] : memref<16x2048xf32, #tpu.memory_space<vmem>>[vector<16xi32>, vector<16xi32>], vector<16xf32>,
      %swap3A_1530 = arith.index_cast %add3A_1424 : i32 to index
      %swap3A_1531 = arith.constant 272 : index
      %swap3A_1532 = tpu.vector_load %arg9[%swap3A_1530, %swap3A_1531] {strides = array<i32>} : memref<32x800xf32, #tpu.memory_space<vmem>>, vector<16xf32>,
      tpu.vector_store %arg9[%swap3A_1530, %swap3A_1531], %gather3A_1529 {strides = array<i32>} : memref<32x800xf32, #tpu.memory_space<vmem>>, vector<16xf32>,
      %get3A_1533 = arith.constant 288 : index
      %get3A_1534 = tpu.vector_load %arg5[%get3A_1533] {strides = array<i32>} : memref<800xi32, #tpu.memory_space<vmem>>, vector<16xi32>,
      %gather3A_1535 = tpu.vector_load_idx %arg8[%iota3A, %get3A_1534] : memref<16x2048xf32, #tpu.memory_space<vmem>>[vector<16xi32>, vector<16xi32>], vector<16xf32>,
      %swap3A_1536 = arith.index_cast %add3A_1424 : i32 to index
      %swap3A_1537 = arith.constant 288 : index
      %swap3A_1538 = tpu.vector_load %arg9[%swap3A_1536, %swap3A_1537] {strides = array<i32>} : memref<32x800xf32, #tpu.memory_space<vmem>>, vector<16xf32>,
      tpu.vector_store %arg9[%swap3A_1536, %swap3A_1537], %gather3A_1535 {strides = array<i32>} : memref<32x800xf32, #tpu.memory_space<vmem>>, vector<16xf32>,
      %get3A_1539 = arith.constant 304 : index
      %get3A_1540 = tpu.vector_load %arg5[%get3A_1539] {strides = array<i32>} : memref<800xi32, #tpu.memory_space<vmem>>, vector<16xi32>,
      %gather3A_1541 = tpu.vector_load_idx %arg8[%iota3A, %get3A_1540] : memref<16x2048xf32, #tpu.memory_space<vmem>>[vector<16xi32>, vector<16xi32>], vector<16xf32>,
      %swap3A_1542 = arith.index_cast %add3A_1424 : i32 to index
      %swap3A_1543 = arith.constant 304 : index
      %swap3A_1544 = tpu.vector_load %arg9[%swap3A_1542, %swap3A_1543] {strides = array<i32>} : memref<32x800xf32, #tpu.memory_space<vmem>>, vector<16xf32>,
      tpu.vector_store %arg9[%swap3A_1542, %swap3A_1543], %gather3A_1541 {strides = array<i32>} : memref<32x800xf32, #tpu.memory_space<vmem>>, vector<16xf32>,
      %get3A_1545 = arith.constant 320 : index
      %get3A_1546 = tpu.vector_load %arg5[%get3A_1545] {strides = array<i32>} : memref<800xi32, #tpu.memory_space<vmem>>, vector<16xi32>,
      %gather3A_1547 = tpu.vector_load_idx %arg8[%iota3A, %get3A_1546] : memref<16x2048xf32, #tpu.memory_space<vmem>>[vector<16xi32>, vector<16xi32>], vector<16xf32>,
      %swap3A_1548 = arith.index_cast %add3A_1424 : i32 to index
      %swap3A_1549 = arith.constant 320 : index
      %swap3A_1550 = tpu.vector_load %arg9[%swap3A_1548, %swap3A_1549] {strides = array<i32>} : memref<32x800xf32, #tpu.memory_space<vmem>>, vector<16xf32>,
      tpu.vector_store %arg9[%swap3A_1548, %swap3A_1549], %gather3A_1547 {strides = array<i32>} : memref<32x800xf32, #tpu.memory_space<vmem>>, vector<16xf32>,
      %get3A_1551 = arith.constant 336 : index
      %get3A_1552 = tpu.vector_load %arg5[%get3A_1551] {strides = array<i32>} : memref<800xi32, #tpu.memory_space<vmem>>, vector<16xi32>,
      %gather3A_1553 = tpu.vector_load_idx %arg8[%iota3A, %get3A_1552] : memref<16x2048xf32, #tpu.memory_space<vmem>>[vector<16xi32>, vector<16xi32>], vector<16xf32>,
      %swap3A_1554 = arith.index_cast %add3A_1424 : i32 to index
      %swap3A_1555 = arith.constant 336 : index
      %swap3A_1556 = tpu.vector_load %arg9[%swap3A_1554, %swap3A_1555] {strides = array<i32>} : memref<32x800xf32, #tpu.memory_space<vmem>>, vector<16xf32>,
      tpu.vector_store %arg9[%swap3A_1554, %swap3A_1555], %gather3A_1553 {strides = array<i32>} : memref<32x800xf32, #tpu.memory_space<vmem>>, vector<16xf32>,
      %get3A_1557 = arith.constant 352 : index
      %get3A_1558 = tpu.vector_load %arg5[%get3A_1557] {strides = array<i32>} : memref<800xi32, #tpu.memory_space<vmem>>, vector<16xi32>,
      %gather3A_1559 = tpu.vector_load_idx %arg8[%iota3A, %get3A_1558] : memref<16x2048xf32, #tpu.memory_space<vmem>>[vector<16xi32>, vector<16xi32>], vector<16xf32>,
      %swap3A_1560 = arith.index_cast %add3A_1424 : i32 to index
      %swap3A_1561 = arith.constant 352 : index
      %swap3A_1562 = tpu.vector_load %arg9[%swap3A_1560, %swap3A_1561] {strides = array<i32>} : memref<32x800xf32, #tpu.memory_space<vmem>>, vector<16xf32>,
      tpu.vector_store %arg9[%swap3A_1560, %swap3A_1561], %gather3A_1559 {strides = array<i32>} : memref<32x800xf32, #tpu.memory_space<vmem>>, vector<16xf32>,
      %get3A_1563 = arith.constant 368 : index
      %get3A_1564 = tpu.vector_load %arg5[%get3A_1563] {strides = array<i32>} : memref<800xi32, #tpu.memory_space<vmem>>, vector<16xi32>,
      %gather3A_1565 = tpu.vector_load_idx %arg8[%iota3A, %get3A_1564] : memref<16x2048xf32, #tpu.memory_space<vmem>>[vector<16xi32>, vector<16xi32>], vector<16xf32>,
      %swap3A_1566 = arith.index_cast %add3A_1424 : i32 to index
      %swap3A_1567 = arith.constant 368 : index
      %swap3A_1568 = tpu.vector_load %arg9[%swap3A_1566, %swap3A_1567] {strides = array<i32>} : memref<32x800xf32, #tpu.memory_space<vmem>>, vector<16xf32>,
      tpu.vector_store %arg9[%swap3A_1566, %swap3A_1567], %gather3A_1565 {strides = array<i32>} : memref<32x800xf32, #tpu.memory_space<vmem>>, vector<16xf32>,
      %get3A_1569 = arith.constant 384 : index
      %get3A_1570 = tpu.vector_load %arg5[%get3A_1569] {strides = array<i32>} : memref<800xi32, #tpu.memory_space<vmem>>, vector<16xi32>,
      %gather3A_1571 = tpu.vector_load_idx %arg8[%iota3A, %get3A_1570] : memref<16x2048xf32, #tpu.memory_space<vmem>>[vector<16xi32>, vector<16xi32>], vector<16xf32>,
      %swap3A_1572 = arith.index_cast %add3A_1424 : i32 to index
      %swap3A_1573 = arith.constant 384 : index
      %swap3A_1574 = tpu.vector_load %arg9[%swap3A_1572, %swap3A_1573] {strides = array<i32>} : memref<32x800xf32, #tpu.memory_space<vmem>>, vector<16xf32>,
      tpu.vector_store %arg9[%swap3A_1572, %swap3A_1573], %gather3A_1571 {strides = array<i32>} : memref<32x800xf32, #tpu.memory_space<vmem>>, vector<16xf32>,
      %get3A_1575 = arith.constant 400 : index
      %get3A_1576 = tpu.vector_load %arg5[%get3A_1575] {strides = array<i32>} : memref<800xi32, #tpu.memory_space<vmem>>, vector<16xi32>,
      %gather3A_1577 = tpu.vector_load_idx %arg8[%iota3A, %get3A_1576] : memref<16x2048xf32, #tpu.memory_space<vmem>>[vector<16xi32>, vector<16xi32>], vector<16xf32>,
      %swap3A_1578 = arith.index_cast %add3A_1424 : i32 to index
      %swap3A_1579 = arith.constant 400 : index
      %swap3A_1580 = tpu.vector_load %arg9[%swap3A_1578, %swap3A_1579] {strides = array<i32>} : memref<32x800xf32, #tpu.memory_space<vmem>>, vector<16xf32>,
      tpu.vector_store %arg9[%swap3A_1578, %swap3A_1579], %gather3A_1577 {strides = array<i32>} : memref<32x800xf32, #tpu.memory_space<vmem>>, vector<16xf32>,
      %get3A_1581 = arith.constant 416 : index
      %get3A_1582 = tpu.vector_load %arg5[%get3A_1581] {strides = array<i32>} : memref<800xi32, #tpu.memory_space<vmem>>, vector<16xi32>,
      %gather3A_1583 = tpu.vector_load_idx %arg8[%iota3A, %get3A_1582] : memref<16x2048xf32, #tpu.memory_space<vmem>>[vector<16xi32>, vector<16xi32>], vector<16xf32>,
      %swap3A_1584 = arith.index_cast %add3A_1424 : i32 to index
      %swap3A_1585 = arith.constant 416 : index
      %swap3A_1586 = tpu.vector_load %arg9[%swap3A_1584, %swap3A_1585] {strides = array<i32>} : memref<32x800xf32, #tpu.memory_space<vmem>>, vector<16xf32>,
      tpu.vector_store %arg9[%swap3A_1584, %swap3A_1585], %gather3A_1583 {strides = array<i32>} : memref<32x800xf32, #tpu.memory_space<vmem>>, vector<16xf32>,
      %get3A_1587 = arith.constant 432 : index
      %get3A_1588 = tpu.vector_load %arg5[%get3A_1587] {strides = array<i32>} : memref<800xi32, #tpu.memory_space<vmem>>, vector<16xi32>,
      %gather3A_1589 = tpu.vector_load_idx %arg8[%iota3A, %get3A_1588] : memref<16x2048xf32, #tpu.memory_space<vmem>>[vector<16xi32>, vector<16xi32>], vector<16xf32>,
      %swap3A_1590 = arith.index_cast %add3A_1424 : i32 to index
      %swap3A_1591 = arith.constant 432 : index
      %swap3A_1592 = tpu.vector_load %arg9[%swap3A_1590, %swap3A_1591] {strides = array<i32>} : memref<32x800xf32, #tpu.memory_space<vmem>>, vector<16xf32>,
      tpu.vector_store %arg9[%swap3A_1590, %swap3A_1591], %gather3A_1589 {strides = array<i32>} : memref<32x800xf32, #tpu.memory_space<vmem>>, vector<16xf32>,
      %get3A_1593 = arith.constant 448 : index
      %get3A_1594 = tpu.vector_load %arg5[%get3A_1593] {strides = array<i32>} : memref<800xi32, #tpu.memory_space<vmem>>, vector<16xi32>,
      %gather3A_1595 = tpu.vector_load_idx %arg8[%iota3A, %get3A_1594] : memref<16x2048xf32, #tpu.memory_space<vmem>>[vector<16xi32>, vector<16xi32>], vector<16xf32>,
      %swap3A_1596 = arith.index_cast %add3A_1424 : i32 to index
      %swap3A_1597 = arith.constant 448 : index
      %swap3A_1598 = tpu.vector_load %arg9[%swap3A_1596, %swap3A_1597] {strides = array<i32>} : memref<32x800xf32, #tpu.memory_space<vmem>>, vector<16xf32>,
      tpu.vector_store %arg9[%swap3A_1596, %swap3A_1597], %gather3A_1595 {strides = array<i32>} : memref<32x800xf32, #tpu.memory_space<vmem>>, vector<16xf32>,
      %get3A_1599 = arith.constant 464 : index
      %get3A_1600 = tpu.vector_load %arg5[%get3A_1599] {strides = array<i32>} : memref<800xi32, #tpu.memory_space<vmem>>, vector<16xi32>,
      %gather3A_1601 = tpu.vector_load_idx %arg8[%iota3A, %get3A_1600] : memref<16x2048xf32, #tpu.memory_space<vmem>>[vector<16xi32>, vector<16xi32>], vector<16xf32>,
      %swap3A_1602 = arith.index_cast %add3A_1424 : i32 to index
      %swap3A_1603 = arith.constant 464 : index
      %swap3A_1604 = tpu.vector_load %arg9[%swap3A_1602, %swap3A_1603] {strides = array<i32>} : memref<32x800xf32, #tpu.memory_space<vmem>>, vector<16xf32>,
      tpu.vector_store %arg9[%swap3A_1602, %swap3A_1603], %gather3A_1601 {strides = array<i32>} : memref<32x800xf32, #tpu.memory_space<vmem>>, vector<16xf32>,
      %get3A_1605 = arith.constant 480 : index
      %get3A_1606 = tpu.vector_load %arg5[%get3A_1605] {strides = array<i32>} : memref<800xi32, #tpu.memory_space<vmem>>, vector<16xi32>,
      %gather3A_1607 = tpu.vector_load_idx %arg8[%iota3A, %get3A_1606] : memref<16x2048xf32, #tpu.memory_space<vmem>>[vector<16xi32>, vector<16xi32>], vector<16xf32>,
      %swap3A_1608 = arith.index_cast %add3A_1424 : i32 to index
      %swap3A_1609 = arith.constant 480 : index
      %swap3A_1610 = tpu.vector_load %arg9[%swap3A_1608, %swap3A_1609] {strides = array<i32>} : memref<32x800xf32, #tpu.memory_space<vmem>>, vector<16xf32>,
      tpu.vector_store %arg9[%swap3A_1608, %swap3A_1609], %gather3A_1607 {strides = array<i32>} : memref<32x800xf32, #tpu.memory_space<vmem>>, vector<16xf32>,
      %get3A_1611 = arith.constant 496 : index
      %get3A_1612 = tpu.vector_load %arg5[%get3A_1611] {strides = array<i32>} : memref<800xi32, #tpu.memory_space<vmem>>, vector<16xi32>,
      %gather3A_1613 = tpu.vector_load_idx %arg8[%iota3A, %get3A_1612] : memref<16x2048xf32, #tpu.memory_space<vmem>>[vector<16xi32>, vector<16xi32>], vector<16xf32>,
      %swap3A_1614 = arith.index_cast %add3A_1424 : i32 to index
      %swap3A_1615 = arith.constant 496 : index
      %swap3A_1616 = tpu.vector_load %arg9[%swap3A_1614, %swap3A_1615] {strides = array<i32>} : memref<32x800xf32, #tpu.memory_space<vmem>>, vector<16xf32>,
      tpu.vector_store %arg9[%swap3A_1614, %swap3A_1615], %gather3A_1613 {strides = array<i32>} : memref<32x800xf32, #tpu.memory_space<vmem>>, vector<16xf32>,
      %get3A_1617 = arith.constant 512 : index
      %get3A_1618 = tpu.vector_load %arg5[%get3A_1617] {strides = array<i32>} : memref<800xi32, #tpu.memory_space<vmem>>, vector<16xi32>,
      %gather3A_1619 = tpu.vector_load_idx %arg8[%iota3A, %get3A_1618] : memref<16x2048xf32, #tpu.memory_space<vmem>>[vector<16xi32>, vector<16xi32>], vector<16xf32>,
      %swap3A_1620 = arith.index_cast %add3A_1424 : i32 to index
      %swap3A_1621 = arith.constant 512 : index
      %swap3A_1622 = tpu.vector_load %arg9[%swap3A_1620, %swap3A_1621] {strides = array<i32>} : memref<32x800xf32, #tpu.memory_space<vmem>>, vector<16xf32>,
      tpu.vector_store %arg9[%swap3A_1620, %swap3A_1621], %gather3A_1619 {strides = array<i32>} : memref<32x800xf32, #tpu.memory_space<vmem>>, vector<16xf32>,
      %get3A_1623 = arith.constant 528 : index
      %get3A_1624 = tpu.vector_load %arg5[%get3A_1623] {strides = array<i32>} : memref<800xi32, #tpu.memory_space<vmem>>, vector<16xi32>,
      %gather3A_1625 = tpu.vector_load_idx %arg8[%iota3A, %get3A_1624] : memref<16x2048xf32, #tpu.memory_space<vmem>>[vector<16xi32>, vector<16xi32>], vector<16xf32>,
      %swap3A_1626 = arith.index_cast %add3A_1424 : i32 to index
      %swap3A_1627 = arith.constant 528 : index
      %swap3A_1628 = tpu.vector_load %arg9[%swap3A_1626, %swap3A_1627] {strides = array<i32>} : memref<32x800xf32, #tpu.memory_space<vmem>>, vector<16xf32>,
      tpu.vector_store %arg9[%swap3A_1626, %swap3A_1627], %gather3A_1625 {strides = array<i32>} : memref<32x800xf32, #tpu.memory_space<vmem>>, vector<16xf32>,
      %get3A_1629 = arith.constant 544 : index
      %get3A_1630 = tpu.vector_load %arg5[%get3A_1629] {strides = array<i32>} : memref<800xi32, #tpu.memory_space<vmem>>, vector<16xi32>,
      %gather3A_1631 = tpu.vector_load_idx %arg8[%iota3A, %get3A_1630] : memref<16x2048xf32, #tpu.memory_space<vmem>>[vector<16xi32>, vector<16xi32>], vector<16xf32>,
      %swap3A_1632 = arith.index_cast %add3A_1424 : i32 to index
      %swap3A_1633 = arith.constant 544 : index
      %swap3A_1634 = tpu.vector_load %arg9[%swap3A_1632, %swap3A_1633] {strides = array<i32>} : memref<32x800xf32, #tpu.memory_space<vmem>>, vector<16xf32>,
      tpu.vector_store %arg9[%swap3A_1632, %swap3A_1633], %gather3A_1631 {strides = array<i32>} : memref<32x800xf32, #tpu.memory_space<vmem>>, vector<16xf32>,
      %get3A_1635 = arith.constant 560 : index
      %get3A_1636 = tpu.vector_load %arg5[%get3A_1635] {strides = array<i32>} : memref<800xi32, #tpu.memory_space<vmem>>, vector<16xi32>,
      %gather3A_1637 = tpu.vector_load_idx %arg8[%iota3A, %get3A_1636] : memref<16x2048xf32, #tpu.memory_space<vmem>>[vector<16xi32>, vector<16xi32>], vector<16xf32>,
      %swap3A_1638 = arith.index_cast %add3A_1424 : i32 to index
      %swap3A_1639 = arith.constant 560 : index
      %swap3A_1640 = tpu.vector_load %arg9[%swap3A_1638, %swap3A_1639] {strides = array<i32>} : memref<32x800xf32, #tpu.memory_space<vmem>>, vector<16xf32>,
      tpu.vector_store %arg9[%swap3A_1638, %swap3A_1639], %gather3A_1637 {strides = array<i32>} : memref<32x800xf32, #tpu.memory_space<vmem>>, vector<16xf32>,
      %get3A_1641 = arith.constant 576 : index
      %get3A_1642 = tpu.vector_load %arg5[%get3A_1641] {strides = array<i32>} : memref<800xi32, #tpu.memory_space<vmem>>, vector<16xi32>,
      %gather3A_1643 = tpu.vector_load_idx %arg8[%iota3A, %get3A_1642] : memref<16x2048xf32, #tpu.memory_space<vmem>>[vector<16xi32>, vector<16xi32>], vector<16xf32>,
      %swap3A_1644 = arith.index_cast %add3A_1424 : i32 to index
      %swap3A_1645 = arith.constant 576 : index
      %swap3A_1646 = tpu.vector_load %arg9[%swap3A_1644, %swap3A_1645] {strides = array<i32>} : memref<32x800xf32, #tpu.memory_space<vmem>>, vector<16xf32>,
      tpu.vector_store %arg9[%swap3A_1644, %swap3A_1645], %gather3A_1643 {strides = array<i32>} : memref<32x800xf32, #tpu.memory_space<vmem>>, vector<16xf32>,
      %get3A_1647 = arith.constant 592 : index
      %get3A_1648 = tpu.vector_load %arg5[%get3A_1647] {strides = array<i32>} : memref<800xi32, #tpu.memory_space<vmem>>, vector<16xi32>,
      %gather3A_1649 = tpu.vector_load_idx %arg8[%iota3A, %get3A_1648] : memref<16x2048xf32, #tpu.memory_space<vmem>>[vector<16xi32>, vector<16xi32>], vector<16xf32>,
      %swap3A_1650 = arith.index_cast %add3A_1424 : i32 to index
      %swap3A_1651 = arith.constant 592 : index
      %swap3A_1652 = tpu.vector_load %arg9[%swap3A_1650, %swap3A_1651] {strides = array<i32>} : memref<32x800xf32, #tpu.memory_space<vmem>>, vector<16xf32>,
      tpu.vector_store %arg9[%swap3A_1650, %swap3A_1651], %gather3A_1649 {strides = array<i32>} : memref<32x800xf32, #tpu.memory_space<vmem>>, vector<16xf32>,
      %get3A_1653 = arith.constant 608 : index
      %get3A_1654 = tpu.vector_load %arg5[%get3A_1653] {strides = array<i32>} : memref<800xi32, #tpu.memory_space<vmem>>, vector<16xi32>,
      %gather3A_1655 = tpu.vector_load_idx %arg8[%iota3A, %get3A_1654] : memref<16x2048xf32, #tpu.memory_space<vmem>>[vector<16xi32>, vector<16xi32>], vector<16xf32>,
      %swap3A_1656 = arith.index_cast %add3A_1424 : i32 to index
      %swap3A_1657 = arith.constant 608 : index
      %swap3A_1658 = tpu.vector_load %arg9[%swap3A_1656, %swap3A_1657] {strides = array<i32>} : memref<32x800xf32, #tpu.memory_space<vmem>>, vector<16xf32>,
      tpu.vector_store %arg9[%swap3A_1656, %swap3A_1657], %gather3A_1655 {strides = array<i32>} : memref<32x800xf32, #tpu.memory_space<vmem>>, vector<16xf32>,
      %get3A_1659 = arith.constant 624 : index
      %get3A_1660 = tpu.vector_load %arg5[%get3A_1659] {strides = array<i32>} : memref<800xi32, #tpu.memory_space<vmem>>, vector<16xi32>,
      %gather3A_1661 = tpu.vector_load_idx %arg8[%iota3A, %get3A_1660] : memref<16x2048xf32, #tpu.memory_space<vmem>>[vector<16xi32>, vector<16xi32>], vector<16xf32>,
      %swap3A_1662 = arith.index_cast %add3A_1424 : i32 to index
      %swap3A_1663 = arith.constant 624 : index
      %swap3A_1664 = tpu.vector_load %arg9[%swap3A_1662, %swap3A_1663] {strides = array<i32>} : memref<32x800xf32, #tpu.memory_space<vmem>>, vector<16xf32>,
      tpu.vector_store %arg9[%swap3A_1662, %swap3A_1663], %gather3A_1661 {strides = array<i32>} : memref<32x800xf32, #tpu.memory_space<vmem>>, vector<16xf32>,
      %get3A_1665 = arith.constant 640 : index
      %get3A_1666 = tpu.vector_load %arg5[%get3A_1665] {strides = array<i32>} : memref<800xi32, #tpu.memory_space<vmem>>, vector<16xi32>,
      %gather3A_1667 = tpu.vector_load_idx %arg8[%iota3A, %get3A_1666] : memref<16x2048xf32, #tpu.memory_space<vmem>>[vector<16xi32>, vector<16xi32>], vector<16xf32>,
      %swap3A_1668 = arith.index_cast %add3A_1424 : i32 to index
      %swap3A_1669 = arith.constant 640 : index
      %swap3A_1670 = tpu.vector_load %arg9[%swap3A_1668, %swap3A_1669] {strides = array<i32>} : memref<32x800xf32, #tpu.memory_space<vmem>>, vector<16xf32>,
      tpu.vector_store %arg9[%swap3A_1668, %swap3A_1669], %gather3A_1667 {strides = array<i32>} : memref<32x800xf32, #tpu.memory_space<vmem>>, vector<16xf32>,
      %get3A_1671 = arith.constant 656 : index
      %get3A_1672 = tpu.vector_load %arg5[%get3A_1671] {strides = array<i32>} : memref<800xi32, #tpu.memory_space<vmem>>, vector<16xi32>,
      %gather3A_1673 = tpu.vector_load_idx %arg8[%iota3A, %get3A_1672] : memref<16x2048xf32, #tpu.memory_space<vmem>>[vector<16xi32>, vector<16xi32>], vector<16xf32>,
      %swap3A_1674 = arith.index_cast %add3A_1424 : i32 to index
      %swap3A_1675 = arith.constant 656 : index
      %swap3A_1676 = tpu.vector_load %arg9[%swap3A_1674, %swap3A_1675] {strides = array<i32>} : memref<32x800xf32, #tpu.memory_space<vmem>>, vector<16xf32>,
      tpu.vector_store %arg9[%swap3A_1674, %swap3A_1675], %gather3A_1673 {strides = array<i32>} : memref<32x800xf32, #tpu.memory_space<vmem>>, vector<16xf32>,
      %get3A_1677 = arith.constant 672 : index
      %get3A_1678 = tpu.vector_load %arg5[%get3A_1677] {strides = array<i32>} : memref<800xi32, #tpu.memory_space<vmem>>, vector<16xi32>,
      %gather3A_1679 = tpu.vector_load_idx %arg8[%iota3A, %get3A_1678] : memref<16x2048xf32, #tpu.memory_space<vmem>>[vector<16xi32>, vector<16xi32>], vector<16xf32>,
      %swap3A_1680 = arith.index_cast %add3A_1424 : i32 to index
      %swap3A_1681 = arith.constant 672 : index
      %swap3A_1682 = tpu.vector_load %arg9[%swap3A_1680, %swap3A_1681] {strides = array<i32>} : memref<32x800xf32, #tpu.memory_space<vmem>>, vector<16xf32>,
      tpu.vector_store %arg9[%swap3A_1680, %swap3A_1681], %gather3A_1679 {strides = array<i32>} : memref<32x800xf32, #tpu.memory_space<vmem>>, vector<16xf32>,
      %get3A_1683 = arith.constant 688 : index
      %get3A_1684 = tpu.vector_load %arg5[%get3A_1683] {strides = array<i32>} : memref<800xi32, #tpu.memory_space<vmem>>, vector<16xi32>,
      %gather3A_1685 = tpu.vector_load_idx %arg8[%iota3A, %get3A_1684] : memref<16x2048xf32, #tpu.memory_space<vmem>>[vector<16xi32>, vector<16xi32>], vector<16xf32>,
      %swap3A_1686 = arith.index_cast %add3A_1424 : i32 to index
      %swap3A_1687 = arith.constant 688 : index
      %swap3A_1688 = tpu.vector_load %arg9[%swap3A_1686, %swap3A_1687] {strides = array<i32>} : memref<32x800xf32, #tpu.memory_space<vmem>>, vector<16xf32>,
      tpu.vector_store %arg9[%swap3A_1686, %swap3A_1687], %gather3A_1685 {strides = array<i32>} : memref<32x800xf32, #tpu.memory_space<vmem>>, vector<16xf32>,
      %get3A_1689 = arith.constant 704 : index
      %get3A_1690 = tpu.vector_load %arg5[%get3A_1689] {strides = array<i32>} : memref<800xi32, #tpu.memory_space<vmem>>, vector<16xi32>,
      %gather3A_1691 = tpu.vector_load_idx %arg8[%iota3A, %get3A_1690] : memref<16x2048xf32, #tpu.memory_space<vmem>>[vector<16xi32>, vector<16xi32>], vector<16xf32>,
      %swap3A_1692 = arith.index_cast %add3A_1424 : i32 to index
      %swap3A_1693 = arith.constant 704 : index
      %swap3A_1694 = tpu.vector_load %arg9[%swap3A_1692, %swap3A_1693] {strides = array<i32>} : memref<32x800xf32, #tpu.memory_space<vmem>>, vector<16xf32>,
      tpu.vector_store %arg9[%swap3A_1692, %swap3A_1693], %gather3A_1691 {strides = array<i32>} : memref<32x800xf32, #tpu.memory_space<vmem>>, vector<16xf32>,
      %get3A_1695 = arith.constant 720 : index
      %get3A_1696 = tpu.vector_load %arg5[%get3A_1695] {strides = array<i32>} : memref<800xi32, #tpu.memory_space<vmem>>, vector<16xi32>,
      %gather3A_1697 = tpu.vector_load_idx %arg8[%iota3A, %get3A_1696] : memref<16x2048xf32, #tpu.memory_space<vmem>>[vector<16xi32>, vector<16xi32>], vector<16xf32>,
      %swap3A_1698 = arith.index_cast %add3A_1424 : i32 to index
      %swap3A_1699 = arith.constant 720 : index
      %swap3A_1700 = tpu.vector_load %arg9[%swap3A_1698, %swap3A_1699] {strides = array<i32>} : memref<32x800xf32, #tpu.memory_space<vmem>>, vector<16xf32>,
      tpu.vector_store %arg9[%swap3A_1698, %swap3A_1699], %gather3A_1697 {strides = array<i32>} : memref<32x800xf32, #tpu.memory_space<vmem>>, vector<16xf32>,
      %get3A_1701 = arith.constant 736 : index
      %get3A_1702 = tpu.vector_load %arg5[%get3A_1701] {strides = array<i32>} : memref<800xi32, #tpu.memory_space<vmem>>, vector<16xi32>,
      %gather3A_1703 = tpu.vector_load_idx %arg8[%iota3A, %get3A_1702] : memref<16x2048xf32, #tpu.memory_space<vmem>>[vector<16xi32>, vector<16xi32>], vector<16xf32>,
      %swap3A_1704 = arith.index_cast %add3A_1424 : i32 to index
      %swap3A_1705 = arith.constant 736 : index
      %swap3A_1706 = tpu.vector_load %arg9[%swap3A_1704, %swap3A_1705] {strides = array<i32>} : memref<32x800xf32, #tpu.memory_space<vmem>>, vector<16xf32>,
      tpu.vector_store %arg9[%swap3A_1704, %swap3A_1705], %gather3A_1703 {strides = array<i32>} : memref<32x800xf32, #tpu.memory_space<vmem>>, vector<16xf32>,
      %get3A_1707 = arith.constant 752 : index
      %get3A_1708 = tpu.vector_load %arg5[%get3A_1707] {strides = array<i32>} : memref<800xi32, #tpu.memory_space<vmem>>, vector<16xi32>,
      %gather3A_1709 = tpu.vector_load_idx %arg8[%iota3A, %get3A_1708] : memref<16x2048xf32, #tpu.memory_space<vmem>>[vector<16xi32>, vector<16xi32>], vector<16xf32>,
      %swap3A_1710 = arith.index_cast %add3A_1424 : i32 to index
      %swap3A_1711 = arith.constant 752 : index
      %swap3A_1712 = tpu.vector_load %arg9[%swap3A_1710, %swap3A_1711] {strides = array<i32>} : memref<32x800xf32, #tpu.memory_space<vmem>>, vector<16xf32>,
      tpu.vector_store %arg9[%swap3A_1710, %swap3A_1711], %gather3A_1709 {strides = array<i32>} : memref<32x800xf32, #tpu.memory_space<vmem>>, vector<16xf32>,
      %get3A_1713 = arith.constant 768 : index
      %get3A_1714 = tpu.vector_load %arg5[%get3A_1713] {strides = array<i32>} : memref<800xi32, #tpu.memory_space<vmem>>, vector<16xi32>,
      %gather3A_1715 = tpu.vector_load_idx %arg8[%iota3A, %get3A_1714] : memref<16x2048xf32, #tpu.memory_space<vmem>>[vector<16xi32>, vector<16xi32>], vector<16xf32>,
      %swap3A_1716 = arith.index_cast %add3A_1424 : i32 to index
      %swap3A_1717 = arith.constant 768 : index
      %swap3A_1718 = tpu.vector_load %arg9[%swap3A_1716, %swap3A_1717] {strides = array<i32>} : memref<32x800xf32, #tpu.memory_space<vmem>>, vector<16xf32>,
      tpu.vector_store %arg9[%swap3A_1716, %swap3A_1717], %gather3A_1715 {strides = array<i32>} : memref<32x800xf32, #tpu.memory_space<vmem>>, vector<16xf32>,
      %get3A_1719 = arith.constant 784 : index
      %get3A_1720 = tpu.vector_load %arg5[%get3A_1719] {strides = array<i32>} : memref<800xi32, #tpu.memory_space<vmem>>, vector<16xi32>,
      %gather3A_1721 = tpu.vector_load_idx %arg8[%iota3A, %get3A_1720] : memref<16x2048xf32, #tpu.memory_space<vmem>>[vector<16xi32>, vector<16xi32>], vector<16xf32>,
      %swap3A_1722 = arith.index_cast %add3A_1424 : i32 to index
      %swap3A_1723 = arith.constant 784 : index
      %swap3A_1724 = tpu.vector_load %arg9[%swap3A_1722, %swap3A_1723] {strides = array<i32>} : memref<32x800xf32, #tpu.memory_space<vmem>>, vector<16xf32>,
      tpu.vector_store %arg9[%swap3A_1722, %swap3A_1723], %gather3A_1721 {strides = array<i32>} : memref<32x800xf32, #tpu.memory_space<vmem>>, vector<16xf32>,
    }
    %scan3A_29 = arith.constant 10 : i32
    %dma_wait3A = arith.constant 0 : i32
    %dma_wait3A_30 = arith.constant 0 : i32
    %dma_wait3A_31 = arith.constant 0 : i32
    %dma_wait3A_32 = tpu.memref_slice %arg2[%dma_wait3A, %dma_wait3A_30, %dma_wait3A_31] : memref<1023x16x2048xf32, #tpu.memory_space<hbm>> -> memref<1x16x2048xf32, #tpu.memory_space<hbm>>
    %dma_wait3A_33 = tpu.memref_squeeze %dma_wait3A_32 : memref<1x16x2048xf32, #tpu.memory_space<hbm>> -> memref<16x2048xf32, #tpu.memory_space<hbm>>
    %dma_wait3A_34 = arith.constant 0 : i32
    %dma_wait3A_35 = arith.constant 0 : i32
    %dma_wait3A_36 = tpu.memref_slice %arg2[%dma_wait3A, %dma_wait3A_34, %dma_wait3A_35] : memref<1023x16x2048xf32, #tpu.memory_space<hbm>> -> memref<1x16x2048xf32, #tpu.memory_space<hbm>>
    %dma_wait3A_37 = tpu.memref_squeeze %dma_wait3A_36 : memref<1x16x2048xf32, #tpu.memory_space<hbm>> -> memref<16x2048xf32, #tpu.memory_space<hbm>>
    tpu.wait_dma2 semaphore(%arg10 : memref<!tpu.dma_semaphore, #tpu.memory_space<semaphore_mem>>) src(%dma_wait3A_37 : memref<16x2048xf32, #tpu.memory_space<hbm>>) dst(%arg6 : memref<16x2048xf32, #tpu.memory_space<vmem>>)
    %get3A = arith.constant 0 : index
    %get3A_38 = tpu.vector_load %arg5[%get3A] {strides = array<i32>} : memref<800xi32, #tpu.memory_space<vmem>>, vector<16xi32>,
    %gather3A = tpu.vector_load_idx %arg6[%iota3A, %get3A_38] : memref<16x2048xf32, #tpu.memory_space<vmem>>[vector<16xi32>, vector<16xi32>], vector<16xf32>,
    %swap3A = arith.constant 30 : i32
    %swap3A_39 = arith.index_cast %swap3A : i32 to index
    %swap3A_40 = arith.constant 0 : index
    %swap3A_41 = tpu.vector_load %arg9[%swap3A_39, %swap3A_40] {strides = array<i32>} : memref<32x800xf32, #tpu.memory_space<vmem>>, vector<16xf32>,
    tpu.vector_store %arg9[%swap3A_39, %swap3A_40], %gather3A {strides = array<i32>} : memref<32x800xf32, #tpu.memory_space<vmem>>, vector<16xf32>,
    %get3A_42 = arith.constant 16 : index
    %get3A_43 = tpu.vector_load %arg5[%get3A_42] {strides = array<i32>} : memref<800xi32, #tpu.memory_space<vmem>>, vector<16xi32>,
    %gather3A_44 = tpu.vector_load_idx %arg6[%iota3A, %get3A_43] : memref<16x2048xf32, #tpu.memory_space<vmem>>[vector<16xi32>, vector<16xi32>], vector<16xf32>,
    %swap3A_45 = arith.constant 30 : i32
    %swap3A_46 = arith.index_cast %swap3A_45 : i32 to index
    %swap3A_47 = arith.constant 16 : index
    %swap3A_48 = tpu.vector_load %arg9[%swap3A_46, %swap3A_47] {strides = array<i32>} : memref<32x800xf32, #tpu.memory_space<vmem>>, vector<16xf32>,
    tpu.vector_store %arg9[%swap3A_46, %swap3A_47], %gather3A_44 {strides = array<i32>} : memref<32x800xf32, #tpu.memory_space<vmem>>, vector<16xf32>,
    %get3A_49 = arith.constant 32 : index
    %get3A_50 = tpu.vector_load %arg5[%get3A_49] {strides = array<i32>} : memref<800xi32, #tpu.memory_space<vmem>>, vector<16xi32>,
    %gather3A_51 = tpu.vector_load_idx %arg6[%iota3A, %get3A_50] : memref<16x2048xf32, #tpu.memory_space<vmem>>[vector<16xi32>, vector<16xi32>], vector<16xf32>,
    %swap3A_52 = arith.constant 30 : i32
    %swap3A_53 = arith.index_cast %swap3A_52 : i32 to index
    %swap3A_54 = arith.constant 32 : index
    %swap3A_55 = tpu.vector_load %arg9[%swap3A_53, %swap3A_54] {strides = array<i32>} : memref<32x800xf32, #tpu.memory_space<vmem>>, vector<16xf32>,
    tpu.vector_store %arg9[%swap3A_53, %swap3A_54], %gather3A_51 {strides = array<i32>} : memref<32x800xf32, #tpu.memory_space<vmem>>, vector<16xf32>,
    %get3A_56 = arith.constant 48 : index
    %get3A_57 = tpu.vector_load %arg5[%get3A_56] {strides = array<i32>} : memref<800xi32, #tpu.memory_space<vmem>>, vector<16xi32>,
    %gather3A_58 = tpu.vector_load_idx %arg6[%iota3A, %get3A_57] : memref<16x2048xf32, #tpu.memory_space<vmem>>[vector<16xi32>, vector<16xi32>], vector<16xf32>,
    %swap3A_59 = arith.constant 30 : i32
    %swap3A_60 = arith.index_cast %swap3A_59 : i32 to index
    %swap3A_61 = arith.constant 48 : index
    %swap3A_62 = tpu.vector_load %arg9[%swap3A_60, %swap3A_61] {strides = array<i32>} : memref<32x800xf32, #tpu.memory_space<vmem>>, vector<16xf32>,
    tpu.vector_store %arg9[%swap3A_60, %swap3A_61], %gather3A_58 {strides = array<i32>} : memref<32x800xf32, #tpu.memory_space<vmem>>, vector<16xf32>,
    %get3A_63 = arith.constant 64 : index
    %get3A_64 = tpu.vector_load %arg5[%get3A_63] {strides = array<i32>} : memref<800xi32, #tpu.memory_space<vmem>>, vector<16xi32>,
    %gather3A_65 = tpu.vector_load_idx %arg6[%iota3A, %get3A_64] : memref<16x2048xf32, #tpu.memory_space<vmem>>[vector<16xi32>, vector<16xi32>], vector<16xf32>,
    %swap3A_66 = arith.constant 30 : i32
    %swap3A_67 = arith.index_cast %swap3A_66 : i32 to index
    %swap3A_68 = arith.constant 64 : index
    %swap3A_69 = tpu.vector_load %arg9[%swap3A_67, %swap3A_68] {strides = array<i32>} : memref<32x800xf32, #tpu.memory_space<vmem>>, vector<16xf32>,
    tpu.vector_store %arg9[%swap3A_67, %swap3A_68], %gather3A_65 {strides = array<i32>} : memref<32x800xf32, #tpu.memory_space<vmem>>, vector<16xf32>,
    %get3A_70 = arith.constant 80 : index
    %get3A_71 = tpu.vector_load %arg5[%get3A_70] {strides = array<i32>} : memref<800xi32, #tpu.memory_space<vmem>>, vector<16xi32>,
    %gather3A_72 = tpu.vector_load_idx %arg6[%iota3A, %get3A_71] : memref<16x2048xf32, #tpu.memory_space<vmem>>[vector<16xi32>, vector<16xi32>], vector<16xf32>,
    %swap3A_73 = arith.constant 30 : i32
    %swap3A_74 = arith.index_cast %swap3A_73 : i32 to index
    %swap3A_75 = arith.constant 80 : index
    %swap3A_76 = tpu.vector_load %arg9[%swap3A_74, %swap3A_75] {strides = array<i32>} : memref<32x800xf32, #tpu.memory_space<vmem>>, vector<16xf32>,
    tpu.vector_store %arg9[%swap3A_74, %swap3A_75], %gather3A_72 {strides = array<i32>} : memref<32x800xf32, #tpu.memory_space<vmem>>, vector<16xf32>,
    %get3A_77 = arith.constant 96 : index
    %get3A_78 = tpu.vector_load %arg5[%get3A_77] {strides = array<i32>} : memref<800xi32, #tpu.memory_space<vmem>>, vector<16xi32>,
    %gather3A_79 = tpu.vector_load_idx %arg6[%iota3A, %get3A_78] : memref<16x2048xf32, #tpu.memory_space<vmem>>[vector<16xi32>, vector<16xi32>], vector<16xf32>,
    %swap3A_80 = arith.constant 30 : i32
    %swap3A_81 = arith.index_cast %swap3A_80 : i32 to index
    %swap3A_82 = arith.constant 96 : index
    %swap3A_83 = tpu.vector_load %arg9[%swap3A_81, %swap3A_82] {strides = array<i32>} : memref<32x800xf32, #tpu.memory_space<vmem>>, vector<16xf32>,
    tpu.vector_store %arg9[%swap3A_81, %swap3A_82], %gather3A_79 {strides = array<i32>} : memref<32x800xf32, #tpu.memory_space<vmem>>, vector<16xf32>,
    %get3A_84 = arith.constant 112 : index
    %get3A_85 = tpu.vector_load %arg5[%get3A_84] {strides = array<i32>} : memref<800xi32, #tpu.memory_space<vmem>>, vector<16xi32>,
    %gather3A_86 = tpu.vector_load_idx %arg6[%iota3A, %get3A_85] : memref<16x2048xf32, #tpu.memory_space<vmem>>[vector<16xi32>, vector<16xi32>], vector<16xf32>,
    %swap3A_87 = arith.constant 30 : i32
    %swap3A_88 = arith.index_cast %swap3A_87 : i32 to index
    %swap3A_89 = arith.constant 112 : index
    %swap3A_90 = tpu.vector_load %arg9[%swap3A_88, %swap3A_89] {strides = array<i32>} : memref<32x800xf32, #tpu.memory_space<vmem>>, vector<16xf32>,
    tpu.vector_store %arg9[%swap3A_88, %swap3A_89], %gather3A_86 {strides = array<i32>} : memref<32x800xf32, #tpu.memory_space<vmem>>, vector<16xf32>,
    %get3A_91 = arith.constant 128 : index
    %get3A_92 = tpu.vector_load %arg5[%get3A_91] {strides = array<i32>} : memref<800xi32, #tpu.memory_space<vmem>>, vector<16xi32>,
    %gather3A_93 = tpu.vector_load_idx %arg6[%iota3A, %get3A_92] : memref<16x2048xf32, #tpu.memory_space<vmem>>[vector<16xi32>, vector<16xi32>], vector<16xf32>,
    %swap3A_94 = arith.constant 30 : i32
    %swap3A_95 = arith.index_cast %swap3A_94 : i32 to index
    %swap3A_96 = arith.constant 128 : index
    %swap3A_97 = tpu.vector_load %arg9[%swap3A_95, %swap3A_96] {strides = array<i32>} : memref<32x800xf32, #tpu.memory_space<vmem>>, vector<16xf32>,
    tpu.vector_store %arg9[%swap3A_95, %swap3A_96], %gather3A_93 {strides = array<i32>} : memref<32x800xf32, #tpu.memory_space<vmem>>, vector<16xf32>,
    %get3A_98 = arith.constant 144 : index
    %get3A_99 = tpu.vector_load %arg5[%get3A_98] {strides = array<i32>} : memref<800xi32, #tpu.memory_space<vmem>>, vector<16xi32>,
    %gather3A_100 = tpu.vector_load_idx %arg6[%iota3A, %get3A_99] : memref<16x2048xf32, #tpu.memory_space<vmem>>[vector<16xi32>, vector<16xi32>], vector<16xf32>,
    %swap3A_101 = arith.constant 30 : i32
    %swap3A_102 = arith.index_cast %swap3A_101 : i32 to index
    %swap3A_103 = arith.constant 144 : index
    %swap3A_104 = tpu.vector_load %arg9[%swap3A_102, %swap3A_103] {strides = array<i32>} : memref<32x800xf32, #tpu.memory_space<vmem>>, vector<16xf32>,
    tpu.vector_store %arg9[%swap3A_102, %swap3A_103], %gather3A_100 {strides = array<i32>} : memref<32x800xf32, #tpu.memory_space<vmem>>, vector<16xf32>,
    %get3A_105 = arith.constant 160 : index
    %get3A_106 = tpu.vector_load %arg5[%get3A_105] {strides = array<i32>} : memref<800xi32, #tpu.memory_space<vmem>>, vector<16xi32>,
    %gather3A_107 = tpu.vector_load_idx %arg6[%iota3A, %get3A_106] : memref<16x2048xf32, #tpu.memory_space<vmem>>[vector<16xi32>, vector<16xi32>], vector<16xf32>,
    %swap3A_108 = arith.constant 30 : i32
    %swap3A_109 = arith.index_cast %swap3A_108 : i32 to index
    %swap3A_110 = arith.constant 160 : index
    %swap3A_111 = tpu.vector_load %arg9[%swap3A_109, %swap3A_110] {strides = array<i32>} : memref<32x800xf32, #tpu.memory_space<vmem>>, vector<16xf32>,
    tpu.vector_store %arg9[%swap3A_109, %swap3A_110], %gather3A_107 {strides = array<i32>} : memref<32x800xf32, #tpu.memory_space<vmem>>, vector<16xf32>,
    %get3A_112 = arith.constant 176 : index
    %get3A_113 = tpu.vector_load %arg5[%get3A_112] {strides = array<i32>} : memref<800xi32, #tpu.memory_space<vmem>>, vector<16xi32>,
    %gather3A_114 = tpu.vector_load_idx %arg6[%iota3A, %get3A_113] : memref<16x2048xf32, #tpu.memory_space<vmem>>[vector<16xi32>, vector<16xi32>], vector<16xf32>,
    %swap3A_115 = arith.constant 30 : i32
    %swap3A_116 = arith.index_cast %swap3A_115 : i32 to index
    %swap3A_117 = arith.constant 176 : index
    %swap3A_118 = tpu.vector_load %arg9[%swap3A_116, %swap3A_117] {strides = array<i32>} : memref<32x800xf32, #tpu.memory_space<vmem>>, vector<16xf32>,
    tpu.vector_store %arg9[%swap3A_116, %swap3A_117], %gather3A_114 {strides = array<i32>} : memref<32x800xf32, #tpu.memory_space<vmem>>, vector<16xf32>,
    %get3A_119 = arith.constant 192 : index
    %get3A_120 = tpu.vector_load %arg5[%get3A_119] {strides = array<i32>} : memref<800xi32, #tpu.memory_space<vmem>>, vector<16xi32>,
    %gather3A_121 = tpu.vector_load_idx %arg6[%iota3A, %get3A_120] : memref<16x2048xf32, #tpu.memory_space<vmem>>[vector<16xi32>, vector<16xi32>], vector<16xf32>,
    %swap3A_122 = arith.constant 30 : i32
    %swap3A_123 = arith.index_cast %swap3A_122 : i32 to index
    %swap3A_124 = arith.constant 192 : index
    %swap3A_125 = tpu.vector_load %arg9[%swap3A_123, %swap3A_124] {strides = array<i32>} : memref<32x800xf32, #tpu.memory_space<vmem>>, vector<16xf32>,
    tpu.vector_store %arg9[%swap3A_123, %swap3A_124], %gather3A_121 {strides = array<i32>} : memref<32x800xf32, #tpu.memory_space<vmem>>, vector<16xf32>,
    %get3A_126 = arith.constant 208 : index
    %get3A_127 = tpu.vector_load %arg5[%get3A_126] {strides = array<i32>} : memref<800xi32, #tpu.memory_space<vmem>>, vector<16xi32>,
    %gather3A_128 = tpu.vector_load_idx %arg6[%iota3A, %get3A_127] : memref<16x2048xf32, #tpu.memory_space<vmem>>[vector<16xi32>, vector<16xi32>], vector<16xf32>,
    %swap3A_129 = arith.constant 30 : i32
    %swap3A_130 = arith.index_cast %swap3A_129 : i32 to index
    %swap3A_131 = arith.constant 208 : index
    %swap3A_132 = tpu.vector_load %arg9[%swap3A_130, %swap3A_131] {strides = array<i32>} : memref<32x800xf32, #tpu.memory_space<vmem>>, vector<16xf32>,
    tpu.vector_store %arg9[%swap3A_130, %swap3A_131], %gather3A_128 {strides = array<i32>} : memref<32x800xf32, #tpu.memory_space<vmem>>, vector<16xf32>,
    %get3A_133 = arith.constant 224 : index
    %get3A_134 = tpu.vector_load %arg5[%get3A_133] {strides = array<i32>} : memref<800xi32, #tpu.memory_space<vmem>>, vector<16xi32>,
    %gather3A_135 = tpu.vector_load_idx %arg6[%iota3A, %get3A_134] : memref<16x2048xf32, #tpu.memory_space<vmem>>[vector<16xi32>, vector<16xi32>], vector<16xf32>,
    %swap3A_136 = arith.constant 30 : i32
    %swap3A_137 = arith.index_cast %swap3A_136 : i32 to index
    %swap3A_138 = arith.constant 224 : index
    %swap3A_139 = tpu.vector_load %arg9[%swap3A_137, %swap3A_138] {strides = array<i32>} : memref<32x800xf32, #tpu.memory_space<vmem>>, vector<16xf32>,
    tpu.vector_store %arg9[%swap3A_137, %swap3A_138], %gather3A_135 {strides = array<i32>} : memref<32x800xf32, #tpu.memory_space<vmem>>, vector<16xf32>,
    %get3A_140 = arith.constant 240 : index
    %get3A_141 = tpu.vector_load %arg5[%get3A_140] {strides = array<i32>} : memref<800xi32, #tpu.memory_space<vmem>>, vector<16xi32>,
    %gather3A_142 = tpu.vector_load_idx %arg6[%iota3A, %get3A_141] : memref<16x2048xf32, #tpu.memory_space<vmem>>[vector<16xi32>, vector<16xi32>], vector<16xf32>,
    %swap3A_143 = arith.constant 30 : i32
    %swap3A_144 = arith.index_cast %swap3A_143 : i32 to index
    %swap3A_145 = arith.constant 240 : index
    %swap3A_146 = tpu.vector_load %arg9[%swap3A_144, %swap3A_145] {strides = array<i32>} : memref<32x800xf32, #tpu.memory_space<vmem>>, vector<16xf32>,
    tpu.vector_store %arg9[%swap3A_144, %swap3A_145], %gather3A_142 {strides = array<i32>} : memref<32x800xf32, #tpu.memory_space<vmem>>, vector<16xf32>,
    %get3A_147 = arith.constant 256 : index
    %get3A_148 = tpu.vector_load %arg5[%get3A_147] {strides = array<i32>} : memref<800xi32, #tpu.memory_space<vmem>>, vector<16xi32>,
    %gather3A_149 = tpu.vector_load_idx %arg6[%iota3A, %get3A_148] : memref<16x2048xf32, #tpu.memory_space<vmem>>[vector<16xi32>, vector<16xi32>], vector<16xf32>,
    %swap3A_150 = arith.constant 30 : i32
    %swap3A_151 = arith.index_cast %swap3A_150 : i32 to index
    %swap3A_152 = arith.constant 256 : index
    %swap3A_153 = tpu.vector_load %arg9[%swap3A_151, %swap3A_152] {strides = array<i32>} : memref<32x800xf32, #tpu.memory_space<vmem>>, vector<16xf32>,
    tpu.vector_store %arg9[%swap3A_151, %swap3A_152], %gather3A_149 {strides = array<i32>} : memref<32x800xf32, #tpu.memory_space<vmem>>, vector<16xf32>,
    %get3A_154 = arith.constant 272 : index
    %get3A_155 = tpu.vector_load %arg5[%get3A_154] {strides = array<i32>} : memref<800xi32, #tpu.memory_space<vmem>>, vector<16xi32>,
    %gather3A_156 = tpu.vector_load_idx %arg6[%iota3A, %get3A_155] : memref<16x2048xf32, #tpu.memory_space<vmem>>[vector<16xi32>, vector<16xi32>], vector<16xf32>,
    %swap3A_157 = arith.constant 30 : i32
    %swap3A_158 = arith.index_cast %swap3A_157 : i32 to index
    %swap3A_159 = arith.constant 272 : index
    %swap3A_160 = tpu.vector_load %arg9[%swap3A_158, %swap3A_159] {strides = array<i32>} : memref<32x800xf32, #tpu.memory_space<vmem>>, vector<16xf32>,
    tpu.vector_store %arg9[%swap3A_158, %swap3A_159], %gather3A_156 {strides = array<i32>} : memref<32x800xf32, #tpu.memory_space<vmem>>, vector<16xf32>,
    %get3A_161 = arith.constant 288 : index
    %get3A_162 = tpu.vector_load %arg5[%get3A_161] {strides = array<i32>} : memref<800xi32, #tpu.memory_space<vmem>>, vector<16xi32>,
    %gather3A_163 = tpu.vector_load_idx %arg6[%iota3A, %get3A_162] : memref<16x2048xf32, #tpu.memory_space<vmem>>[vector<16xi32>, vector<16xi32>], vector<16xf32>,
    %swap3A_164 = arith.constant 30 : i32
    %swap3A_165 = arith.index_cast %swap3A_164 : i32 to index
    %swap3A_166 = arith.constant 288 : index
    %swap3A_167 = tpu.vector_load %arg9[%swap3A_165, %swap3A_166] {strides = array<i32>} : memref<32x800xf32, #tpu.memory_space<vmem>>, vector<16xf32>,
    tpu.vector_store %arg9[%swap3A_165, %swap3A_166], %gather3A_163 {strides = array<i32>} : memref<32x800xf32, #tpu.memory_space<vmem>>, vector<16xf32>,
    %get3A_168 = arith.constant 304 : index
    %get3A_169 = tpu.vector_load %arg5[%get3A_168] {strides = array<i32>} : memref<800xi32, #tpu.memory_space<vmem>>, vector<16xi32>,
    %gather3A_170 = tpu.vector_load_idx %arg6[%iota3A, %get3A_169] : memref<16x2048xf32, #tpu.memory_space<vmem>>[vector<16xi32>, vector<16xi32>], vector<16xf32>,
    %swap3A_171 = arith.constant 30 : i32
    %swap3A_172 = arith.index_cast %swap3A_171 : i32 to index
    %swap3A_173 = arith.constant 304 : index
    %swap3A_174 = tpu.vector_load %arg9[%swap3A_172, %swap3A_173] {strides = array<i32>} : memref<32x800xf32, #tpu.memory_space<vmem>>, vector<16xf32>,
    tpu.vector_store %arg9[%swap3A_172, %swap3A_173], %gather3A_170 {strides = array<i32>} : memref<32x800xf32, #tpu.memory_space<vmem>>, vector<16xf32>,
    %get3A_175 = arith.constant 320 : index
    %get3A_176 = tpu.vector_load %arg5[%get3A_175] {strides = array<i32>} : memref<800xi32, #tpu.memory_space<vmem>>, vector<16xi32>,
    %gather3A_177 = tpu.vector_load_idx %arg6[%iota3A, %get3A_176] : memref<16x2048xf32, #tpu.memory_space<vmem>>[vector<16xi32>, vector<16xi32>], vector<16xf32>,
    %swap3A_178 = arith.constant 30 : i32
    %swap3A_179 = arith.index_cast %swap3A_178 : i32 to index
    %swap3A_180 = arith.constant 320 : index
    %swap3A_181 = tpu.vector_load %arg9[%swap3A_179, %swap3A_180] {strides = array<i32>} : memref<32x800xf32, #tpu.memory_space<vmem>>, vector<16xf32>,
    tpu.vector_store %arg9[%swap3A_179, %swap3A_180], %gather3A_177 {strides = array<i32>} : memref<32x800xf32, #tpu.memory_space<vmem>>, vector<16xf32>,
    %get3A_182 = arith.constant 336 : index
    %get3A_183 = tpu.vector_load %arg5[%get3A_182] {strides = array<i32>} : memref<800xi32, #tpu.memory_space<vmem>>, vector<16xi32>,
    %gather3A_184 = tpu.vector_load_idx %arg6[%iota3A, %get3A_183] : memref<16x2048xf32, #tpu.memory_space<vmem>>[vector<16xi32>, vector<16xi32>], vector<16xf32>,
    %swap3A_185 = arith.constant 30 : i32
    %swap3A_186 = arith.index_cast %swap3A_185 : i32 to index
    %swap3A_187 = arith.constant 336 : index
    %swap3A_188 = tpu.vector_load %arg9[%swap3A_186, %swap3A_187] {strides = array<i32>} : memref<32x800xf32, #tpu.memory_space<vmem>>, vector<16xf32>,
    tpu.vector_store %arg9[%swap3A_186, %swap3A_187], %gather3A_184 {strides = array<i32>} : memref<32x800xf32, #tpu.memory_space<vmem>>, vector<16xf32>,
    %get3A_189 = arith.constant 352 : index
    %get3A_190 = tpu.vector_load %arg5[%get3A_189] {strides = array<i32>} : memref<800xi32, #tpu.memory_space<vmem>>, vector<16xi32>,
    %gather3A_191 = tpu.vector_load_idx %arg6[%iota3A, %get3A_190] : memref<16x2048xf32, #tpu.memory_space<vmem>>[vector<16xi32>, vector<16xi32>], vector<16xf32>,
    %swap3A_192 = arith.constant 30 : i32
    %swap3A_193 = arith.index_cast %swap3A_192 : i32 to index
    %swap3A_194 = arith.constant 352 : index
    %swap3A_195 = tpu.vector_load %arg9[%swap3A_193, %swap3A_194] {strides = array<i32>} : memref<32x800xf32, #tpu.memory_space<vmem>>, vector<16xf32>,
    tpu.vector_store %arg9[%swap3A_193, %swap3A_194], %gather3A_191 {strides = array<i32>} : memref<32x800xf32, #tpu.memory_space<vmem>>, vector<16xf32>,
    %get3A_196 = arith.constant 368 : index
    %get3A_197 = tpu.vector_load %arg5[%get3A_196] {strides = array<i32>} : memref<800xi32, #tpu.memory_space<vmem>>, vector<16xi32>,
    %gather3A_198 = tpu.vector_load_idx %arg6[%iota3A, %get3A_197] : memref<16x2048xf32, #tpu.memory_space<vmem>>[vector<16xi32>, vector<16xi32>], vector<16xf32>,
    %swap3A_199 = arith.constant 30 : i32
    %swap3A_200 = arith.index_cast %swap3A_199 : i32 to index
    %swap3A_201 = arith.constant 368 : index
    %swap3A_202 = tpu.vector_load %arg9[%swap3A_200, %swap3A_201] {strides = array<i32>} : memref<32x800xf32, #tpu.memory_space<vmem>>, vector<16xf32>,
    tpu.vector_store %arg9[%swap3A_200, %swap3A_201], %gather3A_198 {strides = array<i32>} : memref<32x800xf32, #tpu.memory_space<vmem>>, vector<16xf32>,
    %get3A_203 = arith.constant 384 : index
    %get3A_204 = tpu.vector_load %arg5[%get3A_203] {strides = array<i32>} : memref<800xi32, #tpu.memory_space<vmem>>, vector<16xi32>,
    %gather3A_205 = tpu.vector_load_idx %arg6[%iota3A, %get3A_204] : memref<16x2048xf32, #tpu.memory_space<vmem>>[vector<16xi32>, vector<16xi32>], vector<16xf32>,
    %swap3A_206 = arith.constant 30 : i32
    %swap3A_207 = arith.index_cast %swap3A_206 : i32 to index
    %swap3A_208 = arith.constant 384 : index
    %swap3A_209 = tpu.vector_load %arg9[%swap3A_207, %swap3A_208] {strides = array<i32>} : memref<32x800xf32, #tpu.memory_space<vmem>>, vector<16xf32>,
    tpu.vector_store %arg9[%swap3A_207, %swap3A_208], %gather3A_205 {strides = array<i32>} : memref<32x800xf32, #tpu.memory_space<vmem>>, vector<16xf32>,
    %get3A_210 = arith.constant 400 : index
    %get3A_211 = tpu.vector_load %arg5[%get3A_210] {strides = array<i32>} : memref<800xi32, #tpu.memory_space<vmem>>, vector<16xi32>,
    %gather3A_212 = tpu.vector_load_idx %arg6[%iota3A, %get3A_211] : memref<16x2048xf32, #tpu.memory_space<vmem>>[vector<16xi32>, vector<16xi32>], vector<16xf32>,
    %swap3A_213 = arith.constant 30 : i32
    %swap3A_214 = arith.index_cast %swap3A_213 : i32 to index
    %swap3A_215 = arith.constant 400 : index
    %swap3A_216 = tpu.vector_load %arg9[%swap3A_214, %swap3A_215] {strides = array<i32>} : memref<32x800xf32, #tpu.memory_space<vmem>>, vector<16xf32>,
    tpu.vector_store %arg9[%swap3A_214, %swap3A_215], %gather3A_212 {strides = array<i32>} : memref<32x800xf32, #tpu.memory_space<vmem>>, vector<16xf32>,
    %get3A_217 = arith.constant 416 : index
    %get3A_218 = tpu.vector_load %arg5[%get3A_217] {strides = array<i32>} : memref<800xi32, #tpu.memory_space<vmem>>, vector<16xi32>,
    %gather3A_219 = tpu.vector_load_idx %arg6[%iota3A, %get3A_218] : memref<16x2048xf32, #tpu.memory_space<vmem>>[vector<16xi32>, vector<16xi32>], vector<16xf32>,
    %swap3A_220 = arith.constant 30 : i32
    %swap3A_221 = arith.index_cast %swap3A_220 : i32 to index
    %swap3A_222 = arith.constant 416 : index
    %swap3A_223 = tpu.vector_load %arg9[%swap3A_221, %swap3A_222] {strides = array<i32>} : memref<32x800xf32, #tpu.memory_space<vmem>>, vector<16xf32>,
    tpu.vector_store %arg9[%swap3A_221, %swap3A_222], %gather3A_219 {strides = array<i32>} : memref<32x800xf32, #tpu.memory_space<vmem>>, vector<16xf32>,
    %get3A_224 = arith.constant 432 : index
    %get3A_225 = tpu.vector_load %arg5[%get3A_224] {strides = array<i32>} : memref<800xi32, #tpu.memory_space<vmem>>, vector<16xi32>,
    %gather3A_226 = tpu.vector_load_idx %arg6[%iota3A, %get3A_225] : memref<16x2048xf32, #tpu.memory_space<vmem>>[vector<16xi32>, vector<16xi32>], vector<16xf32>,
    %swap3A_227 = arith.constant 30 : i32
    %swap3A_228 = arith.index_cast %swap3A_227 : i32 to index
    %swap3A_229 = arith.constant 432 : index
    %swap3A_230 = tpu.vector_load %arg9[%swap3A_228, %swap3A_229] {strides = array<i32>} : memref<32x800xf32, #tpu.memory_space<vmem>>, vector<16xf32>,
    tpu.vector_store %arg9[%swap3A_228, %swap3A_229], %gather3A_226 {strides = array<i32>} : memref<32x800xf32, #tpu.memory_space<vmem>>, vector<16xf32>,
    %get3A_231 = arith.constant 448 : index
    %get3A_232 = tpu.vector_load %arg5[%get3A_231] {strides = array<i32>} : memref<800xi32, #tpu.memory_space<vmem>>, vector<16xi32>,
    %gather3A_233 = tpu.vector_load_idx %arg6[%iota3A, %get3A_232] : memref<16x2048xf32, #tpu.memory_space<vmem>>[vector<16xi32>, vector<16xi32>], vector<16xf32>,
    %swap3A_234 = arith.constant 30 : i32
    %swap3A_235 = arith.index_cast %swap3A_234 : i32 to index
    %swap3A_236 = arith.constant 448 : index
    %swap3A_237 = tpu.vector_load %arg9[%swap3A_235, %swap3A_236] {strides = array<i32>} : memref<32x800xf32, #tpu.memory_space<vmem>>, vector<16xf32>,
    tpu.vector_store %arg9[%swap3A_235, %swap3A_236], %gather3A_233 {strides = array<i32>} : memref<32x800xf32, #tpu.memory_space<vmem>>, vector<16xf32>,
    %get3A_238 = arith.constant 464 : index
    %get3A_239 = tpu.vector_load %arg5[%get3A_238] {strides = array<i32>} : memref<800xi32, #tpu.memory_space<vmem>>, vector<16xi32>,
    %gather3A_240 = tpu.vector_load_idx %arg6[%iota3A, %get3A_239] : memref<16x2048xf32, #tpu.memory_space<vmem>>[vector<16xi32>, vector<16xi32>], vector<16xf32>,
    %swap3A_241 = arith.constant 30 : i32
    %swap3A_242 = arith.index_cast %swap3A_241 : i32 to index
    %swap3A_243 = arith.constant 464 : index
    %swap3A_244 = tpu.vector_load %arg9[%swap3A_242, %swap3A_243] {strides = array<i32>} : memref<32x800xf32, #tpu.memory_space<vmem>>, vector<16xf32>,
    tpu.vector_store %arg9[%swap3A_242, %swap3A_243], %gather3A_240 {strides = array<i32>} : memref<32x800xf32, #tpu.memory_space<vmem>>, vector<16xf32>,
    %get3A_245 = arith.constant 480 : index
    %get3A_246 = tpu.vector_load %arg5[%get3A_245] {strides = array<i32>} : memref<800xi32, #tpu.memory_space<vmem>>, vector<16xi32>,
    %gather3A_247 = tpu.vector_load_idx %arg6[%iota3A, %get3A_246] : memref<16x2048xf32, #tpu.memory_space<vmem>>[vector<16xi32>, vector<16xi32>], vector<16xf32>,
    %swap3A_248 = arith.constant 30 : i32
    %swap3A_249 = arith.index_cast %swap3A_248 : i32 to index
    %swap3A_250 = arith.constant 480 : index
    %swap3A_251 = tpu.vector_load %arg9[%swap3A_249, %swap3A_250] {strides = array<i32>} : memref<32x800xf32, #tpu.memory_space<vmem>>, vector<16xf32>,
    tpu.vector_store %arg9[%swap3A_249, %swap3A_250], %gather3A_247 {strides = array<i32>} : memref<32x800xf32, #tpu.memory_space<vmem>>, vector<16xf32>,
    %get3A_252 = arith.constant 496 : index
    %get3A_253 = tpu.vector_load %arg5[%get3A_252] {strides = array<i32>} : memref<800xi32, #tpu.memory_space<vmem>>, vector<16xi32>,
    %gather3A_254 = tpu.vector_load_idx %arg6[%iota3A, %get3A_253] : memref<16x2048xf32, #tpu.memory_space<vmem>>[vector<16xi32>, vector<16xi32>], vector<16xf32>,
    %swap3A_255 = arith.constant 30 : i32
    %swap3A_256 = arith.index_cast %swap3A_255 : i32 to index
    %swap3A_257 = arith.constant 496 : index
    %swap3A_258 = tpu.vector_load %arg9[%swap3A_256, %swap3A_257] {strides = array<i32>} : memref<32x800xf32, #tpu.memory_space<vmem>>, vector<16xf32>,
    tpu.vector_store %arg9[%swap3A_256, %swap3A_257], %gather3A_254 {strides = array<i32>} : memref<32x800xf32, #tpu.memory_space<vmem>>, vector<16xf32>,
    %get3A_259 = arith.constant 512 : index
    %get3A_260 = tpu.vector_load %arg5[%get3A_259] {strides = array<i32>} : memref<800xi32, #tpu.memory_space<vmem>>, vector<16xi32>,
    %gather3A_261 = tpu.vector_load_idx %arg6[%iota3A, %get3A_260] : memref<16x2048xf32, #tpu.memory_space<vmem>>[vector<16xi32>, vector<16xi32>], vector<16xf32>,
    %swap3A_262 = arith.constant 30 : i32
    %swap3A_263 = arith.index_cast %swap3A_262 : i32 to index
    %swap3A_264 = arith.constant 512 : index
    %swap3A_265 = tpu.vector_load %arg9[%swap3A_263, %swap3A_264] {strides = array<i32>} : memref<32x800xf32, #tpu.memory_space<vmem>>, vector<16xf32>,
    tpu.vector_store %arg9[%swap3A_263, %swap3A_264], %gather3A_261 {strides = array<i32>} : memref<32x800xf32, #tpu.memory_space<vmem>>, vector<16xf32>,
    %get3A_266 = arith.constant 528 : index
    %get3A_267 = tpu.vector_load %arg5[%get3A_266] {strides = array<i32>} : memref<800xi32, #tpu.memory_space<vmem>>, vector<16xi32>,
    %gather3A_268 = tpu.vector_load_idx %arg6[%iota3A, %get3A_267] : memref<16x2048xf32, #tpu.memory_space<vmem>>[vector<16xi32>, vector<16xi32>], vector<16xf32>,
    %swap3A_269 = arith.constant 30 : i32
    %swap3A_270 = arith.index_cast %swap3A_269 : i32 to index
    %swap3A_271 = arith.constant 528 : index
    %swap3A_272 = tpu.vector_load %arg9[%swap3A_270, %swap3A_271] {strides = array<i32>} : memref<32x800xf32, #tpu.memory_space<vmem>>, vector<16xf32>,
    tpu.vector_store %arg9[%swap3A_270, %swap3A_271], %gather3A_268 {strides = array<i32>} : memref<32x800xf32, #tpu.memory_space<vmem>>, vector<16xf32>,
    %get3A_273 = arith.constant 544 : index
    %get3A_274 = tpu.vector_load %arg5[%get3A_273] {strides = array<i32>} : memref<800xi32, #tpu.memory_space<vmem>>, vector<16xi32>,
    %gather3A_275 = tpu.vector_load_idx %arg6[%iota3A, %get3A_274] : memref<16x2048xf32, #tpu.memory_space<vmem>>[vector<16xi32>, vector<16xi32>], vector<16xf32>,
    %swap3A_276 = arith.constant 30 : i32
    %swap3A_277 = arith.index_cast %swap3A_276 : i32 to index
    %swap3A_278 = arith.constant 544 : index
    %swap3A_279 = tpu.vector_load %arg9[%swap3A_277, %swap3A_278] {strides = array<i32>} : memref<32x800xf32, #tpu.memory_space<vmem>>, vector<16xf32>,
    tpu.vector_store %arg9[%swap3A_277, %swap3A_278], %gather3A_275 {strides = array<i32>} : memref<32x800xf32, #tpu.memory_space<vmem>>, vector<16xf32>,
    %get3A_280 = arith.constant 560 : index
    %get3A_281 = tpu.vector_load %arg5[%get3A_280] {strides = array<i32>} : memref<800xi32, #tpu.memory_space<vmem>>, vector<16xi32>,
    %gather3A_282 = tpu.vector_load_idx %arg6[%iota3A, %get3A_281] : memref<16x2048xf32, #tpu.memory_space<vmem>>[vector<16xi32>, vector<16xi32>], vector<16xf32>,
    %swap3A_283 = arith.constant 30 : i32
    %swap3A_284 = arith.index_cast %swap3A_283 : i32 to index
    %swap3A_285 = arith.constant 560 : index
    %swap3A_286 = tpu.vector_load %arg9[%swap3A_284, %swap3A_285] {strides = array<i32>} : memref<32x800xf32, #tpu.memory_space<vmem>>, vector<16xf32>,
    tpu.vector_store %arg9[%swap3A_284, %swap3A_285], %gather3A_282 {strides = array<i32>} : memref<32x800xf32, #tpu.memory_space<vmem>>, vector<16xf32>,
    %get3A_287 = arith.constant 576 : index
    %get3A_288 = tpu.vector_load %arg5[%get3A_287] {strides = array<i32>} : memref<800xi32, #tpu.memory_space<vmem>>, vector<16xi32>,
    %gather3A_289 = tpu.vector_load_idx %arg6[%iota3A, %get3A_288] : memref<16x2048xf32, #tpu.memory_space<vmem>>[vector<16xi32>, vector<16xi32>], vector<16xf32>,
    %swap3A_290 = arith.constant 30 : i32
    %swap3A_291 = arith.index_cast %swap3A_290 : i32 to index
    %swap3A_292 = arith.constant 576 : index
    %swap3A_293 = tpu.vector_load %arg9[%swap3A_291, %swap3A_292] {strides = array<i32>} : memref<32x800xf32, #tpu.memory_space<vmem>>, vector<16xf32>,
    tpu.vector_store %arg9[%swap3A_291, %swap3A_292], %gather3A_289 {strides = array<i32>} : memref<32x800xf32, #tpu.memory_space<vmem>>, vector<16xf32>,
    %get3A_294 = arith.constant 592 : index
    %get3A_295 = tpu.vector_load %arg5[%get3A_294] {strides = array<i32>} : memref<800xi32, #tpu.memory_space<vmem>>, vector<16xi32>,
    %gather3A_296 = tpu.vector_load_idx %arg6[%iota3A, %get3A_295] : memref<16x2048xf32, #tpu.memory_space<vmem>>[vector<16xi32>, vector<16xi32>], vector<16xf32>,
    %swap3A_297 = arith.constant 30 : i32
    %swap3A_298 = arith.index_cast %swap3A_297 : i32 to index
    %swap3A_299 = arith.constant 592 : index
    %swap3A_300 = tpu.vector_load %arg9[%swap3A_298, %swap3A_299] {strides = array<i32>} : memref<32x800xf32, #tpu.memory_space<vmem>>, vector<16xf32>,
    tpu.vector_store %arg9[%swap3A_298, %swap3A_299], %gather3A_296 {strides = array<i32>} : memref<32x800xf32, #tpu.memory_space<vmem>>, vector<16xf32>,
    %get3A_301 = arith.constant 608 : index
    %get3A_302 = tpu.vector_load %arg5[%get3A_301] {strides = array<i32>} : memref<800xi32, #tpu.memory_space<vmem>>, vector<16xi32>,
    %gather3A_303 = tpu.vector_load_idx %arg6[%iota3A, %get3A_302] : memref<16x2048xf32, #tpu.memory_space<vmem>>[vector<16xi32>, vector<16xi32>], vector<16xf32>,
    %swap3A_304 = arith.constant 30 : i32
    %swap3A_305 = arith.index_cast %swap3A_304 : i32 to index
    %swap3A_306 = arith.constant 608 : index
    %swap3A_307 = tpu.vector_load %arg9[%swap3A_305, %swap3A_306] {strides = array<i32>} : memref<32x800xf32, #tpu.memory_space<vmem>>, vector<16xf32>,
    tpu.vector_store %arg9[%swap3A_305, %swap3A_306], %gather3A_303 {strides = array<i32>} : memref<32x800xf32, #tpu.memory_space<vmem>>, vector<16xf32>,
    %get3A_308 = arith.constant 624 : index
    %get3A_309 = tpu.vector_load %arg5[%get3A_308] {strides = array<i32>} : memref<800xi32, #tpu.memory_space<vmem>>, vector<16xi32>,
    %gather3A_310 = tpu.vector_load_idx %arg6[%iota3A, %get3A_309] : memref<16x2048xf32, #tpu.memory_space<vmem>>[vector<16xi32>, vector<16xi32>], vector<16xf32>,
    %swap3A_311 = arith.constant 30 : i32
    %swap3A_312 = arith.index_cast %swap3A_311 : i32 to index
    %swap3A_313 = arith.constant 624 : index
    %swap3A_314 = tpu.vector_load %arg9[%swap3A_312, %swap3A_313] {strides = array<i32>} : memref<32x800xf32, #tpu.memory_space<vmem>>, vector<16xf32>,
    tpu.vector_store %arg9[%swap3A_312, %swap3A_313], %gather3A_310 {strides = array<i32>} : memref<32x800xf32, #tpu.memory_space<vmem>>, vector<16xf32>,
    %get3A_315 = arith.constant 640 : index
    %get3A_316 = tpu.vector_load %arg5[%get3A_315] {strides = array<i32>} : memref<800xi32, #tpu.memory_space<vmem>>, vector<16xi32>,
    %gather3A_317 = tpu.vector_load_idx %arg6[%iota3A, %get3A_316] : memref<16x2048xf32, #tpu.memory_space<vmem>>[vector<16xi32>, vector<16xi32>], vector<16xf32>,
    %swap3A_318 = arith.constant 30 : i32
    %swap3A_319 = arith.index_cast %swap3A_318 : i32 to index
    %swap3A_320 = arith.constant 640 : index
    %swap3A_321 = tpu.vector_load %arg9[%swap3A_319, %swap3A_320] {strides = array<i32>} : memref<32x800xf32, #tpu.memory_space<vmem>>, vector<16xf32>,
    tpu.vector_store %arg9[%swap3A_319, %swap3A_320], %gather3A_317 {strides = array<i32>} : memref<32x800xf32, #tpu.memory_space<vmem>>, vector<16xf32>,
    %get3A_322 = arith.constant 656 : index
    %get3A_323 = tpu.vector_load %arg5[%get3A_322] {strides = array<i32>} : memref<800xi32, #tpu.memory_space<vmem>>, vector<16xi32>,
    %gather3A_324 = tpu.vector_load_idx %arg6[%iota3A, %get3A_323] : memref<16x2048xf32, #tpu.memory_space<vmem>>[vector<16xi32>, vector<16xi32>], vector<16xf32>,
    %swap3A_325 = arith.constant 30 : i32
    %swap3A_326 = arith.index_cast %swap3A_325 : i32 to index
    %swap3A_327 = arith.constant 656 : index
    %swap3A_328 = tpu.vector_load %arg9[%swap3A_326, %swap3A_327] {strides = array<i32>} : memref<32x800xf32, #tpu.memory_space<vmem>>, vector<16xf32>,
    tpu.vector_store %arg9[%swap3A_326, %swap3A_327], %gather3A_324 {strides = array<i32>} : memref<32x800xf32, #tpu.memory_space<vmem>>, vector<16xf32>,
    %get3A_329 = arith.constant 672 : index
    %get3A_330 = tpu.vector_load %arg5[%get3A_329] {strides = array<i32>} : memref<800xi32, #tpu.memory_space<vmem>>, vector<16xi32>,
    %gather3A_331 = tpu.vector_load_idx %arg6[%iota3A, %get3A_330] : memref<16x2048xf32, #tpu.memory_space<vmem>>[vector<16xi32>, vector<16xi32>], vector<16xf32>,
    %swap3A_332 = arith.constant 30 : i32
    %swap3A_333 = arith.index_cast %swap3A_332 : i32 to index
    %swap3A_334 = arith.constant 672 : index
    %swap3A_335 = tpu.vector_load %arg9[%swap3A_333, %swap3A_334] {strides = array<i32>} : memref<32x800xf32, #tpu.memory_space<vmem>>, vector<16xf32>,
    tpu.vector_store %arg9[%swap3A_333, %swap3A_334], %gather3A_331 {strides = array<i32>} : memref<32x800xf32, #tpu.memory_space<vmem>>, vector<16xf32>,
    %get3A_336 = arith.constant 688 : index
    %get3A_337 = tpu.vector_load %arg5[%get3A_336] {strides = array<i32>} : memref<800xi32, #tpu.memory_space<vmem>>, vector<16xi32>,
    %gather3A_338 = tpu.vector_load_idx %arg6[%iota3A, %get3A_337] : memref<16x2048xf32, #tpu.memory_space<vmem>>[vector<16xi32>, vector<16xi32>], vector<16xf32>,
    %swap3A_339 = arith.constant 30 : i32
    %swap3A_340 = arith.index_cast %swap3A_339 : i32 to index
    %swap3A_341 = arith.constant 688 : index
    %swap3A_342 = tpu.vector_load %arg9[%swap3A_340, %swap3A_341] {strides = array<i32>} : memref<32x800xf32, #tpu.memory_space<vmem>>, vector<16xf32>,
    tpu.vector_store %arg9[%swap3A_340, %swap3A_341], %gather3A_338 {strides = array<i32>} : memref<32x800xf32, #tpu.memory_space<vmem>>, vector<16xf32>,
    %get3A_343 = arith.constant 704 : index
    %get3A_344 = tpu.vector_load %arg5[%get3A_343] {strides = array<i32>} : memref<800xi32, #tpu.memory_space<vmem>>, vector<16xi32>,
    %gather3A_345 = tpu.vector_load_idx %arg6[%iota3A, %get3A_344] : memref<16x2048xf32, #tpu.memory_space<vmem>>[vector<16xi32>, vector<16xi32>], vector<16xf32>,
    %swap3A_346 = arith.constant 30 : i32
    %swap3A_347 = arith.index_cast %swap3A_346 : i32 to index
    %swap3A_348 = arith.constant 704 : index
    %swap3A_349 = tpu.vector_load %arg9[%swap3A_347, %swap3A_348] {strides = array<i32>} : memref<32x800xf32, #tpu.memory_space<vmem>>, vector<16xf32>,
    tpu.vector_store %arg9[%swap3A_347, %swap3A_348], %gather3A_345 {strides = array<i32>} : memref<32x800xf32, #tpu.memory_space<vmem>>, vector<16xf32>,
    %get3A_350 = arith.constant 720 : index
    %get3A_351 = tpu.vector_load %arg5[%get3A_350] {strides = array<i32>} : memref<800xi32, #tpu.memory_space<vmem>>, vector<16xi32>,
    %gather3A_352 = tpu.vector_load_idx %arg6[%iota3A, %get3A_351] : memref<16x2048xf32, #tpu.memory_space<vmem>>[vector<16xi32>, vector<16xi32>], vector<16xf32>,
    %swap3A_353 = arith.constant 30 : i32
    %swap3A_354 = arith.index_cast %swap3A_353 : i32 to index
    %swap3A_355 = arith.constant 720 : index
    %swap3A_356 = tpu.vector_load %arg9[%swap3A_354, %swap3A_355] {strides = array<i32>} : memref<32x800xf32, #tpu.memory_space<vmem>>, vector<16xf32>,
    tpu.vector_store %arg9[%swap3A_354, %swap3A_355], %gather3A_352 {strides = array<i32>} : memref<32x800xf32, #tpu.memory_space<vmem>>, vector<16xf32>,
    %get3A_357 = arith.constant 736 : index
    %get3A_358 = tpu.vector_load %arg5[%get3A_357] {strides = array<i32>} : memref<800xi32, #tpu.memory_space<vmem>>, vector<16xi32>,
    %gather3A_359 = tpu.vector_load_idx %arg6[%iota3A, %get3A_358] : memref<16x2048xf32, #tpu.memory_space<vmem>>[vector<16xi32>, vector<16xi32>], vector<16xf32>,
    %swap3A_360 = arith.constant 30 : i32
    %swap3A_361 = arith.index_cast %swap3A_360 : i32 to index
    %swap3A_362 = arith.constant 736 : index
    %swap3A_363 = tpu.vector_load %arg9[%swap3A_361, %swap3A_362] {strides = array<i32>} : memref<32x800xf32, #tpu.memory_space<vmem>>, vector<16xf32>,
    tpu.vector_store %arg9[%swap3A_361, %swap3A_362], %gather3A_359 {strides = array<i32>} : memref<32x800xf32, #tpu.memory_space<vmem>>, vector<16xf32>,
    %get3A_364 = arith.constant 752 : index
    %get3A_365 = tpu.vector_load %arg5[%get3A_364] {strides = array<i32>} : memref<800xi32, #tpu.memory_space<vmem>>, vector<16xi32>,
    %gather3A_366 = tpu.vector_load_idx %arg6[%iota3A, %get3A_365] : memref<16x2048xf32, #tpu.memory_space<vmem>>[vector<16xi32>, vector<16xi32>], vector<16xf32>,
    %swap3A_367 = arith.constant 30 : i32
    %swap3A_368 = arith.index_cast %swap3A_367 : i32 to index
    %swap3A_369 = arith.constant 752 : index
    %swap3A_370 = tpu.vector_load %arg9[%swap3A_368, %swap3A_369] {strides = array<i32>} : memref<32x800xf32, #tpu.memory_space<vmem>>, vector<16xf32>,
    tpu.vector_store %arg9[%swap3A_368, %swap3A_369], %gather3A_366 {strides = array<i32>} : memref<32x800xf32, #tpu.memory_space<vmem>>, vector<16xf32>,
    %get3A_371 = arith.constant 768 : index
    %get3A_372 = tpu.vector_load %arg5[%get3A_371] {strides = array<i32>} : memref<800xi32, #tpu.memory_space<vmem>>, vector<16xi32>,
    %gather3A_373 = tpu.vector_load_idx %arg6[%iota3A, %get3A_372] : memref<16x2048xf32, #tpu.memory_space<vmem>>[vector<16xi32>, vector<16xi32>], vector<16xf32>,
    %swap3A_374 = arith.constant 30 : i32
    %swap3A_375 = arith.index_cast %swap3A_374 : i32 to index
    %swap3A_376 = arith.constant 768 : index
    %swap3A_377 = tpu.vector_load %arg9[%swap3A_375, %swap3A_376] {strides = array<i32>} : memref<32x800xf32, #tpu.memory_space<vmem>>, vector<16xf32>,
    tpu.vector_store %arg9[%swap3A_375, %swap3A_376], %gather3A_373 {strides = array<i32>} : memref<32x800xf32, #tpu.memory_space<vmem>>, vector<16xf32>,
    %get3A_378 = arith.constant 784 : index
    %get3A_379 = tpu.vector_load %arg5[%get3A_378] {strides = array<i32>} : memref<800xi32, #tpu.memory_space<vmem>>, vector<16xi32>,
    %gather3A_380 = tpu.vector_load_idx %arg6[%iota3A, %get3A_379] : memref<16x2048xf32, #tpu.memory_space<vmem>>[vector<16xi32>, vector<16xi32>], vector<16xf32>,
    %swap3A_381 = arith.constant 30 : i32
    %swap3A_382 = arith.index_cast %swap3A_381 : i32 to index
    %swap3A_383 = arith.constant 784 : index
    %swap3A_384 = tpu.vector_load %arg9[%swap3A_382, %swap3A_383] {strides = array<i32>} : memref<32x800xf32, #tpu.memory_space<vmem>>, vector<16xf32>,
    tpu.vector_store %arg9[%swap3A_382, %swap3A_383], %gather3A_380 {strides = array<i32>} : memref<32x800xf32, #tpu.memory_space<vmem>>, vector<16xf32>,
    %dma_wait3A_385 = arith.constant 0 : i32
    %dma_wait3A_386 = arith.constant 0 : i32
    %dma_wait3A_387 = arith.constant 0 : i32
    %dma_wait3A_388 = tpu.memref_slice %arg2[%dma_wait3A_385, %dma_wait3A_386, %dma_wait3A_387] : memref<1023x16x2048xf32, #tpu.memory_space<hbm>> -> memref<1x16x2048xf32, #tpu.memory_space<hbm>>
    %dma_wait3A_389 = tpu.memref_squeeze %dma_wait3A_388 : memref<1x16x2048xf32, #tpu.memory_space<hbm>> -> memref<16x2048xf32, #tpu.memory_space<hbm>>
    %dma_wait3A_390 = arith.constant 0 : i32
    %dma_wait3A_391 = arith.constant 0 : i32
    %dma_wait3A_392 = tpu.memref_slice %arg2[%dma_wait3A_385, %dma_wait3A_390, %dma_wait3A_391] : memref<1023x16x2048xf32, #tpu.memory_space<hbm>> -> memref<1x16x2048xf32, #tpu.memory_space<hbm>>
    %dma_wait3A_393 = tpu.memref_squeeze %dma_wait3A_392 : memref<1x16x2048xf32, #tpu.memory_space<hbm>> -> memref<16x2048xf32, #tpu.memory_space<hbm>>
    tpu.wait_dma2 semaphore(%arg11 : memref<!tpu.dma_semaphore, #tpu.memory_space<semaphore_mem>>) src(%dma_wait3A_393 : memref<16x2048xf32, #tpu.memory_space<hbm>>) dst(%arg7 : memref<16x2048xf32, #tpu.memory_space<vmem>>)
    %get3A_394 = arith.constant 0 : index
    %get3A_395 = tpu.vector_load %arg5[%get3A_394] {strides = array<i32>} : memref<800xi32, #tpu.memory_space<vmem>>, vector<16xi32>,
    %gather3A_396 = tpu.vector_load_idx %arg7[%iota3A, %get3A_395] : memref<16x2048xf32, #tpu.memory_space<vmem>>[vector<16xi32>, vector<16xi32>], vector<16xf32>,
    %swap3A_397 = arith.constant 31 : i32
    %swap3A_398 = arith.index_cast %swap3A_397 : i32 to index
    %swap3A_399 = arith.constant 0 : index
    %swap3A_400 = tpu.vector_load %arg9[%swap3A_398, %swap3A_399] {strides = array<i32>} : memref<32x800xf32, #tpu.memory_space<vmem>>, vector<16xf32>,
    tpu.vector_store %arg9[%swap3A_398, %swap3A_399], %gather3A_396 {strides = array<i32>} : memref<32x800xf32, #tpu.memory_space<vmem>>, vector<16xf32>,
    %get3A_401 = arith.constant 16 : index
    %get3A_402 = tpu.vector_load %arg5[%get3A_401] {strides = array<i32>} : memref<800xi32, #tpu.memory_space<vmem>>, vector<16xi32>,
    %gather3A_403 = tpu.vector_load_idx %arg7[%iota3A, %get3A_402] : memref<16x2048xf32, #tpu.memory_space<vmem>>[vector<16xi32>, vector<16xi32>], vector<16xf32>,
    %swap3A_404 = arith.constant 31 : i32
    %swap3A_405 = arith.index_cast %swap3A_404 : i32 to index
    %swap3A_406 = arith.constant 16 : index
    %swap3A_407 = tpu.vector_load %arg9[%swap3A_405, %swap3A_406] {strides = array<i32>} : memref<32x800xf32, #tpu.memory_space<vmem>>, vector<16xf32>,
    tpu.vector_store %arg9[%swap3A_405, %swap3A_406], %gather3A_403 {strides = array<i32>} : memref<32x800xf32, #tpu.memory_space<vmem>>, vector<16xf32>,
    %get3A_408 = arith.constant 32 : index
    %get3A_409 = tpu.vector_load %arg5[%get3A_408] {strides = array<i32>} : memref<800xi32, #tpu.memory_space<vmem>>, vector<16xi32>,
    %gather3A_410 = tpu.vector_load_idx %arg7[%iota3A, %get3A_409] : memref<16x2048xf32, #tpu.memory_space<vmem>>[vector<16xi32>, vector<16xi32>], vector<16xf32>,
    %swap3A_411 = arith.constant 31 : i32
    %swap3A_412 = arith.index_cast %swap3A_411 : i32 to index
    %swap3A_413 = arith.constant 32 : index
    %swap3A_414 = tpu.vector_load %arg9[%swap3A_412, %swap3A_413] {strides = array<i32>} : memref<32x800xf32, #tpu.memory_space<vmem>>, vector<16xf32>,
    tpu.vector_store %arg9[%swap3A_412, %swap3A_413], %gather3A_410 {strides = array<i32>} : memref<32x800xf32, #tpu.memory_space<vmem>>, vector<16xf32>,
    %get3A_415 = arith.constant 48 : index
    %get3A_416 = tpu.vector_load %arg5[%get3A_415] {strides = array<i32>} : memref<800xi32, #tpu.memory_space<vmem>>, vector<16xi32>,
    %gather3A_417 = tpu.vector_load_idx %arg7[%iota3A, %get3A_416] : memref<16x2048xf32, #tpu.memory_space<vmem>>[vector<16xi32>, vector<16xi32>], vector<16xf32>,
    %swap3A_418 = arith.constant 31 : i32
    %swap3A_419 = arith.index_cast %swap3A_418 : i32 to index
    %swap3A_420 = arith.constant 48 : index
    %swap3A_421 = tpu.vector_load %arg9[%swap3A_419, %swap3A_420] {strides = array<i32>} : memref<32x800xf32, #tpu.memory_space<vmem>>, vector<16xf32>,
    tpu.vector_store %arg9[%swap3A_419, %swap3A_420], %gather3A_417 {strides = array<i32>} : memref<32x800xf32, #tpu.memory_space<vmem>>, vector<16xf32>,
    %get3A_422 = arith.constant 64 : index
    %get3A_423 = tpu.vector_load %arg5[%get3A_422] {strides = array<i32>} : memref<800xi32, #tpu.memory_space<vmem>>, vector<16xi32>,
    %gather3A_424 = tpu.vector_load_idx %arg7[%iota3A, %get3A_423] : memref<16x2048xf32, #tpu.memory_space<vmem>>[vector<16xi32>, vector<16xi32>], vector<16xf32>,
    %swap3A_425 = arith.constant 31 : i32
    %swap3A_426 = arith.index_cast %swap3A_425 : i32 to index
    %swap3A_427 = arith.constant 64 : index
    %swap3A_428 = tpu.vector_load %arg9[%swap3A_426, %swap3A_427] {strides = array<i32>} : memref<32x800xf32, #tpu.memory_space<vmem>>, vector<16xf32>,
    tpu.vector_store %arg9[%swap3A_426, %swap3A_427], %gather3A_424 {strides = array<i32>} : memref<32x800xf32, #tpu.memory_space<vmem>>, vector<16xf32>,
    %get3A_429 = arith.constant 80 : index
    %get3A_430 = tpu.vector_load %arg5[%get3A_429] {strides = array<i32>} : memref<800xi32, #tpu.memory_space<vmem>>, vector<16xi32>,
    %gather3A_431 = tpu.vector_load_idx %arg7[%iota3A, %get3A_430] : memref<16x2048xf32, #tpu.memory_space<vmem>>[vector<16xi32>, vector<16xi32>], vector<16xf32>,
    %swap3A_432 = arith.constant 31 : i32
    %swap3A_433 = arith.index_cast %swap3A_432 : i32 to index
    %swap3A_434 = arith.constant 80 : index
    %swap3A_435 = tpu.vector_load %arg9[%swap3A_433, %swap3A_434] {strides = array<i32>} : memref<32x800xf32, #tpu.memory_space<vmem>>, vector<16xf32>,
    tpu.vector_store %arg9[%swap3A_433, %swap3A_434], %gather3A_431 {strides = array<i32>} : memref<32x800xf32, #tpu.memory_space<vmem>>, vector<16xf32>,
    %get3A_436 = arith.constant 96 : index
    %get3A_437 = tpu.vector_load %arg5[%get3A_436] {strides = array<i32>} : memref<800xi32, #tpu.memory_space<vmem>>, vector<16xi32>,
    %gather3A_438 = tpu.vector_load_idx %arg7[%iota3A, %get3A_437] : memref<16x2048xf32, #tpu.memory_space<vmem>>[vector<16xi32>, vector<16xi32>], vector<16xf32>,
    %swap3A_439 = arith.constant 31 : i32
    %swap3A_440 = arith.index_cast %swap3A_439 : i32 to index
    %swap3A_441 = arith.constant 96 : index
    %swap3A_442 = tpu.vector_load %arg9[%swap3A_440, %swap3A_441] {strides = array<i32>} : memref<32x800xf32, #tpu.memory_space<vmem>>, vector<16xf32>,
    tpu.vector_store %arg9[%swap3A_440, %swap3A_441], %gather3A_438 {strides = array<i32>} : memref<32x800xf32, #tpu.memory_space<vmem>>, vector<16xf32>,
    %get3A_443 = arith.constant 112 : index
    %get3A_444 = tpu.vector_load %arg5[%get3A_443] {strides = array<i32>} : memref<800xi32, #tpu.memory_space<vmem>>, vector<16xi32>,
    %gather3A_445 = tpu.vector_load_idx %arg7[%iota3A, %get3A_444] : memref<16x2048xf32, #tpu.memory_space<vmem>>[vector<16xi32>, vector<16xi32>], vector<16xf32>,
    %swap3A_446 = arith.constant 31 : i32
    %swap3A_447 = arith.index_cast %swap3A_446 : i32 to index
    %swap3A_448 = arith.constant 112 : index
    %swap3A_449 = tpu.vector_load %arg9[%swap3A_447, %swap3A_448] {strides = array<i32>} : memref<32x800xf32, #tpu.memory_space<vmem>>, vector<16xf32>,
    tpu.vector_store %arg9[%swap3A_447, %swap3A_448], %gather3A_445 {strides = array<i32>} : memref<32x800xf32, #tpu.memory_space<vmem>>, vector<16xf32>,
    %get3A_450 = arith.constant 128 : index
    %get3A_451 = tpu.vector_load %arg5[%get3A_450] {strides = array<i32>} : memref<800xi32, #tpu.memory_space<vmem>>, vector<16xi32>,
    %gather3A_452 = tpu.vector_load_idx %arg7[%iota3A, %get3A_451] : memref<16x2048xf32, #tpu.memory_space<vmem>>[vector<16xi32>, vector<16xi32>], vector<16xf32>,
    %swap3A_453 = arith.constant 31 : i32
    %swap3A_454 = arith.index_cast %swap3A_453 : i32 to index
    %swap3A_455 = arith.constant 128 : index
    %swap3A_456 = tpu.vector_load %arg9[%swap3A_454, %swap3A_455] {strides = array<i32>} : memref<32x800xf32, #tpu.memory_space<vmem>>, vector<16xf32>,
    tpu.vector_store %arg9[%swap3A_454, %swap3A_455], %gather3A_452 {strides = array<i32>} : memref<32x800xf32, #tpu.memory_space<vmem>>, vector<16xf32>,
    %get3A_457 = arith.constant 144 : index
    %get3A_458 = tpu.vector_load %arg5[%get3A_457] {strides = array<i32>} : memref<800xi32, #tpu.memory_space<vmem>>, vector<16xi32>,
    %gather3A_459 = tpu.vector_load_idx %arg7[%iota3A, %get3A_458] : memref<16x2048xf32, #tpu.memory_space<vmem>>[vector<16xi32>, vector<16xi32>], vector<16xf32>,
    %swap3A_460 = arith.constant 31 : i32
    %swap3A_461 = arith.index_cast %swap3A_460 : i32 to index
    %swap3A_462 = arith.constant 144 : index
    %swap3A_463 = tpu.vector_load %arg9[%swap3A_461, %swap3A_462] {strides = array<i32>} : memref<32x800xf32, #tpu.memory_space<vmem>>, vector<16xf32>,
    tpu.vector_store %arg9[%swap3A_461, %swap3A_462], %gather3A_459 {strides = array<i32>} : memref<32x800xf32, #tpu.memory_space<vmem>>, vector<16xf32>,
    %get3A_464 = arith.constant 160 : index
    %get3A_465 = tpu.vector_load %arg5[%get3A_464] {strides = array<i32>} : memref<800xi32, #tpu.memory_space<vmem>>, vector<16xi32>,
    %gather3A_466 = tpu.vector_load_idx %arg7[%iota3A, %get3A_465] : memref<16x2048xf32, #tpu.memory_space<vmem>>[vector<16xi32>, vector<16xi32>], vector<16xf32>,
    %swap3A_467 = arith.constant 31 : i32
    %swap3A_468 = arith.index_cast %swap3A_467 : i32 to index
    %swap3A_469 = arith.constant 160 : index
    %swap3A_470 = tpu.vector_load %arg9[%swap3A_468, %swap3A_469] {strides = array<i32>} : memref<32x800xf32, #tpu.memory_space<vmem>>, vector<16xf32>,
    tpu.vector_store %arg9[%swap3A_468, %swap3A_469], %gather3A_466 {strides = array<i32>} : memref<32x800xf32, #tpu.memory_space<vmem>>, vector<16xf32>,
    %get3A_471 = arith.constant 176 : index
    %get3A_472 = tpu.vector_load %arg5[%get3A_471] {strides = array<i32>} : memref<800xi32, #tpu.memory_space<vmem>>, vector<16xi32>,
    %gather3A_473 = tpu.vector_load_idx %arg7[%iota3A, %get3A_472] : memref<16x2048xf32, #tpu.memory_space<vmem>>[vector<16xi32>, vector<16xi32>], vector<16xf32>,
    %swap3A_474 = arith.constant 31 : i32
    %swap3A_475 = arith.index_cast %swap3A_474 : i32 to index
    %swap3A_476 = arith.constant 176 : index
    %swap3A_477 = tpu.vector_load %arg9[%swap3A_475, %swap3A_476] {strides = array<i32>} : memref<32x800xf32, #tpu.memory_space<vmem>>, vector<16xf32>,
    tpu.vector_store %arg9[%swap3A_475, %swap3A_476], %gather3A_473 {strides = array<i32>} : memref<32x800xf32, #tpu.memory_space<vmem>>, vector<16xf32>,
    %get3A_478 = arith.constant 192 : index
    %get3A_479 = tpu.vector_load %arg5[%get3A_478] {strides = array<i32>} : memref<800xi32, #tpu.memory_space<vmem>>, vector<16xi32>,
    %gather3A_480 = tpu.vector_load_idx %arg7[%iota3A, %get3A_479] : memref<16x2048xf32, #tpu.memory_space<vmem>>[vector<16xi32>, vector<16xi32>], vector<16xf32>,
    %swap3A_481 = arith.constant 31 : i32
    %swap3A_482 = arith.index_cast %swap3A_481 : i32 to index
    %swap3A_483 = arith.constant 192 : index
    %swap3A_484 = tpu.vector_load %arg9[%swap3A_482, %swap3A_483] {strides = array<i32>} : memref<32x800xf32, #tpu.memory_space<vmem>>, vector<16xf32>,
    tpu.vector_store %arg9[%swap3A_482, %swap3A_483], %gather3A_480 {strides = array<i32>} : memref<32x800xf32, #tpu.memory_space<vmem>>, vector<16xf32>,
    %get3A_485 = arith.constant 208 : index
    %get3A_486 = tpu.vector_load %arg5[%get3A_485] {strides = array<i32>} : memref<800xi32, #tpu.memory_space<vmem>>, vector<16xi32>,
    %gather3A_487 = tpu.vector_load_idx %arg7[%iota3A, %get3A_486] : memref<16x2048xf32, #tpu.memory_space<vmem>>[vector<16xi32>, vector<16xi32>], vector<16xf32>,
    %swap3A_488 = arith.constant 31 : i32
    %swap3A_489 = arith.index_cast %swap3A_488 : i32 to index
    %swap3A_490 = arith.constant 208 : index
    %swap3A_491 = tpu.vector_load %arg9[%swap3A_489, %swap3A_490] {strides = array<i32>} : memref<32x800xf32, #tpu.memory_space<vmem>>, vector<16xf32>,
    tpu.vector_store %arg9[%swap3A_489, %swap3A_490], %gather3A_487 {strides = array<i32>} : memref<32x800xf32, #tpu.memory_space<vmem>>, vector<16xf32>,
    %get3A_492 = arith.constant 224 : index
    %get3A_493 = tpu.vector_load %arg5[%get3A_492] {strides = array<i32>} : memref<800xi32, #tpu.memory_space<vmem>>, vector<16xi32>,
    %gather3A_494 = tpu.vector_load_idx %arg7[%iota3A, %get3A_493] : memref<16x2048xf32, #tpu.memory_space<vmem>>[vector<16xi32>, vector<16xi32>], vector<16xf32>,
    %swap3A_495 = arith.constant 31 : i32
    %swap3A_496 = arith.index_cast %swap3A_495 : i32 to index
    %swap3A_497 = arith.constant 224 : index
    %swap3A_498 = tpu.vector_load %arg9[%swap3A_496, %swap3A_497] {strides = array<i32>} : memref<32x800xf32, #tpu.memory_space<vmem>>, vector<16xf32>,
    tpu.vector_store %arg9[%swap3A_496, %swap3A_497], %gather3A_494 {strides = array<i32>} : memref<32x800xf32, #tpu.memory_space<vmem>>, vector<16xf32>,
    %get3A_499 = arith.constant 240 : index
    %get3A_500 = tpu.vector_load %arg5[%get3A_499] {strides = array<i32>} : memref<800xi32, #tpu.memory_space<vmem>>, vector<16xi32>,
    %gather3A_501 = tpu.vector_load_idx %arg7[%iota3A, %get3A_500] : memref<16x2048xf32, #tpu.memory_space<vmem>>[vector<16xi32>, vector<16xi32>], vector<16xf32>,
    %swap3A_502 = arith.constant 31 : i32
    %swap3A_503 = arith.index_cast %swap3A_502 : i32 to index
    %swap3A_504 = arith.constant 240 : index
    %swap3A_505 = tpu.vector_load %arg9[%swap3A_503, %swap3A_504] {strides = array<i32>} : memref<32x800xf32, #tpu.memory_space<vmem>>, vector<16xf32>,
    tpu.vector_store %arg9[%swap3A_503, %swap3A_504], %gather3A_501 {strides = array<i32>} : memref<32x800xf32, #tpu.memory_space<vmem>>, vector<16xf32>,
    %get3A_506 = arith.constant 256 : index
    %get3A_507 = tpu.vector_load %arg5[%get3A_506] {strides = array<i32>} : memref<800xi32, #tpu.memory_space<vmem>>, vector<16xi32>,
    %gather3A_508 = tpu.vector_load_idx %arg7[%iota3A, %get3A_507] : memref<16x2048xf32, #tpu.memory_space<vmem>>[vector<16xi32>, vector<16xi32>], vector<16xf32>,
    %swap3A_509 = arith.constant 31 : i32
    %swap3A_510 = arith.index_cast %swap3A_509 : i32 to index
    %swap3A_511 = arith.constant 256 : index
    %swap3A_512 = tpu.vector_load %arg9[%swap3A_510, %swap3A_511] {strides = array<i32>} : memref<32x800xf32, #tpu.memory_space<vmem>>, vector<16xf32>,
    tpu.vector_store %arg9[%swap3A_510, %swap3A_511], %gather3A_508 {strides = array<i32>} : memref<32x800xf32, #tpu.memory_space<vmem>>, vector<16xf32>,
    %get3A_513 = arith.constant 272 : index
    %get3A_514 = tpu.vector_load %arg5[%get3A_513] {strides = array<i32>} : memref<800xi32, #tpu.memory_space<vmem>>, vector<16xi32>,
    %gather3A_515 = tpu.vector_load_idx %arg7[%iota3A, %get3A_514] : memref<16x2048xf32, #tpu.memory_space<vmem>>[vector<16xi32>, vector<16xi32>], vector<16xf32>,
    %swap3A_516 = arith.constant 31 : i32
    %swap3A_517 = arith.index_cast %swap3A_516 : i32 to index
    %swap3A_518 = arith.constant 272 : index
    %swap3A_519 = tpu.vector_load %arg9[%swap3A_517, %swap3A_518] {strides = array<i32>} : memref<32x800xf32, #tpu.memory_space<vmem>>, vector<16xf32>,
    tpu.vector_store %arg9[%swap3A_517, %swap3A_518], %gather3A_515 {strides = array<i32>} : memref<32x800xf32, #tpu.memory_space<vmem>>, vector<16xf32>,
    %get3A_520 = arith.constant 288 : index
    %get3A_521 = tpu.vector_load %arg5[%get3A_520] {strides = array<i32>} : memref<800xi32, #tpu.memory_space<vmem>>, vector<16xi32>,
    %gather3A_522 = tpu.vector_load_idx %arg7[%iota3A, %get3A_521] : memref<16x2048xf32, #tpu.memory_space<vmem>>[vector<16xi32>, vector<16xi32>], vector<16xf32>,
    %swap3A_523 = arith.constant 31 : i32
    %swap3A_524 = arith.index_cast %swap3A_523 : i32 to index
    %swap3A_525 = arith.constant 288 : index
    %swap3A_526 = tpu.vector_load %arg9[%swap3A_524, %swap3A_525] {strides = array<i32>} : memref<32x800xf32, #tpu.memory_space<vmem>>, vector<16xf32>,
    tpu.vector_store %arg9[%swap3A_524, %swap3A_525], %gather3A_522 {strides = array<i32>} : memref<32x800xf32, #tpu.memory_space<vmem>>, vector<16xf32>,
    %get3A_527 = arith.constant 304 : index
    %get3A_528 = tpu.vector_load %arg5[%get3A_527] {strides = array<i32>} : memref<800xi32, #tpu.memory_space<vmem>>, vector<16xi32>,
    %gather3A_529 = tpu.vector_load_idx %arg7[%iota3A, %get3A_528] : memref<16x2048xf32, #tpu.memory_space<vmem>>[vector<16xi32>, vector<16xi32>], vector<16xf32>,
    %swap3A_530 = arith.constant 31 : i32
    %swap3A_531 = arith.index_cast %swap3A_530 : i32 to index
    %swap3A_532 = arith.constant 304 : index
    %swap3A_533 = tpu.vector_load %arg9[%swap3A_531, %swap3A_532] {strides = array<i32>} : memref<32x800xf32, #tpu.memory_space<vmem>>, vector<16xf32>,
    tpu.vector_store %arg9[%swap3A_531, %swap3A_532], %gather3A_529 {strides = array<i32>} : memref<32x800xf32, #tpu.memory_space<vmem>>, vector<16xf32>,
    %get3A_534 = arith.constant 320 : index
    %get3A_535 = tpu.vector_load %arg5[%get3A_534] {strides = array<i32>} : memref<800xi32, #tpu.memory_space<vmem>>, vector<16xi32>,
    %gather3A_536 = tpu.vector_load_idx %arg7[%iota3A, %get3A_535] : memref<16x2048xf32, #tpu.memory_space<vmem>>[vector<16xi32>, vector<16xi32>], vector<16xf32>,
    %swap3A_537 = arith.constant 31 : i32
    %swap3A_538 = arith.index_cast %swap3A_537 : i32 to index
    %swap3A_539 = arith.constant 320 : index
    %swap3A_540 = tpu.vector_load %arg9[%swap3A_538, %swap3A_539] {strides = array<i32>} : memref<32x800xf32, #tpu.memory_space<vmem>>, vector<16xf32>,
    tpu.vector_store %arg9[%swap3A_538, %swap3A_539], %gather3A_536 {strides = array<i32>} : memref<32x800xf32, #tpu.memory_space<vmem>>, vector<16xf32>,
    %get3A_541 = arith.constant 336 : index
    %get3A_542 = tpu.vector_load %arg5[%get3A_541] {strides = array<i32>} : memref<800xi32, #tpu.memory_space<vmem>>, vector<16xi32>,
    %gather3A_543 = tpu.vector_load_idx %arg7[%iota3A, %get3A_542] : memref<16x2048xf32, #tpu.memory_space<vmem>>[vector<16xi32>, vector<16xi32>], vector<16xf32>,
    %swap3A_544 = arith.constant 31 : i32
    %swap3A_545 = arith.index_cast %swap3A_544 : i32 to index
    %swap3A_546 = arith.constant 336 : index
    %swap3A_547 = tpu.vector_load %arg9[%swap3A_545, %swap3A_546] {strides = array<i32>} : memref<32x800xf32, #tpu.memory_space<vmem>>, vector<16xf32>,
    tpu.vector_store %arg9[%swap3A_545, %swap3A_546], %gather3A_543 {strides = array<i32>} : memref<32x800xf32, #tpu.memory_space<vmem>>, vector<16xf32>,
    %get3A_548 = arith.constant 352 : index
    %get3A_549 = tpu.vector_load %arg5[%get3A_548] {strides = array<i32>} : memref<800xi32, #tpu.memory_space<vmem>>, vector<16xi32>,
    %gather3A_550 = tpu.vector_load_idx %arg7[%iota3A, %get3A_549] : memref<16x2048xf32, #tpu.memory_space<vmem>>[vector<16xi32>, vector<16xi32>], vector<16xf32>,
    %swap3A_551 = arith.constant 31 : i32
    %swap3A_552 = arith.index_cast %swap3A_551 : i32 to index
    %swap3A_553 = arith.constant 352 : index
    %swap3A_554 = tpu.vector_load %arg9[%swap3A_552, %swap3A_553] {strides = array<i32>} : memref<32x800xf32, #tpu.memory_space<vmem>>, vector<16xf32>,
    tpu.vector_store %arg9[%swap3A_552, %swap3A_553], %gather3A_550 {strides = array<i32>} : memref<32x800xf32, #tpu.memory_space<vmem>>, vector<16xf32>,
    %get3A_555 = arith.constant 368 : index
    %get3A_556 = tpu.vector_load %arg5[%get3A_555] {strides = array<i32>} : memref<800xi32, #tpu.memory_space<vmem>>, vector<16xi32>,
    %gather3A_557 = tpu.vector_load_idx %arg7[%iota3A, %get3A_556] : memref<16x2048xf32, #tpu.memory_space<vmem>>[vector<16xi32>, vector<16xi32>], vector<16xf32>,
    %swap3A_558 = arith.constant 31 : i32
    %swap3A_559 = arith.index_cast %swap3A_558 : i32 to index
    %swap3A_560 = arith.constant 368 : index
    %swap3A_561 = tpu.vector_load %arg9[%swap3A_559, %swap3A_560] {strides = array<i32>} : memref<32x800xf32, #tpu.memory_space<vmem>>, vector<16xf32>,
    tpu.vector_store %arg9[%swap3A_559, %swap3A_560], %gather3A_557 {strides = array<i32>} : memref<32x800xf32, #tpu.memory_space<vmem>>, vector<16xf32>,
    %get3A_562 = arith.constant 384 : index
    %get3A_563 = tpu.vector_load %arg5[%get3A_562] {strides = array<i32>} : memref<800xi32, #tpu.memory_space<vmem>>, vector<16xi32>,
    %gather3A_564 = tpu.vector_load_idx %arg7[%iota3A, %get3A_563] : memref<16x2048xf32, #tpu.memory_space<vmem>>[vector<16xi32>, vector<16xi32>], vector<16xf32>,
    %swap3A_565 = arith.constant 31 : i32
    %swap3A_566 = arith.index_cast %swap3A_565 : i32 to index
    %swap3A_567 = arith.constant 384 : index
    %swap3A_568 = tpu.vector_load %arg9[%swap3A_566, %swap3A_567] {strides = array<i32>} : memref<32x800xf32, #tpu.memory_space<vmem>>, vector<16xf32>,
    tpu.vector_store %arg9[%swap3A_566, %swap3A_567], %gather3A_564 {strides = array<i32>} : memref<32x800xf32, #tpu.memory_space<vmem>>, vector<16xf32>,
    %get3A_569 = arith.constant 400 : index
    %get3A_570 = tpu.vector_load %arg5[%get3A_569] {strides = array<i32>} : memref<800xi32, #tpu.memory_space<vmem>>, vector<16xi32>,
    %gather3A_571 = tpu.vector_load_idx %arg7[%iota3A, %get3A_570] : memref<16x2048xf32, #tpu.memory_space<vmem>>[vector<16xi32>, vector<16xi32>], vector<16xf32>,
    %swap3A_572 = arith.constant 31 : i32
    %swap3A_573 = arith.index_cast %swap3A_572 : i32 to index
    %swap3A_574 = arith.constant 400 : index
    %swap3A_575 = tpu.vector_load %arg9[%swap3A_573, %swap3A_574] {strides = array<i32>} : memref<32x800xf32, #tpu.memory_space<vmem>>, vector<16xf32>,
    tpu.vector_store %arg9[%swap3A_573, %swap3A_574], %gather3A_571 {strides = array<i32>} : memref<32x800xf32, #tpu.memory_space<vmem>>, vector<16xf32>,
    %get3A_576 = arith.constant 416 : index
    %get3A_577 = tpu.vector_load %arg5[%get3A_576] {strides = array<i32>} : memref<800xi32, #tpu.memory_space<vmem>>, vector<16xi32>,
    %gather3A_578 = tpu.vector_load_idx %arg7[%iota3A, %get3A_577] : memref<16x2048xf32, #tpu.memory_space<vmem>>[vector<16xi32>, vector<16xi32>], vector<16xf32>,
    %swap3A_579 = arith.constant 31 : i32
    %swap3A_580 = arith.index_cast %swap3A_579 : i32 to index
    %swap3A_581 = arith.constant 416 : index
    %swap3A_582 = tpu.vector_load %arg9[%swap3A_580, %swap3A_581] {strides = array<i32>} : memref<32x800xf32, #tpu.memory_space<vmem>>, vector<16xf32>,
    tpu.vector_store %arg9[%swap3A_580, %swap3A_581], %gather3A_578 {strides = array<i32>} : memref<32x800xf32, #tpu.memory_space<vmem>>, vector<16xf32>,
    %get3A_583 = arith.constant 432 : index
    %get3A_584 = tpu.vector_load %arg5[%get3A_583] {strides = array<i32>} : memref<800xi32, #tpu.memory_space<vmem>>, vector<16xi32>,
    %gather3A_585 = tpu.vector_load_idx %arg7[%iota3A, %get3A_584] : memref<16x2048xf32, #tpu.memory_space<vmem>>[vector<16xi32>, vector<16xi32>], vector<16xf32>,
    %swap3A_586 = arith.constant 31 : i32
    %swap3A_587 = arith.index_cast %swap3A_586 : i32 to index
    %swap3A_588 = arith.constant 432 : index
    %swap3A_589 = tpu.vector_load %arg9[%swap3A_587, %swap3A_588] {strides = array<i32>} : memref<32x800xf32, #tpu.memory_space<vmem>>, vector<16xf32>,
    tpu.vector_store %arg9[%swap3A_587, %swap3A_588], %gather3A_585 {strides = array<i32>} : memref<32x800xf32, #tpu.memory_space<vmem>>, vector<16xf32>,
    %get3A_590 = arith.constant 448 : index
    %get3A_591 = tpu.vector_load %arg5[%get3A_590] {strides = array<i32>} : memref<800xi32, #tpu.memory_space<vmem>>, vector<16xi32>,
    %gather3A_592 = tpu.vector_load_idx %arg7[%iota3A, %get3A_591] : memref<16x2048xf32, #tpu.memory_space<vmem>>[vector<16xi32>, vector<16xi32>], vector<16xf32>,
    %swap3A_593 = arith.constant 31 : i32
    %swap3A_594 = arith.index_cast %swap3A_593 : i32 to index
    %swap3A_595 = arith.constant 448 : index
    %swap3A_596 = tpu.vector_load %arg9[%swap3A_594, %swap3A_595] {strides = array<i32>} : memref<32x800xf32, #tpu.memory_space<vmem>>, vector<16xf32>,
    tpu.vector_store %arg9[%swap3A_594, %swap3A_595], %gather3A_592 {strides = array<i32>} : memref<32x800xf32, #tpu.memory_space<vmem>>, vector<16xf32>,
    %get3A_597 = arith.constant 464 : index
    %get3A_598 = tpu.vector_load %arg5[%get3A_597] {strides = array<i32>} : memref<800xi32, #tpu.memory_space<vmem>>, vector<16xi32>,
    %gather3A_599 = tpu.vector_load_idx %arg7[%iota3A, %get3A_598] : memref<16x2048xf32, #tpu.memory_space<vmem>>[vector<16xi32>, vector<16xi32>], vector<16xf32>,
    %swap3A_600 = arith.constant 31 : i32
    %swap3A_601 = arith.index_cast %swap3A_600 : i32 to index
    %swap3A_602 = arith.constant 464 : index
    %swap3A_603 = tpu.vector_load %arg9[%swap3A_601, %swap3A_602] {strides = array<i32>} : memref<32x800xf32, #tpu.memory_space<vmem>>, vector<16xf32>,
    tpu.vector_store %arg9[%swap3A_601, %swap3A_602], %gather3A_599 {strides = array<i32>} : memref<32x800xf32, #tpu.memory_space<vmem>>, vector<16xf32>,
    %get3A_604 = arith.constant 480 : index
    %get3A_605 = tpu.vector_load %arg5[%get3A_604] {strides = array<i32>} : memref<800xi32, #tpu.memory_space<vmem>>, vector<16xi32>,
    %gather3A_606 = tpu.vector_load_idx %arg7[%iota3A, %get3A_605] : memref<16x2048xf32, #tpu.memory_space<vmem>>[vector<16xi32>, vector<16xi32>], vector<16xf32>,
    %swap3A_607 = arith.constant 31 : i32
    %swap3A_608 = arith.index_cast %swap3A_607 : i32 to index
    %swap3A_609 = arith.constant 480 : index
    %swap3A_610 = tpu.vector_load %arg9[%swap3A_608, %swap3A_609] {strides = array<i32>} : memref<32x800xf32, #tpu.memory_space<vmem>>, vector<16xf32>,
    tpu.vector_store %arg9[%swap3A_608, %swap3A_609], %gather3A_606 {strides = array<i32>} : memref<32x800xf32, #tpu.memory_space<vmem>>, vector<16xf32>,
    %get3A_611 = arith.constant 496 : index
    %get3A_612 = tpu.vector_load %arg5[%get3A_611] {strides = array<i32>} : memref<800xi32, #tpu.memory_space<vmem>>, vector<16xi32>,
    %gather3A_613 = tpu.vector_load_idx %arg7[%iota3A, %get3A_612] : memref<16x2048xf32, #tpu.memory_space<vmem>>[vector<16xi32>, vector<16xi32>], vector<16xf32>,
    %swap3A_614 = arith.constant 31 : i32
    %swap3A_615 = arith.index_cast %swap3A_614 : i32 to index
    %swap3A_616 = arith.constant 496 : index
    %swap3A_617 = tpu.vector_load %arg9[%swap3A_615, %swap3A_616] {strides = array<i32>} : memref<32x800xf32, #tpu.memory_space<vmem>>, vector<16xf32>,
    tpu.vector_store %arg9[%swap3A_615, %swap3A_616], %gather3A_613 {strides = array<i32>} : memref<32x800xf32, #tpu.memory_space<vmem>>, vector<16xf32>,
    %get3A_618 = arith.constant 512 : index
    %get3A_619 = tpu.vector_load %arg5[%get3A_618] {strides = array<i32>} : memref<800xi32, #tpu.memory_space<vmem>>, vector<16xi32>,
    %gather3A_620 = tpu.vector_load_idx %arg7[%iota3A, %get3A_619] : memref<16x2048xf32, #tpu.memory_space<vmem>>[vector<16xi32>, vector<16xi32>], vector<16xf32>,
    %swap3A_621 = arith.constant 31 : i32
    %swap3A_622 = arith.index_cast %swap3A_621 : i32 to index
    %swap3A_623 = arith.constant 512 : index
    %swap3A_624 = tpu.vector_load %arg9[%swap3A_622, %swap3A_623] {strides = array<i32>} : memref<32x800xf32, #tpu.memory_space<vmem>>, vector<16xf32>,
    tpu.vector_store %arg9[%swap3A_622, %swap3A_623], %gather3A_620 {strides = array<i32>} : memref<32x800xf32, #tpu.memory_space<vmem>>, vector<16xf32>,
    %get3A_625 = arith.constant 528 : index
    %get3A_626 = tpu.vector_load %arg5[%get3A_625] {strides = array<i32>} : memref<800xi32, #tpu.memory_space<vmem>>, vector<16xi32>,
    %gather3A_627 = tpu.vector_load_idx %arg7[%iota3A, %get3A_626] : memref<16x2048xf32, #tpu.memory_space<vmem>>[vector<16xi32>, vector<16xi32>], vector<16xf32>,
    %swap3A_628 = arith.constant 31 : i32
    %swap3A_629 = arith.index_cast %swap3A_628 : i32 to index
    %swap3A_630 = arith.constant 528 : index
    %swap3A_631 = tpu.vector_load %arg9[%swap3A_629, %swap3A_630] {strides = array<i32>} : memref<32x800xf32, #tpu.memory_space<vmem>>, vector<16xf32>,
    tpu.vector_store %arg9[%swap3A_629, %swap3A_630], %gather3A_627 {strides = array<i32>} : memref<32x800xf32, #tpu.memory_space<vmem>>, vector<16xf32>,
    %get3A_632 = arith.constant 544 : index
    %get3A_633 = tpu.vector_load %arg5[%get3A_632] {strides = array<i32>} : memref<800xi32, #tpu.memory_space<vmem>>, vector<16xi32>,
    %gather3A_634 = tpu.vector_load_idx %arg7[%iota3A, %get3A_633] : memref<16x2048xf32, #tpu.memory_space<vmem>>[vector<16xi32>, vector<16xi32>], vector<16xf32>,
    %swap3A_635 = arith.constant 31 : i32
    %swap3A_636 = arith.index_cast %swap3A_635 : i32 to index
    %swap3A_637 = arith.constant 544 : index
    %swap3A_638 = tpu.vector_load %arg9[%swap3A_636, %swap3A_637] {strides = array<i32>} : memref<32x800xf32, #tpu.memory_space<vmem>>, vector<16xf32>,
    tpu.vector_store %arg9[%swap3A_636, %swap3A_637], %gather3A_634 {strides = array<i32>} : memref<32x800xf32, #tpu.memory_space<vmem>>, vector<16xf32>,
    %get3A_639 = arith.constant 560 : index
    %get3A_640 = tpu.vector_load %arg5[%get3A_639] {strides = array<i32>} : memref<800xi32, #tpu.memory_space<vmem>>, vector<16xi32>,
    %gather3A_641 = tpu.vector_load_idx %arg7[%iota3A, %get3A_640] : memref<16x2048xf32, #tpu.memory_space<vmem>>[vector<16xi32>, vector<16xi32>], vector<16xf32>,
    %swap3A_642 = arith.constant 31 : i32
    %swap3A_643 = arith.index_cast %swap3A_642 : i32 to index
    %swap3A_644 = arith.constant 560 : index
    %swap3A_645 = tpu.vector_load %arg9[%swap3A_643, %swap3A_644] {strides = array<i32>} : memref<32x800xf32, #tpu.memory_space<vmem>>, vector<16xf32>,
    tpu.vector_store %arg9[%swap3A_643, %swap3A_644], %gather3A_641 {strides = array<i32>} : memref<32x800xf32, #tpu.memory_space<vmem>>, vector<16xf32>,
    %get3A_646 = arith.constant 576 : index
    %get3A_647 = tpu.vector_load %arg5[%get3A_646] {strides = array<i32>} : memref<800xi32, #tpu.memory_space<vmem>>, vector<16xi32>,
    %gather3A_648 = tpu.vector_load_idx %arg7[%iota3A, %get3A_647] : memref<16x2048xf32, #tpu.memory_space<vmem>>[vector<16xi32>, vector<16xi32>], vector<16xf32>,
    %swap3A_649 = arith.constant 31 : i32
    %swap3A_650 = arith.index_cast %swap3A_649 : i32 to index
    %swap3A_651 = arith.constant 576 : index
    %swap3A_652 = tpu.vector_load %arg9[%swap3A_650, %swap3A_651] {strides = array<i32>} : memref<32x800xf32, #tpu.memory_space<vmem>>, vector<16xf32>,
    tpu.vector_store %arg9[%swap3A_650, %swap3A_651], %gather3A_648 {strides = array<i32>} : memref<32x800xf32, #tpu.memory_space<vmem>>, vector<16xf32>,
    %get3A_653 = arith.constant 592 : index
    %get3A_654 = tpu.vector_load %arg5[%get3A_653] {strides = array<i32>} : memref<800xi32, #tpu.memory_space<vmem>>, vector<16xi32>,
    %gather3A_655 = tpu.vector_load_idx %arg7[%iota3A, %get3A_654] : memref<16x2048xf32, #tpu.memory_space<vmem>>[vector<16xi32>, vector<16xi32>], vector<16xf32>,
    %swap3A_656 = arith.constant 31 : i32
    %swap3A_657 = arith.index_cast %swap3A_656 : i32 to index
    %swap3A_658 = arith.constant 592 : index
    %swap3A_659 = tpu.vector_load %arg9[%swap3A_657, %swap3A_658] {strides = array<i32>} : memref<32x800xf32, #tpu.memory_space<vmem>>, vector<16xf32>,
    tpu.vector_store %arg9[%swap3A_657, %swap3A_658], %gather3A_655 {strides = array<i32>} : memref<32x800xf32, #tpu.memory_space<vmem>>, vector<16xf32>,
    %get3A_660 = arith.constant 608 : index
    %get3A_661 = tpu.vector_load %arg5[%get3A_660] {strides = array<i32>} : memref<800xi32, #tpu.memory_space<vmem>>, vector<16xi32>,
    %gather3A_662 = tpu.vector_load_idx %arg7[%iota3A, %get3A_661] : memref<16x2048xf32, #tpu.memory_space<vmem>>[vector<16xi32>, vector<16xi32>], vector<16xf32>,
    %swap3A_663 = arith.constant 31 : i32
    %swap3A_664 = arith.index_cast %swap3A_663 : i32 to index
    %swap3A_665 = arith.constant 608 : index
    %swap3A_666 = tpu.vector_load %arg9[%swap3A_664, %swap3A_665] {strides = array<i32>} : memref<32x800xf32, #tpu.memory_space<vmem>>, vector<16xf32>,
    tpu.vector_store %arg9[%swap3A_664, %swap3A_665], %gather3A_662 {strides = array<i32>} : memref<32x800xf32, #tpu.memory_space<vmem>>, vector<16xf32>,
    %get3A_667 = arith.constant 624 : index
    %get3A_668 = tpu.vector_load %arg5[%get3A_667] {strides = array<i32>} : memref<800xi32, #tpu.memory_space<vmem>>, vector<16xi32>,
    %gather3A_669 = tpu.vector_load_idx %arg7[%iota3A, %get3A_668] : memref<16x2048xf32, #tpu.memory_space<vmem>>[vector<16xi32>, vector<16xi32>], vector<16xf32>,
    %swap3A_670 = arith.constant 31 : i32
    %swap3A_671 = arith.index_cast %swap3A_670 : i32 to index
    %swap3A_672 = arith.constant 624 : index
    %swap3A_673 = tpu.vector_load %arg9[%swap3A_671, %swap3A_672] {strides = array<i32>} : memref<32x800xf32, #tpu.memory_space<vmem>>, vector<16xf32>,
    tpu.vector_store %arg9[%swap3A_671, %swap3A_672], %gather3A_669 {strides = array<i32>} : memref<32x800xf32, #tpu.memory_space<vmem>>, vector<16xf32>,
    %get3A_674 = arith.constant 640 : index
    %get3A_675 = tpu.vector_load %arg5[%get3A_674] {strides = array<i32>} : memref<800xi32, #tpu.memory_space<vmem>>, vector<16xi32>,
    %gather3A_676 = tpu.vector_load_idx %arg7[%iota3A, %get3A_675] : memref<16x2048xf32, #tpu.memory_space<vmem>>[vector<16xi32>, vector<16xi32>], vector<16xf32>,
    %swap3A_677 = arith.constant 31 : i32
    %swap3A_678 = arith.index_cast %swap3A_677 : i32 to index
    %swap3A_679 = arith.constant 640 : index
    %swap3A_680 = tpu.vector_load %arg9[%swap3A_678, %swap3A_679] {strides = array<i32>} : memref<32x800xf32, #tpu.memory_space<vmem>>, vector<16xf32>,
    tpu.vector_store %arg9[%swap3A_678, %swap3A_679], %gather3A_676 {strides = array<i32>} : memref<32x800xf32, #tpu.memory_space<vmem>>, vector<16xf32>,
    %get3A_681 = arith.constant 656 : index
    %get3A_682 = tpu.vector_load %arg5[%get3A_681] {strides = array<i32>} : memref<800xi32, #tpu.memory_space<vmem>>, vector<16xi32>,
    %gather3A_683 = tpu.vector_load_idx %arg7[%iota3A, %get3A_682] : memref<16x2048xf32, #tpu.memory_space<vmem>>[vector<16xi32>, vector<16xi32>], vector<16xf32>,
    %swap3A_684 = arith.constant 31 : i32
    %swap3A_685 = arith.index_cast %swap3A_684 : i32 to index
    %swap3A_686 = arith.constant 656 : index
    %swap3A_687 = tpu.vector_load %arg9[%swap3A_685, %swap3A_686] {strides = array<i32>} : memref<32x800xf32, #tpu.memory_space<vmem>>, vector<16xf32>,
    tpu.vector_store %arg9[%swap3A_685, %swap3A_686], %gather3A_683 {strides = array<i32>} : memref<32x800xf32, #tpu.memory_space<vmem>>, vector<16xf32>,
    %get3A_688 = arith.constant 672 : index
    %get3A_689 = tpu.vector_load %arg5[%get3A_688] {strides = array<i32>} : memref<800xi32, #tpu.memory_space<vmem>>, vector<16xi32>,
    %gather3A_690 = tpu.vector_load_idx %arg7[%iota3A, %get3A_689] : memref<16x2048xf32, #tpu.memory_space<vmem>>[vector<16xi32>, vector<16xi32>], vector<16xf32>,
    %swap3A_691 = arith.constant 31 : i32
    %swap3A_692 = arith.index_cast %swap3A_691 : i32 to index
    %swap3A_693 = arith.constant 672 : index
    %swap3A_694 = tpu.vector_load %arg9[%swap3A_692, %swap3A_693] {strides = array<i32>} : memref<32x800xf32, #tpu.memory_space<vmem>>, vector<16xf32>,
    tpu.vector_store %arg9[%swap3A_692, %swap3A_693], %gather3A_690 {strides = array<i32>} : memref<32x800xf32, #tpu.memory_space<vmem>>, vector<16xf32>,
    %get3A_695 = arith.constant 688 : index
    %get3A_696 = tpu.vector_load %arg5[%get3A_695] {strides = array<i32>} : memref<800xi32, #tpu.memory_space<vmem>>, vector<16xi32>,
    %gather3A_697 = tpu.vector_load_idx %arg7[%iota3A, %get3A_696] : memref<16x2048xf32, #tpu.memory_space<vmem>>[vector<16xi32>, vector<16xi32>], vector<16xf32>,
    %swap3A_698 = arith.constant 31 : i32
    %swap3A_699 = arith.index_cast %swap3A_698 : i32 to index
    %swap3A_700 = arith.constant 688 : index
    %swap3A_701 = tpu.vector_load %arg9[%swap3A_699, %swap3A_700] {strides = array<i32>} : memref<32x800xf32, #tpu.memory_space<vmem>>, vector<16xf32>,
    tpu.vector_store %arg9[%swap3A_699, %swap3A_700], %gather3A_697 {strides = array<i32>} : memref<32x800xf32, #tpu.memory_space<vmem>>, vector<16xf32>,
    %get3A_702 = arith.constant 704 : index
    %get3A_703 = tpu.vector_load %arg5[%get3A_702] {strides = array<i32>} : memref<800xi32, #tpu.memory_space<vmem>>, vector<16xi32>,
    %gather3A_704 = tpu.vector_load_idx %arg7[%iota3A, %get3A_703] : memref<16x2048xf32, #tpu.memory_space<vmem>>[vector<16xi32>, vector<16xi32>], vector<16xf32>,
    %swap3A_705 = arith.constant 31 : i32
    %swap3A_706 = arith.index_cast %swap3A_705 : i32 to index
    %swap3A_707 = arith.constant 704 : index
    %swap3A_708 = tpu.vector_load %arg9[%swap3A_706, %swap3A_707] {strides = array<i32>} : memref<32x800xf32, #tpu.memory_space<vmem>>, vector<16xf32>,
    tpu.vector_store %arg9[%swap3A_706, %swap3A_707], %gather3A_704 {strides = array<i32>} : memref<32x800xf32, #tpu.memory_space<vmem>>, vector<16xf32>,
    %get3A_709 = arith.constant 720 : index
    %get3A_710 = tpu.vector_load %arg5[%get3A_709] {strides = array<i32>} : memref<800xi32, #tpu.memory_space<vmem>>, vector<16xi32>,
    %gather3A_711 = tpu.vector_load_idx %arg7[%iota3A, %get3A_710] : memref<16x2048xf32, #tpu.memory_space<vmem>>[vector<16xi32>, vector<16xi32>], vector<16xf32>,
    %swap3A_712 = arith.constant 31 : i32
    %swap3A_713 = arith.index_cast %swap3A_712 : i32 to index
    %swap3A_714 = arith.constant 720 : index
    %swap3A_715 = tpu.vector_load %arg9[%swap3A_713, %swap3A_714] {strides = array<i32>} : memref<32x800xf32, #tpu.memory_space<vmem>>, vector<16xf32>,
    tpu.vector_store %arg9[%swap3A_713, %swap3A_714], %gather3A_711 {strides = array<i32>} : memref<32x800xf32, #tpu.memory_space<vmem>>, vector<16xf32>,
    %get3A_716 = arith.constant 736 : index
    %get3A_717 = tpu.vector_load %arg5[%get3A_716] {strides = array<i32>} : memref<800xi32, #tpu.memory_space<vmem>>, vector<16xi32>,
    %gather3A_718 = tpu.vector_load_idx %arg7[%iota3A, %get3A_717] : memref<16x2048xf32, #tpu.memory_space<vmem>>[vector<16xi32>, vector<16xi32>], vector<16xf32>,
    %swap3A_719 = arith.constant 31 : i32
    %swap3A_720 = arith.index_cast %swap3A_719 : i32 to index
    %swap3A_721 = arith.constant 736 : index
    %swap3A_722 = tpu.vector_load %arg9[%swap3A_720, %swap3A_721] {strides = array<i32>} : memref<32x800xf32, #tpu.memory_space<vmem>>, vector<16xf32>,
    tpu.vector_store %arg9[%swap3A_720, %swap3A_721], %gather3A_718 {strides = array<i32>} : memref<32x800xf32, #tpu.memory_space<vmem>>, vector<16xf32>,
    %get3A_723 = arith.constant 752 : index
    %get3A_724 = tpu.vector_load %arg5[%get3A_723] {strides = array<i32>} : memref<800xi32, #tpu.memory_space<vmem>>, vector<16xi32>,
    %gather3A_725 = tpu.vector_load_idx %arg7[%iota3A, %get3A_724] : memref<16x2048xf32, #tpu.memory_space<vmem>>[vector<16xi32>, vector<16xi32>], vector<16xf32>,
    %swap3A_726 = arith.constant 31 : i32
    %swap3A_727 = arith.index_cast %swap3A_726 : i32 to index
    %swap3A_728 = arith.constant 752 : index
    %swap3A_729 = tpu.vector_load %arg9[%swap3A_727, %swap3A_728] {strides = array<i32>} : memref<32x800xf32, #tpu.memory_space<vmem>>, vector<16xf32>,
    tpu.vector_store %arg9[%swap3A_727, %swap3A_728], %gather3A_725 {strides = array<i32>} : memref<32x800xf32, #tpu.memory_space<vmem>>, vector<16xf32>,
    %get3A_730 = arith.constant 768 : index
    %get3A_731 = tpu.vector_load %arg5[%get3A_730] {strides = array<i32>} : memref<800xi32, #tpu.memory_space<vmem>>, vector<16xi32>,
    %gather3A_732 = tpu.vector_load_idx %arg7[%iota3A, %get3A_731] : memref<16x2048xf32, #tpu.memory_space<vmem>>[vector<16xi32>, vector<16xi32>], vector<16xf32>,
    %swap3A_733 = arith.constant 31 : i32
    %swap3A_734 = arith.index_cast %swap3A_733 : i32 to index
    %swap3A_735 = arith.constant 768 : index
    %swap3A_736 = tpu.vector_load %arg9[%swap3A_734, %swap3A_735] {strides = array<i32>} : memref<32x800xf32, #tpu.memory_space<vmem>>, vector<16xf32>,
    tpu.vector_store %arg9[%swap3A_734, %swap3A_735], %gather3A_732 {strides = array<i32>} : memref<32x800xf32, #tpu.memory_space<vmem>>, vector<16xf32>,
    %get3A_737 = arith.constant 784 : index
    %get3A_738 = tpu.vector_load %arg5[%get3A_737] {strides = array<i32>} : memref<800xi32, #tpu.memory_space<vmem>>, vector<16xi32>,
    %gather3A_739 = tpu.vector_load_idx %arg7[%iota3A, %get3A_738] : memref<16x2048xf32, #tpu.memory_space<vmem>>[vector<16xi32>, vector<16xi32>], vector<16xf32>,
    %swap3A_740 = arith.constant 31 : i32
    %swap3A_741 = arith.index_cast %swap3A_740 : i32 to index
    %swap3A_742 = arith.constant 784 : index
    %swap3A_743 = tpu.vector_load %arg9[%swap3A_741, %swap3A_742] {strides = array<i32>} : memref<32x800xf32, #tpu.memory_space<vmem>>, vector<16xf32>,
    tpu.vector_store %arg9[%swap3A_741, %swap3A_742], %gather3A_739 {strides = array<i32>} : memref<32x800xf32, #tpu.memory_space<vmem>>, vector<16xf32>,
    "tpu.region"() ({
      %run_scoped3A = tpu.sem_alloc : memref<!tpu.dma_semaphore, #tpu.memory_space<semaphore_mem>>
      %dma_start3A_744 = arith.constant 0 : i32
      %dma_start3A_745 = tpu.memref_slice %arg4[%mul3A_2, %dma_start3A_744] : memref<1024x800xf32, #tpu.memory_space<hbm>> -> memref<32x800xf32, #tpu.memory_space<hbm>>
      %dma_start3A_746 = arith.constant 0 : i32
      %dma_start3A_747 = tpu.memref_slice %arg4[%mul3A_2, %dma_start3A_746] : memref<1024x800xf32, #tpu.memory_space<hbm>> -> memref<32x800xf32, #tpu.memory_space<hbm>>
      tpu.enqueue_dma source(%arg9 : memref<32x800xf32, #tpu.memory_space<vmem>>) target(%dma_start3A_747 : memref<32x800xf32, #tpu.memory_space<hbm>>) target_semaphore(%run_scoped3A : memref<!tpu.dma_semaphore, #tpu.memory_space<semaphore_mem>>)
      %dma_wait3A_748 = arith.constant 0 : i32
      %dma_wait3A_749 = tpu.memref_slice %arg4[%mul3A_2, %dma_wait3A_748] : memref<1024x800xf32, #tpu.memory_space<hbm>> -> memref<32x800xf32, #tpu.memory_space<hbm>>
      %dma_wait3A_750 = arith.constant 0 : i32
      %dma_wait3A_751 = tpu.memref_slice %arg4[%mul3A_2, %dma_wait3A_750] : memref<1024x800xf32, #tpu.memory_space<hbm>> -> memref<32x800xf32, #tpu.memory_space<hbm>>
      tpu.wait_dma2 semaphore(%run_scoped3A : memref<!tpu.dma_semaphore, #tpu.memory_space<semaphore_mem>>) src(%arg9 : memref<32x800xf32, #tpu.memory_space<vmem>>) dst(%dma_wait3A_751 : memref<32x800xf32, #tpu.memory_space<hbm>>)
      tpu.yield
    }) : () -> ()
    return
  }
}

module attributes {stable_mosaic.version = 14 : i64} {
  func.func @body(%arg0: memref<1024x800xf32, #tpu.memory_space<vmem>>, %arg1: memref<1024x1152xbf16, #tpu.memory_space<vmem>>, %arg2: memref<16x1xi32, #tpu.memory_space<vmem>>, %arg3: memref<1x1024xf32, #tpu.memory_space<vmem>>, %arg4: memref<16x1xf32, #tpu.memory_space<vmem>>, %arg5: memref<800x1024xf32, #tpu.memory_space<vmem>>) attributes {dimension_semantics = [], scalar_prefetch = 0 : i64, scratch_operands = 1 : i64, tpu.core_type = #tpu.core_type<tc>} {
    %get3A = arith.constant 0 : index
    %get3A_0 = arith.constant 0 : index
    %get3A_1 = vector.load %arg0[%get3A, %get3A_0] : memref<1024x800xf32, #tpu.memory_space<vmem>>, vector<1024x800xf32>
    %transpose3A = tpu.transpose %get3A_1, [1, 0] : vector<1024x800xf32> -> vector<800x1024xf32>
    %exp3A = math.exp %transpose3A : vector<800x1024xf32>
    %swap3A = arith.constant 0 : index
    %swap3A_2 = arith.constant 0 : index
    %swap3A_3 = vector.load %arg5[%swap3A, %swap3A_2] : memref<800x1024xf32, #tpu.memory_space<vmem>>, vector<800x1024xf32>
    tpu.vector_store %arg5[%swap3A, %swap3A_2], %exp3A {strides = array<i32>} : memref<800x1024xf32, #tpu.memory_space<vmem>>, vector<800x1024xf32>,
    %get3A_4 = arith.constant 0 : index
    %get3A_5 = arith.constant 0 : index
    %get3A_6 = vector.load %arg2[%get3A_4, %get3A_5] : memref<16x1xi32, #tpu.memory_space<vmem>>, vector<16x1xi32>
    %get3A_7 = arith.constant 0 : index
    %get3A_8 = arith.constant 0 : index
    %get3A_9 = vector.load %arg3[%get3A_7, %get3A_8] : memref<1x1024xf32, #tpu.memory_space<vmem>>, vector<1x1024xf32>
    %broadcast_in_dim3A = vector.shape_cast %get3A_9 : vector<1x1024xf32> to vector<1x1024xf32>
    %broadcast_in_dim3A_10 = vector.broadcast %broadcast_in_dim3A : vector<1x1024xf32> to vector<16x1024xf32>
    %broadcast_in_dim3A_11 = arith.constant 1.000000e+00 : f32
    %broadcast_in_dim3A_12 = vector.broadcast %broadcast_in_dim3A_11 : f32 to vector<16x1xf32>
    %broadcast_in_dim3A_13 = arith.constant 0.000000e+00 : f32
    %broadcast_in_dim3A_14 = vector.broadcast %broadcast_in_dim3A_13 : f32 to vector<16x1xf32>
    %get3A_15 = arith.constant 0 : index
    %get3A_16 = arith.constant 0 : index
    %get3A_17 = vector.load %arg5[%get3A_15, %get3A_16] : memref<800x1024xf32, #tpu.memory_space<vmem>>, vector<16x1024xf32>
    %div3A = arith.constant 1.000000e+00 : f32
    %div3A_18 = vector.broadcast %div3A : f32 to vector<16x1xf32>
    %div3A_19 = arith.divf %div3A_18, %broadcast_in_dim3A_12 : vector<16x1xf32>
    %mul3A = vector.broadcast %div3A_19 : vector<16x1xf32> to vector<16x1024xf32>
    %mul3A_20 = arith.mulf %get3A_17, %mul3A : vector<16x1024xf32>
    %mul3A_21 = arith.constant 1.60381082E-28 : f32
    %mul3A_22 = vector.broadcast %mul3A_21 : f32 to vector<16x1xf32>
    %mul3A_23 = arith.mulf %mul3A_22, %broadcast_in_dim3A_12 : vector<16x1xf32>
    %max3A = vector.broadcast %mul3A_23 : vector<16x1xf32> to vector<16x1024xf32>
    %max3A_24 = arith.maximumf %broadcast_in_dim3A_10, %max3A : vector<16x1024xf32>
    %mul3A_25 = arith.mulf %max3A_24, %mul3A_20 : vector<16x1024xf32>
    %convert_element_type3A = arith.truncf %mul3A_25 : vector<16x1024xf32> to vector<16x1024xbf16>
    %get3A_26 = arith.constant 0 : index
    %get3A_27 = arith.constant 0 : index
    %get3A_28 = vector.load %arg1[%get3A_26, %get3A_27] : memref<1024x1152xbf16, #tpu.memory_space<vmem>>, vector<1024x1152xbf16>
    %dot_general3A = arith.constant dense<0.000000e+00> : vector<16x1152xf32>
    %dot_general3A_29 = tpu.matmul %convert_element_type3A, %get3A_28, %dot_general3A {dimension_numbers = #tpu.dot_dimension_numbers<[1], [0], [0], [1], [0, 0, 1, 1], [], []>, transpose_lhs_hint = false} : vector<16x1024xbf16>, vector<1024x1152xbf16>, vector<16x1152xf32> -> vector<16x1152xf32>
    %slice3A = vector.extract_strided_slice %dot_general3A_29 {offsets = [0, 0], sizes = [16, 1], strides = [1, 1]} : vector<16x1152xf32> to vector<16x1xf32>
    %slice3A_30 = vector.extract_strided_slice %dot_general3A_29 {offsets = [0, 1], sizes = [16, 1], strides = [1, 1]} : vector<16x1152xf32> to vector<16x1xf32>
    %eq3A = arith.constant 1 : i32
    %eq3A_31 = vector.broadcast %eq3A : i32 to vector<16x1xi32>
    %eq3A_32 = arith.cmpi eq, %get3A_6, %eq3A_31 : vector<16x1xi32>
    %log3A = math.log %slice3A_30 : vector<16x1xf32>
    %jit3A = arith.constant 0.000000e+00 : f32
    %broadcast_in_dim3A_33 = vector.broadcast %jit3A : f32 to vector<16x1xf32>
    %select_n3A = arith.select %eq3A_32, %log3A, %broadcast_in_dim3A_33 : vector<16x1xi1>, vector<16x1xf32>
    %add3A = arith.addf %broadcast_in_dim3A_14, %select_n3A : vector<16x1xf32>
    %gt3A = arith.constant 1 : i32
    %gt3A_34 = vector.broadcast %gt3A : i32 to vector<16x1xi32>
    %gt3A_35 = arith.cmpi sgt, %get3A_6, %gt3A_34 : vector<16x1xi32>
    %log3A_36 = math.log %slice3A : vector<16x1xf32>
    %jit3A_37 = arith.constant 0.000000e+00 : f32
    %broadcast_in_dim3A_38 = vector.broadcast %jit3A_37 : f32 to vector<16x1xf32>
    %select_n3A_39 = arith.select %gt3A_35, %log3A_36, %broadcast_in_dim3A_38 : vector<16x1xi1>, vector<16x1xf32>
    %add3A_40 = arith.addf %add3A, %select_n3A_39 : vector<16x1xf32>
    %slice3A_41 = vector.extract_strided_slice %dot_general3A_29 {offsets = [0, 128], sizes = [16, 1024], strides = [1, 1]} : vector<16x1152xf32> to vector<16x1024xf32>
    %get3A_42 = arith.constant 16 : index
    %get3A_43 = arith.constant 0 : index
    %get3A_44 = vector.load %arg5[%get3A_42, %get3A_43] : memref<800x1024xf32, #tpu.memory_space<vmem>>, vector<16x1024xf32>
    %div3A_45 = arith.constant 1.000000e+00 : f32
    %div3A_46 = vector.broadcast %div3A_45 : f32 to vector<16x1xf32>
    %div3A_47 = arith.divf %div3A_46, %slice3A : vector<16x1xf32>
    %mul3A_48 = vector.broadcast %div3A_47 : vector<16x1xf32> to vector<16x1024xf32>
    %mul3A_49 = arith.mulf %get3A_44, %mul3A_48 : vector<16x1024xf32>
    %mul3A_50 = arith.constant 1.60381082E-28 : f32
    %mul3A_51 = vector.broadcast %mul3A_50 : f32 to vector<16x1xf32>
    %mul3A_52 = arith.mulf %mul3A_51, %slice3A : vector<16x1xf32>
    %max3A_53 = vector.broadcast %mul3A_52 : vector<16x1xf32> to vector<16x1024xf32>
    %max3A_54 = arith.maximumf %slice3A_41, %max3A_53 : vector<16x1024xf32>
    %mul3A_55 = arith.mulf %max3A_54, %mul3A_49 : vector<16x1024xf32>
    %convert_element_type3A_56 = arith.truncf %mul3A_55 : vector<16x1024xf32> to vector<16x1024xbf16>
    %get3A_57 = arith.constant 0 : index
    %get3A_58 = arith.constant 0 : index
    %get3A_59 = vector.load %arg1[%get3A_57, %get3A_58] : memref<1024x1152xbf16, #tpu.memory_space<vmem>>, vector<1024x1152xbf16>
    %dot_general3A_60 = arith.constant dense<0.000000e+00> : vector<16x1152xf32>
    %dot_general3A_61 = tpu.matmul %convert_element_type3A_56, %get3A_59, %dot_general3A_60 {dimension_numbers = #tpu.dot_dimension_numbers<[1], [0], [0], [1], [0, 0, 1, 1], [], []>, transpose_lhs_hint = false} : vector<16x1024xbf16>, vector<1024x1152xbf16>, vector<16x1152xf32> -> vector<16x1152xf32>
    %slice3A_62 = vector.extract_strided_slice %dot_general3A_61 {offsets = [0, 0], sizes = [16, 1], strides = [1, 1]} : vector<16x1152xf32> to vector<16x1xf32>
    %slice3A_63 = vector.extract_strided_slice %dot_general3A_61 {offsets = [0, 1], sizes = [16, 1], strides = [1, 1]} : vector<16x1152xf32> to vector<16x1xf32>
    %eq3A_64 = arith.constant 2 : i32
    %eq3A_65 = vector.broadcast %eq3A_64 : i32 to vector<16x1xi32>
    %eq3A_66 = arith.cmpi eq, %get3A_6, %eq3A_65 : vector<16x1xi32>
    %log3A_67 = math.log %slice3A_63 : vector<16x1xf32>
    %jit3A_68 = arith.constant 0.000000e+00 : f32
    %broadcast_in_dim3A_69 = vector.broadcast %jit3A_68 : f32 to vector<16x1xf32>
    %select_n3A_70 = arith.select %eq3A_66, %log3A_67, %broadcast_in_dim3A_69 : vector<16x1xi1>, vector<16x1xf32>
    %add3A_71 = arith.addf %add3A_40, %select_n3A_70 : vector<16x1xf32>
    %gt3A_72 = arith.constant 2 : i32
    %gt3A_73 = vector.broadcast %gt3A_72 : i32 to vector<16x1xi32>
    %gt3A_74 = arith.cmpi sgt, %get3A_6, %gt3A_73 : vector<16x1xi32>
    %log3A_75 = math.log %slice3A_62 : vector<16x1xf32>
    %jit3A_76 = arith.constant 0.000000e+00 : f32
    %broadcast_in_dim3A_77 = vector.broadcast %jit3A_76 : f32 to vector<16x1xf32>
    %select_n3A_78 = arith.select %gt3A_74, %log3A_75, %broadcast_in_dim3A_77 : vector<16x1xi1>, vector<16x1xf32>
    %add3A_79 = arith.addf %add3A_71, %select_n3A_78 : vector<16x1xf32>
    %slice3A_80 = vector.extract_strided_slice %dot_general3A_61 {offsets = [0, 128], sizes = [16, 1024], strides = [1, 1]} : vector<16x1152xf32> to vector<16x1024xf32>
    %get3A_81 = arith.constant 32 : index
    %get3A_82 = arith.constant 0 : index
    %get3A_83 = vector.load %arg5[%get3A_81, %get3A_82] : memref<800x1024xf32, #tpu.memory_space<vmem>>, vector<16x1024xf32>
    %div3A_84 = arith.constant 1.000000e+00 : f32
    %div3A_85 = vector.broadcast %div3A_84 : f32 to vector<16x1xf32>
    %div3A_86 = arith.divf %div3A_85, %slice3A_62 : vector<16x1xf32>
    %mul3A_87 = vector.broadcast %div3A_86 : vector<16x1xf32> to vector<16x1024xf32>
    %mul3A_88 = arith.mulf %get3A_83, %mul3A_87 : vector<16x1024xf32>
    %mul3A_89 = arith.constant 1.60381082E-28 : f32
    %mul3A_90 = vector.broadcast %mul3A_89 : f32 to vector<16x1xf32>
    %mul3A_91 = arith.mulf %mul3A_90, %slice3A_62 : vector<16x1xf32>
    %max3A_92 = vector.broadcast %mul3A_91 : vector<16x1xf32> to vector<16x1024xf32>
    %max3A_93 = arith.maximumf %slice3A_80, %max3A_92 : vector<16x1024xf32>
    %mul3A_94 = arith.mulf %max3A_93, %mul3A_88 : vector<16x1024xf32>
    %convert_element_type3A_95 = arith.truncf %mul3A_94 : vector<16x1024xf32> to vector<16x1024xbf16>
    %get3A_96 = arith.constant 0 : index
    %get3A_97 = arith.constant 0 : index
    %get3A_98 = vector.load %arg1[%get3A_96, %get3A_97] : memref<1024x1152xbf16, #tpu.memory_space<vmem>>, vector<1024x1152xbf16>
    %dot_general3A_99 = arith.constant dense<0.000000e+00> : vector<16x1152xf32>
    %dot_general3A_100 = tpu.matmul %convert_element_type3A_95, %get3A_98, %dot_general3A_99 {dimension_numbers = #tpu.dot_dimension_numbers<[1], [0], [0], [1], [0, 0, 1, 1], [], []>, transpose_lhs_hint = false} : vector<16x1024xbf16>, vector<1024x1152xbf16>, vector<16x1152xf32> -> vector<16x1152xf32>
    %slice3A_101 = vector.extract_strided_slice %dot_general3A_100 {offsets = [0, 0], sizes = [16, 1], strides = [1, 1]} : vector<16x1152xf32> to vector<16x1xf32>
    %slice3A_102 = vector.extract_strided_slice %dot_general3A_100 {offsets = [0, 1], sizes = [16, 1], strides = [1, 1]} : vector<16x1152xf32> to vector<16x1xf32>
    %eq3A_103 = arith.constant 3 : i32
    %eq3A_104 = vector.broadcast %eq3A_103 : i32 to vector<16x1xi32>
    %eq3A_105 = arith.cmpi eq, %get3A_6, %eq3A_104 : vector<16x1xi32>
    %log3A_106 = math.log %slice3A_102 : vector<16x1xf32>
    %jit3A_107 = arith.constant 0.000000e+00 : f32
    %broadcast_in_dim3A_108 = vector.broadcast %jit3A_107 : f32 to vector<16x1xf32>
    %select_n3A_109 = arith.select %eq3A_105, %log3A_106, %broadcast_in_dim3A_108 : vector<16x1xi1>, vector<16x1xf32>
    %add3A_110 = arith.addf %add3A_79, %select_n3A_109 : vector<16x1xf32>
    %gt3A_111 = arith.constant 3 : i32
    %gt3A_112 = vector.broadcast %gt3A_111 : i32 to vector<16x1xi32>
    %gt3A_113 = arith.cmpi sgt, %get3A_6, %gt3A_112 : vector<16x1xi32>
    %log3A_114 = math.log %slice3A_101 : vector<16x1xf32>
    %jit3A_115 = arith.constant 0.000000e+00 : f32
    %broadcast_in_dim3A_116 = vector.broadcast %jit3A_115 : f32 to vector<16x1xf32>
    %select_n3A_117 = arith.select %gt3A_113, %log3A_114, %broadcast_in_dim3A_116 : vector<16x1xi1>, vector<16x1xf32>
    %add3A_118 = arith.addf %add3A_110, %select_n3A_117 : vector<16x1xf32>
    %slice3A_119 = vector.extract_strided_slice %dot_general3A_100 {offsets = [0, 128], sizes = [16, 1024], strides = [1, 1]} : vector<16x1152xf32> to vector<16x1024xf32>
    %get3A_120 = arith.constant 48 : index
    %get3A_121 = arith.constant 0 : index
    %get3A_122 = vector.load %arg5[%get3A_120, %get3A_121] : memref<800x1024xf32, #tpu.memory_space<vmem>>, vector<16x1024xf32>
    %div3A_123 = arith.constant 1.000000e+00 : f32
    %div3A_124 = vector.broadcast %div3A_123 : f32 to vector<16x1xf32>
    %div3A_125 = arith.divf %div3A_124, %slice3A_101 : vector<16x1xf32>
    %mul3A_126 = vector.broadcast %div3A_125 : vector<16x1xf32> to vector<16x1024xf32>
    %mul3A_127 = arith.mulf %get3A_122, %mul3A_126 : vector<16x1024xf32>
    %mul3A_128 = arith.constant 1.60381082E-28 : f32
    %mul3A_129 = vector.broadcast %mul3A_128 : f32 to vector<16x1xf32>
    %mul3A_130 = arith.mulf %mul3A_129, %slice3A_101 : vector<16x1xf32>
    %max3A_131 = vector.broadcast %mul3A_130 : vector<16x1xf32> to vector<16x1024xf32>
    %max3A_132 = arith.maximumf %slice3A_119, %max3A_131 : vector<16x1024xf32>
    %mul3A_133 = arith.mulf %max3A_132, %mul3A_127 : vector<16x1024xf32>
    %convert_element_type3A_134 = arith.truncf %mul3A_133 : vector<16x1024xf32> to vector<16x1024xbf16>
    %get3A_135 = arith.constant 0 : index
    %get3A_136 = arith.constant 0 : index
    %get3A_137 = vector.load %arg1[%get3A_135, %get3A_136] : memref<1024x1152xbf16, #tpu.memory_space<vmem>>, vector<1024x1152xbf16>
    %dot_general3A_138 = arith.constant dense<0.000000e+00> : vector<16x1152xf32>
    %dot_general3A_139 = tpu.matmul %convert_element_type3A_134, %get3A_137, %dot_general3A_138 {dimension_numbers = #tpu.dot_dimension_numbers<[1], [0], [0], [1], [0, 0, 1, 1], [], []>, transpose_lhs_hint = false} : vector<16x1024xbf16>, vector<1024x1152xbf16>, vector<16x1152xf32> -> vector<16x1152xf32>
    %slice3A_140 = vector.extract_strided_slice %dot_general3A_139 {offsets = [0, 0], sizes = [16, 1], strides = [1, 1]} : vector<16x1152xf32> to vector<16x1xf32>
    %slice3A_141 = vector.extract_strided_slice %dot_general3A_139 {offsets = [0, 1], sizes = [16, 1], strides = [1, 1]} : vector<16x1152xf32> to vector<16x1xf32>
    %eq3A_142 = arith.constant 4 : i32
    %eq3A_143 = vector.broadcast %eq3A_142 : i32 to vector<16x1xi32>
    %eq3A_144 = arith.cmpi eq, %get3A_6, %eq3A_143 : vector<16x1xi32>
    %log3A_145 = math.log %slice3A_141 : vector<16x1xf32>
    %jit3A_146 = arith.constant 0.000000e+00 : f32
    %broadcast_in_dim3A_147 = vector.broadcast %jit3A_146 : f32 to vector<16x1xf32>
    %select_n3A_148 = arith.select %eq3A_144, %log3A_145, %broadcast_in_dim3A_147 : vector<16x1xi1>, vector<16x1xf32>
    %add3A_149 = arith.addf %add3A_118, %select_n3A_148 : vector<16x1xf32>
    %gt3A_150 = arith.constant 4 : i32
    %gt3A_151 = vector.broadcast %gt3A_150 : i32 to vector<16x1xi32>
    %gt3A_152 = arith.cmpi sgt, %get3A_6, %gt3A_151 : vector<16x1xi32>
    %log3A_153 = math.log %slice3A_140 : vector<16x1xf32>
    %jit3A_154 = arith.constant 0.000000e+00 : f32
    %broadcast_in_dim3A_155 = vector.broadcast %jit3A_154 : f32 to vector<16x1xf32>
    %select_n3A_156 = arith.select %gt3A_152, %log3A_153, %broadcast_in_dim3A_155 : vector<16x1xi1>, vector<16x1xf32>
    %add3A_157 = arith.addf %add3A_149, %select_n3A_156 : vector<16x1xf32>
    %slice3A_158 = vector.extract_strided_slice %dot_general3A_139 {offsets = [0, 128], sizes = [16, 1024], strides = [1, 1]} : vector<16x1152xf32> to vector<16x1024xf32>
    %get3A_159 = arith.constant 64 : index
    %get3A_160 = arith.constant 0 : index
    %get3A_161 = vector.load %arg5[%get3A_159, %get3A_160] : memref<800x1024xf32, #tpu.memory_space<vmem>>, vector<16x1024xf32>
    %div3A_162 = arith.constant 1.000000e+00 : f32
    %div3A_163 = vector.broadcast %div3A_162 : f32 to vector<16x1xf32>
    %div3A_164 = arith.divf %div3A_163, %slice3A_140 : vector<16x1xf32>
    %mul3A_165 = vector.broadcast %div3A_164 : vector<16x1xf32> to vector<16x1024xf32>
    %mul3A_166 = arith.mulf %get3A_161, %mul3A_165 : vector<16x1024xf32>
    %mul3A_167 = arith.constant 1.60381082E-28 : f32
    %mul3A_168 = vector.broadcast %mul3A_167 : f32 to vector<16x1xf32>
    %mul3A_169 = arith.mulf %mul3A_168, %slice3A_140 : vector<16x1xf32>
    %max3A_170 = vector.broadcast %mul3A_169 : vector<16x1xf32> to vector<16x1024xf32>
    %max3A_171 = arith.maximumf %slice3A_158, %max3A_170 : vector<16x1024xf32>
    %mul3A_172 = arith.mulf %max3A_171, %mul3A_166 : vector<16x1024xf32>
    %convert_element_type3A_173 = arith.truncf %mul3A_172 : vector<16x1024xf32> to vector<16x1024xbf16>
    %get3A_174 = arith.constant 0 : index
    %get3A_175 = arith.constant 0 : index
    %get3A_176 = vector.load %arg1[%get3A_174, %get3A_175] : memref<1024x1152xbf16, #tpu.memory_space<vmem>>, vector<1024x1152xbf16>
    %dot_general3A_177 = arith.constant dense<0.000000e+00> : vector<16x1152xf32>
    %dot_general3A_178 = tpu.matmul %convert_element_type3A_173, %get3A_176, %dot_general3A_177 {dimension_numbers = #tpu.dot_dimension_numbers<[1], [0], [0], [1], [0, 0, 1, 1], [], []>, transpose_lhs_hint = false} : vector<16x1024xbf16>, vector<1024x1152xbf16>, vector<16x1152xf32> -> vector<16x1152xf32>
    %slice3A_179 = vector.extract_strided_slice %dot_general3A_178 {offsets = [0, 0], sizes = [16, 1], strides = [1, 1]} : vector<16x1152xf32> to vector<16x1xf32>
    %slice3A_180 = vector.extract_strided_slice %dot_general3A_178 {offsets = [0, 1], sizes = [16, 1], strides = [1, 1]} : vector<16x1152xf32> to vector<16x1xf32>
    %eq3A_181 = arith.constant 5 : i32
    %eq3A_182 = vector.broadcast %eq3A_181 : i32 to vector<16x1xi32>
    %eq3A_183 = arith.cmpi eq, %get3A_6, %eq3A_182 : vector<16x1xi32>
    %log3A_184 = math.log %slice3A_180 : vector<16x1xf32>
    %jit3A_185 = arith.constant 0.000000e+00 : f32
    %broadcast_in_dim3A_186 = vector.broadcast %jit3A_185 : f32 to vector<16x1xf32>
    %select_n3A_187 = arith.select %eq3A_183, %log3A_184, %broadcast_in_dim3A_186 : vector<16x1xi1>, vector<16x1xf32>
    %add3A_188 = arith.addf %add3A_157, %select_n3A_187 : vector<16x1xf32>
    %gt3A_189 = arith.constant 5 : i32
    %gt3A_190 = vector.broadcast %gt3A_189 : i32 to vector<16x1xi32>
    %gt3A_191 = arith.cmpi sgt, %get3A_6, %gt3A_190 : vector<16x1xi32>
    %log3A_192 = math.log %slice3A_179 : vector<16x1xf32>
    %jit3A_193 = arith.constant 0.000000e+00 : f32
    %broadcast_in_dim3A_194 = vector.broadcast %jit3A_193 : f32 to vector<16x1xf32>
    %select_n3A_195 = arith.select %gt3A_191, %log3A_192, %broadcast_in_dim3A_194 : vector<16x1xi1>, vector<16x1xf32>
    %add3A_196 = arith.addf %add3A_188, %select_n3A_195 : vector<16x1xf32>
    %slice3A_197 = vector.extract_strided_slice %dot_general3A_178 {offsets = [0, 128], sizes = [16, 1024], strides = [1, 1]} : vector<16x1152xf32> to vector<16x1024xf32>
    %get3A_198 = arith.constant 80 : index
    %get3A_199 = arith.constant 0 : index
    %get3A_200 = vector.load %arg5[%get3A_198, %get3A_199] : memref<800x1024xf32, #tpu.memory_space<vmem>>, vector<16x1024xf32>
    %div3A_201 = arith.constant 1.000000e+00 : f32
    %div3A_202 = vector.broadcast %div3A_201 : f32 to vector<16x1xf32>
    %div3A_203 = arith.divf %div3A_202, %slice3A_179 : vector<16x1xf32>
    %mul3A_204 = vector.broadcast %div3A_203 : vector<16x1xf32> to vector<16x1024xf32>
    %mul3A_205 = arith.mulf %get3A_200, %mul3A_204 : vector<16x1024xf32>
    %mul3A_206 = arith.constant 1.60381082E-28 : f32
    %mul3A_207 = vector.broadcast %mul3A_206 : f32 to vector<16x1xf32>
    %mul3A_208 = arith.mulf %mul3A_207, %slice3A_179 : vector<16x1xf32>
    %max3A_209 = vector.broadcast %mul3A_208 : vector<16x1xf32> to vector<16x1024xf32>
    %max3A_210 = arith.maximumf %slice3A_197, %max3A_209 : vector<16x1024xf32>
    %mul3A_211 = arith.mulf %max3A_210, %mul3A_205 : vector<16x1024xf32>
    %convert_element_type3A_212 = arith.truncf %mul3A_211 : vector<16x1024xf32> to vector<16x1024xbf16>
    %get3A_213 = arith.constant 0 : index
    %get3A_214 = arith.constant 0 : index
    %get3A_215 = vector.load %arg1[%get3A_213, %get3A_214] : memref<1024x1152xbf16, #tpu.memory_space<vmem>>, vector<1024x1152xbf16>
    %dot_general3A_216 = arith.constant dense<0.000000e+00> : vector<16x1152xf32>
    %dot_general3A_217 = tpu.matmul %convert_element_type3A_212, %get3A_215, %dot_general3A_216 {dimension_numbers = #tpu.dot_dimension_numbers<[1], [0], [0], [1], [0, 0, 1, 1], [], []>, transpose_lhs_hint = false} : vector<16x1024xbf16>, vector<1024x1152xbf16>, vector<16x1152xf32> -> vector<16x1152xf32>
    %slice3A_218 = vector.extract_strided_slice %dot_general3A_217 {offsets = [0, 0], sizes = [16, 1], strides = [1, 1]} : vector<16x1152xf32> to vector<16x1xf32>
    %slice3A_219 = vector.extract_strided_slice %dot_general3A_217 {offsets = [0, 1], sizes = [16, 1], strides = [1, 1]} : vector<16x1152xf32> to vector<16x1xf32>
    %eq3A_220 = arith.constant 6 : i32
    %eq3A_221 = vector.broadcast %eq3A_220 : i32 to vector<16x1xi32>
    %eq3A_222 = arith.cmpi eq, %get3A_6, %eq3A_221 : vector<16x1xi32>
    %log3A_223 = math.log %slice3A_219 : vector<16x1xf32>
    %jit3A_224 = arith.constant 0.000000e+00 : f32
    %broadcast_in_dim3A_225 = vector.broadcast %jit3A_224 : f32 to vector<16x1xf32>
    %select_n3A_226 = arith.select %eq3A_222, %log3A_223, %broadcast_in_dim3A_225 : vector<16x1xi1>, vector<16x1xf32>
    %add3A_227 = arith.addf %add3A_196, %select_n3A_226 : vector<16x1xf32>
    %gt3A_228 = arith.constant 6 : i32
    %gt3A_229 = vector.broadcast %gt3A_228 : i32 to vector<16x1xi32>
    %gt3A_230 = arith.cmpi sgt, %get3A_6, %gt3A_229 : vector<16x1xi32>
    %log3A_231 = math.log %slice3A_218 : vector<16x1xf32>
    %jit3A_232 = arith.constant 0.000000e+00 : f32
    %broadcast_in_dim3A_233 = vector.broadcast %jit3A_232 : f32 to vector<16x1xf32>
    %select_n3A_234 = arith.select %gt3A_230, %log3A_231, %broadcast_in_dim3A_233 : vector<16x1xi1>, vector<16x1xf32>
    %add3A_235 = arith.addf %add3A_227, %select_n3A_234 : vector<16x1xf32>
    %slice3A_236 = vector.extract_strided_slice %dot_general3A_217 {offsets = [0, 128], sizes = [16, 1024], strides = [1, 1]} : vector<16x1152xf32> to vector<16x1024xf32>
    %get3A_237 = arith.constant 96 : index
    %get3A_238 = arith.constant 0 : index
    %get3A_239 = vector.load %arg5[%get3A_237, %get3A_238] : memref<800x1024xf32, #tpu.memory_space<vmem>>, vector<16x1024xf32>
    %div3A_240 = arith.constant 1.000000e+00 : f32
    %div3A_241 = vector.broadcast %div3A_240 : f32 to vector<16x1xf32>
    %div3A_242 = arith.divf %div3A_241, %slice3A_218 : vector<16x1xf32>
    %mul3A_243 = vector.broadcast %div3A_242 : vector<16x1xf32> to vector<16x1024xf32>
    %mul3A_244 = arith.mulf %get3A_239, %mul3A_243 : vector<16x1024xf32>
    %mul3A_245 = arith.constant 1.60381082E-28 : f32
    %mul3A_246 = vector.broadcast %mul3A_245 : f32 to vector<16x1xf32>
    %mul3A_247 = arith.mulf %mul3A_246, %slice3A_218 : vector<16x1xf32>
    %max3A_248 = vector.broadcast %mul3A_247 : vector<16x1xf32> to vector<16x1024xf32>
    %max3A_249 = arith.maximumf %slice3A_236, %max3A_248 : vector<16x1024xf32>
    %mul3A_250 = arith.mulf %max3A_249, %mul3A_244 : vector<16x1024xf32>
    %convert_element_type3A_251 = arith.truncf %mul3A_250 : vector<16x1024xf32> to vector<16x1024xbf16>
    %get3A_252 = arith.constant 0 : index
    %get3A_253 = arith.constant 0 : index
    %get3A_254 = vector.load %arg1[%get3A_252, %get3A_253] : memref<1024x1152xbf16, #tpu.memory_space<vmem>>, vector<1024x1152xbf16>
    %dot_general3A_255 = arith.constant dense<0.000000e+00> : vector<16x1152xf32>
    %dot_general3A_256 = tpu.matmul %convert_element_type3A_251, %get3A_254, %dot_general3A_255 {dimension_numbers = #tpu.dot_dimension_numbers<[1], [0], [0], [1], [0, 0, 1, 1], [], []>, transpose_lhs_hint = false} : vector<16x1024xbf16>, vector<1024x1152xbf16>, vector<16x1152xf32> -> vector<16x1152xf32>
    %slice3A_257 = vector.extract_strided_slice %dot_general3A_256 {offsets = [0, 0], sizes = [16, 1], strides = [1, 1]} : vector<16x1152xf32> to vector<16x1xf32>
    %slice3A_258 = vector.extract_strided_slice %dot_general3A_256 {offsets = [0, 1], sizes = [16, 1], strides = [1, 1]} : vector<16x1152xf32> to vector<16x1xf32>
    %eq3A_259 = arith.constant 7 : i32
    %eq3A_260 = vector.broadcast %eq3A_259 : i32 to vector<16x1xi32>
    %eq3A_261 = arith.cmpi eq, %get3A_6, %eq3A_260 : vector<16x1xi32>
    %log3A_262 = math.log %slice3A_258 : vector<16x1xf32>
    %jit3A_263 = arith.constant 0.000000e+00 : f32
    %broadcast_in_dim3A_264 = vector.broadcast %jit3A_263 : f32 to vector<16x1xf32>
    %select_n3A_265 = arith.select %eq3A_261, %log3A_262, %broadcast_in_dim3A_264 : vector<16x1xi1>, vector<16x1xf32>
    %add3A_266 = arith.addf %add3A_235, %select_n3A_265 : vector<16x1xf32>
    %gt3A_267 = arith.constant 7 : i32
    %gt3A_268 = vector.broadcast %gt3A_267 : i32 to vector<16x1xi32>
    %gt3A_269 = arith.cmpi sgt, %get3A_6, %gt3A_268 : vector<16x1xi32>
    %log3A_270 = math.log %slice3A_257 : vector<16x1xf32>
    %jit3A_271 = arith.constant 0.000000e+00 : f32
    %broadcast_in_dim3A_272 = vector.broadcast %jit3A_271 : f32 to vector<16x1xf32>
    %select_n3A_273 = arith.select %gt3A_269, %log3A_270, %broadcast_in_dim3A_272 : vector<16x1xi1>, vector<16x1xf32>
    %add3A_274 = arith.addf %add3A_266, %select_n3A_273 : vector<16x1xf32>
    %slice3A_275 = vector.extract_strided_slice %dot_general3A_256 {offsets = [0, 128], sizes = [16, 1024], strides = [1, 1]} : vector<16x1152xf32> to vector<16x1024xf32>
    %get3A_276 = arith.constant 112 : index
    %get3A_277 = arith.constant 0 : index
    %get3A_278 = vector.load %arg5[%get3A_276, %get3A_277] : memref<800x1024xf32, #tpu.memory_space<vmem>>, vector<16x1024xf32>
    %div3A_279 = arith.constant 1.000000e+00 : f32
    %div3A_280 = vector.broadcast %div3A_279 : f32 to vector<16x1xf32>
    %div3A_281 = arith.divf %div3A_280, %slice3A_257 : vector<16x1xf32>
    %mul3A_282 = vector.broadcast %div3A_281 : vector<16x1xf32> to vector<16x1024xf32>
    %mul3A_283 = arith.mulf %get3A_278, %mul3A_282 : vector<16x1024xf32>
    %mul3A_284 = arith.constant 1.60381082E-28 : f32
    %mul3A_285 = vector.broadcast %mul3A_284 : f32 to vector<16x1xf32>
    %mul3A_286 = arith.mulf %mul3A_285, %slice3A_257 : vector<16x1xf32>
    %max3A_287 = vector.broadcast %mul3A_286 : vector<16x1xf32> to vector<16x1024xf32>
    %max3A_288 = arith.maximumf %slice3A_275, %max3A_287 : vector<16x1024xf32>
    %mul3A_289 = arith.mulf %max3A_288, %mul3A_283 : vector<16x1024xf32>
    %convert_element_type3A_290 = arith.truncf %mul3A_289 : vector<16x1024xf32> to vector<16x1024xbf16>
    %get3A_291 = arith.constant 0 : index
    %get3A_292 = arith.constant 0 : index
    %get3A_293 = vector.load %arg1[%get3A_291, %get3A_292] : memref<1024x1152xbf16, #tpu.memory_space<vmem>>, vector<1024x1152xbf16>
    %dot_general3A_294 = arith.constant dense<0.000000e+00> : vector<16x1152xf32>
    %dot_general3A_295 = tpu.matmul %convert_element_type3A_290, %get3A_293, %dot_general3A_294 {dimension_numbers = #tpu.dot_dimension_numbers<[1], [0], [0], [1], [0, 0, 1, 1], [], []>, transpose_lhs_hint = false} : vector<16x1024xbf16>, vector<1024x1152xbf16>, vector<16x1152xf32> -> vector<16x1152xf32>
    %slice3A_296 = vector.extract_strided_slice %dot_general3A_295 {offsets = [0, 0], sizes = [16, 1], strides = [1, 1]} : vector<16x1152xf32> to vector<16x1xf32>
    %slice3A_297 = vector.extract_strided_slice %dot_general3A_295 {offsets = [0, 1], sizes = [16, 1], strides = [1, 1]} : vector<16x1152xf32> to vector<16x1xf32>
    %eq3A_298 = arith.constant 8 : i32
    %eq3A_299 = vector.broadcast %eq3A_298 : i32 to vector<16x1xi32>
    %eq3A_300 = arith.cmpi eq, %get3A_6, %eq3A_299 : vector<16x1xi32>
    %log3A_301 = math.log %slice3A_297 : vector<16x1xf32>
    %jit3A_302 = arith.constant 0.000000e+00 : f32
    %broadcast_in_dim3A_303 = vector.broadcast %jit3A_302 : f32 to vector<16x1xf32>
    %select_n3A_304 = arith.select %eq3A_300, %log3A_301, %broadcast_in_dim3A_303 : vector<16x1xi1>, vector<16x1xf32>
    %add3A_305 = arith.addf %add3A_274, %select_n3A_304 : vector<16x1xf32>
    %gt3A_306 = arith.constant 8 : i32
    %gt3A_307 = vector.broadcast %gt3A_306 : i32 to vector<16x1xi32>
    %gt3A_308 = arith.cmpi sgt, %get3A_6, %gt3A_307 : vector<16x1xi32>
    %log3A_309 = math.log %slice3A_296 : vector<16x1xf32>
    %jit3A_310 = arith.constant 0.000000e+00 : f32
    %broadcast_in_dim3A_311 = vector.broadcast %jit3A_310 : f32 to vector<16x1xf32>
    %select_n3A_312 = arith.select %gt3A_308, %log3A_309, %broadcast_in_dim3A_311 : vector<16x1xi1>, vector<16x1xf32>
    %add3A_313 = arith.addf %add3A_305, %select_n3A_312 : vector<16x1xf32>
    %slice3A_314 = vector.extract_strided_slice %dot_general3A_295 {offsets = [0, 128], sizes = [16, 1024], strides = [1, 1]} : vector<16x1152xf32> to vector<16x1024xf32>
    %get3A_315 = arith.constant 128 : index
    %get3A_316 = arith.constant 0 : index
    %get3A_317 = vector.load %arg5[%get3A_315, %get3A_316] : memref<800x1024xf32, #tpu.memory_space<vmem>>, vector<16x1024xf32>
    %div3A_318 = arith.constant 1.000000e+00 : f32
    %div3A_319 = vector.broadcast %div3A_318 : f32 to vector<16x1xf32>
    %div3A_320 = arith.divf %div3A_319, %slice3A_296 : vector<16x1xf32>
    %mul3A_321 = vector.broadcast %div3A_320 : vector<16x1xf32> to vector<16x1024xf32>
    %mul3A_322 = arith.mulf %get3A_317, %mul3A_321 : vector<16x1024xf32>
    %mul3A_323 = arith.constant 1.60381082E-28 : f32
    %mul3A_324 = vector.broadcast %mul3A_323 : f32 to vector<16x1xf32>
    %mul3A_325 = arith.mulf %mul3A_324, %slice3A_296 : vector<16x1xf32>
    %max3A_326 = vector.broadcast %mul3A_325 : vector<16x1xf32> to vector<16x1024xf32>
    %max3A_327 = arith.maximumf %slice3A_314, %max3A_326 : vector<16x1024xf32>
    %mul3A_328 = arith.mulf %max3A_327, %mul3A_322 : vector<16x1024xf32>
    %convert_element_type3A_329 = arith.truncf %mul3A_328 : vector<16x1024xf32> to vector<16x1024xbf16>
    %get3A_330 = arith.constant 0 : index
    %get3A_331 = arith.constant 0 : index
    %get3A_332 = vector.load %arg1[%get3A_330, %get3A_331] : memref<1024x1152xbf16, #tpu.memory_space<vmem>>, vector<1024x1152xbf16>
    %dot_general3A_333 = arith.constant dense<0.000000e+00> : vector<16x1152xf32>
    %dot_general3A_334 = tpu.matmul %convert_element_type3A_329, %get3A_332, %dot_general3A_333 {dimension_numbers = #tpu.dot_dimension_numbers<[1], [0], [0], [1], [0, 0, 1, 1], [], []>, transpose_lhs_hint = false} : vector<16x1024xbf16>, vector<1024x1152xbf16>, vector<16x1152xf32> -> vector<16x1152xf32>
    %slice3A_335 = vector.extract_strided_slice %dot_general3A_334 {offsets = [0, 0], sizes = [16, 1], strides = [1, 1]} : vector<16x1152xf32> to vector<16x1xf32>
    %slice3A_336 = vector.extract_strided_slice %dot_general3A_334 {offsets = [0, 1], sizes = [16, 1], strides = [1, 1]} : vector<16x1152xf32> to vector<16x1xf32>
    %eq3A_337 = arith.constant 9 : i32
    %eq3A_338 = vector.broadcast %eq3A_337 : i32 to vector<16x1xi32>
    %eq3A_339 = arith.cmpi eq, %get3A_6, %eq3A_338 : vector<16x1xi32>
    %log3A_340 = math.log %slice3A_336 : vector<16x1xf32>
    %jit3A_341 = arith.constant 0.000000e+00 : f32
    %broadcast_in_dim3A_342 = vector.broadcast %jit3A_341 : f32 to vector<16x1xf32>
    %select_n3A_343 = arith.select %eq3A_339, %log3A_340, %broadcast_in_dim3A_342 : vector<16x1xi1>, vector<16x1xf32>
    %add3A_344 = arith.addf %add3A_313, %select_n3A_343 : vector<16x1xf32>
    %gt3A_345 = arith.constant 9 : i32
    %gt3A_346 = vector.broadcast %gt3A_345 : i32 to vector<16x1xi32>
    %gt3A_347 = arith.cmpi sgt, %get3A_6, %gt3A_346 : vector<16x1xi32>
    %log3A_348 = math.log %slice3A_335 : vector<16x1xf32>
    %jit3A_349 = arith.constant 0.000000e+00 : f32
    %broadcast_in_dim3A_350 = vector.broadcast %jit3A_349 : f32 to vector<16x1xf32>
    %select_n3A_351 = arith.select %gt3A_347, %log3A_348, %broadcast_in_dim3A_350 : vector<16x1xi1>, vector<16x1xf32>
    %add3A_352 = arith.addf %add3A_344, %select_n3A_351 : vector<16x1xf32>
    %slice3A_353 = vector.extract_strided_slice %dot_general3A_334 {offsets = [0, 128], sizes = [16, 1024], strides = [1, 1]} : vector<16x1152xf32> to vector<16x1024xf32>
    %get3A_354 = arith.constant 144 : index
    %get3A_355 = arith.constant 0 : index
    %get3A_356 = vector.load %arg5[%get3A_354, %get3A_355] : memref<800x1024xf32, #tpu.memory_space<vmem>>, vector<16x1024xf32>
    %div3A_357 = arith.constant 1.000000e+00 : f32
    %div3A_358 = vector.broadcast %div3A_357 : f32 to vector<16x1xf32>
    %div3A_359 = arith.divf %div3A_358, %slice3A_335 : vector<16x1xf32>
    %mul3A_360 = vector.broadcast %div3A_359 : vector<16x1xf32> to vector<16x1024xf32>
    %mul3A_361 = arith.mulf %get3A_356, %mul3A_360 : vector<16x1024xf32>
    %mul3A_362 = arith.constant 1.60381082E-28 : f32
    %mul3A_363 = vector.broadcast %mul3A_362 : f32 to vector<16x1xf32>
    %mul3A_364 = arith.mulf %mul3A_363, %slice3A_335 : vector<16x1xf32>
    %max3A_365 = vector.broadcast %mul3A_364 : vector<16x1xf32> to vector<16x1024xf32>
    %max3A_366 = arith.maximumf %slice3A_353, %max3A_365 : vector<16x1024xf32>
    %mul3A_367 = arith.mulf %max3A_366, %mul3A_361 : vector<16x1024xf32>
    %convert_element_type3A_368 = arith.truncf %mul3A_367 : vector<16x1024xf32> to vector<16x1024xbf16>
    %get3A_369 = arith.constant 0 : index
    %get3A_370 = arith.constant 0 : index
    %get3A_371 = vector.load %arg1[%get3A_369, %get3A_370] : memref<1024x1152xbf16, #tpu.memory_space<vmem>>, vector<1024x1152xbf16>
    %dot_general3A_372 = arith.constant dense<0.000000e+00> : vector<16x1152xf32>
    %dot_general3A_373 = tpu.matmul %convert_element_type3A_368, %get3A_371, %dot_general3A_372 {dimension_numbers = #tpu.dot_dimension_numbers<[1], [0], [0], [1], [0, 0, 1, 1], [], []>, transpose_lhs_hint = false} : vector<16x1024xbf16>, vector<1024x1152xbf16>, vector<16x1152xf32> -> vector<16x1152xf32>
    %slice3A_374 = vector.extract_strided_slice %dot_general3A_373 {offsets = [0, 0], sizes = [16, 1], strides = [1, 1]} : vector<16x1152xf32> to vector<16x1xf32>
    %slice3A_375 = vector.extract_strided_slice %dot_general3A_373 {offsets = [0, 1], sizes = [16, 1], strides = [1, 1]} : vector<16x1152xf32> to vector<16x1xf32>
    %eq3A_376 = arith.constant 10 : i32
    %eq3A_377 = vector.broadcast %eq3A_376 : i32 to vector<16x1xi32>
    %eq3A_378 = arith.cmpi eq, %get3A_6, %eq3A_377 : vector<16x1xi32>
    %log3A_379 = math.log %slice3A_375 : vector<16x1xf32>
    %jit3A_380 = arith.constant 0.000000e+00 : f32
    %broadcast_in_dim3A_381 = vector.broadcast %jit3A_380 : f32 to vector<16x1xf32>
    %select_n3A_382 = arith.select %eq3A_378, %log3A_379, %broadcast_in_dim3A_381 : vector<16x1xi1>, vector<16x1xf32>
    %add3A_383 = arith.addf %add3A_352, %select_n3A_382 : vector<16x1xf32>
    %gt3A_384 = arith.constant 10 : i32
    %gt3A_385 = vector.broadcast %gt3A_384 : i32 to vector<16x1xi32>
    %gt3A_386 = arith.cmpi sgt, %get3A_6, %gt3A_385 : vector<16x1xi32>
    %log3A_387 = math.log %slice3A_374 : vector<16x1xf32>
    %jit3A_388 = arith.constant 0.000000e+00 : f32
    %broadcast_in_dim3A_389 = vector.broadcast %jit3A_388 : f32 to vector<16x1xf32>
    %select_n3A_390 = arith.select %gt3A_386, %log3A_387, %broadcast_in_dim3A_389 : vector<16x1xi1>, vector<16x1xf32>
    %add3A_391 = arith.addf %add3A_383, %select_n3A_390 : vector<16x1xf32>
    %slice3A_392 = vector.extract_strided_slice %dot_general3A_373 {offsets = [0, 128], sizes = [16, 1024], strides = [1, 1]} : vector<16x1152xf32> to vector<16x1024xf32>
    %get3A_393 = arith.constant 160 : index
    %get3A_394 = arith.constant 0 : index
    %get3A_395 = vector.load %arg5[%get3A_393, %get3A_394] : memref<800x1024xf32, #tpu.memory_space<vmem>>, vector<16x1024xf32>
    %div3A_396 = arith.constant 1.000000e+00 : f32
    %div3A_397 = vector.broadcast %div3A_396 : f32 to vector<16x1xf32>
    %div3A_398 = arith.divf %div3A_397, %slice3A_374 : vector<16x1xf32>
    %mul3A_399 = vector.broadcast %div3A_398 : vector<16x1xf32> to vector<16x1024xf32>
    %mul3A_400 = arith.mulf %get3A_395, %mul3A_399 : vector<16x1024xf32>
    %mul3A_401 = arith.constant 1.60381082E-28 : f32
    %mul3A_402 = vector.broadcast %mul3A_401 : f32 to vector<16x1xf32>
    %mul3A_403 = arith.mulf %mul3A_402, %slice3A_374 : vector<16x1xf32>
    %max3A_404 = vector.broadcast %mul3A_403 : vector<16x1xf32> to vector<16x1024xf32>
    %max3A_405 = arith.maximumf %slice3A_392, %max3A_404 : vector<16x1024xf32>
    %mul3A_406 = arith.mulf %max3A_405, %mul3A_400 : vector<16x1024xf32>
    %convert_element_type3A_407 = arith.truncf %mul3A_406 : vector<16x1024xf32> to vector<16x1024xbf16>
    %get3A_408 = arith.constant 0 : index
    %get3A_409 = arith.constant 0 : index
    %get3A_410 = vector.load %arg1[%get3A_408, %get3A_409] : memref<1024x1152xbf16, #tpu.memory_space<vmem>>, vector<1024x1152xbf16>
    %dot_general3A_411 = arith.constant dense<0.000000e+00> : vector<16x1152xf32>
    %dot_general3A_412 = tpu.matmul %convert_element_type3A_407, %get3A_410, %dot_general3A_411 {dimension_numbers = #tpu.dot_dimension_numbers<[1], [0], [0], [1], [0, 0, 1, 1], [], []>, transpose_lhs_hint = false} : vector<16x1024xbf16>, vector<1024x1152xbf16>, vector<16x1152xf32> -> vector<16x1152xf32>
    %slice3A_413 = vector.extract_strided_slice %dot_general3A_412 {offsets = [0, 0], sizes = [16, 1], strides = [1, 1]} : vector<16x1152xf32> to vector<16x1xf32>
    %slice3A_414 = vector.extract_strided_slice %dot_general3A_412 {offsets = [0, 1], sizes = [16, 1], strides = [1, 1]} : vector<16x1152xf32> to vector<16x1xf32>
    %eq3A_415 = arith.constant 11 : i32
    %eq3A_416 = vector.broadcast %eq3A_415 : i32 to vector<16x1xi32>
    %eq3A_417 = arith.cmpi eq, %get3A_6, %eq3A_416 : vector<16x1xi32>
    %log3A_418 = math.log %slice3A_414 : vector<16x1xf32>
    %jit3A_419 = arith.constant 0.000000e+00 : f32
    %broadcast_in_dim3A_420 = vector.broadcast %jit3A_419 : f32 to vector<16x1xf32>
    %select_n3A_421 = arith.select %eq3A_417, %log3A_418, %broadcast_in_dim3A_420 : vector<16x1xi1>, vector<16x1xf32>
    %add3A_422 = arith.addf %add3A_391, %select_n3A_421 : vector<16x1xf32>
    %gt3A_423 = arith.constant 11 : i32
    %gt3A_424 = vector.broadcast %gt3A_423 : i32 to vector<16x1xi32>
    %gt3A_425 = arith.cmpi sgt, %get3A_6, %gt3A_424 : vector<16x1xi32>
    %log3A_426 = math.log %slice3A_413 : vector<16x1xf32>
    %jit3A_427 = arith.constant 0.000000e+00 : f32
    %broadcast_in_dim3A_428 = vector.broadcast %jit3A_427 : f32 to vector<16x1xf32>
    %select_n3A_429 = arith.select %gt3A_425, %log3A_426, %broadcast_in_dim3A_428 : vector<16x1xi1>, vector<16x1xf32>
    %add3A_430 = arith.addf %add3A_422, %select_n3A_429 : vector<16x1xf32>
    %slice3A_431 = vector.extract_strided_slice %dot_general3A_412 {offsets = [0, 128], sizes = [16, 1024], strides = [1, 1]} : vector<16x1152xf32> to vector<16x1024xf32>
    %get3A_432 = arith.constant 176 : index
    %get3A_433 = arith.constant 0 : index
    %get3A_434 = vector.load %arg5[%get3A_432, %get3A_433] : memref<800x1024xf32, #tpu.memory_space<vmem>>, vector<16x1024xf32>
    %div3A_435 = arith.constant 1.000000e+00 : f32
    %div3A_436 = vector.broadcast %div3A_435 : f32 to vector<16x1xf32>
    %div3A_437 = arith.divf %div3A_436, %slice3A_413 : vector<16x1xf32>
    %mul3A_438 = vector.broadcast %div3A_437 : vector<16x1xf32> to vector<16x1024xf32>
    %mul3A_439 = arith.mulf %get3A_434, %mul3A_438 : vector<16x1024xf32>
    %mul3A_440 = arith.constant 1.60381082E-28 : f32
    %mul3A_441 = vector.broadcast %mul3A_440 : f32 to vector<16x1xf32>
    %mul3A_442 = arith.mulf %mul3A_441, %slice3A_413 : vector<16x1xf32>
    %max3A_443 = vector.broadcast %mul3A_442 : vector<16x1xf32> to vector<16x1024xf32>
    %max3A_444 = arith.maximumf %slice3A_431, %max3A_443 : vector<16x1024xf32>
    %mul3A_445 = arith.mulf %max3A_444, %mul3A_439 : vector<16x1024xf32>
    %convert_element_type3A_446 = arith.truncf %mul3A_445 : vector<16x1024xf32> to vector<16x1024xbf16>
    %get3A_447 = arith.constant 0 : index
    %get3A_448 = arith.constant 0 : index
    %get3A_449 = vector.load %arg1[%get3A_447, %get3A_448] : memref<1024x1152xbf16, #tpu.memory_space<vmem>>, vector<1024x1152xbf16>
    %dot_general3A_450 = arith.constant dense<0.000000e+00> : vector<16x1152xf32>
    %dot_general3A_451 = tpu.matmul %convert_element_type3A_446, %get3A_449, %dot_general3A_450 {dimension_numbers = #tpu.dot_dimension_numbers<[1], [0], [0], [1], [0, 0, 1, 1], [], []>, transpose_lhs_hint = false} : vector<16x1024xbf16>, vector<1024x1152xbf16>, vector<16x1152xf32> -> vector<16x1152xf32>
    %slice3A_452 = vector.extract_strided_slice %dot_general3A_451 {offsets = [0, 0], sizes = [16, 1], strides = [1, 1]} : vector<16x1152xf32> to vector<16x1xf32>
    %slice3A_453 = vector.extract_strided_slice %dot_general3A_451 {offsets = [0, 1], sizes = [16, 1], strides = [1, 1]} : vector<16x1152xf32> to vector<16x1xf32>
    %eq3A_454 = arith.constant 12 : i32
    %eq3A_455 = vector.broadcast %eq3A_454 : i32 to vector<16x1xi32>
    %eq3A_456 = arith.cmpi eq, %get3A_6, %eq3A_455 : vector<16x1xi32>
    %log3A_457 = math.log %slice3A_453 : vector<16x1xf32>
    %jit3A_458 = arith.constant 0.000000e+00 : f32
    %broadcast_in_dim3A_459 = vector.broadcast %jit3A_458 : f32 to vector<16x1xf32>
    %select_n3A_460 = arith.select %eq3A_456, %log3A_457, %broadcast_in_dim3A_459 : vector<16x1xi1>, vector<16x1xf32>
    %add3A_461 = arith.addf %add3A_430, %select_n3A_460 : vector<16x1xf32>
    %gt3A_462 = arith.constant 12 : i32
    %gt3A_463 = vector.broadcast %gt3A_462 : i32 to vector<16x1xi32>
    %gt3A_464 = arith.cmpi sgt, %get3A_6, %gt3A_463 : vector<16x1xi32>
    %log3A_465 = math.log %slice3A_452 : vector<16x1xf32>
    %jit3A_466 = arith.constant 0.000000e+00 : f32
    %broadcast_in_dim3A_467 = vector.broadcast %jit3A_466 : f32 to vector<16x1xf32>
    %select_n3A_468 = arith.select %gt3A_464, %log3A_465, %broadcast_in_dim3A_467 : vector<16x1xi1>, vector<16x1xf32>
    %add3A_469 = arith.addf %add3A_461, %select_n3A_468 : vector<16x1xf32>
    %slice3A_470 = vector.extract_strided_slice %dot_general3A_451 {offsets = [0, 128], sizes = [16, 1024], strides = [1, 1]} : vector<16x1152xf32> to vector<16x1024xf32>
    %get3A_471 = arith.constant 192 : index
    %get3A_472 = arith.constant 0 : index
    %get3A_473 = vector.load %arg5[%get3A_471, %get3A_472] : memref<800x1024xf32, #tpu.memory_space<vmem>>, vector<16x1024xf32>
    %div3A_474 = arith.constant 1.000000e+00 : f32
    %div3A_475 = vector.broadcast %div3A_474 : f32 to vector<16x1xf32>
    %div3A_476 = arith.divf %div3A_475, %slice3A_452 : vector<16x1xf32>
    %mul3A_477 = vector.broadcast %div3A_476 : vector<16x1xf32> to vector<16x1024xf32>
    %mul3A_478 = arith.mulf %get3A_473, %mul3A_477 : vector<16x1024xf32>
    %mul3A_479 = arith.constant 1.60381082E-28 : f32
    %mul3A_480 = vector.broadcast %mul3A_479 : f32 to vector<16x1xf32>
    %mul3A_481 = arith.mulf %mul3A_480, %slice3A_452 : vector<16x1xf32>
    %max3A_482 = vector.broadcast %mul3A_481 : vector<16x1xf32> to vector<16x1024xf32>
    %max3A_483 = arith.maximumf %slice3A_470, %max3A_482 : vector<16x1024xf32>
    %mul3A_484 = arith.mulf %max3A_483, %mul3A_478 : vector<16x1024xf32>
    %convert_element_type3A_485 = arith.truncf %mul3A_484 : vector<16x1024xf32> to vector<16x1024xbf16>
    %get3A_486 = arith.constant 0 : index
    %get3A_487 = arith.constant 0 : index
    %get3A_488 = vector.load %arg1[%get3A_486, %get3A_487] : memref<1024x1152xbf16, #tpu.memory_space<vmem>>, vector<1024x1152xbf16>
    %dot_general3A_489 = arith.constant dense<0.000000e+00> : vector<16x1152xf32>
    %dot_general3A_490 = tpu.matmul %convert_element_type3A_485, %get3A_488, %dot_general3A_489 {dimension_numbers = #tpu.dot_dimension_numbers<[1], [0], [0], [1], [0, 0, 1, 1], [], []>, transpose_lhs_hint = false} : vector<16x1024xbf16>, vector<1024x1152xbf16>, vector<16x1152xf32> -> vector<16x1152xf32>
    %slice3A_491 = vector.extract_strided_slice %dot_general3A_490 {offsets = [0, 0], sizes = [16, 1], strides = [1, 1]} : vector<16x1152xf32> to vector<16x1xf32>
    %slice3A_492 = vector.extract_strided_slice %dot_general3A_490 {offsets = [0, 1], sizes = [16, 1], strides = [1, 1]} : vector<16x1152xf32> to vector<16x1xf32>
    %eq3A_493 = arith.constant 13 : i32
    %eq3A_494 = vector.broadcast %eq3A_493 : i32 to vector<16x1xi32>
    %eq3A_495 = arith.cmpi eq, %get3A_6, %eq3A_494 : vector<16x1xi32>
    %log3A_496 = math.log %slice3A_492 : vector<16x1xf32>
    %jit3A_497 = arith.constant 0.000000e+00 : f32
    %broadcast_in_dim3A_498 = vector.broadcast %jit3A_497 : f32 to vector<16x1xf32>
    %select_n3A_499 = arith.select %eq3A_495, %log3A_496, %broadcast_in_dim3A_498 : vector<16x1xi1>, vector<16x1xf32>
    %add3A_500 = arith.addf %add3A_469, %select_n3A_499 : vector<16x1xf32>
    %gt3A_501 = arith.constant 13 : i32
    %gt3A_502 = vector.broadcast %gt3A_501 : i32 to vector<16x1xi32>
    %gt3A_503 = arith.cmpi sgt, %get3A_6, %gt3A_502 : vector<16x1xi32>
    %log3A_504 = math.log %slice3A_491 : vector<16x1xf32>
    %jit3A_505 = arith.constant 0.000000e+00 : f32
    %broadcast_in_dim3A_506 = vector.broadcast %jit3A_505 : f32 to vector<16x1xf32>
    %select_n3A_507 = arith.select %gt3A_503, %log3A_504, %broadcast_in_dim3A_506 : vector<16x1xi1>, vector<16x1xf32>
    %add3A_508 = arith.addf %add3A_500, %select_n3A_507 : vector<16x1xf32>
    %slice3A_509 = vector.extract_strided_slice %dot_general3A_490 {offsets = [0, 128], sizes = [16, 1024], strides = [1, 1]} : vector<16x1152xf32> to vector<16x1024xf32>
    %get3A_510 = arith.constant 208 : index
    %get3A_511 = arith.constant 0 : index
    %get3A_512 = vector.load %arg5[%get3A_510, %get3A_511] : memref<800x1024xf32, #tpu.memory_space<vmem>>, vector<16x1024xf32>
    %div3A_513 = arith.constant 1.000000e+00 : f32
    %div3A_514 = vector.broadcast %div3A_513 : f32 to vector<16x1xf32>
    %div3A_515 = arith.divf %div3A_514, %slice3A_491 : vector<16x1xf32>
    %mul3A_516 = vector.broadcast %div3A_515 : vector<16x1xf32> to vector<16x1024xf32>
    %mul3A_517 = arith.mulf %get3A_512, %mul3A_516 : vector<16x1024xf32>
    %mul3A_518 = arith.constant 1.60381082E-28 : f32
    %mul3A_519 = vector.broadcast %mul3A_518 : f32 to vector<16x1xf32>
    %mul3A_520 = arith.mulf %mul3A_519, %slice3A_491 : vector<16x1xf32>
    %max3A_521 = vector.broadcast %mul3A_520 : vector<16x1xf32> to vector<16x1024xf32>
    %max3A_522 = arith.maximumf %slice3A_509, %max3A_521 : vector<16x1024xf32>
    %mul3A_523 = arith.mulf %max3A_522, %mul3A_517 : vector<16x1024xf32>
    %convert_element_type3A_524 = arith.truncf %mul3A_523 : vector<16x1024xf32> to vector<16x1024xbf16>
    %get3A_525 = arith.constant 0 : index
    %get3A_526 = arith.constant 0 : index
    %get3A_527 = vector.load %arg1[%get3A_525, %get3A_526] : memref<1024x1152xbf16, #tpu.memory_space<vmem>>, vector<1024x1152xbf16>
    %dot_general3A_528 = arith.constant dense<0.000000e+00> : vector<16x1152xf32>
    %dot_general3A_529 = tpu.matmul %convert_element_type3A_524, %get3A_527, %dot_general3A_528 {dimension_numbers = #tpu.dot_dimension_numbers<[1], [0], [0], [1], [0, 0, 1, 1], [], []>, transpose_lhs_hint = false} : vector<16x1024xbf16>, vector<1024x1152xbf16>, vector<16x1152xf32> -> vector<16x1152xf32>
    %slice3A_530 = vector.extract_strided_slice %dot_general3A_529 {offsets = [0, 0], sizes = [16, 1], strides = [1, 1]} : vector<16x1152xf32> to vector<16x1xf32>
    %slice3A_531 = vector.extract_strided_slice %dot_general3A_529 {offsets = [0, 1], sizes = [16, 1], strides = [1, 1]} : vector<16x1152xf32> to vector<16x1xf32>
    %eq3A_532 = arith.constant 14 : i32
    %eq3A_533 = vector.broadcast %eq3A_532 : i32 to vector<16x1xi32>
    %eq3A_534 = arith.cmpi eq, %get3A_6, %eq3A_533 : vector<16x1xi32>
    %log3A_535 = math.log %slice3A_531 : vector<16x1xf32>
    %jit3A_536 = arith.constant 0.000000e+00 : f32
    %broadcast_in_dim3A_537 = vector.broadcast %jit3A_536 : f32 to vector<16x1xf32>
    %select_n3A_538 = arith.select %eq3A_534, %log3A_535, %broadcast_in_dim3A_537 : vector<16x1xi1>, vector<16x1xf32>
    %add3A_539 = arith.addf %add3A_508, %select_n3A_538 : vector<16x1xf32>
    %gt3A_540 = arith.constant 14 : i32
    %gt3A_541 = vector.broadcast %gt3A_540 : i32 to vector<16x1xi32>
    %gt3A_542 = arith.cmpi sgt, %get3A_6, %gt3A_541 : vector<16x1xi32>
    %log3A_543 = math.log %slice3A_530 : vector<16x1xf32>
    %jit3A_544 = arith.constant 0.000000e+00 : f32
    %broadcast_in_dim3A_545 = vector.broadcast %jit3A_544 : f32 to vector<16x1xf32>
    %select_n3A_546 = arith.select %gt3A_542, %log3A_543, %broadcast_in_dim3A_545 : vector<16x1xi1>, vector<16x1xf32>
    %add3A_547 = arith.addf %add3A_539, %select_n3A_546 : vector<16x1xf32>
    %slice3A_548 = vector.extract_strided_slice %dot_general3A_529 {offsets = [0, 128], sizes = [16, 1024], strides = [1, 1]} : vector<16x1152xf32> to vector<16x1024xf32>
    %get3A_549 = arith.constant 224 : index
    %get3A_550 = arith.constant 0 : index
    %get3A_551 = vector.load %arg5[%get3A_549, %get3A_550] : memref<800x1024xf32, #tpu.memory_space<vmem>>, vector<16x1024xf32>
    %div3A_552 = arith.constant 1.000000e+00 : f32
    %div3A_553 = vector.broadcast %div3A_552 : f32 to vector<16x1xf32>
    %div3A_554 = arith.divf %div3A_553, %slice3A_530 : vector<16x1xf32>
    %mul3A_555 = vector.broadcast %div3A_554 : vector<16x1xf32> to vector<16x1024xf32>
    %mul3A_556 = arith.mulf %get3A_551, %mul3A_555 : vector<16x1024xf32>
    %mul3A_557 = arith.constant 1.60381082E-28 : f32
    %mul3A_558 = vector.broadcast %mul3A_557 : f32 to vector<16x1xf32>
    %mul3A_559 = arith.mulf %mul3A_558, %slice3A_530 : vector<16x1xf32>
    %max3A_560 = vector.broadcast %mul3A_559 : vector<16x1xf32> to vector<16x1024xf32>
    %max3A_561 = arith.maximumf %slice3A_548, %max3A_560 : vector<16x1024xf32>
    %mul3A_562 = arith.mulf %max3A_561, %mul3A_556 : vector<16x1024xf32>
    %convert_element_type3A_563 = arith.truncf %mul3A_562 : vector<16x1024xf32> to vector<16x1024xbf16>
    %get3A_564 = arith.constant 0 : index
    %get3A_565 = arith.constant 0 : index
    %get3A_566 = vector.load %arg1[%get3A_564, %get3A_565] : memref<1024x1152xbf16, #tpu.memory_space<vmem>>, vector<1024x1152xbf16>
    %dot_general3A_567 = arith.constant dense<0.000000e+00> : vector<16x1152xf32>
    %dot_general3A_568 = tpu.matmul %convert_element_type3A_563, %get3A_566, %dot_general3A_567 {dimension_numbers = #tpu.dot_dimension_numbers<[1], [0], [0], [1], [0, 0, 1, 1], [], []>, transpose_lhs_hint = false} : vector<16x1024xbf16>, vector<1024x1152xbf16>, vector<16x1152xf32> -> vector<16x1152xf32>
    %slice3A_569 = vector.extract_strided_slice %dot_general3A_568 {offsets = [0, 0], sizes = [16, 1], strides = [1, 1]} : vector<16x1152xf32> to vector<16x1xf32>
    %slice3A_570 = vector.extract_strided_slice %dot_general3A_568 {offsets = [0, 1], sizes = [16, 1], strides = [1, 1]} : vector<16x1152xf32> to vector<16x1xf32>
    %eq3A_571 = arith.constant 15 : i32
    %eq3A_572 = vector.broadcast %eq3A_571 : i32 to vector<16x1xi32>
    %eq3A_573 = arith.cmpi eq, %get3A_6, %eq3A_572 : vector<16x1xi32>
    %log3A_574 = math.log %slice3A_570 : vector<16x1xf32>
    %jit3A_575 = arith.constant 0.000000e+00 : f32
    %broadcast_in_dim3A_576 = vector.broadcast %jit3A_575 : f32 to vector<16x1xf32>
    %select_n3A_577 = arith.select %eq3A_573, %log3A_574, %broadcast_in_dim3A_576 : vector<16x1xi1>, vector<16x1xf32>
    %add3A_578 = arith.addf %add3A_547, %select_n3A_577 : vector<16x1xf32>
    %gt3A_579 = arith.constant 15 : i32
    %gt3A_580 = vector.broadcast %gt3A_579 : i32 to vector<16x1xi32>
    %gt3A_581 = arith.cmpi sgt, %get3A_6, %gt3A_580 : vector<16x1xi32>
    %log3A_582 = math.log %slice3A_569 : vector<16x1xf32>
    %jit3A_583 = arith.constant 0.000000e+00 : f32
    %broadcast_in_dim3A_584 = vector.broadcast %jit3A_583 : f32 to vector<16x1xf32>
    %select_n3A_585 = arith.select %gt3A_581, %log3A_582, %broadcast_in_dim3A_584 : vector<16x1xi1>, vector<16x1xf32>
    %add3A_586 = arith.addf %add3A_578, %select_n3A_585 : vector<16x1xf32>
    %slice3A_587 = vector.extract_strided_slice %dot_general3A_568 {offsets = [0, 128], sizes = [16, 1024], strides = [1, 1]} : vector<16x1152xf32> to vector<16x1024xf32>
    %get3A_588 = arith.constant 240 : index
    %get3A_589 = arith.constant 0 : index
    %get3A_590 = vector.load %arg5[%get3A_588, %get3A_589] : memref<800x1024xf32, #tpu.memory_space<vmem>>, vector<16x1024xf32>
    %div3A_591 = arith.constant 1.000000e+00 : f32
    %div3A_592 = vector.broadcast %div3A_591 : f32 to vector<16x1xf32>
    %div3A_593 = arith.divf %div3A_592, %slice3A_569 : vector<16x1xf32>
    %mul3A_594 = vector.broadcast %div3A_593 : vector<16x1xf32> to vector<16x1024xf32>
    %mul3A_595 = arith.mulf %get3A_590, %mul3A_594 : vector<16x1024xf32>
    %mul3A_596 = arith.constant 1.60381082E-28 : f32
    %mul3A_597 = vector.broadcast %mul3A_596 : f32 to vector<16x1xf32>
    %mul3A_598 = arith.mulf %mul3A_597, %slice3A_569 : vector<16x1xf32>
    %max3A_599 = vector.broadcast %mul3A_598 : vector<16x1xf32> to vector<16x1024xf32>
    %max3A_600 = arith.maximumf %slice3A_587, %max3A_599 : vector<16x1024xf32>
    %mul3A_601 = arith.mulf %max3A_600, %mul3A_595 : vector<16x1024xf32>
    %convert_element_type3A_602 = arith.truncf %mul3A_601 : vector<16x1024xf32> to vector<16x1024xbf16>
    %get3A_603 = arith.constant 0 : index
    %get3A_604 = arith.constant 0 : index
    %get3A_605 = vector.load %arg1[%get3A_603, %get3A_604] : memref<1024x1152xbf16, #tpu.memory_space<vmem>>, vector<1024x1152xbf16>
    %dot_general3A_606 = arith.constant dense<0.000000e+00> : vector<16x1152xf32>
    %dot_general3A_607 = tpu.matmul %convert_element_type3A_602, %get3A_605, %dot_general3A_606 {dimension_numbers = #tpu.dot_dimension_numbers<[1], [0], [0], [1], [0, 0, 1, 1], [], []>, transpose_lhs_hint = false} : vector<16x1024xbf16>, vector<1024x1152xbf16>, vector<16x1152xf32> -> vector<16x1152xf32>
    %slice3A_608 = vector.extract_strided_slice %dot_general3A_607 {offsets = [0, 0], sizes = [16, 1], strides = [1, 1]} : vector<16x1152xf32> to vector<16x1xf32>
    %slice3A_609 = vector.extract_strided_slice %dot_general3A_607 {offsets = [0, 1], sizes = [16, 1], strides = [1, 1]} : vector<16x1152xf32> to vector<16x1xf32>
    %eq3A_610 = arith.constant 16 : i32
    %eq3A_611 = vector.broadcast %eq3A_610 : i32 to vector<16x1xi32>
    %eq3A_612 = arith.cmpi eq, %get3A_6, %eq3A_611 : vector<16x1xi32>
    %log3A_613 = math.log %slice3A_609 : vector<16x1xf32>
    %jit3A_614 = arith.constant 0.000000e+00 : f32
    %broadcast_in_dim3A_615 = vector.broadcast %jit3A_614 : f32 to vector<16x1xf32>
    %select_n3A_616 = arith.select %eq3A_612, %log3A_613, %broadcast_in_dim3A_615 : vector<16x1xi1>, vector<16x1xf32>
    %add3A_617 = arith.addf %add3A_586, %select_n3A_616 : vector<16x1xf32>
    %gt3A_618 = arith.constant 16 : i32
    %gt3A_619 = vector.broadcast %gt3A_618 : i32 to vector<16x1xi32>
    %gt3A_620 = arith.cmpi sgt, %get3A_6, %gt3A_619 : vector<16x1xi32>
    %log3A_621 = math.log %slice3A_608 : vector<16x1xf32>
    %jit3A_622 = arith.constant 0.000000e+00 : f32
    %broadcast_in_dim3A_623 = vector.broadcast %jit3A_622 : f32 to vector<16x1xf32>
    %select_n3A_624 = arith.select %gt3A_620, %log3A_621, %broadcast_in_dim3A_623 : vector<16x1xi1>, vector<16x1xf32>
    %add3A_625 = arith.addf %add3A_617, %select_n3A_624 : vector<16x1xf32>
    %slice3A_626 = vector.extract_strided_slice %dot_general3A_607 {offsets = [0, 128], sizes = [16, 1024], strides = [1, 1]} : vector<16x1152xf32> to vector<16x1024xf32>
    %get3A_627 = arith.constant 256 : index
    %get3A_628 = arith.constant 0 : index
    %get3A_629 = vector.load %arg5[%get3A_627, %get3A_628] : memref<800x1024xf32, #tpu.memory_space<vmem>>, vector<16x1024xf32>
    %div3A_630 = arith.constant 1.000000e+00 : f32
    %div3A_631 = vector.broadcast %div3A_630 : f32 to vector<16x1xf32>
    %div3A_632 = arith.divf %div3A_631, %slice3A_608 : vector<16x1xf32>
    %mul3A_633 = vector.broadcast %div3A_632 : vector<16x1xf32> to vector<16x1024xf32>
    %mul3A_634 = arith.mulf %get3A_629, %mul3A_633 : vector<16x1024xf32>
    %mul3A_635 = arith.constant 1.60381082E-28 : f32
    %mul3A_636 = vector.broadcast %mul3A_635 : f32 to vector<16x1xf32>
    %mul3A_637 = arith.mulf %mul3A_636, %slice3A_608 : vector<16x1xf32>
    %max3A_638 = vector.broadcast %mul3A_637 : vector<16x1xf32> to vector<16x1024xf32>
    %max3A_639 = arith.maximumf %slice3A_626, %max3A_638 : vector<16x1024xf32>
    %mul3A_640 = arith.mulf %max3A_639, %mul3A_634 : vector<16x1024xf32>
    %convert_element_type3A_641 = arith.truncf %mul3A_640 : vector<16x1024xf32> to vector<16x1024xbf16>
    %get3A_642 = arith.constant 0 : index
    %get3A_643 = arith.constant 0 : index
    %get3A_644 = vector.load %arg1[%get3A_642, %get3A_643] : memref<1024x1152xbf16, #tpu.memory_space<vmem>>, vector<1024x1152xbf16>
    %dot_general3A_645 = arith.constant dense<0.000000e+00> : vector<16x1152xf32>
    %dot_general3A_646 = tpu.matmul %convert_element_type3A_641, %get3A_644, %dot_general3A_645 {dimension_numbers = #tpu.dot_dimension_numbers<[1], [0], [0], [1], [0, 0, 1, 1], [], []>, transpose_lhs_hint = false} : vector<16x1024xbf16>, vector<1024x1152xbf16>, vector<16x1152xf32> -> vector<16x1152xf32>
    %slice3A_647 = vector.extract_strided_slice %dot_general3A_646 {offsets = [0, 0], sizes = [16, 1], strides = [1, 1]} : vector<16x1152xf32> to vector<16x1xf32>
    %slice3A_648 = vector.extract_strided_slice %dot_general3A_646 {offsets = [0, 1], sizes = [16, 1], strides = [1, 1]} : vector<16x1152xf32> to vector<16x1xf32>
    %eq3A_649 = arith.constant 17 : i32
    %eq3A_650 = vector.broadcast %eq3A_649 : i32 to vector<16x1xi32>
    %eq3A_651 = arith.cmpi eq, %get3A_6, %eq3A_650 : vector<16x1xi32>
    %log3A_652 = math.log %slice3A_648 : vector<16x1xf32>
    %jit3A_653 = arith.constant 0.000000e+00 : f32
    %broadcast_in_dim3A_654 = vector.broadcast %jit3A_653 : f32 to vector<16x1xf32>
    %select_n3A_655 = arith.select %eq3A_651, %log3A_652, %broadcast_in_dim3A_654 : vector<16x1xi1>, vector<16x1xf32>
    %add3A_656 = arith.addf %add3A_625, %select_n3A_655 : vector<16x1xf32>
    %gt3A_657 = arith.constant 17 : i32
    %gt3A_658 = vector.broadcast %gt3A_657 : i32 to vector<16x1xi32>
    %gt3A_659 = arith.cmpi sgt, %get3A_6, %gt3A_658 : vector<16x1xi32>
    %log3A_660 = math.log %slice3A_647 : vector<16x1xf32>
    %jit3A_661 = arith.constant 0.000000e+00 : f32
    %broadcast_in_dim3A_662 = vector.broadcast %jit3A_661 : f32 to vector<16x1xf32>
    %select_n3A_663 = arith.select %gt3A_659, %log3A_660, %broadcast_in_dim3A_662 : vector<16x1xi1>, vector<16x1xf32>
    %add3A_664 = arith.addf %add3A_656, %select_n3A_663 : vector<16x1xf32>
    %slice3A_665 = vector.extract_strided_slice %dot_general3A_646 {offsets = [0, 128], sizes = [16, 1024], strides = [1, 1]} : vector<16x1152xf32> to vector<16x1024xf32>
    %get3A_666 = arith.constant 272 : index
    %get3A_667 = arith.constant 0 : index
    %get3A_668 = vector.load %arg5[%get3A_666, %get3A_667] : memref<800x1024xf32, #tpu.memory_space<vmem>>, vector<16x1024xf32>
    %div3A_669 = arith.constant 1.000000e+00 : f32
    %div3A_670 = vector.broadcast %div3A_669 : f32 to vector<16x1xf32>
    %div3A_671 = arith.divf %div3A_670, %slice3A_647 : vector<16x1xf32>
    %mul3A_672 = vector.broadcast %div3A_671 : vector<16x1xf32> to vector<16x1024xf32>
    %mul3A_673 = arith.mulf %get3A_668, %mul3A_672 : vector<16x1024xf32>
    %mul3A_674 = arith.constant 1.60381082E-28 : f32
    %mul3A_675 = vector.broadcast %mul3A_674 : f32 to vector<16x1xf32>
    %mul3A_676 = arith.mulf %mul3A_675, %slice3A_647 : vector<16x1xf32>
    %max3A_677 = vector.broadcast %mul3A_676 : vector<16x1xf32> to vector<16x1024xf32>
    %max3A_678 = arith.maximumf %slice3A_665, %max3A_677 : vector<16x1024xf32>
    %mul3A_679 = arith.mulf %max3A_678, %mul3A_673 : vector<16x1024xf32>
    %convert_element_type3A_680 = arith.truncf %mul3A_679 : vector<16x1024xf32> to vector<16x1024xbf16>
    %get3A_681 = arith.constant 0 : index
    %get3A_682 = arith.constant 0 : index
    %get3A_683 = vector.load %arg1[%get3A_681, %get3A_682] : memref<1024x1152xbf16, #tpu.memory_space<vmem>>, vector<1024x1152xbf16>
    %dot_general3A_684 = arith.constant dense<0.000000e+00> : vector<16x1152xf32>
    %dot_general3A_685 = tpu.matmul %convert_element_type3A_680, %get3A_683, %dot_general3A_684 {dimension_numbers = #tpu.dot_dimension_numbers<[1], [0], [0], [1], [0, 0, 1, 1], [], []>, transpose_lhs_hint = false} : vector<16x1024xbf16>, vector<1024x1152xbf16>, vector<16x1152xf32> -> vector<16x1152xf32>
    %slice3A_686 = vector.extract_strided_slice %dot_general3A_685 {offsets = [0, 0], sizes = [16, 1], strides = [1, 1]} : vector<16x1152xf32> to vector<16x1xf32>
    %slice3A_687 = vector.extract_strided_slice %dot_general3A_685 {offsets = [0, 1], sizes = [16, 1], strides = [1, 1]} : vector<16x1152xf32> to vector<16x1xf32>
    %eq3A_688 = arith.constant 18 : i32
    %eq3A_689 = vector.broadcast %eq3A_688 : i32 to vector<16x1xi32>
    %eq3A_690 = arith.cmpi eq, %get3A_6, %eq3A_689 : vector<16x1xi32>
    %log3A_691 = math.log %slice3A_687 : vector<16x1xf32>
    %jit3A_692 = arith.constant 0.000000e+00 : f32
    %broadcast_in_dim3A_693 = vector.broadcast %jit3A_692 : f32 to vector<16x1xf32>
    %select_n3A_694 = arith.select %eq3A_690, %log3A_691, %broadcast_in_dim3A_693 : vector<16x1xi1>, vector<16x1xf32>
    %add3A_695 = arith.addf %add3A_664, %select_n3A_694 : vector<16x1xf32>
    %gt3A_696 = arith.constant 18 : i32
    %gt3A_697 = vector.broadcast %gt3A_696 : i32 to vector<16x1xi32>
    %gt3A_698 = arith.cmpi sgt, %get3A_6, %gt3A_697 : vector<16x1xi32>
    %log3A_699 = math.log %slice3A_686 : vector<16x1xf32>
    %jit3A_700 = arith.constant 0.000000e+00 : f32
    %broadcast_in_dim3A_701 = vector.broadcast %jit3A_700 : f32 to vector<16x1xf32>
    %select_n3A_702 = arith.select %gt3A_698, %log3A_699, %broadcast_in_dim3A_701 : vector<16x1xi1>, vector<16x1xf32>
    %add3A_703 = arith.addf %add3A_695, %select_n3A_702 : vector<16x1xf32>
    %slice3A_704 = vector.extract_strided_slice %dot_general3A_685 {offsets = [0, 128], sizes = [16, 1024], strides = [1, 1]} : vector<16x1152xf32> to vector<16x1024xf32>
    %get3A_705 = arith.constant 288 : index
    %get3A_706 = arith.constant 0 : index
    %get3A_707 = vector.load %arg5[%get3A_705, %get3A_706] : memref<800x1024xf32, #tpu.memory_space<vmem>>, vector<16x1024xf32>
    %div3A_708 = arith.constant 1.000000e+00 : f32
    %div3A_709 = vector.broadcast %div3A_708 : f32 to vector<16x1xf32>
    %div3A_710 = arith.divf %div3A_709, %slice3A_686 : vector<16x1xf32>
    %mul3A_711 = vector.broadcast %div3A_710 : vector<16x1xf32> to vector<16x1024xf32>
    %mul3A_712 = arith.mulf %get3A_707, %mul3A_711 : vector<16x1024xf32>
    %mul3A_713 = arith.constant 1.60381082E-28 : f32
    %mul3A_714 = vector.broadcast %mul3A_713 : f32 to vector<16x1xf32>
    %mul3A_715 = arith.mulf %mul3A_714, %slice3A_686 : vector<16x1xf32>
    %max3A_716 = vector.broadcast %mul3A_715 : vector<16x1xf32> to vector<16x1024xf32>
    %max3A_717 = arith.maximumf %slice3A_704, %max3A_716 : vector<16x1024xf32>
    %mul3A_718 = arith.mulf %max3A_717, %mul3A_712 : vector<16x1024xf32>
    %convert_element_type3A_719 = arith.truncf %mul3A_718 : vector<16x1024xf32> to vector<16x1024xbf16>
    %get3A_720 = arith.constant 0 : index
    %get3A_721 = arith.constant 0 : index
    %get3A_722 = vector.load %arg1[%get3A_720, %get3A_721] : memref<1024x1152xbf16, #tpu.memory_space<vmem>>, vector<1024x1152xbf16>
    %dot_general3A_723 = arith.constant dense<0.000000e+00> : vector<16x1152xf32>
    %dot_general3A_724 = tpu.matmul %convert_element_type3A_719, %get3A_722, %dot_general3A_723 {dimension_numbers = #tpu.dot_dimension_numbers<[1], [0], [0], [1], [0, 0, 1, 1], [], []>, transpose_lhs_hint = false} : vector<16x1024xbf16>, vector<1024x1152xbf16>, vector<16x1152xf32> -> vector<16x1152xf32>
    %slice3A_725 = vector.extract_strided_slice %dot_general3A_724 {offsets = [0, 0], sizes = [16, 1], strides = [1, 1]} : vector<16x1152xf32> to vector<16x1xf32>
    %slice3A_726 = vector.extract_strided_slice %dot_general3A_724 {offsets = [0, 1], sizes = [16, 1], strides = [1, 1]} : vector<16x1152xf32> to vector<16x1xf32>
    %eq3A_727 = arith.constant 19 : i32
    %eq3A_728 = vector.broadcast %eq3A_727 : i32 to vector<16x1xi32>
    %eq3A_729 = arith.cmpi eq, %get3A_6, %eq3A_728 : vector<16x1xi32>
    %log3A_730 = math.log %slice3A_726 : vector<16x1xf32>
    %jit3A_731 = arith.constant 0.000000e+00 : f32
    %broadcast_in_dim3A_732 = vector.broadcast %jit3A_731 : f32 to vector<16x1xf32>
    %select_n3A_733 = arith.select %eq3A_729, %log3A_730, %broadcast_in_dim3A_732 : vector<16x1xi1>, vector<16x1xf32>
    %add3A_734 = arith.addf %add3A_703, %select_n3A_733 : vector<16x1xf32>
    %gt3A_735 = arith.constant 19 : i32
    %gt3A_736 = vector.broadcast %gt3A_735 : i32 to vector<16x1xi32>
    %gt3A_737 = arith.cmpi sgt, %get3A_6, %gt3A_736 : vector<16x1xi32>
    %log3A_738 = math.log %slice3A_725 : vector<16x1xf32>
    %jit3A_739 = arith.constant 0.000000e+00 : f32
    %broadcast_in_dim3A_740 = vector.broadcast %jit3A_739 : f32 to vector<16x1xf32>
    %select_n3A_741 = arith.select %gt3A_737, %log3A_738, %broadcast_in_dim3A_740 : vector<16x1xi1>, vector<16x1xf32>
    %add3A_742 = arith.addf %add3A_734, %select_n3A_741 : vector<16x1xf32>
    %slice3A_743 = vector.extract_strided_slice %dot_general3A_724 {offsets = [0, 128], sizes = [16, 1024], strides = [1, 1]} : vector<16x1152xf32> to vector<16x1024xf32>
    %get3A_744 = arith.constant 304 : index
    %get3A_745 = arith.constant 0 : index
    %get3A_746 = vector.load %arg5[%get3A_744, %get3A_745] : memref<800x1024xf32, #tpu.memory_space<vmem>>, vector<16x1024xf32>
    %div3A_747 = arith.constant 1.000000e+00 : f32
    %div3A_748 = vector.broadcast %div3A_747 : f32 to vector<16x1xf32>
    %div3A_749 = arith.divf %div3A_748, %slice3A_725 : vector<16x1xf32>
    %mul3A_750 = vector.broadcast %div3A_749 : vector<16x1xf32> to vector<16x1024xf32>
    %mul3A_751 = arith.mulf %get3A_746, %mul3A_750 : vector<16x1024xf32>
    %mul3A_752 = arith.constant 1.60381082E-28 : f32
    %mul3A_753 = vector.broadcast %mul3A_752 : f32 to vector<16x1xf32>
    %mul3A_754 = arith.mulf %mul3A_753, %slice3A_725 : vector<16x1xf32>
    %max3A_755 = vector.broadcast %mul3A_754 : vector<16x1xf32> to vector<16x1024xf32>
    %max3A_756 = arith.maximumf %slice3A_743, %max3A_755 : vector<16x1024xf32>
    %mul3A_757 = arith.mulf %max3A_756, %mul3A_751 : vector<16x1024xf32>
    %convert_element_type3A_758 = arith.truncf %mul3A_757 : vector<16x1024xf32> to vector<16x1024xbf16>
    %get3A_759 = arith.constant 0 : index
    %get3A_760 = arith.constant 0 : index
    %get3A_761 = vector.load %arg1[%get3A_759, %get3A_760] : memref<1024x1152xbf16, #tpu.memory_space<vmem>>, vector<1024x1152xbf16>
    %dot_general3A_762 = arith.constant dense<0.000000e+00> : vector<16x1152xf32>
    %dot_general3A_763 = tpu.matmul %convert_element_type3A_758, %get3A_761, %dot_general3A_762 {dimension_numbers = #tpu.dot_dimension_numbers<[1], [0], [0], [1], [0, 0, 1, 1], [], []>, transpose_lhs_hint = false} : vector<16x1024xbf16>, vector<1024x1152xbf16>, vector<16x1152xf32> -> vector<16x1152xf32>
    %slice3A_764 = vector.extract_strided_slice %dot_general3A_763 {offsets = [0, 0], sizes = [16, 1], strides = [1, 1]} : vector<16x1152xf32> to vector<16x1xf32>
    %slice3A_765 = vector.extract_strided_slice %dot_general3A_763 {offsets = [0, 1], sizes = [16, 1], strides = [1, 1]} : vector<16x1152xf32> to vector<16x1xf32>
    %eq3A_766 = arith.constant 20 : i32
    %eq3A_767 = vector.broadcast %eq3A_766 : i32 to vector<16x1xi32>
    %eq3A_768 = arith.cmpi eq, %get3A_6, %eq3A_767 : vector<16x1xi32>
    %log3A_769 = math.log %slice3A_765 : vector<16x1xf32>
    %jit3A_770 = arith.constant 0.000000e+00 : f32
    %broadcast_in_dim3A_771 = vector.broadcast %jit3A_770 : f32 to vector<16x1xf32>
    %select_n3A_772 = arith.select %eq3A_768, %log3A_769, %broadcast_in_dim3A_771 : vector<16x1xi1>, vector<16x1xf32>
    %add3A_773 = arith.addf %add3A_742, %select_n3A_772 : vector<16x1xf32>
    %gt3A_774 = arith.constant 20 : i32
    %gt3A_775 = vector.broadcast %gt3A_774 : i32 to vector<16x1xi32>
    %gt3A_776 = arith.cmpi sgt, %get3A_6, %gt3A_775 : vector<16x1xi32>
    %log3A_777 = math.log %slice3A_764 : vector<16x1xf32>
    %jit3A_778 = arith.constant 0.000000e+00 : f32
    %broadcast_in_dim3A_779 = vector.broadcast %jit3A_778 : f32 to vector<16x1xf32>
    %select_n3A_780 = arith.select %gt3A_776, %log3A_777, %broadcast_in_dim3A_779 : vector<16x1xi1>, vector<16x1xf32>
    %add3A_781 = arith.addf %add3A_773, %select_n3A_780 : vector<16x1xf32>
    %slice3A_782 = vector.extract_strided_slice %dot_general3A_763 {offsets = [0, 128], sizes = [16, 1024], strides = [1, 1]} : vector<16x1152xf32> to vector<16x1024xf32>
    %get3A_783 = arith.constant 320 : index
    %get3A_784 = arith.constant 0 : index
    %get3A_785 = vector.load %arg5[%get3A_783, %get3A_784] : memref<800x1024xf32, #tpu.memory_space<vmem>>, vector<16x1024xf32>
    %div3A_786 = arith.constant 1.000000e+00 : f32
    %div3A_787 = vector.broadcast %div3A_786 : f32 to vector<16x1xf32>
    %div3A_788 = arith.divf %div3A_787, %slice3A_764 : vector<16x1xf32>
    %mul3A_789 = vector.broadcast %div3A_788 : vector<16x1xf32> to vector<16x1024xf32>
    %mul3A_790 = arith.mulf %get3A_785, %mul3A_789 : vector<16x1024xf32>
    %mul3A_791 = arith.constant 1.60381082E-28 : f32
    %mul3A_792 = vector.broadcast %mul3A_791 : f32 to vector<16x1xf32>
    %mul3A_793 = arith.mulf %mul3A_792, %slice3A_764 : vector<16x1xf32>
    %max3A_794 = vector.broadcast %mul3A_793 : vector<16x1xf32> to vector<16x1024xf32>
    %max3A_795 = arith.maximumf %slice3A_782, %max3A_794 : vector<16x1024xf32>
    %mul3A_796 = arith.mulf %max3A_795, %mul3A_790 : vector<16x1024xf32>
    %convert_element_type3A_797 = arith.truncf %mul3A_796 : vector<16x1024xf32> to vector<16x1024xbf16>
    %get3A_798 = arith.constant 0 : index
    %get3A_799 = arith.constant 0 : index
    %get3A_800 = vector.load %arg1[%get3A_798, %get3A_799] : memref<1024x1152xbf16, #tpu.memory_space<vmem>>, vector<1024x1152xbf16>
    %dot_general3A_801 = arith.constant dense<0.000000e+00> : vector<16x1152xf32>
    %dot_general3A_802 = tpu.matmul %convert_element_type3A_797, %get3A_800, %dot_general3A_801 {dimension_numbers = #tpu.dot_dimension_numbers<[1], [0], [0], [1], [0, 0, 1, 1], [], []>, transpose_lhs_hint = false} : vector<16x1024xbf16>, vector<1024x1152xbf16>, vector<16x1152xf32> -> vector<16x1152xf32>
    %slice3A_803 = vector.extract_strided_slice %dot_general3A_802 {offsets = [0, 0], sizes = [16, 1], strides = [1, 1]} : vector<16x1152xf32> to vector<16x1xf32>
    %slice3A_804 = vector.extract_strided_slice %dot_general3A_802 {offsets = [0, 1], sizes = [16, 1], strides = [1, 1]} : vector<16x1152xf32> to vector<16x1xf32>
    %eq3A_805 = arith.constant 21 : i32
    %eq3A_806 = vector.broadcast %eq3A_805 : i32 to vector<16x1xi32>
    %eq3A_807 = arith.cmpi eq, %get3A_6, %eq3A_806 : vector<16x1xi32>
    %log3A_808 = math.log %slice3A_804 : vector<16x1xf32>
    %jit3A_809 = arith.constant 0.000000e+00 : f32
    %broadcast_in_dim3A_810 = vector.broadcast %jit3A_809 : f32 to vector<16x1xf32>
    %select_n3A_811 = arith.select %eq3A_807, %log3A_808, %broadcast_in_dim3A_810 : vector<16x1xi1>, vector<16x1xf32>
    %add3A_812 = arith.addf %add3A_781, %select_n3A_811 : vector<16x1xf32>
    %gt3A_813 = arith.constant 21 : i32
    %gt3A_814 = vector.broadcast %gt3A_813 : i32 to vector<16x1xi32>
    %gt3A_815 = arith.cmpi sgt, %get3A_6, %gt3A_814 : vector<16x1xi32>
    %log3A_816 = math.log %slice3A_803 : vector<16x1xf32>
    %jit3A_817 = arith.constant 0.000000e+00 : f32
    %broadcast_in_dim3A_818 = vector.broadcast %jit3A_817 : f32 to vector<16x1xf32>
    %select_n3A_819 = arith.select %gt3A_815, %log3A_816, %broadcast_in_dim3A_818 : vector<16x1xi1>, vector<16x1xf32>
    %add3A_820 = arith.addf %add3A_812, %select_n3A_819 : vector<16x1xf32>
    %slice3A_821 = vector.extract_strided_slice %dot_general3A_802 {offsets = [0, 128], sizes = [16, 1024], strides = [1, 1]} : vector<16x1152xf32> to vector<16x1024xf32>
    %get3A_822 = arith.constant 336 : index
    %get3A_823 = arith.constant 0 : index
    %get3A_824 = vector.load %arg5[%get3A_822, %get3A_823] : memref<800x1024xf32, #tpu.memory_space<vmem>>, vector<16x1024xf32>
    %div3A_825 = arith.constant 1.000000e+00 : f32
    %div3A_826 = vector.broadcast %div3A_825 : f32 to vector<16x1xf32>
    %div3A_827 = arith.divf %div3A_826, %slice3A_803 : vector<16x1xf32>
    %mul3A_828 = vector.broadcast %div3A_827 : vector<16x1xf32> to vector<16x1024xf32>
    %mul3A_829 = arith.mulf %get3A_824, %mul3A_828 : vector<16x1024xf32>
    %mul3A_830 = arith.constant 1.60381082E-28 : f32
    %mul3A_831 = vector.broadcast %mul3A_830 : f32 to vector<16x1xf32>
    %mul3A_832 = arith.mulf %mul3A_831, %slice3A_803 : vector<16x1xf32>
    %max3A_833 = vector.broadcast %mul3A_832 : vector<16x1xf32> to vector<16x1024xf32>
    %max3A_834 = arith.maximumf %slice3A_821, %max3A_833 : vector<16x1024xf32>
    %mul3A_835 = arith.mulf %max3A_834, %mul3A_829 : vector<16x1024xf32>
    %convert_element_type3A_836 = arith.truncf %mul3A_835 : vector<16x1024xf32> to vector<16x1024xbf16>
    %get3A_837 = arith.constant 0 : index
    %get3A_838 = arith.constant 0 : index
    %get3A_839 = vector.load %arg1[%get3A_837, %get3A_838] : memref<1024x1152xbf16, #tpu.memory_space<vmem>>, vector<1024x1152xbf16>
    %dot_general3A_840 = arith.constant dense<0.000000e+00> : vector<16x1152xf32>
    %dot_general3A_841 = tpu.matmul %convert_element_type3A_836, %get3A_839, %dot_general3A_840 {dimension_numbers = #tpu.dot_dimension_numbers<[1], [0], [0], [1], [0, 0, 1, 1], [], []>, transpose_lhs_hint = false} : vector<16x1024xbf16>, vector<1024x1152xbf16>, vector<16x1152xf32> -> vector<16x1152xf32>
    %slice3A_842 = vector.extract_strided_slice %dot_general3A_841 {offsets = [0, 0], sizes = [16, 1], strides = [1, 1]} : vector<16x1152xf32> to vector<16x1xf32>
    %slice3A_843 = vector.extract_strided_slice %dot_general3A_841 {offsets = [0, 1], sizes = [16, 1], strides = [1, 1]} : vector<16x1152xf32> to vector<16x1xf32>
    %eq3A_844 = arith.constant 22 : i32
    %eq3A_845 = vector.broadcast %eq3A_844 : i32 to vector<16x1xi32>
    %eq3A_846 = arith.cmpi eq, %get3A_6, %eq3A_845 : vector<16x1xi32>
    %log3A_847 = math.log %slice3A_843 : vector<16x1xf32>
    %jit3A_848 = arith.constant 0.000000e+00 : f32
    %broadcast_in_dim3A_849 = vector.broadcast %jit3A_848 : f32 to vector<16x1xf32>
    %select_n3A_850 = arith.select %eq3A_846, %log3A_847, %broadcast_in_dim3A_849 : vector<16x1xi1>, vector<16x1xf32>
    %add3A_851 = arith.addf %add3A_820, %select_n3A_850 : vector<16x1xf32>
    %gt3A_852 = arith.constant 22 : i32
    %gt3A_853 = vector.broadcast %gt3A_852 : i32 to vector<16x1xi32>
    %gt3A_854 = arith.cmpi sgt, %get3A_6, %gt3A_853 : vector<16x1xi32>
    %log3A_855 = math.log %slice3A_842 : vector<16x1xf32>
    %jit3A_856 = arith.constant 0.000000e+00 : f32
    %broadcast_in_dim3A_857 = vector.broadcast %jit3A_856 : f32 to vector<16x1xf32>
    %select_n3A_858 = arith.select %gt3A_854, %log3A_855, %broadcast_in_dim3A_857 : vector<16x1xi1>, vector<16x1xf32>
    %add3A_859 = arith.addf %add3A_851, %select_n3A_858 : vector<16x1xf32>
    %slice3A_860 = vector.extract_strided_slice %dot_general3A_841 {offsets = [0, 128], sizes = [16, 1024], strides = [1, 1]} : vector<16x1152xf32> to vector<16x1024xf32>
    %get3A_861 = arith.constant 352 : index
    %get3A_862 = arith.constant 0 : index
    %get3A_863 = vector.load %arg5[%get3A_861, %get3A_862] : memref<800x1024xf32, #tpu.memory_space<vmem>>, vector<16x1024xf32>
    %div3A_864 = arith.constant 1.000000e+00 : f32
    %div3A_865 = vector.broadcast %div3A_864 : f32 to vector<16x1xf32>
    %div3A_866 = arith.divf %div3A_865, %slice3A_842 : vector<16x1xf32>
    %mul3A_867 = vector.broadcast %div3A_866 : vector<16x1xf32> to vector<16x1024xf32>
    %mul3A_868 = arith.mulf %get3A_863, %mul3A_867 : vector<16x1024xf32>
    %mul3A_869 = arith.constant 1.60381082E-28 : f32
    %mul3A_870 = vector.broadcast %mul3A_869 : f32 to vector<16x1xf32>
    %mul3A_871 = arith.mulf %mul3A_870, %slice3A_842 : vector<16x1xf32>
    %max3A_872 = vector.broadcast %mul3A_871 : vector<16x1xf32> to vector<16x1024xf32>
    %max3A_873 = arith.maximumf %slice3A_860, %max3A_872 : vector<16x1024xf32>
    %mul3A_874 = arith.mulf %max3A_873, %mul3A_868 : vector<16x1024xf32>
    %convert_element_type3A_875 = arith.truncf %mul3A_874 : vector<16x1024xf32> to vector<16x1024xbf16>
    %get3A_876 = arith.constant 0 : index
    %get3A_877 = arith.constant 0 : index
    %get3A_878 = vector.load %arg1[%get3A_876, %get3A_877] : memref<1024x1152xbf16, #tpu.memory_space<vmem>>, vector<1024x1152xbf16>
    %dot_general3A_879 = arith.constant dense<0.000000e+00> : vector<16x1152xf32>
    %dot_general3A_880 = tpu.matmul %convert_element_type3A_875, %get3A_878, %dot_general3A_879 {dimension_numbers = #tpu.dot_dimension_numbers<[1], [0], [0], [1], [0, 0, 1, 1], [], []>, transpose_lhs_hint = false} : vector<16x1024xbf16>, vector<1024x1152xbf16>, vector<16x1152xf32> -> vector<16x1152xf32>
    %slice3A_881 = vector.extract_strided_slice %dot_general3A_880 {offsets = [0, 0], sizes = [16, 1], strides = [1, 1]} : vector<16x1152xf32> to vector<16x1xf32>
    %slice3A_882 = vector.extract_strided_slice %dot_general3A_880 {offsets = [0, 1], sizes = [16, 1], strides = [1, 1]} : vector<16x1152xf32> to vector<16x1xf32>
    %eq3A_883 = arith.constant 23 : i32
    %eq3A_884 = vector.broadcast %eq3A_883 : i32 to vector<16x1xi32>
    %eq3A_885 = arith.cmpi eq, %get3A_6, %eq3A_884 : vector<16x1xi32>
    %log3A_886 = math.log %slice3A_882 : vector<16x1xf32>
    %jit3A_887 = arith.constant 0.000000e+00 : f32
    %broadcast_in_dim3A_888 = vector.broadcast %jit3A_887 : f32 to vector<16x1xf32>
    %select_n3A_889 = arith.select %eq3A_885, %log3A_886, %broadcast_in_dim3A_888 : vector<16x1xi1>, vector<16x1xf32>
    %add3A_890 = arith.addf %add3A_859, %select_n3A_889 : vector<16x1xf32>
    %gt3A_891 = arith.constant 23 : i32
    %gt3A_892 = vector.broadcast %gt3A_891 : i32 to vector<16x1xi32>
    %gt3A_893 = arith.cmpi sgt, %get3A_6, %gt3A_892 : vector<16x1xi32>
    %log3A_894 = math.log %slice3A_881 : vector<16x1xf32>
    %jit3A_895 = arith.constant 0.000000e+00 : f32
    %broadcast_in_dim3A_896 = vector.broadcast %jit3A_895 : f32 to vector<16x1xf32>
    %select_n3A_897 = arith.select %gt3A_893, %log3A_894, %broadcast_in_dim3A_896 : vector<16x1xi1>, vector<16x1xf32>
    %add3A_898 = arith.addf %add3A_890, %select_n3A_897 : vector<16x1xf32>
    %slice3A_899 = vector.extract_strided_slice %dot_general3A_880 {offsets = [0, 128], sizes = [16, 1024], strides = [1, 1]} : vector<16x1152xf32> to vector<16x1024xf32>
    %get3A_900 = arith.constant 368 : index
    %get3A_901 = arith.constant 0 : index
    %get3A_902 = vector.load %arg5[%get3A_900, %get3A_901] : memref<800x1024xf32, #tpu.memory_space<vmem>>, vector<16x1024xf32>
    %div3A_903 = arith.constant 1.000000e+00 : f32
    %div3A_904 = vector.broadcast %div3A_903 : f32 to vector<16x1xf32>
    %div3A_905 = arith.divf %div3A_904, %slice3A_881 : vector<16x1xf32>
    %mul3A_906 = vector.broadcast %div3A_905 : vector<16x1xf32> to vector<16x1024xf32>
    %mul3A_907 = arith.mulf %get3A_902, %mul3A_906 : vector<16x1024xf32>
    %mul3A_908 = arith.constant 1.60381082E-28 : f32
    %mul3A_909 = vector.broadcast %mul3A_908 : f32 to vector<16x1xf32>
    %mul3A_910 = arith.mulf %mul3A_909, %slice3A_881 : vector<16x1xf32>
    %max3A_911 = vector.broadcast %mul3A_910 : vector<16x1xf32> to vector<16x1024xf32>
    %max3A_912 = arith.maximumf %slice3A_899, %max3A_911 : vector<16x1024xf32>
    %mul3A_913 = arith.mulf %max3A_912, %mul3A_907 : vector<16x1024xf32>
    %convert_element_type3A_914 = arith.truncf %mul3A_913 : vector<16x1024xf32> to vector<16x1024xbf16>
    %get3A_915 = arith.constant 0 : index
    %get3A_916 = arith.constant 0 : index
    %get3A_917 = vector.load %arg1[%get3A_915, %get3A_916] : memref<1024x1152xbf16, #tpu.memory_space<vmem>>, vector<1024x1152xbf16>
    %dot_general3A_918 = arith.constant dense<0.000000e+00> : vector<16x1152xf32>
    %dot_general3A_919 = tpu.matmul %convert_element_type3A_914, %get3A_917, %dot_general3A_918 {dimension_numbers = #tpu.dot_dimension_numbers<[1], [0], [0], [1], [0, 0, 1, 1], [], []>, transpose_lhs_hint = false} : vector<16x1024xbf16>, vector<1024x1152xbf16>, vector<16x1152xf32> -> vector<16x1152xf32>
    %slice3A_920 = vector.extract_strided_slice %dot_general3A_919 {offsets = [0, 0], sizes = [16, 1], strides = [1, 1]} : vector<16x1152xf32> to vector<16x1xf32>
    %slice3A_921 = vector.extract_strided_slice %dot_general3A_919 {offsets = [0, 1], sizes = [16, 1], strides = [1, 1]} : vector<16x1152xf32> to vector<16x1xf32>
    %eq3A_922 = arith.constant 24 : i32
    %eq3A_923 = vector.broadcast %eq3A_922 : i32 to vector<16x1xi32>
    %eq3A_924 = arith.cmpi eq, %get3A_6, %eq3A_923 : vector<16x1xi32>
    %log3A_925 = math.log %slice3A_921 : vector<16x1xf32>
    %jit3A_926 = arith.constant 0.000000e+00 : f32
    %broadcast_in_dim3A_927 = vector.broadcast %jit3A_926 : f32 to vector<16x1xf32>
    %select_n3A_928 = arith.select %eq3A_924, %log3A_925, %broadcast_in_dim3A_927 : vector<16x1xi1>, vector<16x1xf32>
    %add3A_929 = arith.addf %add3A_898, %select_n3A_928 : vector<16x1xf32>
    %gt3A_930 = arith.constant 24 : i32
    %gt3A_931 = vector.broadcast %gt3A_930 : i32 to vector<16x1xi32>
    %gt3A_932 = arith.cmpi sgt, %get3A_6, %gt3A_931 : vector<16x1xi32>
    %log3A_933 = math.log %slice3A_920 : vector<16x1xf32>
    %jit3A_934 = arith.constant 0.000000e+00 : f32
    %broadcast_in_dim3A_935 = vector.broadcast %jit3A_934 : f32 to vector<16x1xf32>
    %select_n3A_936 = arith.select %gt3A_932, %log3A_933, %broadcast_in_dim3A_935 : vector<16x1xi1>, vector<16x1xf32>
    %add3A_937 = arith.addf %add3A_929, %select_n3A_936 : vector<16x1xf32>
    %slice3A_938 = vector.extract_strided_slice %dot_general3A_919 {offsets = [0, 128], sizes = [16, 1024], strides = [1, 1]} : vector<16x1152xf32> to vector<16x1024xf32>
    %get3A_939 = arith.constant 384 : index
    %get3A_940 = arith.constant 0 : index
    %get3A_941 = vector.load %arg5[%get3A_939, %get3A_940] : memref<800x1024xf32, #tpu.memory_space<vmem>>, vector<16x1024xf32>
    %div3A_942 = arith.constant 1.000000e+00 : f32
    %div3A_943 = vector.broadcast %div3A_942 : f32 to vector<16x1xf32>
    %div3A_944 = arith.divf %div3A_943, %slice3A_920 : vector<16x1xf32>
    %mul3A_945 = vector.broadcast %div3A_944 : vector<16x1xf32> to vector<16x1024xf32>
    %mul3A_946 = arith.mulf %get3A_941, %mul3A_945 : vector<16x1024xf32>
    %mul3A_947 = arith.constant 1.60381082E-28 : f32
    %mul3A_948 = vector.broadcast %mul3A_947 : f32 to vector<16x1xf32>
    %mul3A_949 = arith.mulf %mul3A_948, %slice3A_920 : vector<16x1xf32>
    %max3A_950 = vector.broadcast %mul3A_949 : vector<16x1xf32> to vector<16x1024xf32>
    %max3A_951 = arith.maximumf %slice3A_938, %max3A_950 : vector<16x1024xf32>
    %mul3A_952 = arith.mulf %max3A_951, %mul3A_946 : vector<16x1024xf32>
    %convert_element_type3A_953 = arith.truncf %mul3A_952 : vector<16x1024xf32> to vector<16x1024xbf16>
    %get3A_954 = arith.constant 0 : index
    %get3A_955 = arith.constant 0 : index
    %get3A_956 = vector.load %arg1[%get3A_954, %get3A_955] : memref<1024x1152xbf16, #tpu.memory_space<vmem>>, vector<1024x1152xbf16>
    %dot_general3A_957 = arith.constant dense<0.000000e+00> : vector<16x1152xf32>
    %dot_general3A_958 = tpu.matmul %convert_element_type3A_953, %get3A_956, %dot_general3A_957 {dimension_numbers = #tpu.dot_dimension_numbers<[1], [0], [0], [1], [0, 0, 1, 1], [], []>, transpose_lhs_hint = false} : vector<16x1024xbf16>, vector<1024x1152xbf16>, vector<16x1152xf32> -> vector<16x1152xf32>
    %slice3A_959 = vector.extract_strided_slice %dot_general3A_958 {offsets = [0, 0], sizes = [16, 1], strides = [1, 1]} : vector<16x1152xf32> to vector<16x1xf32>
    %slice3A_960 = vector.extract_strided_slice %dot_general3A_958 {offsets = [0, 1], sizes = [16, 1], strides = [1, 1]} : vector<16x1152xf32> to vector<16x1xf32>
    %eq3A_961 = arith.constant 25 : i32
    %eq3A_962 = vector.broadcast %eq3A_961 : i32 to vector<16x1xi32>
    %eq3A_963 = arith.cmpi eq, %get3A_6, %eq3A_962 : vector<16x1xi32>
    %log3A_964 = math.log %slice3A_960 : vector<16x1xf32>
    %jit3A_965 = arith.constant 0.000000e+00 : f32
    %broadcast_in_dim3A_966 = vector.broadcast %jit3A_965 : f32 to vector<16x1xf32>
    %select_n3A_967 = arith.select %eq3A_963, %log3A_964, %broadcast_in_dim3A_966 : vector<16x1xi1>, vector<16x1xf32>
    %add3A_968 = arith.addf %add3A_937, %select_n3A_967 : vector<16x1xf32>
    %gt3A_969 = arith.constant 25 : i32
    %gt3A_970 = vector.broadcast %gt3A_969 : i32 to vector<16x1xi32>
    %gt3A_971 = arith.cmpi sgt, %get3A_6, %gt3A_970 : vector<16x1xi32>
    %log3A_972 = math.log %slice3A_959 : vector<16x1xf32>
    %jit3A_973 = arith.constant 0.000000e+00 : f32
    %broadcast_in_dim3A_974 = vector.broadcast %jit3A_973 : f32 to vector<16x1xf32>
    %select_n3A_975 = arith.select %gt3A_971, %log3A_972, %broadcast_in_dim3A_974 : vector<16x1xi1>, vector<16x1xf32>
    %add3A_976 = arith.addf %add3A_968, %select_n3A_975 : vector<16x1xf32>
    %slice3A_977 = vector.extract_strided_slice %dot_general3A_958 {offsets = [0, 128], sizes = [16, 1024], strides = [1, 1]} : vector<16x1152xf32> to vector<16x1024xf32>
    %get3A_978 = arith.constant 400 : index
    %get3A_979 = arith.constant 0 : index
    %get3A_980 = vector.load %arg5[%get3A_978, %get3A_979] : memref<800x1024xf32, #tpu.memory_space<vmem>>, vector<16x1024xf32>
    %div3A_981 = arith.constant 1.000000e+00 : f32
    %div3A_982 = vector.broadcast %div3A_981 : f32 to vector<16x1xf32>
    %div3A_983 = arith.divf %div3A_982, %slice3A_959 : vector<16x1xf32>
    %mul3A_984 = vector.broadcast %div3A_983 : vector<16x1xf32> to vector<16x1024xf32>
    %mul3A_985 = arith.mulf %get3A_980, %mul3A_984 : vector<16x1024xf32>
    %mul3A_986 = arith.constant 1.60381082E-28 : f32
    %mul3A_987 = vector.broadcast %mul3A_986 : f32 to vector<16x1xf32>
    %mul3A_988 = arith.mulf %mul3A_987, %slice3A_959 : vector<16x1xf32>
    %max3A_989 = vector.broadcast %mul3A_988 : vector<16x1xf32> to vector<16x1024xf32>
    %max3A_990 = arith.maximumf %slice3A_977, %max3A_989 : vector<16x1024xf32>
    %mul3A_991 = arith.mulf %max3A_990, %mul3A_985 : vector<16x1024xf32>
    %convert_element_type3A_992 = arith.truncf %mul3A_991 : vector<16x1024xf32> to vector<16x1024xbf16>
    %get3A_993 = arith.constant 0 : index
    %get3A_994 = arith.constant 0 : index
    %get3A_995 = vector.load %arg1[%get3A_993, %get3A_994] : memref<1024x1152xbf16, #tpu.memory_space<vmem>>, vector<1024x1152xbf16>
    %dot_general3A_996 = arith.constant dense<0.000000e+00> : vector<16x1152xf32>
    %dot_general3A_997 = tpu.matmul %convert_element_type3A_992, %get3A_995, %dot_general3A_996 {dimension_numbers = #tpu.dot_dimension_numbers<[1], [0], [0], [1], [0, 0, 1, 1], [], []>, transpose_lhs_hint = false} : vector<16x1024xbf16>, vector<1024x1152xbf16>, vector<16x1152xf32> -> vector<16x1152xf32>
    %slice3A_998 = vector.extract_strided_slice %dot_general3A_997 {offsets = [0, 0], sizes = [16, 1], strides = [1, 1]} : vector<16x1152xf32> to vector<16x1xf32>
    %slice3A_999 = vector.extract_strided_slice %dot_general3A_997 {offsets = [0, 1], sizes = [16, 1], strides = [1, 1]} : vector<16x1152xf32> to vector<16x1xf32>
    %eq3A_1000 = arith.constant 26 : i32
    %eq3A_1001 = vector.broadcast %eq3A_1000 : i32 to vector<16x1xi32>
    %eq3A_1002 = arith.cmpi eq, %get3A_6, %eq3A_1001 : vector<16x1xi32>
    %log3A_1003 = math.log %slice3A_999 : vector<16x1xf32>
    %jit3A_1004 = arith.constant 0.000000e+00 : f32
    %broadcast_in_dim3A_1005 = vector.broadcast %jit3A_1004 : f32 to vector<16x1xf32>
    %select_n3A_1006 = arith.select %eq3A_1002, %log3A_1003, %broadcast_in_dim3A_1005 : vector<16x1xi1>, vector<16x1xf32>
    %add3A_1007 = arith.addf %add3A_976, %select_n3A_1006 : vector<16x1xf32>
    %gt3A_1008 = arith.constant 26 : i32
    %gt3A_1009 = vector.broadcast %gt3A_1008 : i32 to vector<16x1xi32>
    %gt3A_1010 = arith.cmpi sgt, %get3A_6, %gt3A_1009 : vector<16x1xi32>
    %log3A_1011 = math.log %slice3A_998 : vector<16x1xf32>
    %jit3A_1012 = arith.constant 0.000000e+00 : f32
    %broadcast_in_dim3A_1013 = vector.broadcast %jit3A_1012 : f32 to vector<16x1xf32>
    %select_n3A_1014 = arith.select %gt3A_1010, %log3A_1011, %broadcast_in_dim3A_1013 : vector<16x1xi1>, vector<16x1xf32>
    %add3A_1015 = arith.addf %add3A_1007, %select_n3A_1014 : vector<16x1xf32>
    %slice3A_1016 = vector.extract_strided_slice %dot_general3A_997 {offsets = [0, 128], sizes = [16, 1024], strides = [1, 1]} : vector<16x1152xf32> to vector<16x1024xf32>
    %get3A_1017 = arith.constant 416 : index
    %get3A_1018 = arith.constant 0 : index
    %get3A_1019 = vector.load %arg5[%get3A_1017, %get3A_1018] : memref<800x1024xf32, #tpu.memory_space<vmem>>, vector<16x1024xf32>
    %div3A_1020 = arith.constant 1.000000e+00 : f32
    %div3A_1021 = vector.broadcast %div3A_1020 : f32 to vector<16x1xf32>
    %div3A_1022 = arith.divf %div3A_1021, %slice3A_998 : vector<16x1xf32>
    %mul3A_1023 = vector.broadcast %div3A_1022 : vector<16x1xf32> to vector<16x1024xf32>
    %mul3A_1024 = arith.mulf %get3A_1019, %mul3A_1023 : vector<16x1024xf32>
    %mul3A_1025 = arith.constant 1.60381082E-28 : f32
    %mul3A_1026 = vector.broadcast %mul3A_1025 : f32 to vector<16x1xf32>
    %mul3A_1027 = arith.mulf %mul3A_1026, %slice3A_998 : vector<16x1xf32>
    %max3A_1028 = vector.broadcast %mul3A_1027 : vector<16x1xf32> to vector<16x1024xf32>
    %max3A_1029 = arith.maximumf %slice3A_1016, %max3A_1028 : vector<16x1024xf32>
    %mul3A_1030 = arith.mulf %max3A_1029, %mul3A_1024 : vector<16x1024xf32>
    %convert_element_type3A_1031 = arith.truncf %mul3A_1030 : vector<16x1024xf32> to vector<16x1024xbf16>
    %get3A_1032 = arith.constant 0 : index
    %get3A_1033 = arith.constant 0 : index
    %get3A_1034 = vector.load %arg1[%get3A_1032, %get3A_1033] : memref<1024x1152xbf16, #tpu.memory_space<vmem>>, vector<1024x1152xbf16>
    %dot_general3A_1035 = arith.constant dense<0.000000e+00> : vector<16x1152xf32>
    %dot_general3A_1036 = tpu.matmul %convert_element_type3A_1031, %get3A_1034, %dot_general3A_1035 {dimension_numbers = #tpu.dot_dimension_numbers<[1], [0], [0], [1], [0, 0, 1, 1], [], []>, transpose_lhs_hint = false} : vector<16x1024xbf16>, vector<1024x1152xbf16>, vector<16x1152xf32> -> vector<16x1152xf32>
    %slice3A_1037 = vector.extract_strided_slice %dot_general3A_1036 {offsets = [0, 0], sizes = [16, 1], strides = [1, 1]} : vector<16x1152xf32> to vector<16x1xf32>
    %slice3A_1038 = vector.extract_strided_slice %dot_general3A_1036 {offsets = [0, 1], sizes = [16, 1], strides = [1, 1]} : vector<16x1152xf32> to vector<16x1xf32>
    %eq3A_1039 = arith.constant 27 : i32
    %eq3A_1040 = vector.broadcast %eq3A_1039 : i32 to vector<16x1xi32>
    %eq3A_1041 = arith.cmpi eq, %get3A_6, %eq3A_1040 : vector<16x1xi32>
    %log3A_1042 = math.log %slice3A_1038 : vector<16x1xf32>
    %jit3A_1043 = arith.constant 0.000000e+00 : f32
    %broadcast_in_dim3A_1044 = vector.broadcast %jit3A_1043 : f32 to vector<16x1xf32>
    %select_n3A_1045 = arith.select %eq3A_1041, %log3A_1042, %broadcast_in_dim3A_1044 : vector<16x1xi1>, vector<16x1xf32>
    %add3A_1046 = arith.addf %add3A_1015, %select_n3A_1045 : vector<16x1xf32>
    %gt3A_1047 = arith.constant 27 : i32
    %gt3A_1048 = vector.broadcast %gt3A_1047 : i32 to vector<16x1xi32>
    %gt3A_1049 = arith.cmpi sgt, %get3A_6, %gt3A_1048 : vector<16x1xi32>
    %log3A_1050 = math.log %slice3A_1037 : vector<16x1xf32>
    %jit3A_1051 = arith.constant 0.000000e+00 : f32
    %broadcast_in_dim3A_1052 = vector.broadcast %jit3A_1051 : f32 to vector<16x1xf32>
    %select_n3A_1053 = arith.select %gt3A_1049, %log3A_1050, %broadcast_in_dim3A_1052 : vector<16x1xi1>, vector<16x1xf32>
    %add3A_1054 = arith.addf %add3A_1046, %select_n3A_1053 : vector<16x1xf32>
    %slice3A_1055 = vector.extract_strided_slice %dot_general3A_1036 {offsets = [0, 128], sizes = [16, 1024], strides = [1, 1]} : vector<16x1152xf32> to vector<16x1024xf32>
    %get3A_1056 = arith.constant 432 : index
    %get3A_1057 = arith.constant 0 : index
    %get3A_1058 = vector.load %arg5[%get3A_1056, %get3A_1057] : memref<800x1024xf32, #tpu.memory_space<vmem>>, vector<16x1024xf32>
    %div3A_1059 = arith.constant 1.000000e+00 : f32
    %div3A_1060 = vector.broadcast %div3A_1059 : f32 to vector<16x1xf32>
    %div3A_1061 = arith.divf %div3A_1060, %slice3A_1037 : vector<16x1xf32>
    %mul3A_1062 = vector.broadcast %div3A_1061 : vector<16x1xf32> to vector<16x1024xf32>
    %mul3A_1063 = arith.mulf %get3A_1058, %mul3A_1062 : vector<16x1024xf32>
    %mul3A_1064 = arith.constant 1.60381082E-28 : f32
    %mul3A_1065 = vector.broadcast %mul3A_1064 : f32 to vector<16x1xf32>
    %mul3A_1066 = arith.mulf %mul3A_1065, %slice3A_1037 : vector<16x1xf32>
    %max3A_1067 = vector.broadcast %mul3A_1066 : vector<16x1xf32> to vector<16x1024xf32>
    %max3A_1068 = arith.maximumf %slice3A_1055, %max3A_1067 : vector<16x1024xf32>
    %mul3A_1069 = arith.mulf %max3A_1068, %mul3A_1063 : vector<16x1024xf32>
    %convert_element_type3A_1070 = arith.truncf %mul3A_1069 : vector<16x1024xf32> to vector<16x1024xbf16>
    %get3A_1071 = arith.constant 0 : index
    %get3A_1072 = arith.constant 0 : index
    %get3A_1073 = vector.load %arg1[%get3A_1071, %get3A_1072] : memref<1024x1152xbf16, #tpu.memory_space<vmem>>, vector<1024x1152xbf16>
    %dot_general3A_1074 = arith.constant dense<0.000000e+00> : vector<16x1152xf32>
    %dot_general3A_1075 = tpu.matmul %convert_element_type3A_1070, %get3A_1073, %dot_general3A_1074 {dimension_numbers = #tpu.dot_dimension_numbers<[1], [0], [0], [1], [0, 0, 1, 1], [], []>, transpose_lhs_hint = false} : vector<16x1024xbf16>, vector<1024x1152xbf16>, vector<16x1152xf32> -> vector<16x1152xf32>
    %slice3A_1076 = vector.extract_strided_slice %dot_general3A_1075 {offsets = [0, 0], sizes = [16, 1], strides = [1, 1]} : vector<16x1152xf32> to vector<16x1xf32>
    %slice3A_1077 = vector.extract_strided_slice %dot_general3A_1075 {offsets = [0, 1], sizes = [16, 1], strides = [1, 1]} : vector<16x1152xf32> to vector<16x1xf32>
    %eq3A_1078 = arith.constant 28 : i32
    %eq3A_1079 = vector.broadcast %eq3A_1078 : i32 to vector<16x1xi32>
    %eq3A_1080 = arith.cmpi eq, %get3A_6, %eq3A_1079 : vector<16x1xi32>
    %log3A_1081 = math.log %slice3A_1077 : vector<16x1xf32>
    %jit3A_1082 = arith.constant 0.000000e+00 : f32
    %broadcast_in_dim3A_1083 = vector.broadcast %jit3A_1082 : f32 to vector<16x1xf32>
    %select_n3A_1084 = arith.select %eq3A_1080, %log3A_1081, %broadcast_in_dim3A_1083 : vector<16x1xi1>, vector<16x1xf32>
    %add3A_1085 = arith.addf %add3A_1054, %select_n3A_1084 : vector<16x1xf32>
    %gt3A_1086 = arith.constant 28 : i32
    %gt3A_1087 = vector.broadcast %gt3A_1086 : i32 to vector<16x1xi32>
    %gt3A_1088 = arith.cmpi sgt, %get3A_6, %gt3A_1087 : vector<16x1xi32>
    %log3A_1089 = math.log %slice3A_1076 : vector<16x1xf32>
    %jit3A_1090 = arith.constant 0.000000e+00 : f32
    %broadcast_in_dim3A_1091 = vector.broadcast %jit3A_1090 : f32 to vector<16x1xf32>
    %select_n3A_1092 = arith.select %gt3A_1088, %log3A_1089, %broadcast_in_dim3A_1091 : vector<16x1xi1>, vector<16x1xf32>
    %add3A_1093 = arith.addf %add3A_1085, %select_n3A_1092 : vector<16x1xf32>
    %slice3A_1094 = vector.extract_strided_slice %dot_general3A_1075 {offsets = [0, 128], sizes = [16, 1024], strides = [1, 1]} : vector<16x1152xf32> to vector<16x1024xf32>
    %get3A_1095 = arith.constant 448 : index
    %get3A_1096 = arith.constant 0 : index
    %get3A_1097 = vector.load %arg5[%get3A_1095, %get3A_1096] : memref<800x1024xf32, #tpu.memory_space<vmem>>, vector<16x1024xf32>
    %div3A_1098 = arith.constant 1.000000e+00 : f32
    %div3A_1099 = vector.broadcast %div3A_1098 : f32 to vector<16x1xf32>
    %div3A_1100 = arith.divf %div3A_1099, %slice3A_1076 : vector<16x1xf32>
    %mul3A_1101 = vector.broadcast %div3A_1100 : vector<16x1xf32> to vector<16x1024xf32>
    %mul3A_1102 = arith.mulf %get3A_1097, %mul3A_1101 : vector<16x1024xf32>
    %mul3A_1103 = arith.constant 1.60381082E-28 : f32
    %mul3A_1104 = vector.broadcast %mul3A_1103 : f32 to vector<16x1xf32>
    %mul3A_1105 = arith.mulf %mul3A_1104, %slice3A_1076 : vector<16x1xf32>
    %max3A_1106 = vector.broadcast %mul3A_1105 : vector<16x1xf32> to vector<16x1024xf32>
    %max3A_1107 = arith.maximumf %slice3A_1094, %max3A_1106 : vector<16x1024xf32>
    %mul3A_1108 = arith.mulf %max3A_1107, %mul3A_1102 : vector<16x1024xf32>
    %convert_element_type3A_1109 = arith.truncf %mul3A_1108 : vector<16x1024xf32> to vector<16x1024xbf16>
    %get3A_1110 = arith.constant 0 : index
    %get3A_1111 = arith.constant 0 : index
    %get3A_1112 = vector.load %arg1[%get3A_1110, %get3A_1111] : memref<1024x1152xbf16, #tpu.memory_space<vmem>>, vector<1024x1152xbf16>
    %dot_general3A_1113 = arith.constant dense<0.000000e+00> : vector<16x1152xf32>
    %dot_general3A_1114 = tpu.matmul %convert_element_type3A_1109, %get3A_1112, %dot_general3A_1113 {dimension_numbers = #tpu.dot_dimension_numbers<[1], [0], [0], [1], [0, 0, 1, 1], [], []>, transpose_lhs_hint = false} : vector<16x1024xbf16>, vector<1024x1152xbf16>, vector<16x1152xf32> -> vector<16x1152xf32>
    %slice3A_1115 = vector.extract_strided_slice %dot_general3A_1114 {offsets = [0, 0], sizes = [16, 1], strides = [1, 1]} : vector<16x1152xf32> to vector<16x1xf32>
    %slice3A_1116 = vector.extract_strided_slice %dot_general3A_1114 {offsets = [0, 1], sizes = [16, 1], strides = [1, 1]} : vector<16x1152xf32> to vector<16x1xf32>
    %eq3A_1117 = arith.constant 29 : i32
    %eq3A_1118 = vector.broadcast %eq3A_1117 : i32 to vector<16x1xi32>
    %eq3A_1119 = arith.cmpi eq, %get3A_6, %eq3A_1118 : vector<16x1xi32>
    %log3A_1120 = math.log %slice3A_1116 : vector<16x1xf32>
    %jit3A_1121 = arith.constant 0.000000e+00 : f32
    %broadcast_in_dim3A_1122 = vector.broadcast %jit3A_1121 : f32 to vector<16x1xf32>
    %select_n3A_1123 = arith.select %eq3A_1119, %log3A_1120, %broadcast_in_dim3A_1122 : vector<16x1xi1>, vector<16x1xf32>
    %add3A_1124 = arith.addf %add3A_1093, %select_n3A_1123 : vector<16x1xf32>
    %gt3A_1125 = arith.constant 29 : i32
    %gt3A_1126 = vector.broadcast %gt3A_1125 : i32 to vector<16x1xi32>
    %gt3A_1127 = arith.cmpi sgt, %get3A_6, %gt3A_1126 : vector<16x1xi32>
    %log3A_1128 = math.log %slice3A_1115 : vector<16x1xf32>
    %jit3A_1129 = arith.constant 0.000000e+00 : f32
    %broadcast_in_dim3A_1130 = vector.broadcast %jit3A_1129 : f32 to vector<16x1xf32>
    %select_n3A_1131 = arith.select %gt3A_1127, %log3A_1128, %broadcast_in_dim3A_1130 : vector<16x1xi1>, vector<16x1xf32>
    %add3A_1132 = arith.addf %add3A_1124, %select_n3A_1131 : vector<16x1xf32>
    %slice3A_1133 = vector.extract_strided_slice %dot_general3A_1114 {offsets = [0, 128], sizes = [16, 1024], strides = [1, 1]} : vector<16x1152xf32> to vector<16x1024xf32>
    %get3A_1134 = arith.constant 464 : index
    %get3A_1135 = arith.constant 0 : index
    %get3A_1136 = vector.load %arg5[%get3A_1134, %get3A_1135] : memref<800x1024xf32, #tpu.memory_space<vmem>>, vector<16x1024xf32>
    %div3A_1137 = arith.constant 1.000000e+00 : f32
    %div3A_1138 = vector.broadcast %div3A_1137 : f32 to vector<16x1xf32>
    %div3A_1139 = arith.divf %div3A_1138, %slice3A_1115 : vector<16x1xf32>
    %mul3A_1140 = vector.broadcast %div3A_1139 : vector<16x1xf32> to vector<16x1024xf32>
    %mul3A_1141 = arith.mulf %get3A_1136, %mul3A_1140 : vector<16x1024xf32>
    %mul3A_1142 = arith.constant 1.60381082E-28 : f32
    %mul3A_1143 = vector.broadcast %mul3A_1142 : f32 to vector<16x1xf32>
    %mul3A_1144 = arith.mulf %mul3A_1143, %slice3A_1115 : vector<16x1xf32>
    %max3A_1145 = vector.broadcast %mul3A_1144 : vector<16x1xf32> to vector<16x1024xf32>
    %max3A_1146 = arith.maximumf %slice3A_1133, %max3A_1145 : vector<16x1024xf32>
    %mul3A_1147 = arith.mulf %max3A_1146, %mul3A_1141 : vector<16x1024xf32>
    %convert_element_type3A_1148 = arith.truncf %mul3A_1147 : vector<16x1024xf32> to vector<16x1024xbf16>
    %get3A_1149 = arith.constant 0 : index
    %get3A_1150 = arith.constant 0 : index
    %get3A_1151 = vector.load %arg1[%get3A_1149, %get3A_1150] : memref<1024x1152xbf16, #tpu.memory_space<vmem>>, vector<1024x1152xbf16>
    %dot_general3A_1152 = arith.constant dense<0.000000e+00> : vector<16x1152xf32>
    %dot_general3A_1153 = tpu.matmul %convert_element_type3A_1148, %get3A_1151, %dot_general3A_1152 {dimension_numbers = #tpu.dot_dimension_numbers<[1], [0], [0], [1], [0, 0, 1, 1], [], []>, transpose_lhs_hint = false} : vector<16x1024xbf16>, vector<1024x1152xbf16>, vector<16x1152xf32> -> vector<16x1152xf32>
    %slice3A_1154 = vector.extract_strided_slice %dot_general3A_1153 {offsets = [0, 0], sizes = [16, 1], strides = [1, 1]} : vector<16x1152xf32> to vector<16x1xf32>
    %slice3A_1155 = vector.extract_strided_slice %dot_general3A_1153 {offsets = [0, 1], sizes = [16, 1], strides = [1, 1]} : vector<16x1152xf32> to vector<16x1xf32>
    %eq3A_1156 = arith.constant 30 : i32
    %eq3A_1157 = vector.broadcast %eq3A_1156 : i32 to vector<16x1xi32>
    %eq3A_1158 = arith.cmpi eq, %get3A_6, %eq3A_1157 : vector<16x1xi32>
    %log3A_1159 = math.log %slice3A_1155 : vector<16x1xf32>
    %jit3A_1160 = arith.constant 0.000000e+00 : f32
    %broadcast_in_dim3A_1161 = vector.broadcast %jit3A_1160 : f32 to vector<16x1xf32>
    %select_n3A_1162 = arith.select %eq3A_1158, %log3A_1159, %broadcast_in_dim3A_1161 : vector<16x1xi1>, vector<16x1xf32>
    %add3A_1163 = arith.addf %add3A_1132, %select_n3A_1162 : vector<16x1xf32>
    %gt3A_1164 = arith.constant 30 : i32
    %gt3A_1165 = vector.broadcast %gt3A_1164 : i32 to vector<16x1xi32>
    %gt3A_1166 = arith.cmpi sgt, %get3A_6, %gt3A_1165 : vector<16x1xi32>
    %log3A_1167 = math.log %slice3A_1154 : vector<16x1xf32>
    %jit3A_1168 = arith.constant 0.000000e+00 : f32
    %broadcast_in_dim3A_1169 = vector.broadcast %jit3A_1168 : f32 to vector<16x1xf32>
    %select_n3A_1170 = arith.select %gt3A_1166, %log3A_1167, %broadcast_in_dim3A_1169 : vector<16x1xi1>, vector<16x1xf32>
    %add3A_1171 = arith.addf %add3A_1163, %select_n3A_1170 : vector<16x1xf32>
    %slice3A_1172 = vector.extract_strided_slice %dot_general3A_1153 {offsets = [0, 128], sizes = [16, 1024], strides = [1, 1]} : vector<16x1152xf32> to vector<16x1024xf32>
    %get3A_1173 = arith.constant 480 : index
    %get3A_1174 = arith.constant 0 : index
    %get3A_1175 = vector.load %arg5[%get3A_1173, %get3A_1174] : memref<800x1024xf32, #tpu.memory_space<vmem>>, vector<16x1024xf32>
    %div3A_1176 = arith.constant 1.000000e+00 : f32
    %div3A_1177 = vector.broadcast %div3A_1176 : f32 to vector<16x1xf32>
    %div3A_1178 = arith.divf %div3A_1177, %slice3A_1154 : vector<16x1xf32>
    %mul3A_1179 = vector.broadcast %div3A_1178 : vector<16x1xf32> to vector<16x1024xf32>
    %mul3A_1180 = arith.mulf %get3A_1175, %mul3A_1179 : vector<16x1024xf32>
    %mul3A_1181 = arith.constant 1.60381082E-28 : f32
    %mul3A_1182 = vector.broadcast %mul3A_1181 : f32 to vector<16x1xf32>
    %mul3A_1183 = arith.mulf %mul3A_1182, %slice3A_1154 : vector<16x1xf32>
    %max3A_1184 = vector.broadcast %mul3A_1183 : vector<16x1xf32> to vector<16x1024xf32>
    %max3A_1185 = arith.maximumf %slice3A_1172, %max3A_1184 : vector<16x1024xf32>
    %mul3A_1186 = arith.mulf %max3A_1185, %mul3A_1180 : vector<16x1024xf32>
    %convert_element_type3A_1187 = arith.truncf %mul3A_1186 : vector<16x1024xf32> to vector<16x1024xbf16>
    %get3A_1188 = arith.constant 0 : index
    %get3A_1189 = arith.constant 0 : index
    %get3A_1190 = vector.load %arg1[%get3A_1188, %get3A_1189] : memref<1024x1152xbf16, #tpu.memory_space<vmem>>, vector<1024x1152xbf16>
    %dot_general3A_1191 = arith.constant dense<0.000000e+00> : vector<16x1152xf32>
    %dot_general3A_1192 = tpu.matmul %convert_element_type3A_1187, %get3A_1190, %dot_general3A_1191 {dimension_numbers = #tpu.dot_dimension_numbers<[1], [0], [0], [1], [0, 0, 1, 1], [], []>, transpose_lhs_hint = false} : vector<16x1024xbf16>, vector<1024x1152xbf16>, vector<16x1152xf32> -> vector<16x1152xf32>
    %slice3A_1193 = vector.extract_strided_slice %dot_general3A_1192 {offsets = [0, 0], sizes = [16, 1], strides = [1, 1]} : vector<16x1152xf32> to vector<16x1xf32>
    %slice3A_1194 = vector.extract_strided_slice %dot_general3A_1192 {offsets = [0, 1], sizes = [16, 1], strides = [1, 1]} : vector<16x1152xf32> to vector<16x1xf32>
    %eq3A_1195 = arith.constant 31 : i32
    %eq3A_1196 = vector.broadcast %eq3A_1195 : i32 to vector<16x1xi32>
    %eq3A_1197 = arith.cmpi eq, %get3A_6, %eq3A_1196 : vector<16x1xi32>
    %log3A_1198 = math.log %slice3A_1194 : vector<16x1xf32>
    %jit3A_1199 = arith.constant 0.000000e+00 : f32
    %broadcast_in_dim3A_1200 = vector.broadcast %jit3A_1199 : f32 to vector<16x1xf32>
    %select_n3A_1201 = arith.select %eq3A_1197, %log3A_1198, %broadcast_in_dim3A_1200 : vector<16x1xi1>, vector<16x1xf32>
    %add3A_1202 = arith.addf %add3A_1171, %select_n3A_1201 : vector<16x1xf32>
    %gt3A_1203 = arith.constant 31 : i32
    %gt3A_1204 = vector.broadcast %gt3A_1203 : i32 to vector<16x1xi32>
    %gt3A_1205 = arith.cmpi sgt, %get3A_6, %gt3A_1204 : vector<16x1xi32>
    %log3A_1206 = math.log %slice3A_1193 : vector<16x1xf32>
    %jit3A_1207 = arith.constant 0.000000e+00 : f32
    %broadcast_in_dim3A_1208 = vector.broadcast %jit3A_1207 : f32 to vector<16x1xf32>
    %select_n3A_1209 = arith.select %gt3A_1205, %log3A_1206, %broadcast_in_dim3A_1208 : vector<16x1xi1>, vector<16x1xf32>
    %add3A_1210 = arith.addf %add3A_1202, %select_n3A_1209 : vector<16x1xf32>
    %slice3A_1211 = vector.extract_strided_slice %dot_general3A_1192 {offsets = [0, 128], sizes = [16, 1024], strides = [1, 1]} : vector<16x1152xf32> to vector<16x1024xf32>
    %get3A_1212 = arith.constant 496 : index
    %get3A_1213 = arith.constant 0 : index
    %get3A_1214 = vector.load %arg5[%get3A_1212, %get3A_1213] : memref<800x1024xf32, #tpu.memory_space<vmem>>, vector<16x1024xf32>
    %div3A_1215 = arith.constant 1.000000e+00 : f32
    %div3A_1216 = vector.broadcast %div3A_1215 : f32 to vector<16x1xf32>
    %div3A_1217 = arith.divf %div3A_1216, %slice3A_1193 : vector<16x1xf32>
    %mul3A_1218 = vector.broadcast %div3A_1217 : vector<16x1xf32> to vector<16x1024xf32>
    %mul3A_1219 = arith.mulf %get3A_1214, %mul3A_1218 : vector<16x1024xf32>
    %mul3A_1220 = arith.constant 1.60381082E-28 : f32
    %mul3A_1221 = vector.broadcast %mul3A_1220 : f32 to vector<16x1xf32>
    %mul3A_1222 = arith.mulf %mul3A_1221, %slice3A_1193 : vector<16x1xf32>
    %max3A_1223 = vector.broadcast %mul3A_1222 : vector<16x1xf32> to vector<16x1024xf32>
    %max3A_1224 = arith.maximumf %slice3A_1211, %max3A_1223 : vector<16x1024xf32>
    %mul3A_1225 = arith.mulf %max3A_1224, %mul3A_1219 : vector<16x1024xf32>
    %convert_element_type3A_1226 = arith.truncf %mul3A_1225 : vector<16x1024xf32> to vector<16x1024xbf16>
    %get3A_1227 = arith.constant 0 : index
    %get3A_1228 = arith.constant 0 : index
    %get3A_1229 = vector.load %arg1[%get3A_1227, %get3A_1228] : memref<1024x1152xbf16, #tpu.memory_space<vmem>>, vector<1024x1152xbf16>
    %dot_general3A_1230 = arith.constant dense<0.000000e+00> : vector<16x1152xf32>
    %dot_general3A_1231 = tpu.matmul %convert_element_type3A_1226, %get3A_1229, %dot_general3A_1230 {dimension_numbers = #tpu.dot_dimension_numbers<[1], [0], [0], [1], [0, 0, 1, 1], [], []>, transpose_lhs_hint = false} : vector<16x1024xbf16>, vector<1024x1152xbf16>, vector<16x1152xf32> -> vector<16x1152xf32>
    %slice3A_1232 = vector.extract_strided_slice %dot_general3A_1231 {offsets = [0, 0], sizes = [16, 1], strides = [1, 1]} : vector<16x1152xf32> to vector<16x1xf32>
    %slice3A_1233 = vector.extract_strided_slice %dot_general3A_1231 {offsets = [0, 1], sizes = [16, 1], strides = [1, 1]} : vector<16x1152xf32> to vector<16x1xf32>
    %eq3A_1234 = arith.constant 32 : i32
    %eq3A_1235 = vector.broadcast %eq3A_1234 : i32 to vector<16x1xi32>
    %eq3A_1236 = arith.cmpi eq, %get3A_6, %eq3A_1235 : vector<16x1xi32>
    %log3A_1237 = math.log %slice3A_1233 : vector<16x1xf32>
    %jit3A_1238 = arith.constant 0.000000e+00 : f32
    %broadcast_in_dim3A_1239 = vector.broadcast %jit3A_1238 : f32 to vector<16x1xf32>
    %select_n3A_1240 = arith.select %eq3A_1236, %log3A_1237, %broadcast_in_dim3A_1239 : vector<16x1xi1>, vector<16x1xf32>
    %add3A_1241 = arith.addf %add3A_1210, %select_n3A_1240 : vector<16x1xf32>
    %gt3A_1242 = arith.constant 32 : i32
    %gt3A_1243 = vector.broadcast %gt3A_1242 : i32 to vector<16x1xi32>
    %gt3A_1244 = arith.cmpi sgt, %get3A_6, %gt3A_1243 : vector<16x1xi32>
    %log3A_1245 = math.log %slice3A_1232 : vector<16x1xf32>
    %jit3A_1246 = arith.constant 0.000000e+00 : f32
    %broadcast_in_dim3A_1247 = vector.broadcast %jit3A_1246 : f32 to vector<16x1xf32>
    %select_n3A_1248 = arith.select %gt3A_1244, %log3A_1245, %broadcast_in_dim3A_1247 : vector<16x1xi1>, vector<16x1xf32>
    %add3A_1249 = arith.addf %add3A_1241, %select_n3A_1248 : vector<16x1xf32>
    %slice3A_1250 = vector.extract_strided_slice %dot_general3A_1231 {offsets = [0, 128], sizes = [16, 1024], strides = [1, 1]} : vector<16x1152xf32> to vector<16x1024xf32>
    %get3A_1251 = arith.constant 512 : index
    %get3A_1252 = arith.constant 0 : index
    %get3A_1253 = vector.load %arg5[%get3A_1251, %get3A_1252] : memref<800x1024xf32, #tpu.memory_space<vmem>>, vector<16x1024xf32>
    %div3A_1254 = arith.constant 1.000000e+00 : f32
    %div3A_1255 = vector.broadcast %div3A_1254 : f32 to vector<16x1xf32>
    %div3A_1256 = arith.divf %div3A_1255, %slice3A_1232 : vector<16x1xf32>
    %mul3A_1257 = vector.broadcast %div3A_1256 : vector<16x1xf32> to vector<16x1024xf32>
    %mul3A_1258 = arith.mulf %get3A_1253, %mul3A_1257 : vector<16x1024xf32>
    %mul3A_1259 = arith.constant 1.60381082E-28 : f32
    %mul3A_1260 = vector.broadcast %mul3A_1259 : f32 to vector<16x1xf32>
    %mul3A_1261 = arith.mulf %mul3A_1260, %slice3A_1232 : vector<16x1xf32>
    %max3A_1262 = vector.broadcast %mul3A_1261 : vector<16x1xf32> to vector<16x1024xf32>
    %max3A_1263 = arith.maximumf %slice3A_1250, %max3A_1262 : vector<16x1024xf32>
    %mul3A_1264 = arith.mulf %max3A_1263, %mul3A_1258 : vector<16x1024xf32>
    %convert_element_type3A_1265 = arith.truncf %mul3A_1264 : vector<16x1024xf32> to vector<16x1024xbf16>
    %get3A_1266 = arith.constant 0 : index
    %get3A_1267 = arith.constant 0 : index
    %get3A_1268 = vector.load %arg1[%get3A_1266, %get3A_1267] : memref<1024x1152xbf16, #tpu.memory_space<vmem>>, vector<1024x1152xbf16>
    %dot_general3A_1269 = arith.constant dense<0.000000e+00> : vector<16x1152xf32>
    %dot_general3A_1270 = tpu.matmul %convert_element_type3A_1265, %get3A_1268, %dot_general3A_1269 {dimension_numbers = #tpu.dot_dimension_numbers<[1], [0], [0], [1], [0, 0, 1, 1], [], []>, transpose_lhs_hint = false} : vector<16x1024xbf16>, vector<1024x1152xbf16>, vector<16x1152xf32> -> vector<16x1152xf32>
    %slice3A_1271 = vector.extract_strided_slice %dot_general3A_1270 {offsets = [0, 0], sizes = [16, 1], strides = [1, 1]} : vector<16x1152xf32> to vector<16x1xf32>
    %slice3A_1272 = vector.extract_strided_slice %dot_general3A_1270 {offsets = [0, 1], sizes = [16, 1], strides = [1, 1]} : vector<16x1152xf32> to vector<16x1xf32>
    %eq3A_1273 = arith.constant 33 : i32
    %eq3A_1274 = vector.broadcast %eq3A_1273 : i32 to vector<16x1xi32>
    %eq3A_1275 = arith.cmpi eq, %get3A_6, %eq3A_1274 : vector<16x1xi32>
    %log3A_1276 = math.log %slice3A_1272 : vector<16x1xf32>
    %jit3A_1277 = arith.constant 0.000000e+00 : f32
    %broadcast_in_dim3A_1278 = vector.broadcast %jit3A_1277 : f32 to vector<16x1xf32>
    %select_n3A_1279 = arith.select %eq3A_1275, %log3A_1276, %broadcast_in_dim3A_1278 : vector<16x1xi1>, vector<16x1xf32>
    %add3A_1280 = arith.addf %add3A_1249, %select_n3A_1279 : vector<16x1xf32>
    %gt3A_1281 = arith.constant 33 : i32
    %gt3A_1282 = vector.broadcast %gt3A_1281 : i32 to vector<16x1xi32>
    %gt3A_1283 = arith.cmpi sgt, %get3A_6, %gt3A_1282 : vector<16x1xi32>
    %log3A_1284 = math.log %slice3A_1271 : vector<16x1xf32>
    %jit3A_1285 = arith.constant 0.000000e+00 : f32
    %broadcast_in_dim3A_1286 = vector.broadcast %jit3A_1285 : f32 to vector<16x1xf32>
    %select_n3A_1287 = arith.select %gt3A_1283, %log3A_1284, %broadcast_in_dim3A_1286 : vector<16x1xi1>, vector<16x1xf32>
    %add3A_1288 = arith.addf %add3A_1280, %select_n3A_1287 : vector<16x1xf32>
    %slice3A_1289 = vector.extract_strided_slice %dot_general3A_1270 {offsets = [0, 128], sizes = [16, 1024], strides = [1, 1]} : vector<16x1152xf32> to vector<16x1024xf32>
    %get3A_1290 = arith.constant 528 : index
    %get3A_1291 = arith.constant 0 : index
    %get3A_1292 = vector.load %arg5[%get3A_1290, %get3A_1291] : memref<800x1024xf32, #tpu.memory_space<vmem>>, vector<16x1024xf32>
    %div3A_1293 = arith.constant 1.000000e+00 : f32
    %div3A_1294 = vector.broadcast %div3A_1293 : f32 to vector<16x1xf32>
    %div3A_1295 = arith.divf %div3A_1294, %slice3A_1271 : vector<16x1xf32>
    %mul3A_1296 = vector.broadcast %div3A_1295 : vector<16x1xf32> to vector<16x1024xf32>
    %mul3A_1297 = arith.mulf %get3A_1292, %mul3A_1296 : vector<16x1024xf32>
    %mul3A_1298 = arith.constant 1.60381082E-28 : f32
    %mul3A_1299 = vector.broadcast %mul3A_1298 : f32 to vector<16x1xf32>
    %mul3A_1300 = arith.mulf %mul3A_1299, %slice3A_1271 : vector<16x1xf32>
    %max3A_1301 = vector.broadcast %mul3A_1300 : vector<16x1xf32> to vector<16x1024xf32>
    %max3A_1302 = arith.maximumf %slice3A_1289, %max3A_1301 : vector<16x1024xf32>
    %mul3A_1303 = arith.mulf %max3A_1302, %mul3A_1297 : vector<16x1024xf32>
    %convert_element_type3A_1304 = arith.truncf %mul3A_1303 : vector<16x1024xf32> to vector<16x1024xbf16>
    %get3A_1305 = arith.constant 0 : index
    %get3A_1306 = arith.constant 0 : index
    %get3A_1307 = vector.load %arg1[%get3A_1305, %get3A_1306] : memref<1024x1152xbf16, #tpu.memory_space<vmem>>, vector<1024x1152xbf16>
    %dot_general3A_1308 = arith.constant dense<0.000000e+00> : vector<16x1152xf32>
    %dot_general3A_1309 = tpu.matmul %convert_element_type3A_1304, %get3A_1307, %dot_general3A_1308 {dimension_numbers = #tpu.dot_dimension_numbers<[1], [0], [0], [1], [0, 0, 1, 1], [], []>, transpose_lhs_hint = false} : vector<16x1024xbf16>, vector<1024x1152xbf16>, vector<16x1152xf32> -> vector<16x1152xf32>
    %slice3A_1310 = vector.extract_strided_slice %dot_general3A_1309 {offsets = [0, 0], sizes = [16, 1], strides = [1, 1]} : vector<16x1152xf32> to vector<16x1xf32>
    %slice3A_1311 = vector.extract_strided_slice %dot_general3A_1309 {offsets = [0, 1], sizes = [16, 1], strides = [1, 1]} : vector<16x1152xf32> to vector<16x1xf32>
    %eq3A_1312 = arith.constant 34 : i32
    %eq3A_1313 = vector.broadcast %eq3A_1312 : i32 to vector<16x1xi32>
    %eq3A_1314 = arith.cmpi eq, %get3A_6, %eq3A_1313 : vector<16x1xi32>
    %log3A_1315 = math.log %slice3A_1311 : vector<16x1xf32>
    %jit3A_1316 = arith.constant 0.000000e+00 : f32
    %broadcast_in_dim3A_1317 = vector.broadcast %jit3A_1316 : f32 to vector<16x1xf32>
    %select_n3A_1318 = arith.select %eq3A_1314, %log3A_1315, %broadcast_in_dim3A_1317 : vector<16x1xi1>, vector<16x1xf32>
    %add3A_1319 = arith.addf %add3A_1288, %select_n3A_1318 : vector<16x1xf32>
    %gt3A_1320 = arith.constant 34 : i32
    %gt3A_1321 = vector.broadcast %gt3A_1320 : i32 to vector<16x1xi32>
    %gt3A_1322 = arith.cmpi sgt, %get3A_6, %gt3A_1321 : vector<16x1xi32>
    %log3A_1323 = math.log %slice3A_1310 : vector<16x1xf32>
    %jit3A_1324 = arith.constant 0.000000e+00 : f32
    %broadcast_in_dim3A_1325 = vector.broadcast %jit3A_1324 : f32 to vector<16x1xf32>
    %select_n3A_1326 = arith.select %gt3A_1322, %log3A_1323, %broadcast_in_dim3A_1325 : vector<16x1xi1>, vector<16x1xf32>
    %add3A_1327 = arith.addf %add3A_1319, %select_n3A_1326 : vector<16x1xf32>
    %slice3A_1328 = vector.extract_strided_slice %dot_general3A_1309 {offsets = [0, 128], sizes = [16, 1024], strides = [1, 1]} : vector<16x1152xf32> to vector<16x1024xf32>
    %get3A_1329 = arith.constant 544 : index
    %get3A_1330 = arith.constant 0 : index
    %get3A_1331 = vector.load %arg5[%get3A_1329, %get3A_1330] : memref<800x1024xf32, #tpu.memory_space<vmem>>, vector<16x1024xf32>
    %div3A_1332 = arith.constant 1.000000e+00 : f32
    %div3A_1333 = vector.broadcast %div3A_1332 : f32 to vector<16x1xf32>
    %div3A_1334 = arith.divf %div3A_1333, %slice3A_1310 : vector<16x1xf32>
    %mul3A_1335 = vector.broadcast %div3A_1334 : vector<16x1xf32> to vector<16x1024xf32>
    %mul3A_1336 = arith.mulf %get3A_1331, %mul3A_1335 : vector<16x1024xf32>
    %mul3A_1337 = arith.constant 1.60381082E-28 : f32
    %mul3A_1338 = vector.broadcast %mul3A_1337 : f32 to vector<16x1xf32>
    %mul3A_1339 = arith.mulf %mul3A_1338, %slice3A_1310 : vector<16x1xf32>
    %max3A_1340 = vector.broadcast %mul3A_1339 : vector<16x1xf32> to vector<16x1024xf32>
    %max3A_1341 = arith.maximumf %slice3A_1328, %max3A_1340 : vector<16x1024xf32>
    %mul3A_1342 = arith.mulf %max3A_1341, %mul3A_1336 : vector<16x1024xf32>
    %convert_element_type3A_1343 = arith.truncf %mul3A_1342 : vector<16x1024xf32> to vector<16x1024xbf16>
    %get3A_1344 = arith.constant 0 : index
    %get3A_1345 = arith.constant 0 : index
    %get3A_1346 = vector.load %arg1[%get3A_1344, %get3A_1345] : memref<1024x1152xbf16, #tpu.memory_space<vmem>>, vector<1024x1152xbf16>
    %dot_general3A_1347 = arith.constant dense<0.000000e+00> : vector<16x1152xf32>
    %dot_general3A_1348 = tpu.matmul %convert_element_type3A_1343, %get3A_1346, %dot_general3A_1347 {dimension_numbers = #tpu.dot_dimension_numbers<[1], [0], [0], [1], [0, 0, 1, 1], [], []>, transpose_lhs_hint = false} : vector<16x1024xbf16>, vector<1024x1152xbf16>, vector<16x1152xf32> -> vector<16x1152xf32>
    %slice3A_1349 = vector.extract_strided_slice %dot_general3A_1348 {offsets = [0, 0], sizes = [16, 1], strides = [1, 1]} : vector<16x1152xf32> to vector<16x1xf32>
    %slice3A_1350 = vector.extract_strided_slice %dot_general3A_1348 {offsets = [0, 1], sizes = [16, 1], strides = [1, 1]} : vector<16x1152xf32> to vector<16x1xf32>
    %eq3A_1351 = arith.constant 35 : i32
    %eq3A_1352 = vector.broadcast %eq3A_1351 : i32 to vector<16x1xi32>
    %eq3A_1353 = arith.cmpi eq, %get3A_6, %eq3A_1352 : vector<16x1xi32>
    %log3A_1354 = math.log %slice3A_1350 : vector<16x1xf32>
    %jit3A_1355 = arith.constant 0.000000e+00 : f32
    %broadcast_in_dim3A_1356 = vector.broadcast %jit3A_1355 : f32 to vector<16x1xf32>
    %select_n3A_1357 = arith.select %eq3A_1353, %log3A_1354, %broadcast_in_dim3A_1356 : vector<16x1xi1>, vector<16x1xf32>
    %add3A_1358 = arith.addf %add3A_1327, %select_n3A_1357 : vector<16x1xf32>
    %gt3A_1359 = arith.constant 35 : i32
    %gt3A_1360 = vector.broadcast %gt3A_1359 : i32 to vector<16x1xi32>
    %gt3A_1361 = arith.cmpi sgt, %get3A_6, %gt3A_1360 : vector<16x1xi32>
    %log3A_1362 = math.log %slice3A_1349 : vector<16x1xf32>
    %jit3A_1363 = arith.constant 0.000000e+00 : f32
    %broadcast_in_dim3A_1364 = vector.broadcast %jit3A_1363 : f32 to vector<16x1xf32>
    %select_n3A_1365 = arith.select %gt3A_1361, %log3A_1362, %broadcast_in_dim3A_1364 : vector<16x1xi1>, vector<16x1xf32>
    %add3A_1366 = arith.addf %add3A_1358, %select_n3A_1365 : vector<16x1xf32>
    %slice3A_1367 = vector.extract_strided_slice %dot_general3A_1348 {offsets = [0, 128], sizes = [16, 1024], strides = [1, 1]} : vector<16x1152xf32> to vector<16x1024xf32>
    %get3A_1368 = arith.constant 560 : index
    %get3A_1369 = arith.constant 0 : index
    %get3A_1370 = vector.load %arg5[%get3A_1368, %get3A_1369] : memref<800x1024xf32, #tpu.memory_space<vmem>>, vector<16x1024xf32>
    %div3A_1371 = arith.constant 1.000000e+00 : f32
    %div3A_1372 = vector.broadcast %div3A_1371 : f32 to vector<16x1xf32>
    %div3A_1373 = arith.divf %div3A_1372, %slice3A_1349 : vector<16x1xf32>
    %mul3A_1374 = vector.broadcast %div3A_1373 : vector<16x1xf32> to vector<16x1024xf32>
    %mul3A_1375 = arith.mulf %get3A_1370, %mul3A_1374 : vector<16x1024xf32>
    %mul3A_1376 = arith.constant 1.60381082E-28 : f32
    %mul3A_1377 = vector.broadcast %mul3A_1376 : f32 to vector<16x1xf32>
    %mul3A_1378 = arith.mulf %mul3A_1377, %slice3A_1349 : vector<16x1xf32>
    %max3A_1379 = vector.broadcast %mul3A_1378 : vector<16x1xf32> to vector<16x1024xf32>
    %max3A_1380 = arith.maximumf %slice3A_1367, %max3A_1379 : vector<16x1024xf32>
    %mul3A_1381 = arith.mulf %max3A_1380, %mul3A_1375 : vector<16x1024xf32>
    %convert_element_type3A_1382 = arith.truncf %mul3A_1381 : vector<16x1024xf32> to vector<16x1024xbf16>
    %get3A_1383 = arith.constant 0 : index
    %get3A_1384 = arith.constant 0 : index
    %get3A_1385 = vector.load %arg1[%get3A_1383, %get3A_1384] : memref<1024x1152xbf16, #tpu.memory_space<vmem>>, vector<1024x1152xbf16>
    %dot_general3A_1386 = arith.constant dense<0.000000e+00> : vector<16x1152xf32>
    %dot_general3A_1387 = tpu.matmul %convert_element_type3A_1382, %get3A_1385, %dot_general3A_1386 {dimension_numbers = #tpu.dot_dimension_numbers<[1], [0], [0], [1], [0, 0, 1, 1], [], []>, transpose_lhs_hint = false} : vector<16x1024xbf16>, vector<1024x1152xbf16>, vector<16x1152xf32> -> vector<16x1152xf32>
    %slice3A_1388 = vector.extract_strided_slice %dot_general3A_1387 {offsets = [0, 0], sizes = [16, 1], strides = [1, 1]} : vector<16x1152xf32> to vector<16x1xf32>
    %slice3A_1389 = vector.extract_strided_slice %dot_general3A_1387 {offsets = [0, 1], sizes = [16, 1], strides = [1, 1]} : vector<16x1152xf32> to vector<16x1xf32>
    %eq3A_1390 = arith.constant 36 : i32
    %eq3A_1391 = vector.broadcast %eq3A_1390 : i32 to vector<16x1xi32>
    %eq3A_1392 = arith.cmpi eq, %get3A_6, %eq3A_1391 : vector<16x1xi32>
    %log3A_1393 = math.log %slice3A_1389 : vector<16x1xf32>
    %jit3A_1394 = arith.constant 0.000000e+00 : f32
    %broadcast_in_dim3A_1395 = vector.broadcast %jit3A_1394 : f32 to vector<16x1xf32>
    %select_n3A_1396 = arith.select %eq3A_1392, %log3A_1393, %broadcast_in_dim3A_1395 : vector<16x1xi1>, vector<16x1xf32>
    %add3A_1397 = arith.addf %add3A_1366, %select_n3A_1396 : vector<16x1xf32>
    %gt3A_1398 = arith.constant 36 : i32
    %gt3A_1399 = vector.broadcast %gt3A_1398 : i32 to vector<16x1xi32>
    %gt3A_1400 = arith.cmpi sgt, %get3A_6, %gt3A_1399 : vector<16x1xi32>
    %log3A_1401 = math.log %slice3A_1388 : vector<16x1xf32>
    %jit3A_1402 = arith.constant 0.000000e+00 : f32
    %broadcast_in_dim3A_1403 = vector.broadcast %jit3A_1402 : f32 to vector<16x1xf32>
    %select_n3A_1404 = arith.select %gt3A_1400, %log3A_1401, %broadcast_in_dim3A_1403 : vector<16x1xi1>, vector<16x1xf32>
    %add3A_1405 = arith.addf %add3A_1397, %select_n3A_1404 : vector<16x1xf32>
    %slice3A_1406 = vector.extract_strided_slice %dot_general3A_1387 {offsets = [0, 128], sizes = [16, 1024], strides = [1, 1]} : vector<16x1152xf32> to vector<16x1024xf32>
    %get3A_1407 = arith.constant 576 : index
    %get3A_1408 = arith.constant 0 : index
    %get3A_1409 = vector.load %arg5[%get3A_1407, %get3A_1408] : memref<800x1024xf32, #tpu.memory_space<vmem>>, vector<16x1024xf32>
    %div3A_1410 = arith.constant 1.000000e+00 : f32
    %div3A_1411 = vector.broadcast %div3A_1410 : f32 to vector<16x1xf32>
    %div3A_1412 = arith.divf %div3A_1411, %slice3A_1388 : vector<16x1xf32>
    %mul3A_1413 = vector.broadcast %div3A_1412 : vector<16x1xf32> to vector<16x1024xf32>
    %mul3A_1414 = arith.mulf %get3A_1409, %mul3A_1413 : vector<16x1024xf32>
    %mul3A_1415 = arith.constant 1.60381082E-28 : f32
    %mul3A_1416 = vector.broadcast %mul3A_1415 : f32 to vector<16x1xf32>
    %mul3A_1417 = arith.mulf %mul3A_1416, %slice3A_1388 : vector<16x1xf32>
    %max3A_1418 = vector.broadcast %mul3A_1417 : vector<16x1xf32> to vector<16x1024xf32>
    %max3A_1419 = arith.maximumf %slice3A_1406, %max3A_1418 : vector<16x1024xf32>
    %mul3A_1420 = arith.mulf %max3A_1419, %mul3A_1414 : vector<16x1024xf32>
    %convert_element_type3A_1421 = arith.truncf %mul3A_1420 : vector<16x1024xf32> to vector<16x1024xbf16>
    %get3A_1422 = arith.constant 0 : index
    %get3A_1423 = arith.constant 0 : index
    %get3A_1424 = vector.load %arg1[%get3A_1422, %get3A_1423] : memref<1024x1152xbf16, #tpu.memory_space<vmem>>, vector<1024x1152xbf16>
    %dot_general3A_1425 = arith.constant dense<0.000000e+00> : vector<16x1152xf32>
    %dot_general3A_1426 = tpu.matmul %convert_element_type3A_1421, %get3A_1424, %dot_general3A_1425 {dimension_numbers = #tpu.dot_dimension_numbers<[1], [0], [0], [1], [0, 0, 1, 1], [], []>, transpose_lhs_hint = false} : vector<16x1024xbf16>, vector<1024x1152xbf16>, vector<16x1152xf32> -> vector<16x1152xf32>
    %slice3A_1427 = vector.extract_strided_slice %dot_general3A_1426 {offsets = [0, 0], sizes = [16, 1], strides = [1, 1]} : vector<16x1152xf32> to vector<16x1xf32>
    %slice3A_1428 = vector.extract_strided_slice %dot_general3A_1426 {offsets = [0, 1], sizes = [16, 1], strides = [1, 1]} : vector<16x1152xf32> to vector<16x1xf32>
    %eq3A_1429 = arith.constant 37 : i32
    %eq3A_1430 = vector.broadcast %eq3A_1429 : i32 to vector<16x1xi32>
    %eq3A_1431 = arith.cmpi eq, %get3A_6, %eq3A_1430 : vector<16x1xi32>
    %log3A_1432 = math.log %slice3A_1428 : vector<16x1xf32>
    %jit3A_1433 = arith.constant 0.000000e+00 : f32
    %broadcast_in_dim3A_1434 = vector.broadcast %jit3A_1433 : f32 to vector<16x1xf32>
    %select_n3A_1435 = arith.select %eq3A_1431, %log3A_1432, %broadcast_in_dim3A_1434 : vector<16x1xi1>, vector<16x1xf32>
    %add3A_1436 = arith.addf %add3A_1405, %select_n3A_1435 : vector<16x1xf32>
    %gt3A_1437 = arith.constant 37 : i32
    %gt3A_1438 = vector.broadcast %gt3A_1437 : i32 to vector<16x1xi32>
    %gt3A_1439 = arith.cmpi sgt, %get3A_6, %gt3A_1438 : vector<16x1xi32>
    %log3A_1440 = math.log %slice3A_1427 : vector<16x1xf32>
    %jit3A_1441 = arith.constant 0.000000e+00 : f32
    %broadcast_in_dim3A_1442 = vector.broadcast %jit3A_1441 : f32 to vector<16x1xf32>
    %select_n3A_1443 = arith.select %gt3A_1439, %log3A_1440, %broadcast_in_dim3A_1442 : vector<16x1xi1>, vector<16x1xf32>
    %add3A_1444 = arith.addf %add3A_1436, %select_n3A_1443 : vector<16x1xf32>
    %slice3A_1445 = vector.extract_strided_slice %dot_general3A_1426 {offsets = [0, 128], sizes = [16, 1024], strides = [1, 1]} : vector<16x1152xf32> to vector<16x1024xf32>
    %get3A_1446 = arith.constant 592 : index
    %get3A_1447 = arith.constant 0 : index
    %get3A_1448 = vector.load %arg5[%get3A_1446, %get3A_1447] : memref<800x1024xf32, #tpu.memory_space<vmem>>, vector<16x1024xf32>
    %div3A_1449 = arith.constant 1.000000e+00 : f32
    %div3A_1450 = vector.broadcast %div3A_1449 : f32 to vector<16x1xf32>
    %div3A_1451 = arith.divf %div3A_1450, %slice3A_1427 : vector<16x1xf32>
    %mul3A_1452 = vector.broadcast %div3A_1451 : vector<16x1xf32> to vector<16x1024xf32>
    %mul3A_1453 = arith.mulf %get3A_1448, %mul3A_1452 : vector<16x1024xf32>
    %mul3A_1454 = arith.constant 1.60381082E-28 : f32
    %mul3A_1455 = vector.broadcast %mul3A_1454 : f32 to vector<16x1xf32>
    %mul3A_1456 = arith.mulf %mul3A_1455, %slice3A_1427 : vector<16x1xf32>
    %max3A_1457 = vector.broadcast %mul3A_1456 : vector<16x1xf32> to vector<16x1024xf32>
    %max3A_1458 = arith.maximumf %slice3A_1445, %max3A_1457 : vector<16x1024xf32>
    %mul3A_1459 = arith.mulf %max3A_1458, %mul3A_1453 : vector<16x1024xf32>
    %convert_element_type3A_1460 = arith.truncf %mul3A_1459 : vector<16x1024xf32> to vector<16x1024xbf16>
    %get3A_1461 = arith.constant 0 : index
    %get3A_1462 = arith.constant 0 : index
    %get3A_1463 = vector.load %arg1[%get3A_1461, %get3A_1462] : memref<1024x1152xbf16, #tpu.memory_space<vmem>>, vector<1024x1152xbf16>
    %dot_general3A_1464 = arith.constant dense<0.000000e+00> : vector<16x1152xf32>
    %dot_general3A_1465 = tpu.matmul %convert_element_type3A_1460, %get3A_1463, %dot_general3A_1464 {dimension_numbers = #tpu.dot_dimension_numbers<[1], [0], [0], [1], [0, 0, 1, 1], [], []>, transpose_lhs_hint = false} : vector<16x1024xbf16>, vector<1024x1152xbf16>, vector<16x1152xf32> -> vector<16x1152xf32>
    %slice3A_1466 = vector.extract_strided_slice %dot_general3A_1465 {offsets = [0, 0], sizes = [16, 1], strides = [1, 1]} : vector<16x1152xf32> to vector<16x1xf32>
    %slice3A_1467 = vector.extract_strided_slice %dot_general3A_1465 {offsets = [0, 1], sizes = [16, 1], strides = [1, 1]} : vector<16x1152xf32> to vector<16x1xf32>
    %eq3A_1468 = arith.constant 38 : i32
    %eq3A_1469 = vector.broadcast %eq3A_1468 : i32 to vector<16x1xi32>
    %eq3A_1470 = arith.cmpi eq, %get3A_6, %eq3A_1469 : vector<16x1xi32>
    %log3A_1471 = math.log %slice3A_1467 : vector<16x1xf32>
    %jit3A_1472 = arith.constant 0.000000e+00 : f32
    %broadcast_in_dim3A_1473 = vector.broadcast %jit3A_1472 : f32 to vector<16x1xf32>
    %select_n3A_1474 = arith.select %eq3A_1470, %log3A_1471, %broadcast_in_dim3A_1473 : vector<16x1xi1>, vector<16x1xf32>
    %add3A_1475 = arith.addf %add3A_1444, %select_n3A_1474 : vector<16x1xf32>
    %gt3A_1476 = arith.constant 38 : i32
    %gt3A_1477 = vector.broadcast %gt3A_1476 : i32 to vector<16x1xi32>
    %gt3A_1478 = arith.cmpi sgt, %get3A_6, %gt3A_1477 : vector<16x1xi32>
    %log3A_1479 = math.log %slice3A_1466 : vector<16x1xf32>
    %jit3A_1480 = arith.constant 0.000000e+00 : f32
    %broadcast_in_dim3A_1481 = vector.broadcast %jit3A_1480 : f32 to vector<16x1xf32>
    %select_n3A_1482 = arith.select %gt3A_1478, %log3A_1479, %broadcast_in_dim3A_1481 : vector<16x1xi1>, vector<16x1xf32>
    %add3A_1483 = arith.addf %add3A_1475, %select_n3A_1482 : vector<16x1xf32>
    %slice3A_1484 = vector.extract_strided_slice %dot_general3A_1465 {offsets = [0, 128], sizes = [16, 1024], strides = [1, 1]} : vector<16x1152xf32> to vector<16x1024xf32>
    %get3A_1485 = arith.constant 608 : index
    %get3A_1486 = arith.constant 0 : index
    %get3A_1487 = vector.load %arg5[%get3A_1485, %get3A_1486] : memref<800x1024xf32, #tpu.memory_space<vmem>>, vector<16x1024xf32>
    %div3A_1488 = arith.constant 1.000000e+00 : f32
    %div3A_1489 = vector.broadcast %div3A_1488 : f32 to vector<16x1xf32>
    %div3A_1490 = arith.divf %div3A_1489, %slice3A_1466 : vector<16x1xf32>
    %mul3A_1491 = vector.broadcast %div3A_1490 : vector<16x1xf32> to vector<16x1024xf32>
    %mul3A_1492 = arith.mulf %get3A_1487, %mul3A_1491 : vector<16x1024xf32>
    %mul3A_1493 = arith.constant 1.60381082E-28 : f32
    %mul3A_1494 = vector.broadcast %mul3A_1493 : f32 to vector<16x1xf32>
    %mul3A_1495 = arith.mulf %mul3A_1494, %slice3A_1466 : vector<16x1xf32>
    %max3A_1496 = vector.broadcast %mul3A_1495 : vector<16x1xf32> to vector<16x1024xf32>
    %max3A_1497 = arith.maximumf %slice3A_1484, %max3A_1496 : vector<16x1024xf32>
    %mul3A_1498 = arith.mulf %max3A_1497, %mul3A_1492 : vector<16x1024xf32>
    %convert_element_type3A_1499 = arith.truncf %mul3A_1498 : vector<16x1024xf32> to vector<16x1024xbf16>
    %get3A_1500 = arith.constant 0 : index
    %get3A_1501 = arith.constant 0 : index
    %get3A_1502 = vector.load %arg1[%get3A_1500, %get3A_1501] : memref<1024x1152xbf16, #tpu.memory_space<vmem>>, vector<1024x1152xbf16>
    %dot_general3A_1503 = arith.constant dense<0.000000e+00> : vector<16x1152xf32>
    %dot_general3A_1504 = tpu.matmul %convert_element_type3A_1499, %get3A_1502, %dot_general3A_1503 {dimension_numbers = #tpu.dot_dimension_numbers<[1], [0], [0], [1], [0, 0, 1, 1], [], []>, transpose_lhs_hint = false} : vector<16x1024xbf16>, vector<1024x1152xbf16>, vector<16x1152xf32> -> vector<16x1152xf32>
    %slice3A_1505 = vector.extract_strided_slice %dot_general3A_1504 {offsets = [0, 0], sizes = [16, 1], strides = [1, 1]} : vector<16x1152xf32> to vector<16x1xf32>
    %slice3A_1506 = vector.extract_strided_slice %dot_general3A_1504 {offsets = [0, 1], sizes = [16, 1], strides = [1, 1]} : vector<16x1152xf32> to vector<16x1xf32>
    %eq3A_1507 = arith.constant 39 : i32
    %eq3A_1508 = vector.broadcast %eq3A_1507 : i32 to vector<16x1xi32>
    %eq3A_1509 = arith.cmpi eq, %get3A_6, %eq3A_1508 : vector<16x1xi32>
    %log3A_1510 = math.log %slice3A_1506 : vector<16x1xf32>
    %jit3A_1511 = arith.constant 0.000000e+00 : f32
    %broadcast_in_dim3A_1512 = vector.broadcast %jit3A_1511 : f32 to vector<16x1xf32>
    %select_n3A_1513 = arith.select %eq3A_1509, %log3A_1510, %broadcast_in_dim3A_1512 : vector<16x1xi1>, vector<16x1xf32>
    %add3A_1514 = arith.addf %add3A_1483, %select_n3A_1513 : vector<16x1xf32>
    %gt3A_1515 = arith.constant 39 : i32
    %gt3A_1516 = vector.broadcast %gt3A_1515 : i32 to vector<16x1xi32>
    %gt3A_1517 = arith.cmpi sgt, %get3A_6, %gt3A_1516 : vector<16x1xi32>
    %log3A_1518 = math.log %slice3A_1505 : vector<16x1xf32>
    %jit3A_1519 = arith.constant 0.000000e+00 : f32
    %broadcast_in_dim3A_1520 = vector.broadcast %jit3A_1519 : f32 to vector<16x1xf32>
    %select_n3A_1521 = arith.select %gt3A_1517, %log3A_1518, %broadcast_in_dim3A_1520 : vector<16x1xi1>, vector<16x1xf32>
    %add3A_1522 = arith.addf %add3A_1514, %select_n3A_1521 : vector<16x1xf32>
    %slice3A_1523 = vector.extract_strided_slice %dot_general3A_1504 {offsets = [0, 128], sizes = [16, 1024], strides = [1, 1]} : vector<16x1152xf32> to vector<16x1024xf32>
    %get3A_1524 = arith.constant 624 : index
    %get3A_1525 = arith.constant 0 : index
    %get3A_1526 = vector.load %arg5[%get3A_1524, %get3A_1525] : memref<800x1024xf32, #tpu.memory_space<vmem>>, vector<16x1024xf32>
    %div3A_1527 = arith.constant 1.000000e+00 : f32
    %div3A_1528 = vector.broadcast %div3A_1527 : f32 to vector<16x1xf32>
    %div3A_1529 = arith.divf %div3A_1528, %slice3A_1505 : vector<16x1xf32>
    %mul3A_1530 = vector.broadcast %div3A_1529 : vector<16x1xf32> to vector<16x1024xf32>
    %mul3A_1531 = arith.mulf %get3A_1526, %mul3A_1530 : vector<16x1024xf32>
    %mul3A_1532 = arith.constant 1.60381082E-28 : f32
    %mul3A_1533 = vector.broadcast %mul3A_1532 : f32 to vector<16x1xf32>
    %mul3A_1534 = arith.mulf %mul3A_1533, %slice3A_1505 : vector<16x1xf32>
    %max3A_1535 = vector.broadcast %mul3A_1534 : vector<16x1xf32> to vector<16x1024xf32>
    %max3A_1536 = arith.maximumf %slice3A_1523, %max3A_1535 : vector<16x1024xf32>
    %mul3A_1537 = arith.mulf %max3A_1536, %mul3A_1531 : vector<16x1024xf32>
    %convert_element_type3A_1538 = arith.truncf %mul3A_1537 : vector<16x1024xf32> to vector<16x1024xbf16>
    %get3A_1539 = arith.constant 0 : index
    %get3A_1540 = arith.constant 0 : index
    %get3A_1541 = vector.load %arg1[%get3A_1539, %get3A_1540] : memref<1024x1152xbf16, #tpu.memory_space<vmem>>, vector<1024x1152xbf16>
    %dot_general3A_1542 = arith.constant dense<0.000000e+00> : vector<16x1152xf32>
    %dot_general3A_1543 = tpu.matmul %convert_element_type3A_1538, %get3A_1541, %dot_general3A_1542 {dimension_numbers = #tpu.dot_dimension_numbers<[1], [0], [0], [1], [0, 0, 1, 1], [], []>, transpose_lhs_hint = false} : vector<16x1024xbf16>, vector<1024x1152xbf16>, vector<16x1152xf32> -> vector<16x1152xf32>
    %slice3A_1544 = vector.extract_strided_slice %dot_general3A_1543 {offsets = [0, 0], sizes = [16, 1], strides = [1, 1]} : vector<16x1152xf32> to vector<16x1xf32>
    %slice3A_1545 = vector.extract_strided_slice %dot_general3A_1543 {offsets = [0, 1], sizes = [16, 1], strides = [1, 1]} : vector<16x1152xf32> to vector<16x1xf32>
    %eq3A_1546 = arith.constant 40 : i32
    %eq3A_1547 = vector.broadcast %eq3A_1546 : i32 to vector<16x1xi32>
    %eq3A_1548 = arith.cmpi eq, %get3A_6, %eq3A_1547 : vector<16x1xi32>
    %log3A_1549 = math.log %slice3A_1545 : vector<16x1xf32>
    %jit3A_1550 = arith.constant 0.000000e+00 : f32
    %broadcast_in_dim3A_1551 = vector.broadcast %jit3A_1550 : f32 to vector<16x1xf32>
    %select_n3A_1552 = arith.select %eq3A_1548, %log3A_1549, %broadcast_in_dim3A_1551 : vector<16x1xi1>, vector<16x1xf32>
    %add3A_1553 = arith.addf %add3A_1522, %select_n3A_1552 : vector<16x1xf32>
    %gt3A_1554 = arith.constant 40 : i32
    %gt3A_1555 = vector.broadcast %gt3A_1554 : i32 to vector<16x1xi32>
    %gt3A_1556 = arith.cmpi sgt, %get3A_6, %gt3A_1555 : vector<16x1xi32>
    %log3A_1557 = math.log %slice3A_1544 : vector<16x1xf32>
    %jit3A_1558 = arith.constant 0.000000e+00 : f32
    %broadcast_in_dim3A_1559 = vector.broadcast %jit3A_1558 : f32 to vector<16x1xf32>
    %select_n3A_1560 = arith.select %gt3A_1556, %log3A_1557, %broadcast_in_dim3A_1559 : vector<16x1xi1>, vector<16x1xf32>
    %add3A_1561 = arith.addf %add3A_1553, %select_n3A_1560 : vector<16x1xf32>
    %slice3A_1562 = vector.extract_strided_slice %dot_general3A_1543 {offsets = [0, 128], sizes = [16, 1024], strides = [1, 1]} : vector<16x1152xf32> to vector<16x1024xf32>
    %get3A_1563 = arith.constant 640 : index
    %get3A_1564 = arith.constant 0 : index
    %get3A_1565 = vector.load %arg5[%get3A_1563, %get3A_1564] : memref<800x1024xf32, #tpu.memory_space<vmem>>, vector<16x1024xf32>
    %div3A_1566 = arith.constant 1.000000e+00 : f32
    %div3A_1567 = vector.broadcast %div3A_1566 : f32 to vector<16x1xf32>
    %div3A_1568 = arith.divf %div3A_1567, %slice3A_1544 : vector<16x1xf32>
    %mul3A_1569 = vector.broadcast %div3A_1568 : vector<16x1xf32> to vector<16x1024xf32>
    %mul3A_1570 = arith.mulf %get3A_1565, %mul3A_1569 : vector<16x1024xf32>
    %mul3A_1571 = arith.constant 1.60381082E-28 : f32
    %mul3A_1572 = vector.broadcast %mul3A_1571 : f32 to vector<16x1xf32>
    %mul3A_1573 = arith.mulf %mul3A_1572, %slice3A_1544 : vector<16x1xf32>
    %max3A_1574 = vector.broadcast %mul3A_1573 : vector<16x1xf32> to vector<16x1024xf32>
    %max3A_1575 = arith.maximumf %slice3A_1562, %max3A_1574 : vector<16x1024xf32>
    %mul3A_1576 = arith.mulf %max3A_1575, %mul3A_1570 : vector<16x1024xf32>
    %convert_element_type3A_1577 = arith.truncf %mul3A_1576 : vector<16x1024xf32> to vector<16x1024xbf16>
    %get3A_1578 = arith.constant 0 : index
    %get3A_1579 = arith.constant 0 : index
    %get3A_1580 = vector.load %arg1[%get3A_1578, %get3A_1579] : memref<1024x1152xbf16, #tpu.memory_space<vmem>>, vector<1024x1152xbf16>
    %dot_general3A_1581 = arith.constant dense<0.000000e+00> : vector<16x1152xf32>
    %dot_general3A_1582 = tpu.matmul %convert_element_type3A_1577, %get3A_1580, %dot_general3A_1581 {dimension_numbers = #tpu.dot_dimension_numbers<[1], [0], [0], [1], [0, 0, 1, 1], [], []>, transpose_lhs_hint = false} : vector<16x1024xbf16>, vector<1024x1152xbf16>, vector<16x1152xf32> -> vector<16x1152xf32>
    %slice3A_1583 = vector.extract_strided_slice %dot_general3A_1582 {offsets = [0, 0], sizes = [16, 1], strides = [1, 1]} : vector<16x1152xf32> to vector<16x1xf32>
    %slice3A_1584 = vector.extract_strided_slice %dot_general3A_1582 {offsets = [0, 1], sizes = [16, 1], strides = [1, 1]} : vector<16x1152xf32> to vector<16x1xf32>
    %eq3A_1585 = arith.constant 41 : i32
    %eq3A_1586 = vector.broadcast %eq3A_1585 : i32 to vector<16x1xi32>
    %eq3A_1587 = arith.cmpi eq, %get3A_6, %eq3A_1586 : vector<16x1xi32>
    %log3A_1588 = math.log %slice3A_1584 : vector<16x1xf32>
    %jit3A_1589 = arith.constant 0.000000e+00 : f32
    %broadcast_in_dim3A_1590 = vector.broadcast %jit3A_1589 : f32 to vector<16x1xf32>
    %select_n3A_1591 = arith.select %eq3A_1587, %log3A_1588, %broadcast_in_dim3A_1590 : vector<16x1xi1>, vector<16x1xf32>
    %add3A_1592 = arith.addf %add3A_1561, %select_n3A_1591 : vector<16x1xf32>
    %gt3A_1593 = arith.constant 41 : i32
    %gt3A_1594 = vector.broadcast %gt3A_1593 : i32 to vector<16x1xi32>
    %gt3A_1595 = arith.cmpi sgt, %get3A_6, %gt3A_1594 : vector<16x1xi32>
    %log3A_1596 = math.log %slice3A_1583 : vector<16x1xf32>
    %jit3A_1597 = arith.constant 0.000000e+00 : f32
    %broadcast_in_dim3A_1598 = vector.broadcast %jit3A_1597 : f32 to vector<16x1xf32>
    %select_n3A_1599 = arith.select %gt3A_1595, %log3A_1596, %broadcast_in_dim3A_1598 : vector<16x1xi1>, vector<16x1xf32>
    %add3A_1600 = arith.addf %add3A_1592, %select_n3A_1599 : vector<16x1xf32>
    %slice3A_1601 = vector.extract_strided_slice %dot_general3A_1582 {offsets = [0, 128], sizes = [16, 1024], strides = [1, 1]} : vector<16x1152xf32> to vector<16x1024xf32>
    %get3A_1602 = arith.constant 656 : index
    %get3A_1603 = arith.constant 0 : index
    %get3A_1604 = vector.load %arg5[%get3A_1602, %get3A_1603] : memref<800x1024xf32, #tpu.memory_space<vmem>>, vector<16x1024xf32>
    %div3A_1605 = arith.constant 1.000000e+00 : f32
    %div3A_1606 = vector.broadcast %div3A_1605 : f32 to vector<16x1xf32>
    %div3A_1607 = arith.divf %div3A_1606, %slice3A_1583 : vector<16x1xf32>
    %mul3A_1608 = vector.broadcast %div3A_1607 : vector<16x1xf32> to vector<16x1024xf32>
    %mul3A_1609 = arith.mulf %get3A_1604, %mul3A_1608 : vector<16x1024xf32>
    %mul3A_1610 = arith.constant 1.60381082E-28 : f32
    %mul3A_1611 = vector.broadcast %mul3A_1610 : f32 to vector<16x1xf32>
    %mul3A_1612 = arith.mulf %mul3A_1611, %slice3A_1583 : vector<16x1xf32>
    %max3A_1613 = vector.broadcast %mul3A_1612 : vector<16x1xf32> to vector<16x1024xf32>
    %max3A_1614 = arith.maximumf %slice3A_1601, %max3A_1613 : vector<16x1024xf32>
    %mul3A_1615 = arith.mulf %max3A_1614, %mul3A_1609 : vector<16x1024xf32>
    %convert_element_type3A_1616 = arith.truncf %mul3A_1615 : vector<16x1024xf32> to vector<16x1024xbf16>
    %get3A_1617 = arith.constant 0 : index
    %get3A_1618 = arith.constant 0 : index
    %get3A_1619 = vector.load %arg1[%get3A_1617, %get3A_1618] : memref<1024x1152xbf16, #tpu.memory_space<vmem>>, vector<1024x1152xbf16>
    %dot_general3A_1620 = arith.constant dense<0.000000e+00> : vector<16x1152xf32>
    %dot_general3A_1621 = tpu.matmul %convert_element_type3A_1616, %get3A_1619, %dot_general3A_1620 {dimension_numbers = #tpu.dot_dimension_numbers<[1], [0], [0], [1], [0, 0, 1, 1], [], []>, transpose_lhs_hint = false} : vector<16x1024xbf16>, vector<1024x1152xbf16>, vector<16x1152xf32> -> vector<16x1152xf32>
    %slice3A_1622 = vector.extract_strided_slice %dot_general3A_1621 {offsets = [0, 0], sizes = [16, 1], strides = [1, 1]} : vector<16x1152xf32> to vector<16x1xf32>
    %slice3A_1623 = vector.extract_strided_slice %dot_general3A_1621 {offsets = [0, 1], sizes = [16, 1], strides = [1, 1]} : vector<16x1152xf32> to vector<16x1xf32>
    %eq3A_1624 = arith.constant 42 : i32
    %eq3A_1625 = vector.broadcast %eq3A_1624 : i32 to vector<16x1xi32>
    %eq3A_1626 = arith.cmpi eq, %get3A_6, %eq3A_1625 : vector<16x1xi32>
    %log3A_1627 = math.log %slice3A_1623 : vector<16x1xf32>
    %jit3A_1628 = arith.constant 0.000000e+00 : f32
    %broadcast_in_dim3A_1629 = vector.broadcast %jit3A_1628 : f32 to vector<16x1xf32>
    %select_n3A_1630 = arith.select %eq3A_1626, %log3A_1627, %broadcast_in_dim3A_1629 : vector<16x1xi1>, vector<16x1xf32>
    %add3A_1631 = arith.addf %add3A_1600, %select_n3A_1630 : vector<16x1xf32>
    %gt3A_1632 = arith.constant 42 : i32
    %gt3A_1633 = vector.broadcast %gt3A_1632 : i32 to vector<16x1xi32>
    %gt3A_1634 = arith.cmpi sgt, %get3A_6, %gt3A_1633 : vector<16x1xi32>
    %log3A_1635 = math.log %slice3A_1622 : vector<16x1xf32>
    %jit3A_1636 = arith.constant 0.000000e+00 : f32
    %broadcast_in_dim3A_1637 = vector.broadcast %jit3A_1636 : f32 to vector<16x1xf32>
    %select_n3A_1638 = arith.select %gt3A_1634, %log3A_1635, %broadcast_in_dim3A_1637 : vector<16x1xi1>, vector<16x1xf32>
    %add3A_1639 = arith.addf %add3A_1631, %select_n3A_1638 : vector<16x1xf32>
    %slice3A_1640 = vector.extract_strided_slice %dot_general3A_1621 {offsets = [0, 128], sizes = [16, 1024], strides = [1, 1]} : vector<16x1152xf32> to vector<16x1024xf32>
    %get3A_1641 = arith.constant 672 : index
    %get3A_1642 = arith.constant 0 : index
    %get3A_1643 = vector.load %arg5[%get3A_1641, %get3A_1642] : memref<800x1024xf32, #tpu.memory_space<vmem>>, vector<16x1024xf32>
    %div3A_1644 = arith.constant 1.000000e+00 : f32
    %div3A_1645 = vector.broadcast %div3A_1644 : f32 to vector<16x1xf32>
    %div3A_1646 = arith.divf %div3A_1645, %slice3A_1622 : vector<16x1xf32>
    %mul3A_1647 = vector.broadcast %div3A_1646 : vector<16x1xf32> to vector<16x1024xf32>
    %mul3A_1648 = arith.mulf %get3A_1643, %mul3A_1647 : vector<16x1024xf32>
    %mul3A_1649 = arith.constant 1.60381082E-28 : f32
    %mul3A_1650 = vector.broadcast %mul3A_1649 : f32 to vector<16x1xf32>
    %mul3A_1651 = arith.mulf %mul3A_1650, %slice3A_1622 : vector<16x1xf32>
    %max3A_1652 = vector.broadcast %mul3A_1651 : vector<16x1xf32> to vector<16x1024xf32>
    %max3A_1653 = arith.maximumf %slice3A_1640, %max3A_1652 : vector<16x1024xf32>
    %mul3A_1654 = arith.mulf %max3A_1653, %mul3A_1648 : vector<16x1024xf32>
    %convert_element_type3A_1655 = arith.truncf %mul3A_1654 : vector<16x1024xf32> to vector<16x1024xbf16>
    %get3A_1656 = arith.constant 0 : index
    %get3A_1657 = arith.constant 0 : index
    %get3A_1658 = vector.load %arg1[%get3A_1656, %get3A_1657] : memref<1024x1152xbf16, #tpu.memory_space<vmem>>, vector<1024x1152xbf16>
    %dot_general3A_1659 = arith.constant dense<0.000000e+00> : vector<16x1152xf32>
    %dot_general3A_1660 = tpu.matmul %convert_element_type3A_1655, %get3A_1658, %dot_general3A_1659 {dimension_numbers = #tpu.dot_dimension_numbers<[1], [0], [0], [1], [0, 0, 1, 1], [], []>, transpose_lhs_hint = false} : vector<16x1024xbf16>, vector<1024x1152xbf16>, vector<16x1152xf32> -> vector<16x1152xf32>
    %slice3A_1661 = vector.extract_strided_slice %dot_general3A_1660 {offsets = [0, 0], sizes = [16, 1], strides = [1, 1]} : vector<16x1152xf32> to vector<16x1xf32>
    %slice3A_1662 = vector.extract_strided_slice %dot_general3A_1660 {offsets = [0, 1], sizes = [16, 1], strides = [1, 1]} : vector<16x1152xf32> to vector<16x1xf32>
    %eq3A_1663 = arith.constant 43 : i32
    %eq3A_1664 = vector.broadcast %eq3A_1663 : i32 to vector<16x1xi32>
    %eq3A_1665 = arith.cmpi eq, %get3A_6, %eq3A_1664 : vector<16x1xi32>
    %log3A_1666 = math.log %slice3A_1662 : vector<16x1xf32>
    %jit3A_1667 = arith.constant 0.000000e+00 : f32
    %broadcast_in_dim3A_1668 = vector.broadcast %jit3A_1667 : f32 to vector<16x1xf32>
    %select_n3A_1669 = arith.select %eq3A_1665, %log3A_1666, %broadcast_in_dim3A_1668 : vector<16x1xi1>, vector<16x1xf32>
    %add3A_1670 = arith.addf %add3A_1639, %select_n3A_1669 : vector<16x1xf32>
    %gt3A_1671 = arith.constant 43 : i32
    %gt3A_1672 = vector.broadcast %gt3A_1671 : i32 to vector<16x1xi32>
    %gt3A_1673 = arith.cmpi sgt, %get3A_6, %gt3A_1672 : vector<16x1xi32>
    %log3A_1674 = math.log %slice3A_1661 : vector<16x1xf32>
    %jit3A_1675 = arith.constant 0.000000e+00 : f32
    %broadcast_in_dim3A_1676 = vector.broadcast %jit3A_1675 : f32 to vector<16x1xf32>
    %select_n3A_1677 = arith.select %gt3A_1673, %log3A_1674, %broadcast_in_dim3A_1676 : vector<16x1xi1>, vector<16x1xf32>
    %add3A_1678 = arith.addf %add3A_1670, %select_n3A_1677 : vector<16x1xf32>
    %slice3A_1679 = vector.extract_strided_slice %dot_general3A_1660 {offsets = [0, 128], sizes = [16, 1024], strides = [1, 1]} : vector<16x1152xf32> to vector<16x1024xf32>
    %get3A_1680 = arith.constant 688 : index
    %get3A_1681 = arith.constant 0 : index
    %get3A_1682 = vector.load %arg5[%get3A_1680, %get3A_1681] : memref<800x1024xf32, #tpu.memory_space<vmem>>, vector<16x1024xf32>
    %div3A_1683 = arith.constant 1.000000e+00 : f32
    %div3A_1684 = vector.broadcast %div3A_1683 : f32 to vector<16x1xf32>
    %div3A_1685 = arith.divf %div3A_1684, %slice3A_1661 : vector<16x1xf32>
    %mul3A_1686 = vector.broadcast %div3A_1685 : vector<16x1xf32> to vector<16x1024xf32>
    %mul3A_1687 = arith.mulf %get3A_1682, %mul3A_1686 : vector<16x1024xf32>
    %mul3A_1688 = arith.constant 1.60381082E-28 : f32
    %mul3A_1689 = vector.broadcast %mul3A_1688 : f32 to vector<16x1xf32>
    %mul3A_1690 = arith.mulf %mul3A_1689, %slice3A_1661 : vector<16x1xf32>
    %max3A_1691 = vector.broadcast %mul3A_1690 : vector<16x1xf32> to vector<16x1024xf32>
    %max3A_1692 = arith.maximumf %slice3A_1679, %max3A_1691 : vector<16x1024xf32>
    %mul3A_1693 = arith.mulf %max3A_1692, %mul3A_1687 : vector<16x1024xf32>
    %convert_element_type3A_1694 = arith.truncf %mul3A_1693 : vector<16x1024xf32> to vector<16x1024xbf16>
    %get3A_1695 = arith.constant 0 : index
    %get3A_1696 = arith.constant 0 : index
    %get3A_1697 = vector.load %arg1[%get3A_1695, %get3A_1696] : memref<1024x1152xbf16, #tpu.memory_space<vmem>>, vector<1024x1152xbf16>
    %dot_general3A_1698 = arith.constant dense<0.000000e+00> : vector<16x1152xf32>
    %dot_general3A_1699 = tpu.matmul %convert_element_type3A_1694, %get3A_1697, %dot_general3A_1698 {dimension_numbers = #tpu.dot_dimension_numbers<[1], [0], [0], [1], [0, 0, 1, 1], [], []>, transpose_lhs_hint = false} : vector<16x1024xbf16>, vector<1024x1152xbf16>, vector<16x1152xf32> -> vector<16x1152xf32>
    %slice3A_1700 = vector.extract_strided_slice %dot_general3A_1699 {offsets = [0, 0], sizes = [16, 1], strides = [1, 1]} : vector<16x1152xf32> to vector<16x1xf32>
    %slice3A_1701 = vector.extract_strided_slice %dot_general3A_1699 {offsets = [0, 1], sizes = [16, 1], strides = [1, 1]} : vector<16x1152xf32> to vector<16x1xf32>
    %eq3A_1702 = arith.constant 44 : i32
    %eq3A_1703 = vector.broadcast %eq3A_1702 : i32 to vector<16x1xi32>
    %eq3A_1704 = arith.cmpi eq, %get3A_6, %eq3A_1703 : vector<16x1xi32>
    %log3A_1705 = math.log %slice3A_1701 : vector<16x1xf32>
    %jit3A_1706 = arith.constant 0.000000e+00 : f32
    %broadcast_in_dim3A_1707 = vector.broadcast %jit3A_1706 : f32 to vector<16x1xf32>
    %select_n3A_1708 = arith.select %eq3A_1704, %log3A_1705, %broadcast_in_dim3A_1707 : vector<16x1xi1>, vector<16x1xf32>
    %add3A_1709 = arith.addf %add3A_1678, %select_n3A_1708 : vector<16x1xf32>
    %gt3A_1710 = arith.constant 44 : i32
    %gt3A_1711 = vector.broadcast %gt3A_1710 : i32 to vector<16x1xi32>
    %gt3A_1712 = arith.cmpi sgt, %get3A_6, %gt3A_1711 : vector<16x1xi32>
    %log3A_1713 = math.log %slice3A_1700 : vector<16x1xf32>
    %jit3A_1714 = arith.constant 0.000000e+00 : f32
    %broadcast_in_dim3A_1715 = vector.broadcast %jit3A_1714 : f32 to vector<16x1xf32>
    %select_n3A_1716 = arith.select %gt3A_1712, %log3A_1713, %broadcast_in_dim3A_1715 : vector<16x1xi1>, vector<16x1xf32>
    %add3A_1717 = arith.addf %add3A_1709, %select_n3A_1716 : vector<16x1xf32>
    %slice3A_1718 = vector.extract_strided_slice %dot_general3A_1699 {offsets = [0, 128], sizes = [16, 1024], strides = [1, 1]} : vector<16x1152xf32> to vector<16x1024xf32>
    %get3A_1719 = arith.constant 704 : index
    %get3A_1720 = arith.constant 0 : index
    %get3A_1721 = vector.load %arg5[%get3A_1719, %get3A_1720] : memref<800x1024xf32, #tpu.memory_space<vmem>>, vector<16x1024xf32>
    %div3A_1722 = arith.constant 1.000000e+00 : f32
    %div3A_1723 = vector.broadcast %div3A_1722 : f32 to vector<16x1xf32>
    %div3A_1724 = arith.divf %div3A_1723, %slice3A_1700 : vector<16x1xf32>
    %mul3A_1725 = vector.broadcast %div3A_1724 : vector<16x1xf32> to vector<16x1024xf32>
    %mul3A_1726 = arith.mulf %get3A_1721, %mul3A_1725 : vector<16x1024xf32>
    %mul3A_1727 = arith.constant 1.60381082E-28 : f32
    %mul3A_1728 = vector.broadcast %mul3A_1727 : f32 to vector<16x1xf32>
    %mul3A_1729 = arith.mulf %mul3A_1728, %slice3A_1700 : vector<16x1xf32>
    %max3A_1730 = vector.broadcast %mul3A_1729 : vector<16x1xf32> to vector<16x1024xf32>
    %max3A_1731 = arith.maximumf %slice3A_1718, %max3A_1730 : vector<16x1024xf32>
    %mul3A_1732 = arith.mulf %max3A_1731, %mul3A_1726 : vector<16x1024xf32>
    %convert_element_type3A_1733 = arith.truncf %mul3A_1732 : vector<16x1024xf32> to vector<16x1024xbf16>
    %get3A_1734 = arith.constant 0 : index
    %get3A_1735 = arith.constant 0 : index
    %get3A_1736 = vector.load %arg1[%get3A_1734, %get3A_1735] : memref<1024x1152xbf16, #tpu.memory_space<vmem>>, vector<1024x1152xbf16>
    %dot_general3A_1737 = arith.constant dense<0.000000e+00> : vector<16x1152xf32>
    %dot_general3A_1738 = tpu.matmul %convert_element_type3A_1733, %get3A_1736, %dot_general3A_1737 {dimension_numbers = #tpu.dot_dimension_numbers<[1], [0], [0], [1], [0, 0, 1, 1], [], []>, transpose_lhs_hint = false} : vector<16x1024xbf16>, vector<1024x1152xbf16>, vector<16x1152xf32> -> vector<16x1152xf32>
    %slice3A_1739 = vector.extract_strided_slice %dot_general3A_1738 {offsets = [0, 0], sizes = [16, 1], strides = [1, 1]} : vector<16x1152xf32> to vector<16x1xf32>
    %slice3A_1740 = vector.extract_strided_slice %dot_general3A_1738 {offsets = [0, 1], sizes = [16, 1], strides = [1, 1]} : vector<16x1152xf32> to vector<16x1xf32>
    %eq3A_1741 = arith.constant 45 : i32
    %eq3A_1742 = vector.broadcast %eq3A_1741 : i32 to vector<16x1xi32>
    %eq3A_1743 = arith.cmpi eq, %get3A_6, %eq3A_1742 : vector<16x1xi32>
    %log3A_1744 = math.log %slice3A_1740 : vector<16x1xf32>
    %jit3A_1745 = arith.constant 0.000000e+00 : f32
    %broadcast_in_dim3A_1746 = vector.broadcast %jit3A_1745 : f32 to vector<16x1xf32>
    %select_n3A_1747 = arith.select %eq3A_1743, %log3A_1744, %broadcast_in_dim3A_1746 : vector<16x1xi1>, vector<16x1xf32>
    %add3A_1748 = arith.addf %add3A_1717, %select_n3A_1747 : vector<16x1xf32>
    %gt3A_1749 = arith.constant 45 : i32
    %gt3A_1750 = vector.broadcast %gt3A_1749 : i32 to vector<16x1xi32>
    %gt3A_1751 = arith.cmpi sgt, %get3A_6, %gt3A_1750 : vector<16x1xi32>
    %log3A_1752 = math.log %slice3A_1739 : vector<16x1xf32>
    %jit3A_1753 = arith.constant 0.000000e+00 : f32
    %broadcast_in_dim3A_1754 = vector.broadcast %jit3A_1753 : f32 to vector<16x1xf32>
    %select_n3A_1755 = arith.select %gt3A_1751, %log3A_1752, %broadcast_in_dim3A_1754 : vector<16x1xi1>, vector<16x1xf32>
    %add3A_1756 = arith.addf %add3A_1748, %select_n3A_1755 : vector<16x1xf32>
    %slice3A_1757 = vector.extract_strided_slice %dot_general3A_1738 {offsets = [0, 128], sizes = [16, 1024], strides = [1, 1]} : vector<16x1152xf32> to vector<16x1024xf32>
    %get3A_1758 = arith.constant 720 : index
    %get3A_1759 = arith.constant 0 : index
    %get3A_1760 = vector.load %arg5[%get3A_1758, %get3A_1759] : memref<800x1024xf32, #tpu.memory_space<vmem>>, vector<16x1024xf32>
    %div3A_1761 = arith.constant 1.000000e+00 : f32
    %div3A_1762 = vector.broadcast %div3A_1761 : f32 to vector<16x1xf32>
    %div3A_1763 = arith.divf %div3A_1762, %slice3A_1739 : vector<16x1xf32>
    %mul3A_1764 = vector.broadcast %div3A_1763 : vector<16x1xf32> to vector<16x1024xf32>
    %mul3A_1765 = arith.mulf %get3A_1760, %mul3A_1764 : vector<16x1024xf32>
    %mul3A_1766 = arith.constant 1.60381082E-28 : f32
    %mul3A_1767 = vector.broadcast %mul3A_1766 : f32 to vector<16x1xf32>
    %mul3A_1768 = arith.mulf %mul3A_1767, %slice3A_1739 : vector<16x1xf32>
    %max3A_1769 = vector.broadcast %mul3A_1768 : vector<16x1xf32> to vector<16x1024xf32>
    %max3A_1770 = arith.maximumf %slice3A_1757, %max3A_1769 : vector<16x1024xf32>
    %mul3A_1771 = arith.mulf %max3A_1770, %mul3A_1765 : vector<16x1024xf32>
    %convert_element_type3A_1772 = arith.truncf %mul3A_1771 : vector<16x1024xf32> to vector<16x1024xbf16>
    %get3A_1773 = arith.constant 0 : index
    %get3A_1774 = arith.constant 0 : index
    %get3A_1775 = vector.load %arg1[%get3A_1773, %get3A_1774] : memref<1024x1152xbf16, #tpu.memory_space<vmem>>, vector<1024x1152xbf16>
    %dot_general3A_1776 = arith.constant dense<0.000000e+00> : vector<16x1152xf32>
    %dot_general3A_1777 = tpu.matmul %convert_element_type3A_1772, %get3A_1775, %dot_general3A_1776 {dimension_numbers = #tpu.dot_dimension_numbers<[1], [0], [0], [1], [0, 0, 1, 1], [], []>, transpose_lhs_hint = false} : vector<16x1024xbf16>, vector<1024x1152xbf16>, vector<16x1152xf32> -> vector<16x1152xf32>
    %slice3A_1778 = vector.extract_strided_slice %dot_general3A_1777 {offsets = [0, 0], sizes = [16, 1], strides = [1, 1]} : vector<16x1152xf32> to vector<16x1xf32>
    %slice3A_1779 = vector.extract_strided_slice %dot_general3A_1777 {offsets = [0, 1], sizes = [16, 1], strides = [1, 1]} : vector<16x1152xf32> to vector<16x1xf32>
    %eq3A_1780 = arith.constant 46 : i32
    %eq3A_1781 = vector.broadcast %eq3A_1780 : i32 to vector<16x1xi32>
    %eq3A_1782 = arith.cmpi eq, %get3A_6, %eq3A_1781 : vector<16x1xi32>
    %log3A_1783 = math.log %slice3A_1779 : vector<16x1xf32>
    %jit3A_1784 = arith.constant 0.000000e+00 : f32
    %broadcast_in_dim3A_1785 = vector.broadcast %jit3A_1784 : f32 to vector<16x1xf32>
    %select_n3A_1786 = arith.select %eq3A_1782, %log3A_1783, %broadcast_in_dim3A_1785 : vector<16x1xi1>, vector<16x1xf32>
    %add3A_1787 = arith.addf %add3A_1756, %select_n3A_1786 : vector<16x1xf32>
    %gt3A_1788 = arith.constant 46 : i32
    %gt3A_1789 = vector.broadcast %gt3A_1788 : i32 to vector<16x1xi32>
    %gt3A_1790 = arith.cmpi sgt, %get3A_6, %gt3A_1789 : vector<16x1xi32>
    %log3A_1791 = math.log %slice3A_1778 : vector<16x1xf32>
    %jit3A_1792 = arith.constant 0.000000e+00 : f32
    %broadcast_in_dim3A_1793 = vector.broadcast %jit3A_1792 : f32 to vector<16x1xf32>
    %select_n3A_1794 = arith.select %gt3A_1790, %log3A_1791, %broadcast_in_dim3A_1793 : vector<16x1xi1>, vector<16x1xf32>
    %add3A_1795 = arith.addf %add3A_1787, %select_n3A_1794 : vector<16x1xf32>
    %slice3A_1796 = vector.extract_strided_slice %dot_general3A_1777 {offsets = [0, 128], sizes = [16, 1024], strides = [1, 1]} : vector<16x1152xf32> to vector<16x1024xf32>
    %get3A_1797 = arith.constant 736 : index
    %get3A_1798 = arith.constant 0 : index
    %get3A_1799 = vector.load %arg5[%get3A_1797, %get3A_1798] : memref<800x1024xf32, #tpu.memory_space<vmem>>, vector<16x1024xf32>
    %div3A_1800 = arith.constant 1.000000e+00 : f32
    %div3A_1801 = vector.broadcast %div3A_1800 : f32 to vector<16x1xf32>
    %div3A_1802 = arith.divf %div3A_1801, %slice3A_1778 : vector<16x1xf32>
    %mul3A_1803 = vector.broadcast %div3A_1802 : vector<16x1xf32> to vector<16x1024xf32>
    %mul3A_1804 = arith.mulf %get3A_1799, %mul3A_1803 : vector<16x1024xf32>
    %mul3A_1805 = arith.constant 1.60381082E-28 : f32
    %mul3A_1806 = vector.broadcast %mul3A_1805 : f32 to vector<16x1xf32>
    %mul3A_1807 = arith.mulf %mul3A_1806, %slice3A_1778 : vector<16x1xf32>
    %max3A_1808 = vector.broadcast %mul3A_1807 : vector<16x1xf32> to vector<16x1024xf32>
    %max3A_1809 = arith.maximumf %slice3A_1796, %max3A_1808 : vector<16x1024xf32>
    %mul3A_1810 = arith.mulf %max3A_1809, %mul3A_1804 : vector<16x1024xf32>
    %convert_element_type3A_1811 = arith.truncf %mul3A_1810 : vector<16x1024xf32> to vector<16x1024xbf16>
    %get3A_1812 = arith.constant 0 : index
    %get3A_1813 = arith.constant 0 : index
    %get3A_1814 = vector.load %arg1[%get3A_1812, %get3A_1813] : memref<1024x1152xbf16, #tpu.memory_space<vmem>>, vector<1024x1152xbf16>
    %dot_general3A_1815 = arith.constant dense<0.000000e+00> : vector<16x1152xf32>
    %dot_general3A_1816 = tpu.matmul %convert_element_type3A_1811, %get3A_1814, %dot_general3A_1815 {dimension_numbers = #tpu.dot_dimension_numbers<[1], [0], [0], [1], [0, 0, 1, 1], [], []>, transpose_lhs_hint = false} : vector<16x1024xbf16>, vector<1024x1152xbf16>, vector<16x1152xf32> -> vector<16x1152xf32>
    %slice3A_1817 = vector.extract_strided_slice %dot_general3A_1816 {offsets = [0, 0], sizes = [16, 1], strides = [1, 1]} : vector<16x1152xf32> to vector<16x1xf32>
    %slice3A_1818 = vector.extract_strided_slice %dot_general3A_1816 {offsets = [0, 1], sizes = [16, 1], strides = [1, 1]} : vector<16x1152xf32> to vector<16x1xf32>
    %eq3A_1819 = arith.constant 47 : i32
    %eq3A_1820 = vector.broadcast %eq3A_1819 : i32 to vector<16x1xi32>
    %eq3A_1821 = arith.cmpi eq, %get3A_6, %eq3A_1820 : vector<16x1xi32>
    %log3A_1822 = math.log %slice3A_1818 : vector<16x1xf32>
    %jit3A_1823 = arith.constant 0.000000e+00 : f32
    %broadcast_in_dim3A_1824 = vector.broadcast %jit3A_1823 : f32 to vector<16x1xf32>
    %select_n3A_1825 = arith.select %eq3A_1821, %log3A_1822, %broadcast_in_dim3A_1824 : vector<16x1xi1>, vector<16x1xf32>
    %add3A_1826 = arith.addf %add3A_1795, %select_n3A_1825 : vector<16x1xf32>
    %gt3A_1827 = arith.constant 47 : i32
    %gt3A_1828 = vector.broadcast %gt3A_1827 : i32 to vector<16x1xi32>
    %gt3A_1829 = arith.cmpi sgt, %get3A_6, %gt3A_1828 : vector<16x1xi32>
    %log3A_1830 = math.log %slice3A_1817 : vector<16x1xf32>
    %jit3A_1831 = arith.constant 0.000000e+00 : f32
    %broadcast_in_dim3A_1832 = vector.broadcast %jit3A_1831 : f32 to vector<16x1xf32>
    %select_n3A_1833 = arith.select %gt3A_1829, %log3A_1830, %broadcast_in_dim3A_1832 : vector<16x1xi1>, vector<16x1xf32>
    %add3A_1834 = arith.addf %add3A_1826, %select_n3A_1833 : vector<16x1xf32>
    %slice3A_1835 = vector.extract_strided_slice %dot_general3A_1816 {offsets = [0, 128], sizes = [16, 1024], strides = [1, 1]} : vector<16x1152xf32> to vector<16x1024xf32>
    %get3A_1836 = arith.constant 752 : index
    %get3A_1837 = arith.constant 0 : index
    %get3A_1838 = vector.load %arg5[%get3A_1836, %get3A_1837] : memref<800x1024xf32, #tpu.memory_space<vmem>>, vector<16x1024xf32>
    %div3A_1839 = arith.constant 1.000000e+00 : f32
    %div3A_1840 = vector.broadcast %div3A_1839 : f32 to vector<16x1xf32>
    %div3A_1841 = arith.divf %div3A_1840, %slice3A_1817 : vector<16x1xf32>
    %mul3A_1842 = vector.broadcast %div3A_1841 : vector<16x1xf32> to vector<16x1024xf32>
    %mul3A_1843 = arith.mulf %get3A_1838, %mul3A_1842 : vector<16x1024xf32>
    %mul3A_1844 = arith.constant 1.60381082E-28 : f32
    %mul3A_1845 = vector.broadcast %mul3A_1844 : f32 to vector<16x1xf32>
    %mul3A_1846 = arith.mulf %mul3A_1845, %slice3A_1817 : vector<16x1xf32>
    %max3A_1847 = vector.broadcast %mul3A_1846 : vector<16x1xf32> to vector<16x1024xf32>
    %max3A_1848 = arith.maximumf %slice3A_1835, %max3A_1847 : vector<16x1024xf32>
    %mul3A_1849 = arith.mulf %max3A_1848, %mul3A_1843 : vector<16x1024xf32>
    %convert_element_type3A_1850 = arith.truncf %mul3A_1849 : vector<16x1024xf32> to vector<16x1024xbf16>
    %get3A_1851 = arith.constant 0 : index
    %get3A_1852 = arith.constant 0 : index
    %get3A_1853 = vector.load %arg1[%get3A_1851, %get3A_1852] : memref<1024x1152xbf16, #tpu.memory_space<vmem>>, vector<1024x1152xbf16>
    %dot_general3A_1854 = arith.constant dense<0.000000e+00> : vector<16x1152xf32>
    %dot_general3A_1855 = tpu.matmul %convert_element_type3A_1850, %get3A_1853, %dot_general3A_1854 {dimension_numbers = #tpu.dot_dimension_numbers<[1], [0], [0], [1], [0, 0, 1, 1], [], []>, transpose_lhs_hint = false} : vector<16x1024xbf16>, vector<1024x1152xbf16>, vector<16x1152xf32> -> vector<16x1152xf32>
    %slice3A_1856 = vector.extract_strided_slice %dot_general3A_1855 {offsets = [0, 0], sizes = [16, 1], strides = [1, 1]} : vector<16x1152xf32> to vector<16x1xf32>
    %slice3A_1857 = vector.extract_strided_slice %dot_general3A_1855 {offsets = [0, 1], sizes = [16, 1], strides = [1, 1]} : vector<16x1152xf32> to vector<16x1xf32>
    %eq3A_1858 = arith.constant 48 : i32
    %eq3A_1859 = vector.broadcast %eq3A_1858 : i32 to vector<16x1xi32>
    %eq3A_1860 = arith.cmpi eq, %get3A_6, %eq3A_1859 : vector<16x1xi32>
    %log3A_1861 = math.log %slice3A_1857 : vector<16x1xf32>
    %jit3A_1862 = arith.constant 0.000000e+00 : f32
    %broadcast_in_dim3A_1863 = vector.broadcast %jit3A_1862 : f32 to vector<16x1xf32>
    %select_n3A_1864 = arith.select %eq3A_1860, %log3A_1861, %broadcast_in_dim3A_1863 : vector<16x1xi1>, vector<16x1xf32>
    %add3A_1865 = arith.addf %add3A_1834, %select_n3A_1864 : vector<16x1xf32>
    %gt3A_1866 = arith.constant 48 : i32
    %gt3A_1867 = vector.broadcast %gt3A_1866 : i32 to vector<16x1xi32>
    %gt3A_1868 = arith.cmpi sgt, %get3A_6, %gt3A_1867 : vector<16x1xi32>
    %log3A_1869 = math.log %slice3A_1856 : vector<16x1xf32>
    %jit3A_1870 = arith.constant 0.000000e+00 : f32
    %broadcast_in_dim3A_1871 = vector.broadcast %jit3A_1870 : f32 to vector<16x1xf32>
    %select_n3A_1872 = arith.select %gt3A_1868, %log3A_1869, %broadcast_in_dim3A_1871 : vector<16x1xi1>, vector<16x1xf32>
    %add3A_1873 = arith.addf %add3A_1865, %select_n3A_1872 : vector<16x1xf32>
    %slice3A_1874 = vector.extract_strided_slice %dot_general3A_1855 {offsets = [0, 128], sizes = [16, 1024], strides = [1, 1]} : vector<16x1152xf32> to vector<16x1024xf32>
    %get3A_1875 = arith.constant 768 : index
    %get3A_1876 = arith.constant 0 : index
    %get3A_1877 = vector.load %arg5[%get3A_1875, %get3A_1876] : memref<800x1024xf32, #tpu.memory_space<vmem>>, vector<16x1024xf32>
    %div3A_1878 = arith.constant 1.000000e+00 : f32
    %div3A_1879 = vector.broadcast %div3A_1878 : f32 to vector<16x1xf32>
    %div3A_1880 = arith.divf %div3A_1879, %slice3A_1856 : vector<16x1xf32>
    %mul3A_1881 = vector.broadcast %div3A_1880 : vector<16x1xf32> to vector<16x1024xf32>
    %mul3A_1882 = arith.mulf %get3A_1877, %mul3A_1881 : vector<16x1024xf32>
    %mul3A_1883 = arith.constant 1.60381082E-28 : f32
    %mul3A_1884 = vector.broadcast %mul3A_1883 : f32 to vector<16x1xf32>
    %mul3A_1885 = arith.mulf %mul3A_1884, %slice3A_1856 : vector<16x1xf32>
    %max3A_1886 = vector.broadcast %mul3A_1885 : vector<16x1xf32> to vector<16x1024xf32>
    %max3A_1887 = arith.maximumf %slice3A_1874, %max3A_1886 : vector<16x1024xf32>
    %mul3A_1888 = arith.mulf %max3A_1887, %mul3A_1882 : vector<16x1024xf32>
    %convert_element_type3A_1889 = arith.truncf %mul3A_1888 : vector<16x1024xf32> to vector<16x1024xbf16>
    %get3A_1890 = arith.constant 0 : index
    %get3A_1891 = arith.constant 0 : index
    %get3A_1892 = vector.load %arg1[%get3A_1890, %get3A_1891] : memref<1024x1152xbf16, #tpu.memory_space<vmem>>, vector<1024x1152xbf16>
    %dot_general3A_1893 = arith.constant dense<0.000000e+00> : vector<16x1152xf32>
    %dot_general3A_1894 = tpu.matmul %convert_element_type3A_1889, %get3A_1892, %dot_general3A_1893 {dimension_numbers = #tpu.dot_dimension_numbers<[1], [0], [0], [1], [0, 0, 1, 1], [], []>, transpose_lhs_hint = false} : vector<16x1024xbf16>, vector<1024x1152xbf16>, vector<16x1152xf32> -> vector<16x1152xf32>
    %slice3A_1895 = vector.extract_strided_slice %dot_general3A_1894 {offsets = [0, 0], sizes = [16, 1], strides = [1, 1]} : vector<16x1152xf32> to vector<16x1xf32>
    %slice3A_1896 = vector.extract_strided_slice %dot_general3A_1894 {offsets = [0, 1], sizes = [16, 1], strides = [1, 1]} : vector<16x1152xf32> to vector<16x1xf32>
    %eq3A_1897 = arith.constant 49 : i32
    %eq3A_1898 = vector.broadcast %eq3A_1897 : i32 to vector<16x1xi32>
    %eq3A_1899 = arith.cmpi eq, %get3A_6, %eq3A_1898 : vector<16x1xi32>
    %log3A_1900 = math.log %slice3A_1896 : vector<16x1xf32>
    %jit3A_1901 = arith.constant 0.000000e+00 : f32
    %broadcast_in_dim3A_1902 = vector.broadcast %jit3A_1901 : f32 to vector<16x1xf32>
    %select_n3A_1903 = arith.select %eq3A_1899, %log3A_1900, %broadcast_in_dim3A_1902 : vector<16x1xi1>, vector<16x1xf32>
    %add3A_1904 = arith.addf %add3A_1873, %select_n3A_1903 : vector<16x1xf32>
    %gt3A_1905 = arith.constant 49 : i32
    %gt3A_1906 = vector.broadcast %gt3A_1905 : i32 to vector<16x1xi32>
    %gt3A_1907 = arith.cmpi sgt, %get3A_6, %gt3A_1906 : vector<16x1xi32>
    %log3A_1908 = math.log %slice3A_1895 : vector<16x1xf32>
    %jit3A_1909 = arith.constant 0.000000e+00 : f32
    %broadcast_in_dim3A_1910 = vector.broadcast %jit3A_1909 : f32 to vector<16x1xf32>
    %select_n3A_1911 = arith.select %gt3A_1907, %log3A_1908, %broadcast_in_dim3A_1910 : vector<16x1xi1>, vector<16x1xf32>
    %add3A_1912 = arith.addf %add3A_1904, %select_n3A_1911 : vector<16x1xf32>
    %slice3A_1913 = vector.extract_strided_slice %dot_general3A_1894 {offsets = [0, 128], sizes = [16, 1024], strides = [1, 1]} : vector<16x1152xf32> to vector<16x1024xf32>
    %get3A_1914 = arith.constant 784 : index
    %get3A_1915 = arith.constant 0 : index
    %get3A_1916 = vector.load %arg5[%get3A_1914, %get3A_1915] : memref<800x1024xf32, #tpu.memory_space<vmem>>, vector<16x1024xf32>
    %div3A_1917 = arith.constant 1.000000e+00 : f32
    %div3A_1918 = vector.broadcast %div3A_1917 : f32 to vector<16x1xf32>
    %div3A_1919 = arith.divf %div3A_1918, %slice3A_1895 : vector<16x1xf32>
    %mul3A_1920 = vector.broadcast %div3A_1919 : vector<16x1xf32> to vector<16x1024xf32>
    %mul3A_1921 = arith.mulf %get3A_1916, %mul3A_1920 : vector<16x1024xf32>
    %mul3A_1922 = arith.constant 1.60381082E-28 : f32
    %mul3A_1923 = vector.broadcast %mul3A_1922 : f32 to vector<16x1xf32>
    %mul3A_1924 = arith.mulf %mul3A_1923, %slice3A_1895 : vector<16x1xf32>
    %max3A_1925 = vector.broadcast %mul3A_1924 : vector<16x1xf32> to vector<16x1024xf32>
    %max3A_1926 = arith.maximumf %slice3A_1913, %max3A_1925 : vector<16x1024xf32>
    %mul3A_1927 = arith.mulf %max3A_1926, %mul3A_1921 : vector<16x1024xf32>
    %convert_element_type3A_1928 = arith.truncf %mul3A_1927 : vector<16x1024xf32> to vector<16x1024xbf16>
    %get3A_1929 = arith.constant 0 : index
    %get3A_1930 = arith.constant 0 : index
    %get3A_1931 = vector.load %arg1[%get3A_1929, %get3A_1930] : memref<1024x1152xbf16, #tpu.memory_space<vmem>>, vector<1024x1152xbf16>
    %dot_general3A_1932 = arith.constant dense<0.000000e+00> : vector<16x1152xf32>
    %dot_general3A_1933 = tpu.matmul %convert_element_type3A_1928, %get3A_1931, %dot_general3A_1932 {dimension_numbers = #tpu.dot_dimension_numbers<[1], [0], [0], [1], [0, 0, 1, 1], [], []>, transpose_lhs_hint = false} : vector<16x1024xbf16>, vector<1024x1152xbf16>, vector<16x1152xf32> -> vector<16x1152xf32>
    %slice3A_1934 = vector.extract_strided_slice %dot_general3A_1933 {offsets = [0, 0], sizes = [16, 1], strides = [1, 1]} : vector<16x1152xf32> to vector<16x1xf32>
    %slice3A_1935 = vector.extract_strided_slice %dot_general3A_1933 {offsets = [0, 1], sizes = [16, 1], strides = [1, 1]} : vector<16x1152xf32> to vector<16x1xf32>
    %eq3A_1936 = arith.constant 50 : i32
    %eq3A_1937 = vector.broadcast %eq3A_1936 : i32 to vector<16x1xi32>
    %eq3A_1938 = arith.cmpi eq, %get3A_6, %eq3A_1937 : vector<16x1xi32>
    %log3A_1939 = math.log %slice3A_1935 : vector<16x1xf32>
    %jit3A_1940 = arith.constant 0.000000e+00 : f32
    %broadcast_in_dim3A_1941 = vector.broadcast %jit3A_1940 : f32 to vector<16x1xf32>
    %select_n3A_1942 = arith.select %eq3A_1938, %log3A_1939, %broadcast_in_dim3A_1941 : vector<16x1xi1>, vector<16x1xf32>
    %add3A_1943 = arith.addf %add3A_1912, %select_n3A_1942 : vector<16x1xf32>
    %gt3A_1944 = arith.constant 50 : i32
    %gt3A_1945 = vector.broadcast %gt3A_1944 : i32 to vector<16x1xi32>
    %gt3A_1946 = arith.cmpi sgt, %get3A_6, %gt3A_1945 : vector<16x1xi32>
    %log3A_1947 = math.log %slice3A_1934 : vector<16x1xf32>
    %jit3A_1948 = arith.constant 0.000000e+00 : f32
    %broadcast_in_dim3A_1949 = vector.broadcast %jit3A_1948 : f32 to vector<16x1xf32>
    %select_n3A_1950 = arith.select %gt3A_1946, %log3A_1947, %broadcast_in_dim3A_1949 : vector<16x1xi1>, vector<16x1xf32>
    %add3A_1951 = arith.addf %add3A_1943, %select_n3A_1950 : vector<16x1xf32>
    %neg3A = arith.constant 0.000000e+00 : f32
    %neg3A_1952 = vector.broadcast %neg3A : f32 to vector<16x1xf32>
    %neg3A_1953 = arith.subf %neg3A_1952, %add3A_1951 : vector<16x1xf32>
    %swap3A_1954 = arith.constant 0 : index
    %swap3A_1955 = arith.constant 0 : index
    %swap3A_1956 = vector.load %arg4[%swap3A_1954, %swap3A_1955] : memref<16x1xf32, #tpu.memory_space<vmem>>, vector<16x1xf32>
    tpu.vector_store %arg4[%swap3A_1954, %swap3A_1955], %neg3A_1953 {strides = array<i32>} : memref<16x1xf32, #tpu.memory_space<vmem>>, vector<16x1xf32>,
    return
  }
}

</mosaic_0001>

<sc_bundles>
// kernel: kernel.4.cloned.1.call-start
scs
__scs_entry_jumppad:
0x0: {  	(pc) =	sbr.rel $0x88, $3  }
0x1: {  	(tag) =	ssettag $0x0;
	lr =	simm.s32 $0x1  }
0x2: {  	[smem:$0x3F9E] =	sst lr;
	_ =	strace $0xD0000000  }
0x3: {  	_ = 	snop  }
0x4: {  	_ = 	snop  }
0x5: {  	_ = 	snop  }
0x6: {  	_ = 	snop  }
0x7: {  	_ = 	snop  }
__scs_overlays_trampoline_lowered:
0x8: {  	[smem:$0x3FAD] =	sst s0  }
0x9: {  	[smem:$0x3FAE] =	sst s1  }
0xa: {  	[smem:$0x3FAF] =	sst s2  }
0xb: {  	[smem:$0x3FB0] =	sst s3  }
0xc: {  	[smem:$0x3FB1] =	sst s4  }
0xd: {  	[smem:$0x3FB2] =	sst s5  }
0xe: {  	[smem:$0x3FB3] =	sst s6  }
0xf: {  	[smem:$0x3FB4] =	sst s7  }
0x10: {  	[smem:$0x3FB5] =	sst s8  }
0x11: {  	[smem:$0x3FB6] =	sst s9;
	s0 =	simm.s32 @!p0 $0x0  }
0x12: {  	s1 =	sld [smem:$0x3F9C];
	s0 =	simm.s32 @p0 $0x1  }
0x13: {  	[smem:$0x3FB7] =	sst s0;
	s0 =	simm.s32 @!p1 $0x0  }
0x14: {  	s2 =	sld [smem:$0x3F9B];
	s0 =	simm.s32 @p1 $0x1  }
0x15: {  	[smem:$0x3FB8] =	sst s0;
	s0 =	simm.s32 @!p2 $0x0  }
0x16: {  	s3 =	sld [smem:$0x3FDB];
	s0 =	simm.s32 @p2 $0x1  }
0x17: {  	s4 =	simm.s32 $0x1BF5;
	[smem:$0x3FBA] =	sst s0  }
0x18: {  	s0 =	sld [smem:$0x3F9D];
	_ =	swait.ge [sflag:s4], $0x0  }
0x19: {  	s7 =	sld [smem:$0x3F9E]  }
0x1a: {  	s8 =	sadd.s32 $0xFFFFE003, lr  }
0x1b: {  	s9 =	sadd.s32 $0xFFFFFEF7, lr;
	s5 =	simm.s32 $0xFFFFFFFF;
	p2 =	slt.u32 s8, $0xFFFFF086  }
0x1c: {  	p1 =	slt.u32 s9, $0xF7A;
	s5 =	simm.s32 @!p2 $0x0  }
0x1d: {  	s5 =	simm.s32 @p1 $0x1;
	p0 =	seq.s32 s7, s2  }
0x1e: {  	s7 =	smul.u32 @!p0 $0xF7A, s2;
	p2 =	seq.s32 @!p0 s5, $0x0  }
0x1f: {  	s9 =	smul.u32 $0xF7A, s1;
	s8 =	simm.s32 @!p0 $0x1BF5;
	p2 =	por !p2, p0  }
0x20: {  	[sflag:s8] =	ssyncset.s32 @!p0 $0xFFFFF086;
	s6 =	sadd.s32 @!p0 s3, s7;
	s7 =	simm.s32 @!p0 $0x108  }
0x21: {  	s3 =	sadd.s32 s3, s9;
	s6 =	sadd.s32 @!p0 $0x88, s6;
	s7 =	simm.s32 @p2 $0x1082  }
0x22: {  	[simem:s7], [sflag:s8] =	dma.local @!p0 [hbm:s6], $0xF7A  }
0x23: {  	s9 =	sor.u32 $0xD0000000, s2;
	s6 =	simm.s32 $0x108;
	_ =	swait.ge @!p0 [sflag:s8], $0x0  }
0x24: {  	s3 =	sadd.s32 $0x88, s3;
	s6 =	simm.s32 @!p1 $0x1082;
	[sflag:s4] =	ssyncset.s32 $0xFFFFF086  }
0x25: {  	[simem:s6], [sflag:s4] =	dma.local [hbm:s3], $0xF7A  }
0x26: {  	[smem:$0x3F9E] =	sst s1;
	(tag) =	ssettag s2;
	_ =	strace s9  }
0x27: {  	s1 =	sld [smem:$0x3FAE]  }
0x28: {  	s2 =	sld [smem:$0x3FAF]  }
0x29: {  	s4 =	sld [smem:$0x3FB1]  }
0x2a: {  	p0 =	seq.s32 s5, $0x0;
	s5 =	sld [smem:$0x3FB2]  }
0x2b: {  	s6 =	sld [smem:$0x3FB3]  }
0x2c: {  	s7 =	sld [smem:$0x3FB4]  }
0x2d: {  	s3 =	simm.s32 $0x108;
	s8 =	sld [smem:$0x3FB5]  }
0x2e: {  	s3 =	simm.s32 @!p0 $0x1082;
	s9 =	sld [smem:$0x3FB6]  }
0x2f: {  	lr =	sadd.s32 s0, s3;
	s0 =	sld [smem:$0x3FAD]  }
0x30: {  	s3 =	sld [smem:$0x3FB0]  }
0x31: {  	[smem:$0x3FB9] =	sst s10  }
0x32: {  	s10 =	sld [smem:$0x3FB7];
	_ =	sdelay $0x3  }
0x33: {  	p0 =	seq.s32 s10, $0x1;
	s10 =	sld [smem:$0x3FB9];
	_ =	sdelay $0x3  }
0x34: {  	[smem:$0x3FB9] =	sst s10  }
0x35: {  	s10 =	sld [smem:$0x3FB8];
	_ =	sdelay $0x3  }
0x36: {  	p1 =	seq.s32 s10, $0x1;
	s10 =	sld [smem:$0x3FB9];
	_ =	sdelay $0x3  }
0x37: {  	[smem:$0x3FB9] =	sst s10  }
0x38: {  	s10 =	sld [smem:$0x3FBA]  }
0x39: {  	_ = 	snop;
	(pc) =	sbr.ind lr, $3  }
0x3a: {  	_ = 	snop  }
0x3b: {  	_ = 	snop  }
0x3c: {  	p2 =	seq.s32 s10, $0x1;
	s10 =	sld [smem:$0x3FB9]  }
0x3d: {  	_ =	shalt  }
0x3e: {  	_ =	shalt  }
0x3f: {  	_ =	shalt  }
0x40: {  	_ =	shalt  }
0x41: {  	_ =	shalt  }
0x42: {  	_ =	shalt  }
0x43: {  	_ =	shalt  }
0x44: {  	_ =	shalt  }
0x45: {  	_ =	shalt  }
0x46: {  	_ =	shalt  }
0x47: {  	_ =	shalt  }
0x48: {  	_ =	shalt  }
0x49: {  	_ =	shalt  }
0x4a: {  	_ =	shalt  }
0x4b: {  	_ =	shalt  }
0x4c: {  	_ =	shalt  }
0x4d: {  	_ =	shalt  }
0x4e: {  	_ =	shalt  }
0x4f: {  	_ =	shalt  }
0x50: {  	_ =	shalt  }
0x51: {  	_ =	shalt  }
0x52: {  	_ =	shalt  }
0x53: {  	_ =	shalt  }
0x54: {  	_ =	shalt  }
0x55: {  	_ =	shalt  }
0x56: {  	_ =	shalt  }
0x57: {  	_ =	shalt  }
0x58: {  	_ =	shalt  }
0x59: {  	_ =	shalt  }
0x5a: {  	_ =	shalt  }
0x5b: {  	_ =	shalt  }
0x5c: {  	_ =	shalt  }
0x5d: {  	_ =	shalt  }
0x5e: {  	_ =	shalt  }
0x5f: {  	_ =	shalt  }
0x60: {  	_ =	shalt  }
0x61: {  	_ =	shalt  }
0x62: {  	_ =	shalt  }
0x63: {  	_ =	shalt  }
0x64: {  	_ =	shalt  }
0x65: {  	_ =	shalt  }
0x66: {  	_ =	shalt  }
0x67: {  	_ =	shalt  }
0x68: {  	_ =	shalt  }
0x69: {  	_ =	shalt  }
0x6a: {  	_ =	shalt  }
0x6b: {  	_ =	shalt  }
0x6c: {  	_ =	shalt  }
0x6d: {  	_ =	shalt  }
0x6e: {  	_ =	shalt  }
0x6f: {  	_ =	shalt  }
0x70: {  	_ =	shalt  }
0x71: {  	_ =	shalt  }
0x72: {  	_ =	shalt  }
0x73: {  	_ =	shalt  }
0x74: {  	_ =	shalt  }
0x75: {  	_ =	shalt  }
0x76: {  	_ =	shalt  }
0x77: {  	_ =	shalt  }
0x78: {  	_ =	shalt  }
0x79: {  	_ =	shalt  }
0x7a: {  	_ =	shalt  }
0x7b: {  	_ =	shalt  }
0x7c: {  	_ =	shalt  }
0x7d: {  	_ =	shalt  }
0x7e: {  	_ =	shalt  }
0x7f: {  	_ =	shalt  }
0x80: {  	_ =	shalt  }
0x81: {  	_ =	shalt  }
0x82: {  	_ =	shalt  }
0x83: {  	_ =	shalt  }
0x84: {  	_ =	shalt  }
0x85: {  	_ =	shalt  }
0x86: {  	_ =	shalt  }
0x87: {  	_ =	shalt  }
.Lfunc_end0:
.L_simem_size_0:
called_computation_lowered:
.L_overlay_start_0:
0x88: {  	s2 =	sld [smem:$0x3FD9]  }
0x89: {  	s3 =	sld [smem:$0x3FFE];
	_ =	sdelay $0x1  }
0x8a: {  	s1 =	srdreg.scid  }
0x8b: {  	s0 =	sand.u32 $0x1, s1  }
0x8c: {  	s17 =	sshll.u32 s0, $0xA;
	s2 =	sadd.s32 s3, s2  }
0x8d: {  	s2 =	sadd.s32 s2, s17  }
0x8e: {  	[smem:$0x3FC5] =	sst s2  }
0x8f: {  	_ = 	snop  }
0x90: {  	s2 =	sld [smem:$0x3FC9];
	(tm) =	ssettm $0x1  }
0x91: {  	s18 =	sld [smem:$0x3FFB];
	_ =	sdelay $0x3  }
0x92: {  	_ =	strace s18  }
0x93: {  	s3 =	sld [smem:$0x3FFC];
	_ =	sdelay $0x3  }
0x94: {  	_ =	strace s3  }
0x95: {  	s3 =	sld [smem:$0x3FFD];
	_ =	sdelay $0x3  }
0x96: {  	_ =	strace s3  }
0x97: {  	_ =	strace $0x8FFFFFFF  }
0x98: {  	s19 =	sld [smem:$0x3FDB];
	_ =	sdelay $0x1  }
0x99: {  	s4 =	simm.s32 $_scs_section_size  }
0x9a: {  	s5 =	simm.s32 $_size__tile_overlayer_lowered;
	s6 =	simm.s32 $_tile_overlayer_lowered  }
0x9b: {  	s22 =	simm.s32 $0x1BFF;
	s21 =	sshll.u32 s6, $0x1;
	s3 =	sadd.s32 s4, s19  }
0x9c: {  	s7 =	simm.s32 $0x0;
	s20 =	sshll.u32 s5, $0x1;
	s5 =	sadd.s32 s21, s3  }
0x9d: {  	[timem:s7], [sflag:s22] =	dma.local [hbm:s5], s20  }
0x9e: {  	_ =	swait.ge [sflag:s22], s20  }
0x9f: {  	s4 =	ssub.s32 $0x0, s20;
	[sflag:s22] =	ssyncset.done $0x0  }
0xa0: {  	[sflag:s22] =	ssyncadd.s32 s4;
	_ =	sdelay $0x1  }
0xa1: {  	s23 =	simm.s32 $0x1B8B  }
0xa2: {  	_ =	swait.ge [sflag:s23], $0x1  }
0xa3: {  	[sflag:s23] =	ssyncset.done $0x0  }
0xa4: {  	s25 =	simm.s32 $0x1B8E;
	s24 =	sld [smem:$0x3FFE];
	[sflag:s23] =	ssyncadd.s32 $0xFFFFFFFF  }
0xa5: {  	s26 =	simm.s32 $execute0_lowered;
	[smem:$0x3FD2] =	sst s25  }
0xa6: {  	s5 =	sshll.u32 s26, $0x1;
	_ =	strace $0x80000046;
	[dreg:$0x1] =	wrdreg $0xFFFFFFFF  }
0xa7: {  	s28 =	simm.s32 $_size_execute0_lowered;
	s3 =	sadd.s32 s3, s5;
	[dreg:$0x0] =	wrdreg $0x0  }
0xa8: {  	s5 =	sshll.u32 s28, $0x1;
	[dreg:$0x2] =	wrdreg s3  }
0xa9: {  	[dreg:$0x3] =	wrdreg s5  }
0xaa: {  	[dreg:$0x4] =	wrdreg $0xC0  }
0xab: {  	_ =	task [dreg:s7], $0x5FFFF  }
0xac: {  	[dreg:$0x1] =	wrdreg $0xFFFFFFFF  }
0xad: {  	[dreg:$0x0] =	wrdreg $0x60  }
0xae: {  	[dreg:$0x2] =	wrdreg s2  }
0xaf: {  	[dreg:$0x3] =	wrdreg s24  }
0xb0: {  	[dreg:$0x4] =	wrdreg $0x9  }
0xb1: {  	_ =	task.clear_ibuf [dreg:s7], $0x5FFFF;
	_ =	strace $0x90000046  }
0xb2: {  	s29 =	simm.s32 $0x9;
	_ =	strace $0x80000048  }
0xb3: {  	_ =	swait.ge [sflag:s29], $0x1  }
0xb4: {  	[sflag:s29] =	ssyncadd.s32 $0xFFFFFFFF  }
0xb5: {  	_ =	strace $0x90000048  }
0xb6: {  	_ =	sfence  }
0xb7: {  	s30 =	sld [smem:$0x0];
	_ =	sdelay $0x2  }
0xb8: {  	s31 =	sshll.u32 s1, $0xD;
	s1 =	sshrl.u32 s1, $0x2  }
0xb9: {  	s3 =	sand.u32 $0x4000, s31;
	s1 =	sadd.s32 s1, s30  }
0xba: {  	s0 =	sor.u32 s3, s0;
	s1 =	sshll.u32 s1, $0x11  }
0xbb: {  	s0 =	sor.u32 s1, s0  }
0xbc: {  	s0 =	sadd.s32 $0x8F2B, s0  }
0xbd: {  	[sflag:s0] =	ssyncadd.remote.s32 $0x1  }
0xbe: {  	_ =	sfence.sel $0xFFFF  }
0xbf: {  	[dreg:$0x0] =	wrdreg $0xFFFFFFFF;
	(pc) =	sbr.abs _section_cstart, $3  }
0xc0: {  	[dreg:$0x1] =	wrdreg $0xFFFFFFFF  }
0xc1: {  	_ =	task.clear_ibuf [dreg:s7], $0x2FFFF;
	_ =	strace $0x9FFFFFFF  }
0xc2: {  	(tm) =	ssettm $0x7FFFFFFF  }
0xc3: {  	_ =	shalt  }
tec
execute0_lowered:
.L_overlay_start_1:
0x0: {  	(tag) =	ssettag $0x1  }
0x1: {  	v0 =	vimm.s32 $0x4380;
	vm0 =	vcmask $0x300  }
0x2: {  	vm14 =	vcmask $0x704;
	v0 =	vsel vm0, $0x0, v0  }
0x3: {  	s1 =	srdreg.scid;
	vm15 =	vcmask $0xB08;
	v0 =	vsel vm14, $0x80, v0  }
0x4: {  	s0 =	stileid.u32;
	vm4 =	vcmask $0xF0C;
	s5 =	rddreg [dreg:$0x1];
	s13 =	simm.s32 $0x10380;
	v0 =	vsel vm15, $0x100, v0  }
0x5: {  	vm5 =	vcmask $0x1310;
	s14 =	simm.s32 $0x1;
	s15 =	simm.s32 $0x2;
	s16 =	simm.s32 $0x3;
	v0 =	vsel vm4, $0x180, v0  }
0x6: {  	vm6 =	vcmask $0x1714;
	s17 =	simm.s32 $0x18380;
	s18 =	simm.s32 $0x0;
	s7 =	sand.u32 $0x1, s1;
	v0 =	vsel vm5, $0x200, v0  }
0x7: {  	vm7 =	vcmask $0x1B18;
	s1 =	rddreg [dreg:$0x0];
	s2 =	sshll.u32 s0, $0x6;
	s11 =	sshll.u32 s0, $0x12;
	v0 =	vsel vm6, $0x280, v0  }
0x8: {  	vm8 =	vcmask $0x1F1C;
	s3 =	sshll.u32 s7, $0x5;
	s9 =	ssub.s32 $0x2, s7;
	s11 =	sadd.s32 s11, s1;
	v0 =	vsel vm7, $0x300, v0  }
0x9: {  	vm9 =	vcmask $0x2320;
	s12 =	sshll.u32 s7, $0x11;
	s8 =	sor.u32 s3, s2;
	s2 =	rddreg [dreg:$0x2];
	v0 =	vsel vm8, $0x380, v0  }
0xa: {  	vm10 =	vcmask $0x2724;
	s3 =	simm.s32 $0x0;
	s29 =	sshrl.u32 s9, $0x1;
	s11 =	sadd.s32 s12, s11;
	v0 =	vsel vm9, $0x4000, v0  }
0xb: {  	vm11 =	vcmask $0x2B28;
	s12 =	simm.s32 $0x8380;
	s4 =	sshrl.u32 s8, $0x3;
	[smem:$0x7FF] =	sst s3;
	v0 =	vsel vm10, $0x4080, v0  }
0xc: {  	vm12 =	vcmask $0x2F2C;
	s30 =	sshll.u32 s8, $0xC;
	s9 =	ssub.s32 s9, s29;
	s31 =	sor.u32 $0x4, s8;
	v0 =	vsel vm11, $0x4100, v0  }
0xd: {  	vm13 =	vcmask $0x3330;
	s6 =	smul.u32 $0x380, s4;
	_ =	strace $0x80000047;
	s4 =	sadd.s32 $0x800, s5;
	v0 =	vsel vm12, $0x4180, v0  }
0xe: {  	vm14 =	vcmask $0x3734;
	s8 =	smax.u32 s9, $0x1;
	[dreg:$0x3] =	wrdreg s31;
	s9 =	sadd.s32 $0x3000, s11;
	v0 =	vsel vm13, $0x4200, v0  }
0xf: {  	vm15 =	vcmask $0x3B38;
	s11 =	simm.s32 $0x380;
	s10 =	sadd.s32 s6, s5;
	s5 =	sadd.s32 s1, s30;
	v0 =	vsel vm14, $0x4280, v0  }
0x10: {  	s6 =	sadd.s32 $0x1000, s5;
	s7 =	sadd.s32 $0xA00, s10;
	s10 =	simm.s32 $0x4;
	v0 =	vsel vm15, $0x4300, v0  }
.LBB2_1:
0x11: {  	[tilespmem:s3], [sflag:$0x4] =	stream.linear.gather [hbm4b:s4+s3], $0x380, $0x38;
	[tilespmem:$0x1F380] =	vst v63  }
0x12: {  	_ =	swait.ge [sflag:s10], $0x380  }
0x13: {  	[sflag:s10] =	ssyncset.done $0x0  }
0x14: {  	[sflag:s10] =	ssyncadd.s32 $0xFFFFFC80  }
0x15: {  	[tilespmem:s11], [sflag:$0x1] =	stream.linear.gather [hbm4b:s5+s3], $0x8000, $0x38;
	[tilespmem:$0x1F380] =	vst v63  }
0x16: {  	s19 =	smov.u32 s9;
	s20 =	simm.s32 $0x0;
	s21 =	simm.s32 $0x0  }
0x17: {  	[tilespmem:s12], [sflag:$0x2] =	stream.linear.gather [hbm4b:s6+s3], $0x8000, $0x38;
	[tilespmem:$0x1F380] =	vst v63  }
.LBB2_2:
0x18: {  	s22 =	sadd.s32 $0xFFFFF000, s19  }
0x19: {  	[tilespmem:s13], [sflag:$0x3] =	stream.linear.gather [hbm4b:s22+s3], $0x8000, $0x38;
	[tilespmem:$0x1F380] =	vst v63  }
0x1a: {  	_ =	swait.ge [sflag:s14], $0x8000  }
0x1b: {  	[sflag:s14] =	ssyncset.done $0x0  }
0x1c: {  	[sflag:s14] =	ssyncadd.s32 $0xFFFF8000  }
0x1d: {  	v1 =	vld [tilespmem:$0x0];
	_ =	sdelay $0x4  }
0x1e: {  	v2 =	vshll.u32 v1, $0x3  }
0x1f: {  	v1 =	vand.u32 $0x7F, v1;
	v2 =	vand.u32 $0xFFFFFC00, v2  }
0x20: {  	v1 =	vor.u32 v1, v2  }
0x21: {  	v1 =	vadd.s32 v0, v1;
	_ =	sdelay $0x4  }
0x22: {  	s25 =	sshrl.u32 s21, $0x3;
	v1 =	vld.idx.msk [tilespmem:v1+s11+$0x0], $0xffff  }
0x23: {  	s22 =	smul.u32 $0x7000, s25;
	_ =	sdelay $0x1  }
0x24: {  	s23 =	sand.u32 $0x380, s20;
	s22 =	sshra.s32 s22, $0x2  }
0x25: {  	s22 =	sor.u32 s23, s22  }
0x26: {  	[tilespmem:s22+$0x18380] =	vst v1  }
0x27: {  	v1 =	vld [tilespmem:$0x10];
	_ =	sdelay $0x4  }
0x28: {  	v2 =	vshll.u32 v1, $0x3  }
0x29: {  	v1 =	vand.u32 $0x7F, v1;
	v2 =	vand.u32 $0xFFFFFC00, v2  }
0x2a: {  	v1 =	vor.u32 v1, v2  }
0x2b: {  	v1 =	vadd.s32 v0, v1;
	_ =	sdelay $0x4  }
0x2c: {  	v1 =	vld.idx.msk [tilespmem:v1+s11+$0x0], $0xffff;
	_ =	sdelay $0x3  }
0x2d: {  	s23 =	sadd.s32 $0x18380, s22  }
0x2e: {  	[tilespmem:s23+$0x10] =	vst v1  }
0x2f: {  	v1 =	vld [tilespmem:$0x20];
	_ =	sdelay $0x4  }
0x30: {  	v2 =	vshll.u32 v1, $0x3  }
0x31: {  	v1 =	vand.u32 $0x7F, v1;
	v2 =	vand.u32 $0xFFFFFC00, v2  }
0x32: {  	v1 =	vor.u32 v1, v2  }
0x33: {  	v1 =	vadd.s32 v0, v1;
	_ =	sdelay $0x4  }
0x34: {  	v1 =	vld.idx.msk [tilespmem:v1+s11+$0x0], $0xffff;
	_ =	sdelay $0x4  }
0x35: {  	[tilespmem:s23+$0x20] =	vst v1  }
0x36: {  	v1 =	vld [tilespmem:$0x30];
	_ =	sdelay $0x4  }
0x37: {  	v2 =	vshll.u32 v1, $0x3  }
0x38: {  	v1 =	vand.u32 $0x7F, v1;
	v2 =	vand.u32 $0xFFFFFC00, v2  }
0x39: {  	v1 =	vor.u32 v1, v2  }
0x3a: {  	v1 =	vadd.s32 v0, v1;
	_ =	sdelay $0x4  }
0x3b: {  	v1 =	vld.idx.msk [tilespmem:v1+s11+$0x0], $0xffff;
	_ =	sdelay $0x4  }
0x3c: {  	[tilespmem:s23+$0x30] =	vst v1  }
0x3d: {  	v1 =	vld [tilespmem:$0x40];
	_ =	sdelay $0x4  }
0x3e: {  	v2 =	vshll.u32 v1, $0x3  }
0x3f: {  	v1 =	vand.u32 $0x7F, v1;
	v2 =	vand.u32 $0xFFFFFC00, v2  }
0x40: {  	v1 =	vor.u32 v1, v2  }
0x41: {  	v1 =	vadd.s32 v0, v1;
	_ =	sdelay $0x4  }
0x42: {  	v1 =	vld.idx.msk [tilespmem:v1+s11+$0x0], $0xffff;
	_ =	sdelay $0x4  }
0x43: {  	[tilespmem:s23+$0x40] =	vst v1  }
0x44: {  	v1 =	vld [tilespmem:$0x50];
	_ =	sdelay $0x4  }
0x45: {  	v2 =	vshll.u32 v1, $0x3  }
0x46: {  	v1 =	vand.u32 $0x7F, v1;
	v2 =	vand.u32 $0xFFFFFC00, v2  }
0x47: {  	v1 =	vor.u32 v1, v2  }
0x48: {  	v1 =	vadd.s32 v0, v1;
	_ =	sdelay $0x4  }
0x49: {  	v1 =	vld.idx.msk [tilespmem:v1+s11+$0x0], $0xffff;
	_ =	sdelay $0x4  }
0x4a: {  	[tilespmem:s23+$0x50] =	vst v1  }
0x4b: {  	v1 =	vld [tilespmem:$0x60];
	_ =	sdelay $0x4  }
0x4c: {  	v2 =	vshll.u32 v1, $0x3  }
0x4d: {  	v1 =	vand.u32 $0x7F, v1;
	v2 =	vand.u32 $0xFFFFFC00, v2  }
0x4e: {  	v1 =	vor.u32 v1, v2  }
0x4f: {  	v1 =	vadd.s32 v0, v1;
	_ =	sdelay $0x4  }
0x50: {  	v1 =	vld.idx.msk [tilespmem:v1+s11+$0x0], $0xffff;
	_ =	sdelay $0x4  }
0x51: {  	[tilespmem:s23+$0x60] =	vst v1  }
0x52: {  	v1 =	vld [tilespmem:$0x70];
	_ =	sdelay $0x4  }
0x53: {  	v2 =	vshll.u32 v1, $0x3  }
0x54: {  	v1 =	vand.u32 $0x7F, v1;
	v2 =	vand.u32 $0xFFFFFC00, v2  }
0x55: {  	v1 =	vor.u32 v1, v2  }
0x56: {  	v1 =	vadd.s32 v0, v1;
	_ =	sdelay $0x4  }
0x57: {  	v1 =	vld.idx.msk [tilespmem:v1+s11+$0x0], $0xffff;
	_ =	sdelay $0x4  }
0x58: {  	[tilespmem:s23+$0x70] =	vst v1  }
0x59: {  	v1 =	vld [tilespmem:$0x80];
	_ =	sdelay $0x4  }
0x5a: {  	v2 =	vshll.u32 v1, $0x3  }
0x5b: {  	v1 =	vand.u32 $0x7F, v1;
	v2 =	vand.u32 $0xFFFFFC00, v2  }
0x5c: {  	v1 =	vor.u32 v1, v2  }
0x5d: {  	v1 =	vadd.s32 v0, v1;
	_ =	sdelay $0x4  }
0x5e: {  	v1 =	vld.idx.msk [tilespmem:v1+s11+$0x0], $0xffff;
	_ =	sdelay $0x4  }
0x5f: {  	[tilespmem:s22+$0x18780] =	vst v1  }
0x60: {  	v1 =	vld [tilespmem:$0x90];
	_ =	sdelay $0x4  }
0x61: {  	v2 =	vshll.u32 v1, $0x3  }
0x62: {  	v1 =	vand.u32 $0x7F, v1;
	v2 =	vand.u32 $0xFFFFFC00, v2  }
0x63: {  	v1 =	vor.u32 v1, v2  }
0x64: {  	v1 =	vadd.s32 v0, v1;
	_ =	sdelay $0x4  }
0x65: {  	v1 =	vld.idx.msk [tilespmem:v1+s11+$0x0], $0xffff;
	_ =	sdelay $0x3  }
0x66: {  	s26 =	sadd.s32 $0x18780, s22  }
0x67: {  	[tilespmem:s26+$0x10] =	vst v1  }
0x68: {  	v1 =	vld [tilespmem:$0xA0];
	_ =	sdelay $0x4  }
0x69: {  	v2 =	vshll.u32 v1, $0x3  }
0x6a: {  	v1 =	vand.u32 $0x7F, v1;
	v2 =	vand.u32 $0xFFFFFC00, v2  }
0x6b: {  	v1 =	vor.u32 v1, v2  }
0x6c: {  	v1 =	vadd.s32 v0, v1;
	_ =	sdelay $0x4  }
0x6d: {  	v1 =	vld.idx.msk [tilespmem:v1+s11+$0x0], $0xffff;
	_ =	sdelay $0x4  }
0x6e: {  	[tilespmem:s26+$0x20] =	vst v1  }
0x6f: {  	v1 =	vld [tilespmem:$0xB0];
	_ =	sdelay $0x4  }
0x70: {  	v2 =	vshll.u32 v1, $0x3  }
0x71: {  	v1 =	vand.u32 $0x7F, v1;
	v2 =	vand.u32 $0xFFFFFC00, v2  }
0x72: {  	v1 =	vor.u32 v1, v2  }
0x73: {  	v1 =	vadd.s32 v0, v1;
	_ =	sdelay $0x4  }
0x74: {  	v1 =	vld.idx.msk [tilespmem:v1+s11+$0x0], $0xffff;
	_ =	sdelay $0x4  }
0x75: {  	[tilespmem:s26+$0x30] =	vst v1  }
0x76: {  	v1 =	vld [tilespmem:$0xC0];
	_ =	sdelay $0x4  }
0x77: {  	v2 =	vshll.u32 v1, $0x3  }
0x78: {  	v1 =	vand.u32 $0x7F, v1;
	v2 =	vand.u32 $0xFFFFFC00, v2  }
0x79: {  	v1 =	vor.u32 v1, v2  }
0x7a: {  	v1 =	vadd.s32 v0, v1;
	_ =	sdelay $0x4  }
0x7b: {  	v1 =	vld.idx.msk [tilespmem:v1+s11+$0x0], $0xffff;
	_ =	sdelay $0x4  }
0x7c: {  	[tilespmem:s26+$0x40] =	vst v1  }
0x7d: {  	v1 =	vld [tilespmem:$0xD0];
	_ =	sdelay $0x4  }
0x7e: {  	v2 =	vshll.u32 v1, $0x3  }
0x7f: {  	v1 =	vand.u32 $0x7F, v1;
	v2 =	vand.u32 $0xFFFFFC00, v2  }
0x80: {  	v1 =	vor.u32 v1, v2  }
0x81: {  	v1 =	vadd.s32 v0, v1;
	_ =	sdelay $0x4  }
0x82: {  	v1 =	vld.idx.msk [tilespmem:v1+s11+$0x0], $0xffff;
	_ =	sdelay $0x4  }
0x83: {  	[tilespmem:s26+$0x50] =	vst v1  }
0x84: {  	v1 =	vld [tilespmem:$0xE0];
	_ =	sdelay $0x4  }
0x85: {  	v2 =	vshll.u32 v1, $0x3  }
0x86: {  	v1 =	vand.u32 $0x7F, v1;
	v2 =	vand.u32 $0xFFFFFC00, v2  }
0x87: {  	v1 =	vor.u32 v1, v2  }
0x88: {  	v1 =	vadd.s32 v0, v1;
	_ =	sdelay $0x4  }
0x89: {  	v1 =	vld.idx.msk [tilespmem:v1+s11+$0x0], $0xffff;
	_ =	sdelay $0x4  }
0x8a: {  	[tilespmem:s26+$0x60] =	vst v1  }
0x8b: {  	v1 =	vld [tilespmem:$0xF0];
	_ =	sdelay $0x4  }
0x8c: {  	v2 =	vshll.u32 v1, $0x3  }
0x8d: {  	v1 =	vand.u32 $0x7F, v1;
	v2 =	vand.u32 $0xFFFFFC00, v2  }
0x8e: {  	v1 =	vor.u32 v1, v2  }
0x8f: {  	v1 =	vadd.s32 v0, v1;
	_ =	sdelay $0x4  }
0x90: {  	v1 =	vld.idx.msk [tilespmem:v1+s11+$0x0], $0xffff;
	_ =	sdelay $0x4  }
0x91: {  	[tilespmem:s26+$0x70] =	vst v1  }
0x92: {  	v1 =	vld [tilespmem:$0x100];
	_ =	sdelay $0x4  }
0x93: {  	v2 =	vshll.u32 v1, $0x3  }
0x94: {  	v1 =	vand.u32 $0x7F, v1;
	v2 =	vand.u32 $0xFFFFFC00, v2  }
0x95: {  	v1 =	vor.u32 v1, v2  }
0x96: {  	v1 =	vadd.s32 v0, v1;
	_ =	sdelay $0x4  }
0x97: {  	v1 =	vld.idx.msk [tilespmem:v1+s11+$0x0], $0xffff;
	_ =	sdelay $0x4  }
0x98: {  	[tilespmem:s22+$0x18B80] =	vst v1  }
0x99: {  	v1 =	vld [tilespmem:$0x110];
	_ =	sdelay $0x4  }
0x9a: {  	v2 =	vshll.u32 v1, $0x3  }
0x9b: {  	v1 =	vand.u32 $0x7F, v1;
	v2 =	vand.u32 $0xFFFFFC00, v2  }
0x9c: {  	v1 =	vor.u32 v1, v2  }
0x9d: {  	v1 =	vadd.s32 v0, v1;
	_ =	sdelay $0x4  }
0x9e: {  	v1 =	vld.idx.msk [tilespmem:v1+s11+$0x0], $0xffff;
	_ =	sdelay $0x3  }
0x9f: {  	s28 =	sadd.s32 $0x18B80, s22  }
0xa0: {  	[tilespmem:s28+$0x10] =	vst v1  }
0xa1: {  	v1 =	vld [tilespmem:$0x120];
	_ =	sdelay $0x4  }
0xa2: {  	v2 =	vshll.u32 v1, $0x3  }
0xa3: {  	v1 =	vand.u32 $0x7F, v1;
	v2 =	vand.u32 $0xFFFFFC00, v2  }
0xa4: {  	v1 =	vor.u32 v1, v2  }
0xa5: {  	v1 =	vadd.s32 v0, v1;
	_ =	sdelay $0x4  }
0xa6: {  	v1 =	vld.idx.msk [tilespmem:v1+s11+$0x0], $0xffff;
	_ =	sdelay $0x4  }
0xa7: {  	[tilespmem:s28+$0x20] =	vst v1  }
0xa8: {  	v1 =	vld [tilespmem:$0x130];
	_ =	sdelay $0x4  }
0xa9: {  	v2 =	vshll.u32 v1, $0x3  }
0xaa: {  	v1 =	vand.u32 $0x7F, v1;
	v2 =	vand.u32 $0xFFFFFC00, v2  }
0xab: {  	v1 =	vor.u32 v1, v2  }
0xac: {  	v1 =	vadd.s32 v0, v1;
	_ =	sdelay $0x4  }
0xad: {  	v1 =	vld.idx.msk [tilespmem:v1+s11+$0x0], $0xffff;
	_ =	sdelay $0x4  }
0xae: {  	[tilespmem:s28+$0x30] =	vst v1  }
0xaf: {  	v1 =	vld [tilespmem:$0x140];
	_ =	sdelay $0x4  }
0xb0: {  	v2 =	vshll.u32 v1, $0x3  }
0xb1: {  	v1 =	vand.u32 $0x7F, v1;
	v2 =	vand.u32 $0xFFFFFC00, v2  }
0xb2: {  	v1 =	vor.u32 v1, v2  }
0xb3: {  	v1 =	vadd.s32 v0, v1;
	_ =	sdelay $0x4  }
0xb4: {  	v1 =	vld.idx.msk [tilespmem:v1+s11+$0x0], $0xffff;
	_ =	sdelay $0x4  }
0xb5: {  	[tilespmem:s28+$0x40] =	vst v1  }
0xb6: {  	v1 =	vld [tilespmem:$0x150];
	_ =	sdelay $0x4  }
0xb7: {  	v2 =	vshll.u32 v1, $0x3  }
0xb8: {  	v1 =	vand.u32 $0x7F, v1;
	v2 =	vand.u32 $0xFFFFFC00, v2  }
0xb9: {  	v1 =	vor.u32 v1, v2  }
0xba: {  	v1 =	vadd.s32 v0, v1;
	_ =	sdelay $0x4  }
0xbb: {  	v1 =	vld.idx.msk [tilespmem:v1+s11+$0x0], $0xffff;
	_ =	sdelay $0x4  }
0xbc: {  	[tilespmem:s28+$0x50] =	vst v1  }
0xbd: {  	v1 =	vld [tilespmem:$0x160];
	_ =	sdelay $0x4  }
0xbe: {  	v2 =	vshll.u32 v1, $0x3  }
0xbf: {  	v1 =	vand.u32 $0x7F, v1;
	v2 =	vand.u32 $0xFFFFFC00, v2  }
0xc0: {  	v1 =	vor.u32 v1, v2  }
0xc1: {  	v1 =	vadd.s32 v0, v1;
	_ =	sdelay $0x4  }
0xc2: {  	v1 =	vld.idx.msk [tilespmem:v1+s11+$0x0], $0xffff;
	_ =	sdelay $0x4  }
0xc3: {  	[tilespmem:s28+$0x60] =	vst v1  }
0xc4: {  	v1 =	vld [tilespmem:$0x170];
	_ =	sdelay $0x4  }
0xc5: {  	v2 =	vshll.u32 v1, $0x3  }
0xc6: {  	v1 =	vand.u32 $0x7F, v1;
	v2 =	vand.u32 $0xFFFFFC00, v2  }
0xc7: {  	v1 =	vor.u32 v1, v2  }
0xc8: {  	v1 =	vadd.s32 v0, v1;
	_ =	sdelay $0x4  }
0xc9: {  	v1 =	vld.idx.msk [tilespmem:v1+s11+$0x0], $0xffff;
	_ =	sdelay $0x4  }
0xca: {  	[tilespmem:s28+$0x70] =	vst v1  }
0xcb: {  	v1 =	vld [tilespmem:$0x180];
	_ =	sdelay $0x4  }
0xcc: {  	v2 =	vshll.u32 v1, $0x3  }
0xcd: {  	v1 =	vand.u32 $0x7F, v1;
	v2 =	vand.u32 $0xFFFFFC00, v2  }
0xce: {  	v1 =	vor.u32 v1, v2  }
0xcf: {  	v1 =	vadd.s32 v0, v1;
	_ =	sdelay $0x4  }
0xd0: {  	v1 =	vld.idx.msk [tilespmem:v1+s11+$0x0], $0xffff;
	_ =	sdelay $0x4  }
0xd1: {  	[tilespmem:s22+$0x18F80] =	vst v1  }
0xd2: {  	v1 =	vld [tilespmem:$0x190];
	_ =	sdelay $0x4  }
0xd3: {  	v2 =	vshll.u32 v1, $0x3  }
0xd4: {  	v1 =	vand.u32 $0x7F, v1;
	v2 =	vand.u32 $0xFFFFFC00, v2  }
0xd5: {  	v1 =	vor.u32 v1, v2  }
0xd6: {  	v1 =	vadd.s32 v0, v1;
	_ =	sdelay $0x4  }
0xd7: {  	v1 =	vld.idx.msk [tilespmem:v1+s11+$0x0], $0xffff;
	_ =	sdelay $0x3  }
0xd8: {  	s29 =	sadd.s32 $0x18F80, s22  }
0xd9: {  	[tilespmem:s29+$0x10] =	vst v1  }
0xda: {  	v1 =	vld [tilespmem:$0x1A0];
	_ =	sdelay $0x4  }
0xdb: {  	v2 =	vshll.u32 v1, $0x3  }
0xdc: {  	v1 =	vand.u32 $0x7F, v1;
	v2 =	vand.u32 $0xFFFFFC00, v2  }
0xdd: {  	v1 =	vor.u32 v1, v2  }
0xde: {  	v1 =	vadd.s32 v0, v1;
	_ =	sdelay $0x4  }
0xdf: {  	v1 =	vld.idx.msk [tilespmem:v1+s11+$0x0], $0xffff;
	_ =	sdelay $0x4  }
0xe0: {  	[tilespmem:s29+$0x20] =	vst v1  }
0xe1: {  	v1 =	vld [tilespmem:$0x1B0];
	_ =	sdelay $0x4  }
0xe2: {  	v2 =	vshll.u32 v1, $0x3  }
0xe3: {  	v1 =	vand.u32 $0x7F, v1;
	v2 =	vand.u32 $0xFFFFFC00, v2  }
0xe4: {  	v1 =	vor.u32 v1, v2  }
0xe5: {  	v1 =	vadd.s32 v0, v1;
	_ =	sdelay $0x4  }
0xe6: {  	v1 =	vld.idx.msk [tilespmem:v1+s11+$0x0], $0xffff;
	_ =	sdelay $0x4  }
0xe7: {  	[tilespmem:s29+$0x30] =	vst v1  }
0xe8: {  	v1 =	vld [tilespmem:$0x1C0];
	_ =	sdelay $0x4  }
0xe9: {  	v2 =	vshll.u32 v1, $0x3  }
0xea: {  	v1 =	vand.u32 $0x7F, v1;
	v2 =	vand.u32 $0xFFFFFC00, v2  }
0xeb: {  	v1 =	vor.u32 v1, v2  }
0xec: {  	v1 =	vadd.s32 v0, v1;
	_ =	sdelay $0x4  }
0xed: {  	v1 =	vld.idx.msk [tilespmem:v1+s11+$0x0], $0xffff;
	_ =	sdelay $0x4  }
0xee: {  	[tilespmem:s29+$0x40] =	vst v1  }
0xef: {  	v1 =	vld [tilespmem:$0x1D0];
	_ =	sdelay $0x4  }
0xf0: {  	v2 =	vshll.u32 v1, $0x3  }
0xf1: {  	v1 =	vand.u32 $0x7F, v1;
	v2 =	vand.u32 $0xFFFFFC00, v2  }
0xf2: {  	v1 =	vor.u32 v1, v2  }
0xf3: {  	v1 =	vadd.s32 v0, v1;
	_ =	sdelay $0x4  }
0xf4: {  	v1 =	vld.idx.msk [tilespmem:v1+s11+$0x0], $0xffff;
	_ =	sdelay $0x4  }
0xf5: {  	[tilespmem:s29+$0x50] =	vst v1  }
0xf6: {  	v1 =	vld [tilespmem:$0x1E0];
	_ =	sdelay $0x4  }
0xf7: {  	v2 =	vshll.u32 v1, $0x3  }
0xf8: {  	v1 =	vand.u32 $0x7F, v1;
	v2 =	vand.u32 $0xFFFFFC00, v2  }
0xf9: {  	v1 =	vor.u32 v1, v2  }
0xfa: {  	v1 =	vadd.s32 v0, v1;
	_ =	sdelay $0x4  }
0xfb: {  	v1 =	vld.idx.msk [tilespmem:v1+s11+$0x0], $0xffff;
	_ =	sdelay $0x4  }
0xfc: {  	[tilespmem:s29+$0x60] =	vst v1  }
0xfd: {  	v1 =	vld [tilespmem:$0x1F0];
	_ =	sdelay $0x4  }
0xfe: {  	v2 =	vshll.u32 v1, $0x3  }
0xff: {  	v1 =	vand.u32 $0x7F, v1;
	v2 =	vand.u32 $0xFFFFFC00, v2  }
0x100: {  	v1 =	vor.u32 v1, v2  }
0x101: {  	v1 =	vadd.s32 v0, v1;
	_ =	sdelay $0x4  }
0x102: {  	v1 =	vld.idx.msk [tilespmem:v1+s11+$0x0], $0xffff;
	_ =	sdelay $0x4  }
0x103: {  	[tilespmem:s29+$0x70] =	vst v1  }
0x104: {  	v1 =	vld [tilespmem:$0x200];
	_ =	sdelay $0x4  }
0x105: {  	v2 =	vshll.u32 v1, $0x3  }
0x106: {  	v1 =	vand.u32 $0x7F, v1;
	v2 =	vand.u32 $0xFFFFFC00, v2  }
0x107: {  	v1 =	vor.u32 v1, v2  }
0x108: {  	v1 =	vadd.s32 v0, v1;
	_ =	sdelay $0x4  }
0x109: {  	v1 =	vld.idx.msk [tilespmem:v1+s11+$0x0], $0xffff;
	_ =	sdelay $0x4  }
0x10a: {  	[tilespmem:s22+$0x19380] =	vst v1  }
0x10b: {  	v1 =	vld [tilespmem:$0x210];
	_ =	sdelay $0x4  }
0x10c: {  	v2 =	vshll.u32 v1, $0x3  }
0x10d: {  	v1 =	vand.u32 $0x7F, v1;
	v2 =	vand.u32 $0xFFFFFC00, v2  }
0x10e: {  	v1 =	vor.u32 v1, v2  }
0x10f: {  	v1 =	vadd.s32 v0, v1;
	_ =	sdelay $0x4  }
0x110: {  	v1 =	vld.idx.msk [tilespmem:v1+s11+$0x0], $0xffff;
	_ =	sdelay $0x3  }
0x111: {  	s30 =	sadd.s32 $0x19380, s22  }
0x112: {  	[tilespmem:s30+$0x10] =	vst v1  }
0x113: {  	v1 =	vld [tilespmem:$0x220];
	_ =	sdelay $0x4  }
0x114: {  	v2 =	vshll.u32 v1, $0x3  }
0x115: {  	v1 =	vand.u32 $0x7F, v1;
	v2 =	vand.u32 $0xFFFFFC00, v2  }
0x116: {  	v1 =	vor.u32 v1, v2  }
0x117: {  	v1 =	vadd.s32 v0, v1;
	_ =	sdelay $0x4  }
0x118: {  	v1 =	vld.idx.msk [tilespmem:v1+s11+$0x0], $0xffff;
	_ =	sdelay $0x4  }
0x119: {  	[tilespmem:s30+$0x20] =	vst v1  }
0x11a: {  	v1 =	vld [tilespmem:$0x230];
	_ =	sdelay $0x4  }
0x11b: {  	v2 =	vshll.u32 v1, $0x3  }
0x11c: {  	v1 =	vand.u32 $0x7F, v1;
	v2 =	vand.u32 $0xFFFFFC00, v2  }
0x11d: {  	v1 =	vor.u32 v1, v2  }
0x11e: {  	v1 =	vadd.s32 v0, v1;
	_ =	sdelay $0x4  }
0x11f: {  	v1 =	vld.idx.msk [tilespmem:v1+s11+$0x0], $0xffff;
	_ =	sdelay $0x4  }
0x120: {  	[tilespmem:s30+$0x30] =	vst v1  }
0x121: {  	v1 =	vld [tilespmem:$0x240];
	_ =	sdelay $0x4  }
0x122: {  	v2 =	vshll.u32 v1, $0x3  }
0x123: {  	v1 =	vand.u32 $0x7F, v1;
	v2 =	vand.u32 $0xFFFFFC00, v2  }
0x124: {  	v1 =	vor.u32 v1, v2  }
0x125: {  	v1 =	vadd.s32 v0, v1;
	_ =	sdelay $0x4  }
0x126: {  	v1 =	vld.idx.msk [tilespmem:v1+s11+$0x0], $0xffff;
	_ =	sdelay $0x4  }
0x127: {  	[tilespmem:s30+$0x40] =	vst v1  }
0x128: {  	v1 =	vld [tilespmem:$0x250];
	_ =	sdelay $0x4  }
0x129: {  	v2 =	vshll.u32 v1, $0x3  }
0x12a: {  	v1 =	vand.u32 $0x7F, v1;
	v2 =	vand.u32 $0xFFFFFC00, v2  }
0x12b: {  	v1 =	vor.u32 v1, v2  }
0x12c: {  	v1 =	vadd.s32 v0, v1;
	_ =	sdelay $0x4  }
0x12d: {  	v1 =	vld.idx.msk [tilespmem:v1+s11+$0x0], $0xffff;
	_ =	sdelay $0x4  }
0x12e: {  	[tilespmem:s30+$0x50] =	vst v1  }
0x12f: {  	v1 =	vld [tilespmem:$0x260];
	_ =	sdelay $0x4  }
0x130: {  	v2 =	vshll.u32 v1, $0x3  }
0x131: {  	v1 =	vand.u32 $0x7F, v1;
	v2 =	vand.u32 $0xFFFFFC00, v2  }
0x132: {  	v1 =	vor.u32 v1, v2  }
0x133: {  	v1 =	vadd.s32 v0, v1;
	_ =	sdelay $0x4  }
0x134: {  	v1 =	vld.idx.msk [tilespmem:v1+s11+$0x0], $0xffff;
	_ =	sdelay $0x4  }
0x135: {  	[tilespmem:s30+$0x60] =	vst v1  }
0x136: {  	v1 =	vld [tilespmem:$0x270];
	_ =	sdelay $0x4  }
0x137: {  	v2 =	vshll.u32 v1, $0x3  }
0x138: {  	v1 =	vand.u32 $0x7F, v1;
	v2 =	vand.u32 $0xFFFFFC00, v2  }
0x139: {  	v1 =	vor.u32 v1, v2  }
0x13a: {  	v1 =	vadd.s32 v0, v1;
	_ =	sdelay $0x4  }
0x13b: {  	v1 =	vld.idx.msk [tilespmem:v1+s11+$0x0], $0xffff;
	_ =	sdelay $0x4  }
0x13c: {  	[tilespmem:s30+$0x70] =	vst v1  }
0x13d: {  	v1 =	vld [tilespmem:$0x280];
	_ =	sdelay $0x4  }
0x13e: {  	v2 =	vshll.u32 v1, $0x3  }
0x13f: {  	v1 =	vand.u32 $0x7F, v1;
	v2 =	vand.u32 $0xFFFFFC00, v2  }
0x140: {  	v1 =	vor.u32 v1, v2  }
0x141: {  	v1 =	vadd.s32 v0, v1;
	_ =	sdelay $0x4  }
0x142: {  	v1 =	vld.idx.msk [tilespmem:v1+s11+$0x0], $0xffff;
	_ =	sdelay $0x4  }
0x143: {  	[tilespmem:s22+$0x19780] =	vst v1  }
0x144: {  	v1 =	vld [tilespmem:$0x290];
	_ =	sdelay $0x4  }
0x145: {  	v2 =	vshll.u32 v1, $0x3  }
0x146: {  	v1 =	vand.u32 $0x7F, v1;
	v2 =	vand.u32 $0xFFFFFC00, v2  }
0x147: {  	v1 =	vor.u32 v1, v2  }
0x148: {  	v1 =	vadd.s32 v0, v1;
	_ =	sdelay $0x4  }
0x149: {  	v1 =	vld.idx.msk [tilespmem:v1+s11+$0x0], $0xffff;
	_ =	sdelay $0x3  }
0x14a: {  	s31 =	sadd.s32 $0x19780, s22  }
0x14b: {  	[tilespmem:s31+$0x10] =	vst v1  }
0x14c: {  	v1 =	vld [tilespmem:$0x2A0];
	_ =	sdelay $0x4  }
0x14d: {  	v2 =	vshll.u32 v1, $0x3  }
0x14e: {  	v1 =	vand.u32 $0x7F, v1;
	v2 =	vand.u32 $0xFFFFFC00, v2  }
0x14f: {  	v1 =	vor.u32 v1, v2  }
0x150: {  	v1 =	vadd.s32 v0, v1;
	_ =	sdelay $0x4  }
0x151: {  	v1 =	vld.idx.msk [tilespmem:v1+s11+$0x0], $0xffff;
	_ =	sdelay $0x4  }
0x152: {  	[tilespmem:s31+$0x20] =	vst v1  }
0x153: {  	v1 =	vld [tilespmem:$0x2B0];
	_ =	sdelay $0x4  }
0x154: {  	v2 =	vshll.u32 v1, $0x3  }
0x155: {  	v1 =	vand.u32 $0x7F, v1;
	v2 =	vand.u32 $0xFFFFFC00, v2  }
0x156: {  	v1 =	vor.u32 v1, v2  }
0x157: {  	v1 =	vadd.s32 v0, v1;
	_ =	sdelay $0x4  }
0x158: {  	v1 =	vld.idx.msk [tilespmem:v1+s11+$0x0], $0xffff;
	_ =	sdelay $0x4  }
0x159: {  	[tilespmem:s31+$0x30] =	vst v1  }
0x15a: {  	v1 =	vld [tilespmem:$0x2C0];
	_ =	sdelay $0x4  }
0x15b: {  	v2 =	vshll.u32 v1, $0x3  }
0x15c: {  	v1 =	vand.u32 $0x7F, v1;
	v2 =	vand.u32 $0xFFFFFC00, v2  }
0x15d: {  	v1 =	vor.u32 v1, v2  }
0x15e: {  	v1 =	vadd.s32 v0, v1;
	_ =	sdelay $0x4  }
0x15f: {  	v1 =	vld.idx.msk [tilespmem:v1+s11+$0x0], $0xffff;
	_ =	sdelay $0x4  }
0x160: {  	[tilespmem:s31+$0x40] =	vst v1  }
0x161: {  	v1 =	vld [tilespmem:$0x2D0];
	_ =	sdelay $0x4  }
0x162: {  	v2 =	vshll.u32 v1, $0x3  }
0x163: {  	v1 =	vand.u32 $0x7F, v1;
	v2 =	vand.u32 $0xFFFFFC00, v2  }
0x164: {  	v1 =	vor.u32 v1, v2  }
0x165: {  	v1 =	vadd.s32 v0, v1;
	_ =	sdelay $0x4  }
0x166: {  	v1 =	vld.idx.msk [tilespmem:v1+s11+$0x0], $0xffff;
	_ =	sdelay $0x4  }
0x167: {  	[tilespmem:s31+$0x50] =	vst v1  }
0x168: {  	v1 =	vld [tilespmem:$0x2E0];
	_ =	sdelay $0x4  }
0x169: {  	v2 =	vshll.u32 v1, $0x3  }
0x16a: {  	v1 =	vand.u32 $0x7F, v1;
	v2 =	vand.u32 $0xFFFFFC00, v2  }
0x16b: {  	v1 =	vor.u32 v1, v2  }
0x16c: {  	v1 =	vadd.s32 v0, v1;
	_ =	sdelay $0x4  }
0x16d: {  	v1 =	vld.idx.msk [tilespmem:v1+s11+$0x0], $0xffff;
	_ =	sdelay $0x4  }
0x16e: {  	[tilespmem:s31+$0x60] =	vst v1  }
0x16f: {  	v1 =	vld [tilespmem:$0x2F0];
	_ =	sdelay $0x4  }
0x170: {  	v2 =	vshll.u32 v1, $0x3  }
0x171: {  	v1 =	vand.u32 $0x7F, v1;
	v2 =	vand.u32 $0xFFFFFC00, v2  }
0x172: {  	v1 =	vor.u32 v1, v2  }
0x173: {  	v1 =	vadd.s32 v0, v1;
	_ =	sdelay $0x4  }
0x174: {  	v1 =	vld.idx.msk [tilespmem:v1+s11+$0x0], $0xffff;
	_ =	sdelay $0x4  }
0x175: {  	[tilespmem:s31+$0x70] =	vst v1  }
0x176: {  	v1 =	vld [tilespmem:$0x300];
	_ =	sdelay $0x4  }
0x177: {  	v2 =	vshll.u32 v1, $0x3  }
0x178: {  	v1 =	vand.u32 $0x7F, v1;
	v2 =	vand.u32 $0xFFFFFC00, v2  }
0x179: {  	v1 =	vor.u32 v1, v2  }
0x17a: {  	v1 =	vadd.s32 v0, v1;
	_ =	sdelay $0x4  }
0x17b: {  	v1 =	vld.idx.msk [tilespmem:v1+s11+$0x0], $0xffff;
	_ =	sdelay $0x4  }
0x17c: {  	[tilespmem:s22+$0x19B80] =	vst v1  }
0x17d: {  	v1 =	vld [tilespmem:$0x310];
	_ =	sdelay $0x4  }
0x17e: {  	v2 =	vshll.u32 v1, $0x3  }
0x17f: {  	v1 =	vand.u32 $0x7F, v1;
	v2 =	vand.u32 $0xFFFFFC00, v2  }
0x180: {  	v1 =	vor.u32 v1, v2  }
0x181: {  	v1 =	vadd.s32 v0, v1;
	_ =	sdelay $0x4  }
0x182: {  	v1 =	vld.idx.msk [tilespmem:v1+s11+$0x0], $0xffff;
	_ =	sdelay $0x3  }
0x183: {  	s22 =	sadd.s32 $0x19B80, s22  }
0x184: {  	[tilespmem:s22+$0x10] =	vst v1  }
0x185: {  	[tilespmem:s11], [sflag:$0x1] =	stream.linear.gather [hbm4b:s19+s3], $0x8000, $0x38;
	[tilespmem:$0x1F380] =	vst v63  }
0x186: {  	_ =	swait.ge [sflag:s15], $0x8000  }
0x187: {  	[sflag:s15] =	ssyncset.done $0x0  }
0x188: {  	[sflag:s15] =	ssyncadd.s32 $0xFFFF8000  }
0x189: {  	v1 =	vld [tilespmem:$0x0];
	_ =	sdelay $0x4  }
0x18a: {  	v2 =	vshll.u32 v1, $0x3  }
0x18b: {  	v1 =	vand.u32 $0x7F, v1;
	v2 =	vand.u32 $0xFFFFFC00, v2  }
0x18c: {  	v1 =	vor.u32 v1, v2  }
0x18d: {  	v1 =	vadd.s32 v0, v1;
	_ =	sdelay $0x3  }
0x18e: {  	s23 =	sadd.s32 $0x1, s21  }
0x18f: {  	s22 =	sshrl.u32 s23, $0x3;
	v1 =	vld.idx.msk [tilespmem:v1+s12+$0x0], $0xffff  }
0x190: {  	s22 =	smul.u32 $0x7000, s22  }
0x191: {  	s24 =	sadd.s32 $0x80, s20  }
0x192: {  	s23 =	sand.u32 $0x380, s24;
	s22 =	sshra.s32 s22, $0x2  }
0x193: {  	s22 =	sor.u32 s23, s22  }
0x194: {  	[tilespmem:s22+$0x18380] =	vst v1  }
0x195: {  	v1 =	vld [tilespmem:$0x10];
	_ =	sdelay $0x4  }
0x196: {  	v2 =	vshll.u32 v1, $0x3  }
0x197: {  	v1 =	vand.u32 $0x7F, v1;
	v2 =	vand.u32 $0xFFFFFC00, v2  }
0x198: {  	v1 =	vor.u32 v1, v2  }
0x199: {  	v1 =	vadd.s32 v0, v1;
	_ =	sdelay $0x4  }
0x19a: {  	v1 =	vld.idx.msk [tilespmem:v1+s12+$0x0], $0xffff;
	_ =	sdelay $0x3  }
0x19b: {  	s23 =	sadd.s32 $0x18380, s22  }
0x19c: {  	[tilespmem:s23+$0x10] =	vst v1  }
0x19d: {  	v1 =	vld [tilespmem:$0x20];
	_ =	sdelay $0x4  }
0x19e: {  	v2 =	vshll.u32 v1, $0x3  }
0x19f: {  	v1 =	vand.u32 $0x7F, v1;
	v2 =	vand.u32 $0xFFFFFC00, v2  }
0x1a0: {  	v1 =	vor.u32 v1, v2  }
0x1a1: {  	v1 =	vadd.s32 v0, v1;
	_ =	sdelay $0x4  }
0x1a2: {  	v1 =	vld.idx.msk [tilespmem:v1+s12+$0x0], $0xffff;
	_ =	sdelay $0x4  }
0x1a3: {  	[tilespmem:s23+$0x20] =	vst v1  }
0x1a4: {  	v1 =	vld [tilespmem:$0x30];
	_ =	sdelay $0x4  }
0x1a5: {  	v2 =	vshll.u32 v1, $0x3  }
0x1a6: {  	v1 =	vand.u32 $0x7F, v1;
	v2 =	vand.u32 $0xFFFFFC00, v2  }
0x1a7: {  	v1 =	vor.u32 v1, v2  }
0x1a8: {  	v1 =	vadd.s32 v0, v1;
	_ =	sdelay $0x4  }
0x1a9: {  	v1 =	vld.idx.msk [tilespmem:v1+s12+$0x0], $0xffff;
	_ =	sdelay $0x4  }
0x1aa: {  	[tilespmem:s23+$0x30] =	vst v1  }
0x1ab: {  	v1 =	vld [tilespmem:$0x40];
	_ =	sdelay $0x4  }
0x1ac: {  	v2 =	vshll.u32 v1, $0x3  }
0x1ad: {  	v1 =	vand.u32 $0x7F, v1;
	v2 =	vand.u32 $0xFFFFFC00, v2  }
0x1ae: {  	v1 =	vor.u32 v1, v2  }
0x1af: {  	v1 =	vadd.s32 v0, v1;
	_ =	sdelay $0x4  }
0x1b0: {  	v1 =	vld.idx.msk [tilespmem:v1+s12+$0x0], $0xffff;
	_ =	sdelay $0x4  }
0x1b1: {  	[tilespmem:s23+$0x40] =	vst v1  }
0x1b2: {  	v1 =	vld [tilespmem:$0x50];
	_ =	sdelay $0x4  }
0x1b3: {  	v2 =	vshll.u32 v1, $0x3  }
0x1b4: {  	v1 =	vand.u32 $0x7F, v1;
	v2 =	vand.u32 $0xFFFFFC00, v2  }
0x1b5: {  	v1 =	vor.u32 v1, v2  }
0x1b6: {  	v1 =	vadd.s32 v0, v1;
	_ =	sdelay $0x4  }
0x1b7: {  	v1 =	vld.idx.msk [tilespmem:v1+s12+$0x0], $0xffff;
	_ =	sdelay $0x4  }
0x1b8: {  	[tilespmem:s23+$0x50] =	vst v1  }
0x1b9: {  	v1 =	vld [tilespmem:$0x60];
	_ =	sdelay $0x4  }
0x1ba: {  	v2 =	vshll.u32 v1, $0x3  }
0x1bb: {  	v1 =	vand.u32 $0x7F, v1;
	v2 =	vand.u32 $0xFFFFFC00, v2  }
0x1bc: {  	v1 =	vor.u32 v1, v2  }
0x1bd: {  	v1 =	vadd.s32 v0, v1;
	_ =	sdelay $0x4  }
0x1be: {  	v1 =	vld.idx.msk [tilespmem:v1+s12+$0x0], $0xffff;
	_ =	sdelay $0x4  }
0x1bf: {  	[tilespmem:s23+$0x60] =	vst v1  }
0x1c0: {  	v1 =	vld [tilespmem:$0x70];
	_ =	sdelay $0x4  }
0x1c1: {  	v2 =	vshll.u32 v1, $0x3  }
0x1c2: {  	v1 =	vand.u32 $0x7F, v1;
	v2 =	vand.u32 $0xFFFFFC00, v2  }
0x1c3: {  	v1 =	vor.u32 v1, v2  }
0x1c4: {  	v1 =	vadd.s32 v0, v1;
	_ =	sdelay $0x4  }
0x1c5: {  	v1 =	vld.idx.msk [tilespmem:v1+s12+$0x0], $0xffff;
	_ =	sdelay $0x4  }
0x1c6: {  	[tilespmem:s23+$0x70] =	vst v1  }
0x1c7: {  	v1 =	vld [tilespmem:$0x80];
	_ =	sdelay $0x4  }
0x1c8: {  	v2 =	vshll.u32 v1, $0x3  }
0x1c9: {  	v1 =	vand.u32 $0x7F, v1;
	v2 =	vand.u32 $0xFFFFFC00, v2  }
0x1ca: {  	v1 =	vor.u32 v1, v2  }
0x1cb: {  	v1 =	vadd.s32 v0, v1;
	_ =	sdelay $0x4  }
0x1cc: {  	v1 =	vld.idx.msk [tilespmem:v1+s12+$0x0], $0xffff;
	_ =	sdelay $0x4  }
0x1cd: {  	[tilespmem:s22+$0x18780] =	vst v1  }
0x1ce: {  	v1 =	vld [tilespmem:$0x90];
	_ =	sdelay $0x4  }
0x1cf: {  	v2 =	vshll.u32 v1, $0x3  }
0x1d0: {  	v1 =	vand.u32 $0x7F, v1;
	v2 =	vand.u32 $0xFFFFFC00, v2  }
0x1d1: {  	v1 =	vor.u32 v1, v2  }
0x1d2: {  	v1 =	vadd.s32 v0, v1;
	_ =	sdelay $0x4  }
0x1d3: {  	v1 =	vld.idx.msk [tilespmem:v1+s12+$0x0], $0xffff;
	_ =	sdelay $0x3  }
0x1d4: {  	s25 =	sadd.s32 $0x18780, s22  }
0x1d5: {  	[tilespmem:s25+$0x10] =	vst v1  }
0x1d6: {  	v1 =	vld [tilespmem:$0xA0];
	_ =	sdelay $0x4  }
0x1d7: {  	v2 =	vshll.u32 v1, $0x3  }
0x1d8: {  	v1 =	vand.u32 $0x7F, v1;
	v2 =	vand.u32 $0xFFFFFC00, v2  }
0x1d9: {  	v1 =	vor.u32 v1, v2  }
0x1da: {  	v1 =	vadd.s32 v0, v1;
	_ =	sdelay $0x4  }
0x1db: {  	v1 =	vld.idx.msk [tilespmem:v1+s12+$0x0], $0xffff;
	_ =	sdelay $0x4  }
0x1dc: {  	[tilespmem:s25+$0x20] =	vst v1  }
0x1dd: {  	v1 =	vld [tilespmem:$0xB0];
	_ =	sdelay $0x4  }
0x1de: {  	v2 =	vshll.u32 v1, $0x3  }
0x1df: {  	v1 =	vand.u32 $0x7F, v1;
	v2 =	vand.u32 $0xFFFFFC00, v2  }
0x1e0: {  	v1 =	vor.u32 v1, v2  }
0x1e1: {  	v1 =	vadd.s32 v0, v1;
	_ =	sdelay $0x4  }
0x1e2: {  	v1 =	vld.idx.msk [tilespmem:v1+s12+$0x0], $0xffff;
	_ =	sdelay $0x4  }
0x1e3: {  	[tilespmem:s25+$0x30] =	vst v1  }
0x1e4: {  	v1 =	vld [tilespmem:$0xC0];
	_ =	sdelay $0x4  }
0x1e5: {  	v2 =	vshll.u32 v1, $0x3  }
0x1e6: {  	v1 =	vand.u32 $0x7F, v1;
	v2 =	vand.u32 $0xFFFFFC00, v2  }
0x1e7: {  	v1 =	vor.u32 v1, v2  }
0x1e8: {  	v1 =	vadd.s32 v0, v1;
	_ =	sdelay $0x4  }
0x1e9: {  	v1 =	vld.idx.msk [tilespmem:v1+s12+$0x0], $0xffff;
	_ =	sdelay $0x4  }
0x1ea: {  	[tilespmem:s25+$0x40] =	vst v1  }
0x1eb: {  	v1 =	vld [tilespmem:$0xD0];
	_ =	sdelay $0x4  }
0x1ec: {  	v2 =	vshll.u32 v1, $0x3  }
0x1ed: {  	v1 =	vand.u32 $0x7F, v1;
	v2 =	vand.u32 $0xFFFFFC00, v2  }
0x1ee: {  	v1 =	vor.u32 v1, v2  }
0x1ef: {  	v1 =	vadd.s32 v0, v1;
	_ =	sdelay $0x4  }
0x1f0: {  	v1 =	vld.idx.msk [tilespmem:v1+s12+$0x0], $0xffff;
	_ =	sdelay $0x4  }
0x1f1: {  	[tilespmem:s25+$0x50] =	vst v1  }
0x1f2: {  	v1 =	vld [tilespmem:$0xE0];
	_ =	sdelay $0x4  }
0x1f3: {  	v2 =	vshll.u32 v1, $0x3  }
0x1f4: {  	v1 =	vand.u32 $0x7F, v1;
	v2 =	vand.u32 $0xFFFFFC00, v2  }
0x1f5: {  	v1 =	vor.u32 v1, v2  }
0x1f6: {  	v1 =	vadd.s32 v0, v1;
	_ =	sdelay $0x4  }
0x1f7: {  	v1 =	vld.idx.msk [tilespmem:v1+s12+$0x0], $0xffff;
	_ =	sdelay $0x4  }
0x1f8: {  	[tilespmem:s25+$0x60] =	vst v1  }
0x1f9: {  	v1 =	vld [tilespmem:$0xF0];
	_ =	sdelay $0x4  }
0x1fa: {  	v2 =	vshll.u32 v1, $0x3  }
0x1fb: {  	v1 =	vand.u32 $0x7F, v1;
	v2 =	vand.u32 $0xFFFFFC00, v2  }
0x1fc: {  	v1 =	vor.u32 v1, v2  }
0x1fd: {  	v1 =	vadd.s32 v0, v1;
	_ =	sdelay $0x4  }
0x1fe: {  	v1 =	vld.idx.msk [tilespmem:v1+s12+$0x0], $0xffff;
	_ =	sdelay $0x4  }
0x1ff: {  	[tilespmem:s25+$0x70] =	vst v1  }
0x200: {  	v1 =	vld [tilespmem:$0x100];
	_ =	sdelay $0x4  }
0x201: {  	v2 =	vshll.u32 v1, $0x3  }
0x202: {  	v1 =	vand.u32 $0x7F, v1;
	v2 =	vand.u32 $0xFFFFFC00, v2  }
0x203: {  	v1 =	vor.u32 v1, v2  }
0x204: {  	v1 =	vadd.s32 v0, v1;
	_ =	sdelay $0x4  }
0x205: {  	v1 =	vld.idx.msk [tilespmem:v1+s12+$0x0], $0xffff;
	_ =	sdelay $0x4  }
0x206: {  	[tilespmem:s22+$0x18B80] =	vst v1  }
0x207: {  	v1 =	vld [tilespmem:$0x110];
	_ =	sdelay $0x4  }
0x208: {  	v2 =	vshll.u32 v1, $0x3  }
0x209: {  	v1 =	vand.u32 $0x7F, v1;
	v2 =	vand.u32 $0xFFFFFC00, v2  }
0x20a: {  	v1 =	vor.u32 v1, v2  }
0x20b: {  	v1 =	vadd.s32 v0, v1;
	_ =	sdelay $0x4  }
0x20c: {  	v1 =	vld.idx.msk [tilespmem:v1+s12+$0x0], $0xffff;
	_ =	sdelay $0x3  }
0x20d: {  	s26 =	sadd.s32 $0x18B80, s22  }
0x20e: {  	[tilespmem:s26+$0x10] =	vst v1  }
0x20f: {  	v1 =	vld [tilespmem:$0x120];
	_ =	sdelay $0x4  }
0x210: {  	v2 =	vshll.u32 v1, $0x3  }
0x211: {  	v1 =	vand.u32 $0x7F, v1;
	v2 =	vand.u32 $0xFFFFFC00, v2  }
0x212: {  	v1 =	vor.u32 v1, v2  }
0x213: {  	v1 =	vadd.s32 v0, v1;
	_ =	sdelay $0x4  }
0x214: {  	v1 =	vld.idx.msk [tilespmem:v1+s12+$0x0], $0xffff;
	_ =	sdelay $0x4  }
0x215: {  	[tilespmem:s26+$0x20] =	vst v1  }
0x216: {  	v1 =	vld [tilespmem:$0x130];
	_ =	sdelay $0x4  }
0x217: {  	v2 =	vshll.u32 v1, $0x3  }
0x218: {  	v1 =	vand.u32 $0x7F, v1;
	v2 =	vand.u32 $0xFFFFFC00, v2  }
0x219: {  	v1 =	vor.u32 v1, v2  }
0x21a: {  	v1 =	vadd.s32 v0, v1;
	_ =	sdelay $0x4  }
0x21b: {  	v1 =	vld.idx.msk [tilespmem:v1+s12+$0x0], $0xffff;
	_ =	sdelay $0x4  }
0x21c: {  	[tilespmem:s26+$0x30] =	vst v1  }
0x21d: {  	v1 =	vld [tilespmem:$0x140];
	_ =	sdelay $0x4  }
0x21e: {  	v2 =	vshll.u32 v1, $0x3  }
0x21f: {  	v1 =	vand.u32 $0x7F, v1;
	v2 =	vand.u32 $0xFFFFFC00, v2  }
0x220: {  	v1 =	vor.u32 v1, v2  }
0x221: {  	v1 =	vadd.s32 v0, v1;
	_ =	sdelay $0x4  }
0x222: {  	v1 =	vld.idx.msk [tilespmem:v1+s12+$0x0], $0xffff;
	_ =	sdelay $0x4  }
0x223: {  	[tilespmem:s26+$0x40] =	vst v1  }
0x224: {  	v1 =	vld [tilespmem:$0x150];
	_ =	sdelay $0x4  }
0x225: {  	v2 =	vshll.u32 v1, $0x3  }
0x226: {  	v1 =	vand.u32 $0x7F, v1;
	v2 =	vand.u32 $0xFFFFFC00, v2  }
0x227: {  	v1 =	vor.u32 v1, v2  }
0x228: {  	v1 =	vadd.s32 v0, v1;
	_ =	sdelay $0x4  }
0x229: {  	v1 =	vld.idx.msk [tilespmem:v1+s12+$0x0], $0xffff;
	_ =	sdelay $0x4  }
0x22a: {  	[tilespmem:s26+$0x50] =	vst v1  }
0x22b: {  	v1 =	vld [tilespmem:$0x160];
	_ =	sdelay $0x4  }
0x22c: {  	v2 =	vshll.u32 v1, $0x3  }
0x22d: {  	v1 =	vand.u32 $0x7F, v1;
	v2 =	vand.u32 $0xFFFFFC00, v2  }
0x22e: {  	v1 =	vor.u32 v1, v2  }
0x22f: {  	v1 =	vadd.s32 v0, v1;
	_ =	sdelay $0x4  }
0x230: {  	v1 =	vld.idx.msk [tilespmem:v1+s12+$0x0], $0xffff;
	_ =	sdelay $0x4  }
0x231: {  	[tilespmem:s26+$0x60] =	vst v1  }
0x232: {  	v1 =	vld [tilespmem:$0x170];
	_ =	sdelay $0x4  }
0x233: {  	v2 =	vshll.u32 v1, $0x3  }
0x234: {  	v1 =	vand.u32 $0x7F, v1;
	v2 =	vand.u32 $0xFFFFFC00, v2  }
0x235: {  	v1 =	vor.u32 v1, v2  }
0x236: {  	v1 =	vadd.s32 v0, v1;
	_ =	sdelay $0x4  }
0x237: {  	v1 =	vld.idx.msk [tilespmem:v1+s12+$0x0], $0xffff;
	_ =	sdelay $0x4  }
0x238: {  	[tilespmem:s26+$0x70] =	vst v1  }
0x239: {  	v1 =	vld [tilespmem:$0x180];
	_ =	sdelay $0x4  }
0x23a: {  	v2 =	vshll.u32 v1, $0x3  }
0x23b: {  	v1 =	vand.u32 $0x7F, v1;
	v2 =	vand.u32 $0xFFFFFC00, v2  }
0x23c: {  	v1 =	vor.u32 v1, v2  }
0x23d: {  	v1 =	vadd.s32 v0, v1;
	_ =	sdelay $0x4  }
0x23e: {  	v1 =	vld.idx.msk [tilespmem:v1+s12+$0x0], $0xffff;
	_ =	sdelay $0x4  }
0x23f: {  	[tilespmem:s22+$0x18F80] =	vst v1  }
0x240: {  	v1 =	vld [tilespmem:$0x190];
	_ =	sdelay $0x4  }
0x241: {  	v2 =	vshll.u32 v1, $0x3  }
0x242: {  	v1 =	vand.u32 $0x7F, v1;
	v2 =	vand.u32 $0xFFFFFC00, v2  }
0x243: {  	v1 =	vor.u32 v1, v2  }
0x244: {  	v1 =	vadd.s32 v0, v1;
	_ =	sdelay $0x4  }
0x245: {  	v1 =	vld.idx.msk [tilespmem:v1+s12+$0x0], $0xffff;
	_ =	sdelay $0x3  }
0x246: {  	s28 =	sadd.s32 $0x18F80, s22  }
0x247: {  	[tilespmem:s28+$0x10] =	vst v1  }
0x248: {  	v1 =	vld [tilespmem:$0x1A0];
	_ =	sdelay $0x4  }
0x249: {  	v2 =	vshll.u32 v1, $0x3  }
0x24a: {  	v1 =	vand.u32 $0x7F, v1;
	v2 =	vand.u32 $0xFFFFFC00, v2  }
0x24b: {  	v1 =	vor.u32 v1, v2  }
0x24c: {  	v1 =	vadd.s32 v0, v1;
	_ =	sdelay $0x4  }
0x24d: {  	v1 =	vld.idx.msk [tilespmem:v1+s12+$0x0], $0xffff;
	_ =	sdelay $0x4  }
0x24e: {  	[tilespmem:s28+$0x20] =	vst v1  }
0x24f: {  	v1 =	vld [tilespmem:$0x1B0];
	_ =	sdelay $0x4  }
0x250: {  	v2 =	vshll.u32 v1, $0x3  }
0x251: {  	v1 =	vand.u32 $0x7F, v1;
	v2 =	vand.u32 $0xFFFFFC00, v2  }
0x252: {  	v1 =	vor.u32 v1, v2  }
0x253: {  	v1 =	vadd.s32 v0, v1;
	_ =	sdelay $0x4  }
0x254: {  	v1 =	vld.idx.msk [tilespmem:v1+s12+$0x0], $0xffff;
	_ =	sdelay $0x4  }
0x255: {  	[tilespmem:s28+$0x30] =	vst v1  }
0x256: {  	v1 =	vld [tilespmem:$0x1C0];
	_ =	sdelay $0x4  }
0x257: {  	v2 =	vshll.u32 v1, $0x3  }
0x258: {  	v1 =	vand.u32 $0x7F, v1;
	v2 =	vand.u32 $0xFFFFFC00, v2  }
0x259: {  	v1 =	vor.u32 v1, v2  }
0x25a: {  	v1 =	vadd.s32 v0, v1;
	_ =	sdelay $0x4  }
0x25b: {  	v1 =	vld.idx.msk [tilespmem:v1+s12+$0x0], $0xffff;
	_ =	sdelay $0x4  }
0x25c: {  	[tilespmem:s28+$0x40] =	vst v1  }
0x25d: {  	v1 =	vld [tilespmem:$0x1D0];
	_ =	sdelay $0x4  }
0x25e: {  	v2 =	vshll.u32 v1, $0x3  }
0x25f: {  	v1 =	vand.u32 $0x7F, v1;
	v2 =	vand.u32 $0xFFFFFC00, v2  }
0x260: {  	v1 =	vor.u32 v1, v2  }
0x261: {  	v1 =	vadd.s32 v0, v1;
	_ =	sdelay $0x4  }
0x262: {  	v1 =	vld.idx.msk [tilespmem:v1+s12+$0x0], $0xffff;
	_ =	sdelay $0x4  }
0x263: {  	[tilespmem:s28+$0x50] =	vst v1  }
0x264: {  	v1 =	vld [tilespmem:$0x1E0];
	_ =	sdelay $0x4  }
0x265: {  	v2 =	vshll.u32 v1, $0x3  }
0x266: {  	v1 =	vand.u32 $0x7F, v1;
	v2 =	vand.u32 $0xFFFFFC00, v2  }
0x267: {  	v1 =	vor.u32 v1, v2  }
0x268: {  	v1 =	vadd.s32 v0, v1;
	_ =	sdelay $0x4  }
0x269: {  	v1 =	vld.idx.msk [tilespmem:v1+s12+$0x0], $0xffff;
	_ =	sdelay $0x4  }
0x26a: {  	[tilespmem:s28+$0x60] =	vst v1  }
0x26b: {  	v1 =	vld [tilespmem:$0x1F0];
	_ =	sdelay $0x4  }
0x26c: {  	v2 =	vshll.u32 v1, $0x3  }
0x26d: {  	v1 =	vand.u32 $0x7F, v1;
	v2 =	vand.u32 $0xFFFFFC00, v2  }
0x26e: {  	v1 =	vor.u32 v1, v2  }
0x26f: {  	v1 =	vadd.s32 v0, v1;
	_ =	sdelay $0x4  }
0x270: {  	v1 =	vld.idx.msk [tilespmem:v1+s12+$0x0], $0xffff;
	_ =	sdelay $0x4  }
0x271: {  	[tilespmem:s28+$0x70] =	vst v1  }
0x272: {  	v1 =	vld [tilespmem:$0x200];
	_ =	sdelay $0x4  }
0x273: {  	v2 =	vshll.u32 v1, $0x3  }
0x274: {  	v1 =	vand.u32 $0x7F, v1;
	v2 =	vand.u32 $0xFFFFFC00, v2  }
0x275: {  	v1 =	vor.u32 v1, v2  }
0x276: {  	v1 =	vadd.s32 v0, v1;
	_ =	sdelay $0x4  }
0x277: {  	v1 =	vld.idx.msk [tilespmem:v1+s12+$0x0], $0xffff;
	_ =	sdelay $0x4  }
0x278: {  	[tilespmem:s22+$0x19380] =	vst v1  }
0x279: {  	v1 =	vld [tilespmem:$0x210];
	_ =	sdelay $0x4  }
0x27a: {  	v2 =	vshll.u32 v1, $0x3  }
0x27b: {  	v1 =	vand.u32 $0x7F, v1;
	v2 =	vand.u32 $0xFFFFFC00, v2  }
0x27c: {  	v1 =	vor.u32 v1, v2  }
0x27d: {  	v1 =	vadd.s32 v0, v1;
	_ =	sdelay $0x4  }
0x27e: {  	v1 =	vld.idx.msk [tilespmem:v1+s12+$0x0], $0xffff;
	_ =	sdelay $0x3  }
0x27f: {  	s29 =	sadd.s32 $0x19380, s22  }
0x280: {  	[tilespmem:s29+$0x10] =	vst v1  }
0x281: {  	v1 =	vld [tilespmem:$0x220];
	_ =	sdelay $0x4  }
0x282: {  	v2 =	vshll.u32 v1, $0x3  }
0x283: {  	v1 =	vand.u32 $0x7F, v1;
	v2 =	vand.u32 $0xFFFFFC00, v2  }
0x284: {  	v1 =	vor.u32 v1, v2  }
0x285: {  	v1 =	vadd.s32 v0, v1;
	_ =	sdelay $0x4  }
0x286: {  	v1 =	vld.idx.msk [tilespmem:v1+s12+$0x0], $0xffff;
	_ =	sdelay $0x4  }
0x287: {  	[tilespmem:s29+$0x20] =	vst v1  }
0x288: {  	v1 =	vld [tilespmem:$0x230];
	_ =	sdelay $0x4  }
0x289: {  	v2 =	vshll.u32 v1, $0x3  }
0x28a: {  	v1 =	vand.u32 $0x7F, v1;
	v2 =	vand.u32 $0xFFFFFC00, v2  }
0x28b: {  	v1 =	vor.u32 v1, v2  }
0x28c: {  	v1 =	vadd.s32 v0, v1;
	_ =	sdelay $0x4  }
0x28d: {  	v1 =	vld.idx.msk [tilespmem:v1+s12+$0x0], $0xffff;
	_ =	sdelay $0x4  }
0x28e: {  	[tilespmem:s29+$0x30] =	vst v1  }
0x28f: {  	v1 =	vld [tilespmem:$0x240];
	_ =	sdelay $0x4  }
0x290: {  	v2 =	vshll.u32 v1, $0x3  }
0x291: {  	v1 =	vand.u32 $0x7F, v1;
	v2 =	vand.u32 $0xFFFFFC00, v2  }
0x292: {  	v1 =	vor.u32 v1, v2  }
0x293: {  	v1 =	vadd.s32 v0, v1;
	_ =	sdelay $0x4  }
0x294: {  	v1 =	vld.idx.msk [tilespmem:v1+s12+$0x0], $0xffff;
	_ =	sdelay $0x4  }
0x295: {  	[tilespmem:s29+$0x40] =	vst v1  }
0x296: {  	v1 =	vld [tilespmem:$0x250];
	_ =	sdelay $0x4  }
0x297: {  	v2 =	vshll.u32 v1, $0x3  }
0x298: {  	v1 =	vand.u32 $0x7F, v1;
	v2 =	vand.u32 $0xFFFFFC00, v2  }
0x299: {  	v1 =	vor.u32 v1, v2  }
0x29a: {  	v1 =	vadd.s32 v0, v1;
	_ =	sdelay $0x4  }
0x29b: {  	v1 =	vld.idx.msk [tilespmem:v1+s12+$0x0], $0xffff;
	_ =	sdelay $0x4  }
0x29c: {  	[tilespmem:s29+$0x50] =	vst v1  }
0x29d: {  	v1 =	vld [tilespmem:$0x260];
	_ =	sdelay $0x4  }
0x29e: {  	v2 =	vshll.u32 v1, $0x3  }
0x29f: {  	v1 =	vand.u32 $0x7F, v1;
	v2 =	vand.u32 $0xFFFFFC00, v2  }
0x2a0: {  	v1 =	vor.u32 v1, v2  }
0x2a1: {  	v1 =	vadd.s32 v0, v1;
	_ =	sdelay $0x4  }
0x2a2: {  	v1 =	vld.idx.msk [tilespmem:v1+s12+$0x0], $0xffff;
	_ =	sdelay $0x4  }
0x2a3: {  	[tilespmem:s29+$0x60] =	vst v1  }
0x2a4: {  	v1 =	vld [tilespmem:$0x270];
	_ =	sdelay $0x4  }
0x2a5: {  	v2 =	vshll.u32 v1, $0x3  }
0x2a6: {  	v1 =	vand.u32 $0x7F, v1;
	v2 =	vand.u32 $0xFFFFFC00, v2  }
0x2a7: {  	v1 =	vor.u32 v1, v2  }
0x2a8: {  	v1 =	vadd.s32 v0, v1;
	_ =	sdelay $0x4  }
0x2a9: {  	v1 =	vld.idx.msk [tilespmem:v1+s12+$0x0], $0xffff;
	_ =	sdelay $0x4  }
0x2aa: {  	[tilespmem:s29+$0x70] =	vst v1  }
0x2ab: {  	v1 =	vld [tilespmem:$0x280];
	_ =	sdelay $0x4  }
0x2ac: {  	v2 =	vshll.u32 v1, $0x3  }
0x2ad: {  	v1 =	vand.u32 $0x7F, v1;
	v2 =	vand.u32 $0xFFFFFC00, v2  }
0x2ae: {  	v1 =	vor.u32 v1, v2  }
0x2af: {  	v1 =	vadd.s32 v0, v1;
	_ =	sdelay $0x4  }
0x2b0: {  	v1 =	vld.idx.msk [tilespmem:v1+s12+$0x0], $0xffff;
	_ =	sdelay $0x4  }
0x2b1: {  	[tilespmem:s22+$0x19780] =	vst v1  }
0x2b2: {  	v1 =	vld [tilespmem:$0x290];
	_ =	sdelay $0x4  }
0x2b3: {  	v2 =	vshll.u32 v1, $0x3  }
0x2b4: {  	v1 =	vand.u32 $0x7F, v1;
	v2 =	vand.u32 $0xFFFFFC00, v2  }
0x2b5: {  	v1 =	vor.u32 v1, v2  }
0x2b6: {  	v1 =	vadd.s32 v0, v1;
	_ =	sdelay $0x4  }
0x2b7: {  	v1 =	vld.idx.msk [tilespmem:v1+s12+$0x0], $0xffff;
	_ =	sdelay $0x3  }
0x2b8: {  	s30 =	sadd.s32 $0x19780, s22  }
0x2b9: {  	[tilespmem:s30+$0x10] =	vst v1  }
0x2ba: {  	v1 =	vld [tilespmem:$0x2A0];
	_ =	sdelay $0x4  }
0x2bb: {  	v2 =	vshll.u32 v1, $0x3  }
0x2bc: {  	v1 =	vand.u32 $0x7F, v1;
	v2 =	vand.u32 $0xFFFFFC00, v2  }
0x2bd: {  	v1 =	vor.u32 v1, v2  }
0x2be: {  	v1 =	vadd.s32 v0, v1;
	_ =	sdelay $0x4  }
0x2bf: {  	v1 =	vld.idx.msk [tilespmem:v1+s12+$0x0], $0xffff;
	_ =	sdelay $0x4  }
0x2c0: {  	[tilespmem:s30+$0x20] =	vst v1  }
0x2c1: {  	v1 =	vld [tilespmem:$0x2B0];
	_ =	sdelay $0x4  }
0x2c2: {  	v2 =	vshll.u32 v1, $0x3  }
0x2c3: {  	v1 =	vand.u32 $0x7F, v1;
	v2 =	vand.u32 $0xFFFFFC00, v2  }
0x2c4: {  	v1 =	vor.u32 v1, v2  }
0x2c5: {  	v1 =	vadd.s32 v0, v1;
	_ =	sdelay $0x4  }
0x2c6: {  	v1 =	vld.idx.msk [tilespmem:v1+s12+$0x0], $0xffff;
	_ =	sdelay $0x4  }
0x2c7: {  	[tilespmem:s30+$0x30] =	vst v1  }
0x2c8: {  	v1 =	vld [tilespmem:$0x2C0];
	_ =	sdelay $0x4  }
0x2c9: {  	v2 =	vshll.u32 v1, $0x3  }
0x2ca: {  	v1 =	vand.u32 $0x7F, v1;
	v2 =	vand.u32 $0xFFFFFC00, v2  }
0x2cb: {  	v1 =	vor.u32 v1, v2  }
0x2cc: {  	v1 =	vadd.s32 v0, v1;
	_ =	sdelay $0x4  }
0x2cd: {  	v1 =	vld.idx.msk [tilespmem:v1+s12+$0x0], $0xffff;
	_ =	sdelay $0x4  }
0x2ce: {  	[tilespmem:s30+$0x40] =	vst v1  }
0x2cf: {  	v1 =	vld [tilespmem:$0x2D0];
	_ =	sdelay $0x4  }
0x2d0: {  	v2 =	vshll.u32 v1, $0x3  }
0x2d1: {  	v1 =	vand.u32 $0x7F, v1;
	v2 =	vand.u32 $0xFFFFFC00, v2  }
0x2d2: {  	v1 =	vor.u32 v1, v2  }
0x2d3: {  	v1 =	vadd.s32 v0, v1;
	_ =	sdelay $0x4  }
0x2d4: {  	v1 =	vld.idx.msk [tilespmem:v1+s12+$0x0], $0xffff;
	_ =	sdelay $0x4  }
0x2d5: {  	[tilespmem:s30+$0x50] =	vst v1  }
0x2d6: {  	v1 =	vld [tilespmem:$0x2E0];
	_ =	sdelay $0x4  }
0x2d7: {  	v2 =	vshll.u32 v1, $0x3  }
0x2d8: {  	v1 =	vand.u32 $0x7F, v1;
	v2 =	vand.u32 $0xFFFFFC00, v2  }
0x2d9: {  	v1 =	vor.u32 v1, v2  }
0x2da: {  	v1 =	vadd.s32 v0, v1;
	_ =	sdelay $0x4  }
0x2db: {  	v1 =	vld.idx.msk [tilespmem:v1+s12+$0x0], $0xffff;
	_ =	sdelay $0x4  }
0x2dc: {  	[tilespmem:s30+$0x60] =	vst v1  }
0x2dd: {  	v1 =	vld [tilespmem:$0x2F0];
	_ =	sdelay $0x4  }
0x2de: {  	v2 =	vshll.u32 v1, $0x3  }
0x2df: {  	v1 =	vand.u32 $0x7F, v1;
	v2 =	vand.u32 $0xFFFFFC00, v2  }
0x2e0: {  	v1 =	vor.u32 v1, v2  }
0x2e1: {  	v1 =	vadd.s32 v0, v1;
	_ =	sdelay $0x4  }
0x2e2: {  	v1 =	vld.idx.msk [tilespmem:v1+s12+$0x0], $0xffff;
	_ =	sdelay $0x4  }
0x2e3: {  	[tilespmem:s30+$0x70] =	vst v1  }
0x2e4: {  	v1 =	vld [tilespmem:$0x300];
	_ =	sdelay $0x4  }
0x2e5: {  	v2 =	vshll.u32 v1, $0x3  }
0x2e6: {  	v1 =	vand.u32 $0x7F, v1;
	v2 =	vand.u32 $0xFFFFFC00, v2  }
0x2e7: {  	v1 =	vor.u32 v1, v2  }
0x2e8: {  	v1 =	vadd.s32 v0, v1;
	_ =	sdelay $0x4  }
0x2e9: {  	v1 =	vld.idx.msk [tilespmem:v1+s12+$0x0], $0xffff;
	_ =	sdelay $0x4  }
0x2ea: {  	[tilespmem:s22+$0x19B80] =	vst v1  }
0x2eb: {  	v1 =	vld [tilespmem:$0x310];
	_ =	sdelay $0x4  }
0x2ec: {  	v2 =	vshll.u32 v1, $0x3  }
0x2ed: {  	v1 =	vand.u32 $0x7F, v1;
	v2 =	vand.u32 $0xFFFFFC00, v2  }
0x2ee: {  	v1 =	vor.u32 v1, v2  }
0x2ef: {  	v1 =	vadd.s32 v0, v1;
	_ =	sdelay $0x4  }
0x2f0: {  	s31 =	rddreg [dreg:$0x3];
	v1 =	vld.idx.msk [tilespmem:v1+s12+$0x0], $0xffff  }
0x2f1: {  	s23 =	sadd.s32 s21, s31  }
0x2f2: {  	p0 =	slt.s32 s23, $0x3FE  }
0x2f3: {  	s23 =	simm.s32 @!p0 $0x3FE  }
0x2f4: {  	s23 =	sshll.u32 s23, $0xC;
	s22 =	sadd.s32 $0x19B80, s22  }
0x2f5: {  	s23 =	sadd.s32 s1, s23;
	[tilespmem:s22+$0x10] =	vst v1  }
0x2f6: {  	[tilespmem:s12], [sflag:$0x2] =	stream.linear.gather [hbm4b:s23+s3], $0x8000, $0x38;
	[tilespmem:$0x1F380] =	vst v63  }
0x2f7: {  	_ =	swait.ge [sflag:s16], $0x8000  }
0x2f8: {  	[sflag:s16] =	ssyncset.done $0x0  }
0x2f9: {  	[sflag:s16] =	ssyncadd.s32 $0xFFFF8000  }
0x2fa: {  	v1 =	vld [tilespmem:$0x0];
	_ =	sdelay $0x4  }
0x2fb: {  	v2 =	vshll.u32 v1, $0x3  }
0x2fc: {  	v1 =	vand.u32 $0x7F, v1;
	v2 =	vand.u32 $0xFFFFFC00, v2  }
0x2fd: {  	v1 =	vor.u32 v1, v2  }
0x2fe: {  	v1 =	vadd.s32 v0, v1;
	_ =	sdelay $0x3  }
0x2ff: {  	s24 =	sadd.s32 $0x2, s21  }
0x300: {  	s22 =	sshrl.u32 s24, $0x3;
	v1 =	vld.idx.msk [tilespmem:v1+s13+$0x0], $0xffff  }
0x301: {  	s22 =	smul.u32 $0x7000, s22  }
0x302: {  	s25 =	sadd.s32 $0x100, s20  }
0x303: {  	s23 =	sand.u32 $0x380, s25;
	s22 =	sshra.s32 s22, $0x2  }
0x304: {  	s22 =	sor.u32 s23, s22  }
0x305: {  	[tilespmem:s22+$0x18380] =	vst v1  }
0x306: {  	v1 =	vld [tilespmem:$0x10];
	_ =	sdelay $0x4  }
0x307: {  	v2 =	vshll.u32 v1, $0x3  }
0x308: {  	v1 =	vand.u32 $0x7F, v1;
	v2 =	vand.u32 $0xFFFFFC00, v2  }
0x309: {  	v1 =	vor.u32 v1, v2  }
0x30a: {  	v1 =	vadd.s32 v0, v1;
	_ =	sdelay $0x4  }
0x30b: {  	v1 =	vld.idx.msk [tilespmem:v1+s13+$0x0], $0xffff;
	_ =	sdelay $0x3  }
0x30c: {  	s23 =	sadd.s32 $0x18380, s22  }
0x30d: {  	[tilespmem:s23+$0x10] =	vst v1  }
0x30e: {  	v1 =	vld [tilespmem:$0x20];
	_ =	sdelay $0x4  }
0x30f: {  	v2 =	vshll.u32 v1, $0x3  }
0x310: {  	v1 =	vand.u32 $0x7F, v1;
	v2 =	vand.u32 $0xFFFFFC00, v2  }
0x311: {  	v1 =	vor.u32 v1, v2  }
0x312: {  	v1 =	vadd.s32 v0, v1;
	_ =	sdelay $0x4  }
0x313: {  	v1 =	vld.idx.msk [tilespmem:v1+s13+$0x0], $0xffff;
	_ =	sdelay $0x4  }
0x314: {  	[tilespmem:s23+$0x20] =	vst v1  }
0x315: {  	v1 =	vld [tilespmem:$0x30];
	_ =	sdelay $0x4  }
0x316: {  	v2 =	vshll.u32 v1, $0x3  }
0x317: {  	v1 =	vand.u32 $0x7F, v1;
	v2 =	vand.u32 $0xFFFFFC00, v2  }
0x318: {  	v1 =	vor.u32 v1, v2  }
0x319: {  	v1 =	vadd.s32 v0, v1;
	_ =	sdelay $0x4  }
0x31a: {  	v1 =	vld.idx.msk [tilespmem:v1+s13+$0x0], $0xffff;
	_ =	sdelay $0x4  }
0x31b: {  	[tilespmem:s23+$0x30] =	vst v1  }
0x31c: {  	v1 =	vld [tilespmem:$0x40];
	_ =	sdelay $0x4  }
0x31d: {  	v2 =	vshll.u32 v1, $0x3  }
0x31e: {  	v1 =	vand.u32 $0x7F, v1;
	v2 =	vand.u32 $0xFFFFFC00, v2  }
0x31f: {  	v1 =	vor.u32 v1, v2  }
0x320: {  	v1 =	vadd.s32 v0, v1;
	_ =	sdelay $0x4  }
0x321: {  	v1 =	vld.idx.msk [tilespmem:v1+s13+$0x0], $0xffff;
	_ =	sdelay $0x4  }
0x322: {  	[tilespmem:s23+$0x40] =	vst v1  }
0x323: {  	v1 =	vld [tilespmem:$0x50];
	_ =	sdelay $0x4  }
0x324: {  	v2 =	vshll.u32 v1, $0x3  }
0x325: {  	v1 =	vand.u32 $0x7F, v1;
	v2 =	vand.u32 $0xFFFFFC00, v2  }
0x326: {  	v1 =	vor.u32 v1, v2  }
0x327: {  	v1 =	vadd.s32 v0, v1;
	_ =	sdelay $0x4  }
0x328: {  	v1 =	vld.idx.msk [tilespmem:v1+s13+$0x0], $0xffff;
	_ =	sdelay $0x4  }
0x329: {  	[tilespmem:s23+$0x50] =	vst v1  }
0x32a: {  	v1 =	vld [tilespmem:$0x60];
	_ =	sdelay $0x4  }
0x32b: {  	v2 =	vshll.u32 v1, $0x3  }
0x32c: {  	v1 =	vand.u32 $0x7F, v1;
	v2 =	vand.u32 $0xFFFFFC00, v2  }
0x32d: {  	v1 =	vor.u32 v1, v2  }
0x32e: {  	v1 =	vadd.s32 v0, v1;
	_ =	sdelay $0x4  }
0x32f: {  	v1 =	vld.idx.msk [tilespmem:v1+s13+$0x0], $0xffff;
	_ =	sdelay $0x4  }
0x330: {  	[tilespmem:s23+$0x60] =	vst v1  }
0x331: {  	v1 =	vld [tilespmem:$0x70];
	_ =	sdelay $0x4  }
0x332: {  	v2 =	vshll.u32 v1, $0x3  }
0x333: {  	v1 =	vand.u32 $0x7F, v1;
	v2 =	vand.u32 $0xFFFFFC00, v2  }
0x334: {  	v1 =	vor.u32 v1, v2  }
0x335: {  	v1 =	vadd.s32 v0, v1;
	_ =	sdelay $0x4  }
0x336: {  	v1 =	vld.idx.msk [tilespmem:v1+s13+$0x0], $0xffff;
	_ =	sdelay $0x4  }
0x337: {  	[tilespmem:s23+$0x70] =	vst v1  }
0x338: {  	v1 =	vld [tilespmem:$0x80];
	_ =	sdelay $0x4  }
0x339: {  	v2 =	vshll.u32 v1, $0x3  }
0x33a: {  	v1 =	vand.u32 $0x7F, v1;
	v2 =	vand.u32 $0xFFFFFC00, v2  }
0x33b: {  	v1 =	vor.u32 v1, v2  }
0x33c: {  	v1 =	vadd.s32 v0, v1;
	_ =	sdelay $0x4  }
0x33d: {  	v1 =	vld.idx.msk [tilespmem:v1+s13+$0x0], $0xffff;
	_ =	sdelay $0x4  }
0x33e: {  	[tilespmem:s22+$0x18780] =	vst v1  }
0x33f: {  	v1 =	vld [tilespmem:$0x90];
	_ =	sdelay $0x4  }
0x340: {  	v2 =	vshll.u32 v1, $0x3  }
0x341: {  	v1 =	vand.u32 $0x7F, v1;
	v2 =	vand.u32 $0xFFFFFC00, v2  }
0x342: {  	v1 =	vor.u32 v1, v2  }
0x343: {  	v1 =	vadd.s32 v0, v1;
	_ =	sdelay $0x4  }
0x344: {  	v1 =	vld.idx.msk [tilespmem:v1+s13+$0x0], $0xffff;
	_ =	sdelay $0x3  }
0x345: {  	s26 =	sadd.s32 $0x18780, s22  }
0x346: {  	[tilespmem:s26+$0x10] =	vst v1  }
0x347: {  	v1 =	vld [tilespmem:$0xA0];
	_ =	sdelay $0x4  }
0x348: {  	v2 =	vshll.u32 v1, $0x3  }
0x349: {  	v1 =	vand.u32 $0x7F, v1;
	v2 =	vand.u32 $0xFFFFFC00, v2  }
0x34a: {  	v1 =	vor.u32 v1, v2  }
0x34b: {  	v1 =	vadd.s32 v0, v1;
	_ =	sdelay $0x4  }
0x34c: {  	v1 =	vld.idx.msk [tilespmem:v1+s13+$0x0], $0xffff;
	_ =	sdelay $0x4  }
0x34d: {  	[tilespmem:s26+$0x20] =	vst v1  }
0x34e: {  	v1 =	vld [tilespmem:$0xB0];
	_ =	sdelay $0x4  }
0x34f: {  	v2 =	vshll.u32 v1, $0x3  }
0x350: {  	v1 =	vand.u32 $0x7F, v1;
	v2 =	vand.u32 $0xFFFFFC00, v2  }
0x351: {  	v1 =	vor.u32 v1, v2  }
0x352: {  	v1 =	vadd.s32 v0, v1;
	_ =	sdelay $0x4  }
0x353: {  	v1 =	vld.idx.msk [tilespmem:v1+s13+$0x0], $0xffff;
	_ =	sdelay $0x4  }
0x354: {  	[tilespmem:s26+$0x30] =	vst v1  }
0x355: {  	v1 =	vld [tilespmem:$0xC0];
	_ =	sdelay $0x4  }
0x356: {  	v2 =	vshll.u32 v1, $0x3  }
0x357: {  	v1 =	vand.u32 $0x7F, v1;
	v2 =	vand.u32 $0xFFFFFC00, v2  }
0x358: {  	v1 =	vor.u32 v1, v2  }
0x359: {  	v1 =	vadd.s32 v0, v1;
	_ =	sdelay $0x4  }
0x35a: {  	v1 =	vld.idx.msk [tilespmem:v1+s13+$0x0], $0xffff;
	_ =	sdelay $0x4  }
0x35b: {  	[tilespmem:s26+$0x40] =	vst v1  }
0x35c: {  	v1 =	vld [tilespmem:$0xD0];
	_ =	sdelay $0x4  }
0x35d: {  	v2 =	vshll.u32 v1, $0x3  }
0x35e: {  	v1 =	vand.u32 $0x7F, v1;
	v2 =	vand.u32 $0xFFFFFC00, v2  }
0x35f: {  	v1 =	vor.u32 v1, v2  }
0x360: {  	v1 =	vadd.s32 v0, v1;
	_ =	sdelay $0x4  }
0x361: {  	v1 =	vld.idx.msk [tilespmem:v1+s13+$0x0], $0xffff;
	_ =	sdelay $0x4  }
0x362: {  	[tilespmem:s26+$0x50] =	vst v1  }
0x363: {  	v1 =	vld [tilespmem:$0xE0];
	_ =	sdelay $0x4  }
0x364: {  	v2 =	vshll.u32 v1, $0x3  }
0x365: {  	v1 =	vand.u32 $0x7F, v1;
	v2 =	vand.u32 $0xFFFFFC00, v2  }
0x366: {  	v1 =	vor.u32 v1, v2  }
0x367: {  	v1 =	vadd.s32 v0, v1;
	_ =	sdelay $0x4  }
0x368: {  	v1 =	vld.idx.msk [tilespmem:v1+s13+$0x0], $0xffff;
	_ =	sdelay $0x4  }
0x369: {  	[tilespmem:s26+$0x60] =	vst v1  }
0x36a: {  	v1 =	vld [tilespmem:$0xF0];
	_ =	sdelay $0x4  }
0x36b: {  	v2 =	vshll.u32 v1, $0x3  }
0x36c: {  	v1 =	vand.u32 $0x7F, v1;
	v2 =	vand.u32 $0xFFFFFC00, v2  }
0x36d: {  	v1 =	vor.u32 v1, v2  }
0x36e: {  	v1 =	vadd.s32 v0, v1;
	_ =	sdelay $0x4  }
0x36f: {  	v1 =	vld.idx.msk [tilespmem:v1+s13+$0x0], $0xffff;
	_ =	sdelay $0x4  }
0x370: {  	[tilespmem:s26+$0x70] =	vst v1  }
0x371: {  	v1 =	vld [tilespmem:$0x100];
	_ =	sdelay $0x4  }
0x372: {  	v2 =	vshll.u32 v1, $0x3  }
0x373: {  	v1 =	vand.u32 $0x7F, v1;
	v2 =	vand.u32 $0xFFFFFC00, v2  }
0x374: {  	v1 =	vor.u32 v1, v2  }
0x375: {  	v1 =	vadd.s32 v0, v1;
	_ =	sdelay $0x4  }
0x376: {  	v1 =	vld.idx.msk [tilespmem:v1+s13+$0x0], $0xffff;
	_ =	sdelay $0x4  }
0x377: {  	[tilespmem:s22+$0x18B80] =	vst v1  }
0x378: {  	v1 =	vld [tilespmem:$0x110];
	_ =	sdelay $0x4  }
0x379: {  	v2 =	vshll.u32 v1, $0x3  }
0x37a: {  	v1 =	vand.u32 $0x7F, v1;
	v2 =	vand.u32 $0xFFFFFC00, v2  }
0x37b: {  	v1 =	vor.u32 v1, v2  }
0x37c: {  	v1 =	vadd.s32 v0, v1;
	_ =	sdelay $0x4  }
0x37d: {  	v1 =	vld.idx.msk [tilespmem:v1+s13+$0x0], $0xffff;
	_ =	sdelay $0x3  }
0x37e: {  	s28 =	sadd.s32 $0x18B80, s22  }
0x37f: {  	[tilespmem:s28+$0x10] =	vst v1  }
0x380: {  	v1 =	vld [tilespmem:$0x120];
	_ =	sdelay $0x4  }
0x381: {  	v2 =	vshll.u32 v1, $0x3  }
0x382: {  	v1 =	vand.u32 $0x7F, v1;
	v2 =	vand.u32 $0xFFFFFC00, v2  }
0x383: {  	v1 =	vor.u32 v1, v2  }
0x384: {  	v1 =	vadd.s32 v0, v1;
	_ =	sdelay $0x4  }
0x385: {  	v1 =	vld.idx.msk [tilespmem:v1+s13+$0x0], $0xffff;
	_ =	sdelay $0x4  }
0x386: {  	[tilespmem:s28+$0x20] =	vst v1  }
0x387: {  	v1 =	vld [tilespmem:$0x130];
	_ =	sdelay $0x4  }
0x388: {  	v2 =	vshll.u32 v1, $0x3  }
0x389: {  	v1 =	vand.u32 $0x7F, v1;
	v2 =	vand.u32 $0xFFFFFC00, v2  }
0x38a: {  	v1 =	vor.u32 v1, v2  }
0x38b: {  	v1 =	vadd.s32 v0, v1;
	_ =	sdelay $0x4  }
0x38c: {  	v1 =	vld.idx.msk [tilespmem:v1+s13+$0x0], $0xffff;
	_ =	sdelay $0x4  }
0x38d: {  	[tilespmem:s28+$0x30] =	vst v1  }
0x38e: {  	v1 =	vld [tilespmem:$0x140];
	_ =	sdelay $0x4  }
0x38f: {  	v2 =	vshll.u32 v1, $0x3  }
0x390: {  	v1 =	vand.u32 $0x7F, v1;
	v2 =	vand.u32 $0xFFFFFC00, v2  }
0x391: {  	v1 =	vor.u32 v1, v2  }
0x392: {  	v1 =	vadd.s32 v0, v1;
	_ =	sdelay $0x4  }
0x393: {  	v1 =	vld.idx.msk [tilespmem:v1+s13+$0x0], $0xffff;
	_ =	sdelay $0x4  }
0x394: {  	[tilespmem:s28+$0x40] =	vst v1  }
0x395: {  	v1 =	vld [tilespmem:$0x150];
	_ =	sdelay $0x4  }
0x396: {  	v2 =	vshll.u32 v1, $0x3  }
0x397: {  	v1 =	vand.u32 $0x7F, v1;
	v2 =	vand.u32 $0xFFFFFC00, v2  }
0x398: {  	v1 =	vor.u32 v1, v2  }
0x399: {  	v1 =	vadd.s32 v0, v1;
	_ =	sdelay $0x4  }
0x39a: {  	v1 =	vld.idx.msk [tilespmem:v1+s13+$0x0], $0xffff;
	_ =	sdelay $0x4  }
0x39b: {  	[tilespmem:s28+$0x50] =	vst v1  }
0x39c: {  	v1 =	vld [tilespmem:$0x160];
	_ =	sdelay $0x4  }
0x39d: {  	v2 =	vshll.u32 v1, $0x3  }
0x39e: {  	v1 =	vand.u32 $0x7F, v1;
	v2 =	vand.u32 $0xFFFFFC00, v2  }
0x39f: {  	v1 =	vor.u32 v1, v2  }
0x3a0: {  	v1 =	vadd.s32 v0, v1;
	_ =	sdelay $0x4  }
0x3a1: {  	v1 =	vld.idx.msk [tilespmem:v1+s13+$0x0], $0xffff;
	_ =	sdelay $0x4  }
0x3a2: {  	[tilespmem:s28+$0x60] =	vst v1  }
0x3a3: {  	v1 =	vld [tilespmem:$0x170];
	_ =	sdelay $0x4  }
0x3a4: {  	v2 =	vshll.u32 v1, $0x3  }
0x3a5: {  	v1 =	vand.u32 $0x7F, v1;
	v2 =	vand.u32 $0xFFFFFC00, v2  }
0x3a6: {  	v1 =	vor.u32 v1, v2  }
0x3a7: {  	v1 =	vadd.s32 v0, v1;
	_ =	sdelay $0x4  }
0x3a8: {  	v1 =	vld.idx.msk [tilespmem:v1+s13+$0x0], $0xffff;
	_ =	sdelay $0x4  }
0x3a9: {  	[tilespmem:s28+$0x70] =	vst v1  }
0x3aa: {  	v1 =	vld [tilespmem:$0x180];
	_ =	sdelay $0x4  }
0x3ab: {  	v2 =	vshll.u32 v1, $0x3  }
0x3ac: {  	v1 =	vand.u32 $0x7F, v1;
	v2 =	vand.u32 $0xFFFFFC00, v2  }
0x3ad: {  	v1 =	vor.u32 v1, v2  }
0x3ae: {  	v1 =	vadd.s32 v0, v1;
	_ =	sdelay $0x4  }
0x3af: {  	v1 =	vld.idx.msk [tilespmem:v1+s13+$0x0], $0xffff;
	_ =	sdelay $0x4  }
0x3b0: {  	[tilespmem:s22+$0x18F80] =	vst v1  }
0x3b1: {  	v1 =	vld [tilespmem:$0x190];
	_ =	sdelay $0x4  }
0x3b2: {  	v2 =	vshll.u32 v1, $0x3  }
0x3b3: {  	v1 =	vand.u32 $0x7F, v1;
	v2 =	vand.u32 $0xFFFFFC00, v2  }
0x3b4: {  	v1 =	vor.u32 v1, v2  }
0x3b5: {  	v1 =	vadd.s32 v0, v1;
	_ =	sdelay $0x4  }
0x3b6: {  	v1 =	vld.idx.msk [tilespmem:v1+s13+$0x0], $0xffff;
	_ =	sdelay $0x3  }
0x3b7: {  	s29 =	sadd.s32 $0x18F80, s22  }
0x3b8: {  	[tilespmem:s29+$0x10] =	vst v1  }
0x3b9: {  	v1 =	vld [tilespmem:$0x1A0];
	_ =	sdelay $0x4  }
0x3ba: {  	v2 =	vshll.u32 v1, $0x3  }
0x3bb: {  	v1 =	vand.u32 $0x7F, v1;
	v2 =	vand.u32 $0xFFFFFC00, v2  }
0x3bc: {  	v1 =	vor.u32 v1, v2  }
0x3bd: {  	v1 =	vadd.s32 v0, v1;
	_ =	sdelay $0x4  }
0x3be: {  	v1 =	vld.idx.msk [tilespmem:v1+s13+$0x0], $0xffff;
	_ =	sdelay $0x4  }
0x3bf: {  	[tilespmem:s29+$0x20] =	vst v1  }
0x3c0: {  	v1 =	vld [tilespmem:$0x1B0];
	_ =	sdelay $0x4  }
0x3c1: {  	v2 =	vshll.u32 v1, $0x3  }
0x3c2: {  	v1 =	vand.u32 $0x7F, v1;
	v2 =	vand.u32 $0xFFFFFC00, v2  }
0x3c3: {  	v1 =	vor.u32 v1, v2  }
0x3c4: {  	v1 =	vadd.s32 v0, v1;
	_ =	sdelay $0x4  }
0x3c5: {  	v1 =	vld.idx.msk [tilespmem:v1+s13+$0x0], $0xffff;
	_ =	sdelay $0x4  }
0x3c6: {  	[tilespmem:s29+$0x30] =	vst v1  }
0x3c7: {  	v1 =	vld [tilespmem:$0x1C0];
	_ =	sdelay $0x4  }
0x3c8: {  	v2 =	vshll.u32 v1, $0x3  }
0x3c9: {  	v1 =	vand.u32 $0x7F, v1;
	v2 =	vand.u32 $0xFFFFFC00, v2  }
0x3ca: {  	v1 =	vor.u32 v1, v2  }
0x3cb: {  	v1 =	vadd.s32 v0, v1;
	_ =	sdelay $0x4  }
0x3cc: {  	v1 =	vld.idx.msk [tilespmem:v1+s13+$0x0], $0xffff;
	_ =	sdelay $0x4  }
0x3cd: {  	[tilespmem:s29+$0x40] =	vst v1  }
0x3ce: {  	v1 =	vld [tilespmem:$0x1D0];
	_ =	sdelay $0x4  }
0x3cf: {  	v2 =	vshll.u32 v1, $0x3  }
0x3d0: {  	v1 =	vand.u32 $0x7F, v1;
	v2 =	vand.u32 $0xFFFFFC00, v2  }
0x3d1: {  	v1 =	vor.u32 v1, v2  }
0x3d2: {  	v1 =	vadd.s32 v0, v1;
	_ =	sdelay $0x4  }
0x3d3: {  	v1 =	vld.idx.msk [tilespmem:v1+s13+$0x0], $0xffff;
	_ =	sdelay $0x4  }
0x3d4: {  	[tilespmem:s29+$0x50] =	vst v1  }
0x3d5: {  	v1 =	vld [tilespmem:$0x1E0];
	_ =	sdelay $0x4  }
0x3d6: {  	v2 =	vshll.u32 v1, $0x3  }
0x3d7: {  	v1 =	vand.u32 $0x7F, v1;
	v2 =	vand.u32 $0xFFFFFC00, v2  }
0x3d8: {  	v1 =	vor.u32 v1, v2  }
0x3d9: {  	v1 =	vadd.s32 v0, v1;
	_ =	sdelay $0x4  }
0x3da: {  	v1 =	vld.idx.msk [tilespmem:v1+s13+$0x0], $0xffff;
	_ =	sdelay $0x4  }
0x3db: {  	[tilespmem:s29+$0x60] =	vst v1  }
0x3dc: {  	v1 =	vld [tilespmem:$0x1F0];
	_ =	sdelay $0x4  }
0x3dd: {  	v2 =	vshll.u32 v1, $0x3  }
0x3de: {  	v1 =	vand.u32 $0x7F, v1;
	v2 =	vand.u32 $0xFFFFFC00, v2  }
0x3df: {  	v1 =	vor.u32 v1, v2  }
0x3e0: {  	v1 =	vadd.s32 v0, v1;
	_ =	sdelay $0x4  }
0x3e1: {  	v1 =	vld.idx.msk [tilespmem:v1+s13+$0x0], $0xffff;
	_ =	sdelay $0x4  }
0x3e2: {  	[tilespmem:s29+$0x70] =	vst v1  }
0x3e3: {  	v1 =	vld [tilespmem:$0x200];
	_ =	sdelay $0x4  }
0x3e4: {  	v2 =	vshll.u32 v1, $0x3  }
0x3e5: {  	v1 =	vand.u32 $0x7F, v1;
	v2 =	vand.u32 $0xFFFFFC00, v2  }
0x3e6: {  	v1 =	vor.u32 v1, v2  }
0x3e7: {  	v1 =	vadd.s32 v0, v1;
	_ =	sdelay $0x4  }
0x3e8: {  	v1 =	vld.idx.msk [tilespmem:v1+s13+$0x0], $0xffff;
	_ =	sdelay $0x4  }
0x3e9: {  	[tilespmem:s22+$0x19380] =	vst v1  }
0x3ea: {  	v1 =	vld [tilespmem:$0x210];
	_ =	sdelay $0x4  }
0x3eb: {  	v2 =	vshll.u32 v1, $0x3  }
0x3ec: {  	v1 =	vand.u32 $0x7F, v1;
	v2 =	vand.u32 $0xFFFFFC00, v2  }
0x3ed: {  	v1 =	vor.u32 v1, v2  }
0x3ee: {  	v1 =	vadd.s32 v0, v1;
	_ =	sdelay $0x4  }
0x3ef: {  	v1 =	vld.idx.msk [tilespmem:v1+s13+$0x0], $0xffff;
	_ =	sdelay $0x3  }
0x3f0: {  	s30 =	sadd.s32 $0x19380, s22  }
0x3f1: {  	[tilespmem:s30+$0x10] =	vst v1  }
0x3f2: {  	v1 =	vld [tilespmem:$0x220];
	_ =	sdelay $0x4  }
0x3f3: {  	v2 =	vshll.u32 v1, $0x3  }
0x3f4: {  	v1 =	vand.u32 $0x7F, v1;
	v2 =	vand.u32 $0xFFFFFC00, v2  }
0x3f5: {  	v1 =	vor.u32 v1, v2  }
0x3f6: {  	v1 =	vadd.s32 v0, v1;
	_ =	sdelay $0x4  }
0x3f7: {  	v1 =	vld.idx.msk [tilespmem:v1+s13+$0x0], $0xffff;
	_ =	sdelay $0x4  }
0x3f8: {  	[tilespmem:s30+$0x20] =	vst v1  }
0x3f9: {  	v1 =	vld [tilespmem:$0x230];
	_ =	sdelay $0x4  }
0x3fa: {  	v2 =	vshll.u32 v1, $0x3  }
0x3fb: {  	v1 =	vand.u32 $0x7F, v1;
	v2 =	vand.u32 $0xFFFFFC00, v2  }
0x3fc: {  	v1 =	vor.u32 v1, v2  }
0x3fd: {  	v1 =	vadd.s32 v0, v1;
	_ =	sdelay $0x4  }
0x3fe: {  	v1 =	vld.idx.msk [tilespmem:v1+s13+$0x0], $0xffff;
	_ =	sdelay $0x4  }
0x3ff: {  	[tilespmem:s30+$0x30] =	vst v1  }
0x400: {  	v1 =	vld [tilespmem:$0x240];
	_ =	sdelay $0x4  }
0x401: {  	v2 =	vshll.u32 v1, $0x3  }
0x402: {  	v1 =	vand.u32 $0x7F, v1;
	v2 =	vand.u32 $0xFFFFFC00, v2  }
0x403: {  	v1 =	vor.u32 v1, v2  }
0x404: {  	v1 =	vadd.s32 v0, v1;
	_ =	sdelay $0x4  }
0x405: {  	v1 =	vld.idx.msk [tilespmem:v1+s13+$0x0], $0xffff;
	_ =	sdelay $0x4  }
0x406: {  	[tilespmem:s30+$0x40] =	vst v1  }
0x407: {  	v1 =	vld [tilespmem:$0x250];
	_ =	sdelay $0x4  }
0x408: {  	v2 =	vshll.u32 v1, $0x3  }
0x409: {  	v1 =	vand.u32 $0x7F, v1;
	v2 =	vand.u32 $0xFFFFFC00, v2  }
0x40a: {  	v1 =	vor.u32 v1, v2  }
0x40b: {  	v1 =	vadd.s32 v0, v1;
	_ =	sdelay $0x4  }
0x40c: {  	v1 =	vld.idx.msk [tilespmem:v1+s13+$0x0], $0xffff;
	_ =	sdelay $0x4  }
0x40d: {  	[tilespmem:s30+$0x50] =	vst v1  }
0x40e: {  	v1 =	vld [tilespmem:$0x260];
	_ =	sdelay $0x4  }
0x40f: {  	v2 =	vshll.u32 v1, $0x3  }
0x410: {  	v1 =	vand.u32 $0x7F, v1;
	v2 =	vand.u32 $0xFFFFFC00, v2  }
0x411: {  	v1 =	vor.u32 v1, v2  }
0x412: {  	v1 =	vadd.s32 v0, v1;
	_ =	sdelay $0x4  }
0x413: {  	v1 =	vld.idx.msk [tilespmem:v1+s13+$0x0], $0xffff;
	_ =	sdelay $0x4  }
0x414: {  	[tilespmem:s30+$0x60] =	vst v1  }
0x415: {  	v1 =	vld [tilespmem:$0x270];
	_ =	sdelay $0x4  }
0x416: {  	v2 =	vshll.u32 v1, $0x3  }
0x417: {  	v1 =	vand.u32 $0x7F, v1;
	v2 =	vand.u32 $0xFFFFFC00, v2  }
0x418: {  	v1 =	vor.u32 v1, v2  }
0x419: {  	v1 =	vadd.s32 v0, v1;
	_ =	sdelay $0x4  }
0x41a: {  	v1 =	vld.idx.msk [tilespmem:v1+s13+$0x0], $0xffff;
	_ =	sdelay $0x4  }
0x41b: {  	[tilespmem:s30+$0x70] =	vst v1  }
0x41c: {  	v1 =	vld [tilespmem:$0x280];
	_ =	sdelay $0x4  }
0x41d: {  	v2 =	vshll.u32 v1, $0x3  }
0x41e: {  	v1 =	vand.u32 $0x7F, v1;
	v2 =	vand.u32 $0xFFFFFC00, v2  }
0x41f: {  	v1 =	vor.u32 v1, v2  }
0x420: {  	v1 =	vadd.s32 v0, v1;
	_ =	sdelay $0x4  }
0x421: {  	v1 =	vld.idx.msk [tilespmem:v1+s13+$0x0], $0xffff;
	_ =	sdelay $0x4  }
0x422: {  	[tilespmem:s22+$0x19780] =	vst v1  }
0x423: {  	v1 =	vld [tilespmem:$0x290];
	_ =	sdelay $0x4  }
0x424: {  	v2 =	vshll.u32 v1, $0x3  }
0x425: {  	v1 =	vand.u32 $0x7F, v1;
	v2 =	vand.u32 $0xFFFFFC00, v2  }
0x426: {  	v1 =	vor.u32 v1, v2  }
0x427: {  	v1 =	vadd.s32 v0, v1;
	_ =	sdelay $0x4  }
0x428: {  	v1 =	vld.idx.msk [tilespmem:v1+s13+$0x0], $0xffff;
	_ =	sdelay $0x3  }
0x429: {  	s31 =	sadd.s32 $0x19780, s22  }
0x42a: {  	[tilespmem:s31+$0x10] =	vst v1  }
0x42b: {  	v1 =	vld [tilespmem:$0x2A0];
	_ =	sdelay $0x4  }
0x42c: {  	v2 =	vshll.u32 v1, $0x3  }
0x42d: {  	v1 =	vand.u32 $0x7F, v1;
	v2 =	vand.u32 $0xFFFFFC00, v2  }
0x42e: {  	v1 =	vor.u32 v1, v2  }
0x42f: {  	v1 =	vadd.s32 v0, v1;
	_ =	sdelay $0x4  }
0x430: {  	v1 =	vld.idx.msk [tilespmem:v1+s13+$0x0], $0xffff;
	_ =	sdelay $0x4  }
0x431: {  	[tilespmem:s31+$0x20] =	vst v1  }
0x432: {  	v1 =	vld [tilespmem:$0x2B0];
	_ =	sdelay $0x4  }
0x433: {  	v2 =	vshll.u32 v1, $0x3  }
0x434: {  	v1 =	vand.u32 $0x7F, v1;
	v2 =	vand.u32 $0xFFFFFC00, v2  }
0x435: {  	v1 =	vor.u32 v1, v2  }
0x436: {  	v1 =	vadd.s32 v0, v1;
	_ =	sdelay $0x4  }
0x437: {  	v1 =	vld.idx.msk [tilespmem:v1+s13+$0x0], $0xffff;
	_ =	sdelay $0x4  }
0x438: {  	[tilespmem:s31+$0x30] =	vst v1  }
0x439: {  	v1 =	vld [tilespmem:$0x2C0];
	_ =	sdelay $0x4  }
0x43a: {  	v2 =	vshll.u32 v1, $0x3  }
0x43b: {  	v1 =	vand.u32 $0x7F, v1;
	v2 =	vand.u32 $0xFFFFFC00, v2  }
0x43c: {  	v1 =	vor.u32 v1, v2  }
0x43d: {  	v1 =	vadd.s32 v0, v1;
	_ =	sdelay $0x4  }
0x43e: {  	v1 =	vld.idx.msk [tilespmem:v1+s13+$0x0], $0xffff;
	_ =	sdelay $0x4  }
0x43f: {  	[tilespmem:s31+$0x40] =	vst v1  }
0x440: {  	v1 =	vld [tilespmem:$0x2D0];
	_ =	sdelay $0x4  }
0x441: {  	v2 =	vshll.u32 v1, $0x3  }
0x442: {  	v1 =	vand.u32 $0x7F, v1;
	v2 =	vand.u32 $0xFFFFFC00, v2  }
0x443: {  	v1 =	vor.u32 v1, v2  }
0x444: {  	v1 =	vadd.s32 v0, v1;
	_ =	sdelay $0x4  }
0x445: {  	v1 =	vld.idx.msk [tilespmem:v1+s13+$0x0], $0xffff;
	_ =	sdelay $0x4  }
0x446: {  	[tilespmem:s31+$0x50] =	vst v1  }
0x447: {  	v1 =	vld [tilespmem:$0x2E0];
	_ =	sdelay $0x4  }
0x448: {  	v2 =	vshll.u32 v1, $0x3  }
0x449: {  	v1 =	vand.u32 $0x7F, v1;
	v2 =	vand.u32 $0xFFFFFC00, v2  }
0x44a: {  	v1 =	vor.u32 v1, v2  }
0x44b: {  	v1 =	vadd.s32 v0, v1;
	_ =	sdelay $0x4  }
0x44c: {  	v1 =	vld.idx.msk [tilespmem:v1+s13+$0x0], $0xffff;
	_ =	sdelay $0x4  }
0x44d: {  	[tilespmem:s31+$0x60] =	vst v1  }
0x44e: {  	v1 =	vld [tilespmem:$0x2F0];
	_ =	sdelay $0x4  }
0x44f: {  	v2 =	vshll.u32 v1, $0x3  }
0x450: {  	v1 =	vand.u32 $0x7F, v1;
	v2 =	vand.u32 $0xFFFFFC00, v2  }
0x451: {  	v1 =	vor.u32 v1, v2  }
0x452: {  	v1 =	vadd.s32 v0, v1;
	_ =	sdelay $0x4  }
0x453: {  	v1 =	vld.idx.msk [tilespmem:v1+s13+$0x0], $0xffff;
	_ =	sdelay $0x4  }
0x454: {  	[tilespmem:s31+$0x70] =	vst v1  }
0x455: {  	v1 =	vld [tilespmem:$0x300];
	_ =	sdelay $0x4  }
0x456: {  	v2 =	vshll.u32 v1, $0x3  }
0x457: {  	v1 =	vand.u32 $0x7F, v1;
	v2 =	vand.u32 $0xFFFFFC00, v2  }
0x458: {  	v1 =	vor.u32 v1, v2  }
0x459: {  	v1 =	vadd.s32 v0, v1;
	_ =	sdelay $0x4  }
0x45a: {  	v1 =	vld.idx.msk [tilespmem:v1+s13+$0x0], $0xffff;
	_ =	sdelay $0x4  }
0x45b: {  	[tilespmem:s22+$0x19B80] =	vst v1  }
0x45c: {  	v1 =	vld [tilespmem:$0x310];
	_ =	sdelay $0x4  }
0x45d: {  	v2 =	vshll.u32 v1, $0x3  }
0x45e: {  	v1 =	vand.u32 $0x7F, v1;
	v2 =	vand.u32 $0xFFFFFC00, v2  }
0x45f: {  	v1 =	vor.u32 v1, v2  }
0x460: {  	v1 =	vadd.s32 v0, v1;
	_ =	sdelay $0x4  }
0x461: {  	p0 =	sne.s32 s21, $0x1B;
	v1 =	vld.idx.msk [tilespmem:v1+s13+$0x0], $0xffff  }
.Ltmp0:
0x462: {  	_ = 	snop;
	(pc) =	sbr.rel @p0 .LBB2_2-.Ltmp0, $3  }
0x463: {  	_ =	sdelay $0x1  }
0x464: {  	s22 =	sadd.s32 $0x19B80, s22  }
0x465: {  	s19 =	sadd.s32 $0x3000, s19;
	s21 =	sadd.s32 $0x3, s21;
	s20 =	sadd.s32 $0x180, s20;
	[tilespmem:s22+$0x10] =	vst v1  }
0x466: {  	_ =	swait.ge [sflag:s14], $0x8000  }
0x467: {  	[sflag:s14] =	ssyncset.done $0x0  }
0x468: {  	[sflag:s14] =	ssyncadd.s32 $0xFFFF8000  }
0x469: {  	v1 =	vld [tilespmem:$0x0];
	_ =	sdelay $0x4  }
0x46a: {  	v2 =	vshll.u32 v1, $0x3  }
0x46b: {  	v3 =	vld [tilespmem:$0x10];
	v1 =	vand.u32 $0x7F, v1;
	v2 =	vand.u32 $0xFFFFFC00, v2  }
0x46c: {  	v1 =	vor.u32 v1, v2  }
0x46d: {  	v1 =	vadd.s32 v0, v1;
	_ =	sdelay $0x2  }
0x46e: {  	v2 =	vshll.u32 v3, $0x3  }
0x46f: {  	v4 =	vld [tilespmem:$0x20];
	v3 =	vand.u32 $0x7F, v3;
	v2 =	vand.u32 $0xFFFFFC00, v2  }
0x470: {  	v2 =	vor.u32 v3, v2;
	v1 =	vld.idx.msk [tilespmem:v1+s11+$0x0], $0xffff  }
0x471: {  	v2 =	vadd.s32 v0, v2;
	_ =	sdelay $0x2  }
0x472: {  	v3 =	vshll.u32 v4, $0x3  }
0x473: {  	v25 =	vld [tilespmem:$0x30];
	v3 =	vand.u32 $0xFFFFFC00, v3;
	[tilespmem:$0x1DA80] =	vst v1;
	v1 =	vand.u32 $0x7F, v4  }
0x474: {  	v2 =	vld.idx.msk [tilespmem:v2+s11+$0x0], $0xffff;
	v1 =	vor.u32 v1, v3  }
0x475: {  	v1 =	vadd.s32 v0, v1;
	_ =	sdelay $0x2  }
0x476: {  	v3 =	vshll.u32 v25, $0x3  }
0x477: {  	v26 =	vld [tilespmem:$0x40];
	v3 =	vand.u32 $0xFFFFFC00, v3;
	[tilespmem:$0x1DA90] =	vst v2;
	v2 =	vand.u32 $0x7F, v25  }
0x478: {  	v1 =	vld.idx.msk [tilespmem:v1+s11+$0x0], $0xffff;
	v2 =	vor.u32 v2, v3  }
0x479: {  	v2 =	vadd.s32 v0, v2;
	_ =	sdelay $0x2  }
0x47a: {  	v3 =	vshll.u32 v26, $0x3  }
0x47b: {  	v27 =	vld [tilespmem:$0x50];
	v3 =	vand.u32 $0xFFFFFC00, v3;
	[tilespmem:$0x1DAA0] =	vst v1;
	v1 =	vand.u32 $0x7F, v26  }
0x47c: {  	v2 =	vld.idx.msk [tilespmem:v2+s11+$0x0], $0xffff;
	v1 =	vor.u32 v1, v3  }
0x47d: {  	v1 =	vadd.s32 v0, v1;
	_ =	sdelay $0x2  }
0x47e: {  	v3 =	vshll.u32 v27, $0x3  }
0x47f: {  	v28 =	vld [tilespmem:$0x60];
	v3 =	vand.u32 $0xFFFFFC00, v3;
	[tilespmem:$0x1DAB0] =	vst v2;
	v2 =	vand.u32 $0x7F, v27  }
0x480: {  	v1 =	vld.idx.msk [tilespmem:v1+s11+$0x0], $0xffff;
	v2 =	vor.u32 v2, v3  }
0x481: {  	v2 =	vadd.s32 v0, v2;
	_ =	sdelay $0x2  }
0x482: {  	v3 =	vshll.u32 v28, $0x3  }
0x483: {  	v29 =	vld [tilespmem:$0x70];
	v3 =	vand.u32 $0xFFFFFC00, v3;
	[tilespmem:$0x1DAC0] =	vst v1;
	v1 =	vand.u32 $0x7F, v28  }
0x484: {  	v2 =	vld.idx.msk [tilespmem:v2+s11+$0x0], $0xffff;
	v1 =	vor.u32 v1, v3  }
0x485: {  	v1 =	vadd.s32 v0, v1;
	_ =	sdelay $0x2  }
0x486: {  	v3 =	vshll.u32 v29, $0x3  }
0x487: {  	v30 =	vld [tilespmem:$0x80];
	v3 =	vand.u32 $0xFFFFFC00, v3;
	[tilespmem:$0x1DAD0] =	vst v2;
	v2 =	vand.u32 $0x7F, v29  }
0x488: {  	v1 =	vld.idx.msk [tilespmem:v1+s11+$0x0], $0xffff;
	v2 =	vor.u32 v2, v3  }
0x489: {  	v2 =	vadd.s32 v0, v2;
	_ =	sdelay $0x2  }
0x48a: {  	v3 =	vshll.u32 v30, $0x3  }
0x48b: {  	v31 =	vld [tilespmem:$0x90];
	v3 =	vand.u32 $0xFFFFFC00, v3;
	[tilespmem:$0x1DAE0] =	vst v1;
	v1 =	vand.u32 $0x7F, v30  }
0x48c: {  	v2 =	vld.idx.msk [tilespmem:v2+s11+$0x0], $0xffff;
	v1 =	vor.u32 v1, v3  }
0x48d: {  	v1 =	vadd.s32 v0, v1;
	_ =	sdelay $0x2  }
0x48e: {  	v3 =	vshll.u32 v31, $0x3  }
0x48f: {  	v32 =	vld [tilespmem:$0xA0];
	v3 =	vand.u32 $0xFFFFFC00, v3;
	[tilespmem:$0x1DAF0] =	vst v2;
	v2 =	vand.u32 $0x7F, v31  }
0x490: {  	v1 =	vld.idx.msk [tilespmem:v1+s11+$0x0], $0xffff;
	v2 =	vor.u32 v2, v3  }
0x491: {  	v2 =	vadd.s32 v0, v2;
	_ =	sdelay $0x2  }
0x492: {  	v3 =	vshll.u32 v32, $0x3  }
0x493: {  	v33 =	vld [tilespmem:$0xB0];
	v3 =	vand.u32 $0xFFFFFC00, v3;
	[tilespmem:$0x1DE80] =	vst v1;
	v1 =	vand.u32 $0x7F, v32  }
0x494: {  	v2 =	vld.idx.msk [tilespmem:v2+s11+$0x0], $0xffff;
	v1 =	vor.u32 v1, v3  }
0x495: {  	v1 =	vadd.s32 v0, v1;
	_ =	sdelay $0x2  }
0x496: {  	v3 =	vshll.u32 v33, $0x3  }
0x497: {  	v34 =	vld [tilespmem:$0xC0];
	v3 =	vand.u32 $0xFFFFFC00, v3;
	[tilespmem:$0x1DE90] =	vst v2;
	v2 =	vand.u32 $0x7F, v33  }
0x498: {  	v1 =	vld.idx.msk [tilespmem:v1+s11+$0x0], $0xffff;
	v2 =	vor.u32 v2, v3  }
0x499: {  	v2 =	vadd.s32 v0, v2;
	_ =	sdelay $0x2  }
0x49a: {  	v3 =	vshll.u32 v34, $0x3  }
0x49b: {  	v35 =	vld [tilespmem:$0xD0];
	v3 =	vand.u32 $0xFFFFFC00, v3;
	[tilespmem:$0x1DEA0] =	vst v1;
	v1 =	vand.u32 $0x7F, v34  }
0x49c: {  	v2 =	vld.idx.msk [tilespmem:v2+s11+$0x0], $0xffff;
	v1 =	vor.u32 v1, v3  }
0x49d: {  	v1 =	vadd.s32 v0, v1;
	_ =	sdelay $0x2  }
0x49e: {  	v3 =	vshll.u32 v35, $0x3  }
0x49f: {  	v36 =	vld [tilespmem:$0xE0];
	v3 =	vand.u32 $0xFFFFFC00, v3;
	[tilespmem:$0x1DEB0] =	vst v2;
	v2 =	vand.u32 $0x7F, v35  }
0x4a0: {  	v1 =	vld.idx.msk [tilespmem:v1+s11+$0x0], $0xffff;
	v2 =	vor.u32 v2, v3  }
0x4a1: {  	v2 =	vadd.s32 v0, v2;
	_ =	sdelay $0x2  }
0x4a2: {  	v3 =	vshll.u32 v36, $0x3  }
0x4a3: {  	v37 =	vld [tilespmem:$0xF0];
	v3 =	vand.u32 $0xFFFFFC00, v3;
	[tilespmem:$0x1DEC0] =	vst v1;
	v1 =	vand.u32 $0x7F, v36  }
0x4a4: {  	v2 =	vld.idx.msk [tilespmem:v2+s11+$0x0], $0xffff;
	v1 =	vor.u32 v1, v3  }
0x4a5: {  	v1 =	vadd.s32 v0, v1;
	_ =	sdelay $0x2  }
0x4a6: {  	v3 =	vshll.u32 v37, $0x3  }
0x4a7: {  	v38 =	vld [tilespmem:$0x100];
	v3 =	vand.u32 $0xFFFFFC00, v3;
	[tilespmem:$0x1DED0] =	vst v2;
	v2 =	vand.u32 $0x7F, v37  }
0x4a8: {  	v1 =	vld.idx.msk [tilespmem:v1+s11+$0x0], $0xffff;
	v2 =	vor.u32 v2, v3  }
0x4a9: {  	v2 =	vadd.s32 v0, v2;
	_ =	sdelay $0x2  }
0x4aa: {  	v3 =	vshll.u32 v38, $0x3  }
0x4ab: {  	v39 =	vld [tilespmem:$0x110];
	v3 =	vand.u32 $0xFFFFFC00, v3;
	[tilespmem:$0x1DEE0] =	vst v1;
	v1 =	vand.u32 $0x7F, v38  }
0x4ac: {  	v2 =	vld.idx.msk [tilespmem:v2+s11+$0x0], $0xffff;
	v1 =	vor.u32 v1, v3  }
0x4ad: {  	v1 =	vadd.s32 v0, v1;
	_ =	sdelay $0x2  }
0x4ae: {  	v3 =	vshll.u32 v39, $0x3  }
0x4af: {  	v40 =	vld [tilespmem:$0x120];
	v3 =	vand.u32 $0xFFFFFC00, v3;
	[tilespmem:$0x1DEF0] =	vst v2;
	v2 =	vand.u32 $0x7F, v39  }
0x4b0: {  	v1 =	vld.idx.msk [tilespmem:v1+s11+$0x0], $0xffff;
	v2 =	vor.u32 v2, v3  }
0x4b1: {  	v2 =	vadd.s32 v0, v2;
	_ =	sdelay $0x2  }
0x4b2: {  	v3 =	vshll.u32 v40, $0x3  }
0x4b3: {  	v41 =	vld [tilespmem:$0x130];
	v3 =	vand.u32 $0xFFFFFC00, v3;
	[tilespmem:$0x1E280] =	vst v1;
	v1 =	vand.u32 $0x7F, v40  }
0x4b4: {  	v2 =	vld.idx.msk [tilespmem:v2+s11+$0x0], $0xffff;
	v1 =	vor.u32 v1, v3  }
0x4b5: {  	v1 =	vadd.s32 v0, v1;
	_ =	sdelay $0x2  }
0x4b6: {  	v3 =	vshll.u32 v41, $0x3  }
0x4b7: {  	v42 =	vld [tilespmem:$0x140];
	v3 =	vand.u32 $0xFFFFFC00, v3;
	[tilespmem:$0x1E290] =	vst v2;
	v2 =	vand.u32 $0x7F, v41  }
0x4b8: {  	v1 =	vld.idx.msk [tilespmem:v1+s11+$0x0], $0xffff;
	v2 =	vor.u32 v2, v3  }
0x4b9: {  	v2 =	vadd.s32 v0, v2;
	_ =	sdelay $0x2  }
0x4ba: {  	v3 =	vshll.u32 v42, $0x3  }
0x4bb: {  	v43 =	vld [tilespmem:$0x150];
	v3 =	vand.u32 $0xFFFFFC00, v3;
	[tilespmem:$0x1E2A0] =	vst v1;
	v1 =	vand.u32 $0x7F, v42  }
0x4bc: {  	v2 =	vld.idx.msk [tilespmem:v2+s11+$0x0], $0xffff;
	v1 =	vor.u32 v1, v3  }
0x4bd: {  	v1 =	vadd.s32 v0, v1;
	_ =	sdelay $0x2  }
0x4be: {  	v3 =	vshll.u32 v43, $0x3  }
0x4bf: {  	v44 =	vld [tilespmem:$0x160];
	v3 =	vand.u32 $0xFFFFFC00, v3;
	[tilespmem:$0x1E2B0] =	vst v2;
	v2 =	vand.u32 $0x7F, v43  }
0x4c0: {  	v1 =	vld.idx.msk [tilespmem:v1+s11+$0x0], $0xffff;
	v2 =	vor.u32 v2, v3  }
0x4c1: {  	v2 =	vadd.s32 v0, v2;
	_ =	sdelay $0x2  }
0x4c2: {  	v3 =	vshll.u32 v44, $0x3  }
0x4c3: {  	v45 =	vld [tilespmem:$0x170];
	v3 =	vand.u32 $0xFFFFFC00, v3;
	[tilespmem:$0x1E2C0] =	vst v1;
	v1 =	vand.u32 $0x7F, v44  }
0x4c4: {  	v2 =	vld.idx.msk [tilespmem:v2+s11+$0x0], $0xffff;
	v1 =	vor.u32 v1, v3  }
0x4c5: {  	v1 =	vadd.s32 v0, v1;
	_ =	sdelay $0x2  }
0x4c6: {  	v3 =	vshll.u32 v45, $0x3  }
0x4c7: {  	v46 =	vld [tilespmem:$0x180];
	v3 =	vand.u32 $0xFFFFFC00, v3;
	[tilespmem:$0x1E2D0] =	vst v2;
	v2 =	vand.u32 $0x7F, v45  }
0x4c8: {  	v1 =	vld.idx.msk [tilespmem:v1+s11+$0x0], $0xffff;
	v2 =	vor.u32 v2, v3  }
0x4c9: {  	v2 =	vadd.s32 v0, v2;
	_ =	sdelay $0x2  }
0x4ca: {  	v3 =	vshll.u32 v46, $0x3  }
0x4cb: {  	v47 =	vld [tilespmem:$0x190];
	v3 =	vand.u32 $0xFFFFFC00, v3;
	[tilespmem:$0x1E2E0] =	vst v1;
	v1 =	vand.u32 $0x7F, v46  }
0x4cc: {  	v2 =	vld.idx.msk [tilespmem:v2+s11+$0x0], $0xffff;
	v1 =	vor.u32 v1, v3  }
0x4cd: {  	v1 =	vadd.s32 v0, v1;
	_ =	sdelay $0x2  }
0x4ce: {  	v3 =	vshll.u32 v47, $0x3  }
0x4cf: {  	v48 =	vld [tilespmem:$0x1A0];
	v3 =	vand.u32 $0xFFFFFC00, v3;
	[tilespmem:$0x1E2F0] =	vst v2;
	v2 =	vand.u32 $0x7F, v47  }
0x4d0: {  	v1 =	vld.idx.msk [tilespmem:v1+s11+$0x0], $0xffff;
	v2 =	vor.u32 v2, v3  }
0x4d1: {  	v2 =	vadd.s32 v0, v2;
	_ =	sdelay $0x2  }
0x4d2: {  	v3 =	vshll.u32 v48, $0x3  }
0x4d3: {  	v49 =	vld [tilespmem:$0x1B0];
	v3 =	vand.u32 $0xFFFFFC00, v3;
	[tilespmem:$0x1E680] =	vst v1;
	v1 =	vand.u32 $0x7F, v48  }
0x4d4: {  	v2 =	vld.idx.msk [tilespmem:v2+s11+$0x0], $0xffff;
	v1 =	vor.u32 v1, v3  }
0x4d5: {  	v1 =	vadd.s32 v0, v1;
	_ =	sdelay $0x2  }
0x4d6: {  	v3 =	vshll.u32 v49, $0x3  }
0x4d7: {  	v50 =	vld [tilespmem:$0x1C0];
	v3 =	vand.u32 $0xFFFFFC00, v3;
	[tilespmem:$0x1E690] =	vst v2;
	v2 =	vand.u32 $0x7F, v49  }
0x4d8: {  	v1 =	vld.idx.msk [tilespmem:v1+s11+$0x0], $0xffff;
	v2 =	vor.u32 v2, v3  }
0x4d9: {  	v2 =	vadd.s32 v0, v2;
	_ =	sdelay $0x2  }
0x4da: {  	v3 =	vshll.u32 v50, $0x3  }
0x4db: {  	v51 =	vld [tilespmem:$0x1D0];
	v3 =	vand.u32 $0xFFFFFC00, v3;
	[tilespmem:$0x1E6A0] =	vst v1;
	v1 =	vand.u32 $0x7F, v50  }
0x4dc: {  	v2 =	vld.idx.msk [tilespmem:v2+s11+$0x0], $0xffff;
	v1 =	vor.u32 v1, v3  }
0x4dd: {  	v1 =	vadd.s32 v0, v1;
	_ =	sdelay $0x2  }
0x4de: {  	v3 =	vshll.u32 v51, $0x3  }
0x4df: {  	v52 =	vld [tilespmem:$0x1E0];
	v3 =	vand.u32 $0xFFFFFC00, v3;
	[tilespmem:$0x1E6B0] =	vst v2;
	v2 =	vand.u32 $0x7F, v51  }
0x4e0: {  	v1 =	vld.idx.msk [tilespmem:v1+s11+$0x0], $0xffff;
	v2 =	vor.u32 v2, v3  }
0x4e1: {  	v2 =	vadd.s32 v0, v2;
	_ =	sdelay $0x2  }
0x4e2: {  	v3 =	vshll.u32 v52, $0x3  }
0x4e3: {  	v53 =	vld [tilespmem:$0x1F0];
	v3 =	vand.u32 $0xFFFFFC00, v3;
	[tilespmem:$0x1E6C0] =	vst v1;
	v1 =	vand.u32 $0x7F, v52  }
0x4e4: {  	v2 =	vld.idx.msk [tilespmem:v2+s11+$0x0], $0xffff;
	v1 =	vor.u32 v1, v3  }
0x4e5: {  	v1 =	vadd.s32 v0, v1;
	_ =	sdelay $0x2  }
0x4e6: {  	v3 =	vshll.u32 v53, $0x3  }
0x4e7: {  	v54 =	vld [tilespmem:$0x200];
	v3 =	vand.u32 $0xFFFFFC00, v3;
	[tilespmem:$0x1E6D0] =	vst v2;
	v2 =	vand.u32 $0x7F, v53  }
0x4e8: {  	v1 =	vld.idx.msk [tilespmem:v1+s11+$0x0], $0xffff;
	v2 =	vor.u32 v2, v3  }
0x4e9: {  	v2 =	vadd.s32 v0, v2;
	_ =	sdelay $0x2  }
0x4ea: {  	v3 =	vshll.u32 v54, $0x3  }
0x4eb: {  	v55 =	vld [tilespmem:$0x210];
	v3 =	vand.u32 $0xFFFFFC00, v3;
	[tilespmem:$0x1E6E0] =	vst v1;
	v1 =	vand.u32 $0x7F, v54  }
0x4ec: {  	v2 =	vld.idx.msk [tilespmem:v2+s11+$0x0], $0xffff;
	v1 =	vor.u32 v1, v3  }
0x4ed: {  	v1 =	vadd.s32 v0, v1;
	_ =	sdelay $0x2  }
0x4ee: {  	v3 =	vshll.u32 v55, $0x3  }
0x4ef: {  	v56 =	vld [tilespmem:$0x220];
	v3 =	vand.u32 $0xFFFFFC00, v3;
	[tilespmem:$0x1E6F0] =	vst v2;
	v2 =	vand.u32 $0x7F, v55  }
0x4f0: {  	v1 =	vld.idx.msk [tilespmem:v1+s11+$0x0], $0xffff;
	v2 =	vor.u32 v2, v3  }
0x4f1: {  	v2 =	vadd.s32 v0, v2;
	_ =	sdelay $0x2  }
0x4f2: {  	v3 =	vshll.u32 v56, $0x3  }
0x4f3: {  	v57 =	vld [tilespmem:$0x230];
	v3 =	vand.u32 $0xFFFFFC00, v3;
	[tilespmem:$0x1EA80] =	vst v1;
	v1 =	vand.u32 $0x7F, v56  }
0x4f4: {  	v2 =	vld.idx.msk [tilespmem:v2+s11+$0x0], $0xffff;
	v1 =	vor.u32 v1, v3  }
0x4f5: {  	v1 =	vadd.s32 v0, v1;
	_ =	sdelay $0x2  }
0x4f6: {  	v3 =	vshll.u32 v57, $0x3  }
0x4f7: {  	v58 =	vld [tilespmem:$0x240];
	v3 =	vand.u32 $0xFFFFFC00, v3;
	[tilespmem:$0x1EA90] =	vst v2;
	v2 =	vand.u32 $0x7F, v57  }
0x4f8: {  	v1 =	vld.idx.msk [tilespmem:v1+s11+$0x0], $0xffff;
	v2 =	vor.u32 v2, v3  }
0x4f9: {  	v2 =	vadd.s32 v0, v2;
	_ =	sdelay $0x2  }
0x4fa: {  	v3 =	vshll.u32 v58, $0x3  }
0x4fb: {  	v59 =	vld [tilespmem:$0x250];
	v3 =	vand.u32 $0xFFFFFC00, v3;
	[tilespmem:$0x1EAA0] =	vst v1;
	v1 =	vand.u32 $0x7F, v58  }
0x4fc: {  	v2 =	vld.idx.msk [tilespmem:v2+s11+$0x0], $0xffff;
	v1 =	vor.u32 v1, v3  }
0x4fd: {  	v1 =	vadd.s32 v0, v1;
	_ =	sdelay $0x2  }
0x4fe: {  	v3 =	vshll.u32 v59, $0x3  }
0x4ff: {  	v60 =	vld [tilespmem:$0x260];
	v3 =	vand.u32 $0xFFFFFC00, v3;
	[tilespmem:$0x1EAB0] =	vst v2;
	v2 =	vand.u32 $0x7F, v59  }
0x500: {  	v1 =	vld.idx.msk [tilespmem:v1+s11+$0x0], $0xffff;
	v2 =	vor.u32 v2, v3  }
0x501: {  	v2 =	vadd.s32 v0, v2;
	_ =	sdelay $0x2  }
0x502: {  	v3 =	vshll.u32 v60, $0x3  }
0x503: {  	v61 =	vld [tilespmem:$0x270];
	v3 =	vand.u32 $0xFFFFFC00, v3;
	[tilespmem:$0x1EAC0] =	vst v1;
	v1 =	vand.u32 $0x7F, v60  }
0x504: {  	v2 =	vld.idx.msk [tilespmem:v2+s11+$0x0], $0xffff;
	v1 =	vor.u32 v1, v3  }
0x505: {  	v1 =	vadd.s32 v0, v1;
	_ =	sdelay $0x2  }
0x506: {  	v3 =	vshll.u32 v61, $0x3  }
0x507: {  	v62 =	vld [tilespmem:$0x280];
	v3 =	vand.u32 $0xFFFFFC00, v3;
	[tilespmem:$0x1EAD0] =	vst v2;
	v2 =	vand.u32 $0x7F, v61  }
0x508: {  	v1 =	vld.idx.msk [tilespmem:v1+s11+$0x0], $0xffff;
	v2 =	vor.u32 v2, v3  }
0x509: {  	v2 =	vadd.s32 v0, v2;
	_ =	sdelay $0x2  }
0x50a: {  	v3 =	vshll.u32 v62, $0x3  }
0x50b: {  	v63 =	vld [tilespmem:$0x290];
	v3 =	vand.u32 $0xFFFFFC00, v3;
	[tilespmem:$0x1EAE0] =	vst v1;
	v1 =	vand.u32 $0x7F, v62  }
0x50c: {  	v2 =	vld.idx.msk [tilespmem:v2+s11+$0x0], $0xffff;
	v1 =	vor.u32 v1, v3  }
0x50d: {  	v1 =	vadd.s32 v0, v1;
	_ =	sdelay $0x2  }
0x50e: {  	v3 =	vshll.u32 v63, $0x3  }
0x50f: {  	v8 =	vld [tilespmem:$0x2A0];
	v3 =	vand.u32 $0xFFFFFC00, v3;
	[tilespmem:$0x1EAF0] =	vst v2;
	v2 =	vand.u32 $0x7F, v63  }
0x510: {  	v1 =	vld.idx.msk [tilespmem:v1+s11+$0x0], $0xffff;
	v2 =	vor.u32 v2, v3  }
0x511: {  	v2 =	vadd.s32 v0, v2;
	_ =	sdelay $0x2  }
0x512: {  	v3 =	vshll.u32 v8, $0x3  }
0x513: {  	v9 =	vld [tilespmem:$0x2B0];
	v3 =	vand.u32 $0xFFFFFC00, v3;
	[tilespmem:$0x1EE80] =	vst v1;
	v1 =	vand.u32 $0x7F, v8  }
0x514: {  	v2 =	vld.idx.msk [tilespmem:v2+s11+$0x0], $0xffff;
	v1 =	vor.u32 v1, v3  }
0x515: {  	v1 =	vadd.s32 v0, v1;
	_ =	sdelay $0x2  }
0x516: {  	v3 =	vshll.u32 v9, $0x3  }
0x517: {  	v10 =	vld [tilespmem:$0x2C0];
	v3 =	vand.u32 $0xFFFFFC00, v3;
	[tilespmem:$0x1EE90] =	vst v2;
	v2 =	vand.u32 $0x7F, v9  }
0x518: {  	v1 =	vld.idx.msk [tilespmem:v1+s11+$0x0], $0xffff;
	v2 =	vor.u32 v2, v3  }
0x519: {  	v2 =	vadd.s32 v0, v2;
	_ =	sdelay $0x2  }
0x51a: {  	v3 =	vshll.u32 v10, $0x3  }
0x51b: {  	v11 =	vld [tilespmem:$0x2D0];
	v3 =	vand.u32 $0xFFFFFC00, v3;
	[tilespmem:$0x1EEA0] =	vst v1;
	v1 =	vand.u32 $0x7F, v10  }
0x51c: {  	v2 =	vld.idx.msk [tilespmem:v2+s11+$0x0], $0xffff;
	v1 =	vor.u32 v1, v3  }
0x51d: {  	v1 =	vadd.s32 v0, v1;
	_ =	sdelay $0x2  }
0x51e: {  	v3 =	vshll.u32 v11, $0x3  }
0x51f: {  	v12 =	vld [tilespmem:$0x2E0];
	v3 =	vand.u32 $0xFFFFFC00, v3;
	[tilespmem:$0x1EEB0] =	vst v2;
	v2 =	vand.u32 $0x7F, v11  }
0x520: {  	v1 =	vld.idx.msk [tilespmem:v1+s11+$0x0], $0xffff;
	v2 =	vor.u32 v2, v3  }
0x521: {  	v2 =	vadd.s32 v0, v2;
	_ =	sdelay $0x2  }
0x522: {  	v3 =	vshll.u32 v12, $0x3  }
0x523: {  	v13 =	vld [tilespmem:$0x2F0];
	v3 =	vand.u32 $0xFFFFFC00, v3;
	[tilespmem:$0x1EEC0] =	vst v1;
	v1 =	vand.u32 $0x7F, v12  }
0x524: {  	v2 =	vld.idx.msk [tilespmem:v2+s11+$0x0], $0xffff;
	v1 =	vor.u32 v1, v3  }
0x525: {  	v1 =	vadd.s32 v0, v1;
	_ =	sdelay $0x2  }
0x526: {  	v3 =	vshll.u32 v13, $0x3  }
0x527: {  	v14 =	vld [tilespmem:$0x300];
	v3 =	vand.u32 $0xFFFFFC00, v3;
	[tilespmem:$0x1EED0] =	vst v2;
	v2 =	vand.u32 $0x7F, v13  }
0x528: {  	v1 =	vld.idx.msk [tilespmem:v1+s11+$0x0], $0xffff;
	v2 =	vor.u32 v2, v3  }
0x529: {  	v2 =	vadd.s32 v0, v2;
	_ =	sdelay $0x2  }
0x52a: {  	v3 =	vshll.u32 v14, $0x3  }
0x52b: {  	v15 =	vld [tilespmem:$0x310];
	v3 =	vand.u32 $0xFFFFFC00, v3;
	[tilespmem:$0x1EEE0] =	vst v1;
	v1 =	vand.u32 $0x7F, v14  }
0x52c: {  	v2 =	vld.idx.msk [tilespmem:v2+s11+$0x0], $0xffff;
	v1 =	vor.u32 v1, v3  }
0x52d: {  	v1 =	vadd.s32 v0, v1;
	_ =	sdelay $0x2  }
0x52e: {  	v3 =	vshll.u32 v15, $0x3  }
0x52f: {  	v3 =	vand.u32 $0xFFFFFC00, v3;
	[tilespmem:$0x1EEF0] =	vst v2;
	v2 =	vand.u32 $0x7F, v15  }
0x530: {  	v1 =	vld.idx.msk [tilespmem:v1+s11+$0x0], $0xffff;
	v2 =	vor.u32 v2, v3  }
0x531: {  	v2 =	vadd.s32 v0, v2;
	_ =	sdelay $0x3  }
0x532: {  	[tilespmem:$0x1F280] =	vst v1  }
0x533: {  	v1 =	vld.idx.msk [tilespmem:v2+s11+$0x0], $0xffff;
	_ =	sdelay $0x4  }
0x534: {  	[tilespmem:$0x1F290] =	vst v1  }
0x535: {  	_ =	swait.ge [sflag:s15], $0x8000  }
0x536: {  	[sflag:s15] =	ssyncset.done $0x0  }
0x537: {  	[sflag:s15] =	ssyncadd.s32 $0xFFFF8000  }
0x538: {  	v1 =	vld [tilespmem:$0x0];
	_ =	sdelay $0x4  }
0x539: {  	v2 =	vshll.u32 v1, $0x3  }
0x53a: {  	v3 =	vld [tilespmem:$0x10];
	v1 =	vand.u32 $0x7F, v1;
	v2 =	vand.u32 $0xFFFFFC00, v2  }
0x53b: {  	v1 =	vor.u32 v1, v2  }
0x53c: {  	v1 =	vadd.s32 v0, v1;
	_ =	sdelay $0x2  }
0x53d: {  	v2 =	vshll.u32 v3, $0x3  }
0x53e: {  	v16 =	vld [tilespmem:$0x20];
	v3 =	vand.u32 $0x7F, v3;
	v2 =	vand.u32 $0xFFFFFC00, v2  }
0x53f: {  	v2 =	vor.u32 v3, v2;
	v1 =	vld.idx.msk [tilespmem:v1+s12+$0x0], $0xffff  }
0x540: {  	v2 =	vadd.s32 v0, v2;
	_ =	sdelay $0x2  }
0x541: {  	v3 =	vshll.u32 v16, $0x3  }
0x542: {  	v17 =	vld [tilespmem:$0x30];
	v3 =	vand.u32 $0xFFFFFC00, v3;
	[tilespmem:$0x1DB00] =	vst v1;
	v1 =	vand.u32 $0x7F, v16  }
0x543: {  	v2 =	vld.idx.msk [tilespmem:v2+s12+$0x0], $0xffff;
	v1 =	vor.u32 v1, v3  }
0x544: {  	v1 =	vadd.s32 v0, v1;
	_ =	sdelay $0x2  }
0x545: {  	v3 =	vshll.u32 v17, $0x3  }
0x546: {  	v18 =	vld [tilespmem:$0x40];
	v3 =	vand.u32 $0xFFFFFC00, v3;
	[tilespmem:$0x1DB10] =	vst v2;
	v2 =	vand.u32 $0x7F, v17  }
0x547: {  	v1 =	vld.idx.msk [tilespmem:v1+s12+$0x0], $0xffff;
	v2 =	vor.u32 v2, v3  }
0x548: {  	v2 =	vadd.s32 v0, v2;
	_ =	sdelay $0x2  }
0x549: {  	v3 =	vshll.u32 v18, $0x3  }
0x54a: {  	v19 =	vld [tilespmem:$0x50];
	v3 =	vand.u32 $0xFFFFFC00, v3;
	[tilespmem:$0x1DB20] =	vst v1;
	v1 =	vand.u32 $0x7F, v18  }
0x54b: {  	v2 =	vld.idx.msk [tilespmem:v2+s12+$0x0], $0xffff;
	v1 =	vor.u32 v1, v3  }
0x54c: {  	v1 =	vadd.s32 v0, v1;
	_ =	sdelay $0x2  }
0x54d: {  	v3 =	vshll.u32 v19, $0x3  }
0x54e: {  	v20 =	vld [tilespmem:$0x60];
	v3 =	vand.u32 $0xFFFFFC00, v3;
	[tilespmem:$0x1DB30] =	vst v2;
	v2 =	vand.u32 $0x7F, v19  }
0x54f: {  	v1 =	vld.idx.msk [tilespmem:v1+s12+$0x0], $0xffff;
	v2 =	vor.u32 v2, v3  }
0x550: {  	v2 =	vadd.s32 v0, v2;
	_ =	sdelay $0x2  }
0x551: {  	v3 =	vshll.u32 v20, $0x3  }
0x552: {  	v21 =	vld [tilespmem:$0x70];
	v3 =	vand.u32 $0xFFFFFC00, v3;
	[tilespmem:$0x1DB40] =	vst v1;
	v1 =	vand.u32 $0x7F, v20  }
0x553: {  	v2 =	vld.idx.msk [tilespmem:v2+s12+$0x0], $0xffff;
	v1 =	vor.u32 v1, v3  }
0x554: {  	v1 =	vadd.s32 v0, v1;
	_ =	sdelay $0x2  }
0x555: {  	v3 =	vshll.u32 v21, $0x3  }
0x556: {  	v22 =	vld [tilespmem:$0x80];
	v3 =	vand.u32 $0xFFFFFC00, v3;
	[tilespmem:$0x1DB50] =	vst v2;
	v2 =	vand.u32 $0x7F, v21  }
0x557: {  	v1 =	vld.idx.msk [tilespmem:v1+s12+$0x0], $0xffff;
	v2 =	vor.u32 v2, v3  }
0x558: {  	v2 =	vadd.s32 v0, v2;
	_ =	sdelay $0x2  }
0x559: {  	v3 =	vshll.u32 v22, $0x3  }
0x55a: {  	v23 =	vld [tilespmem:$0x90];
	v3 =	vand.u32 $0xFFFFFC00, v3;
	[tilespmem:$0x1DB60] =	vst v1;
	v1 =	vand.u32 $0x7F, v22  }
0x55b: {  	v2 =	vld.idx.msk [tilespmem:v2+s12+$0x0], $0xffff;
	v1 =	vor.u32 v1, v3  }
0x55c: {  	v1 =	vadd.s32 v0, v1;
	_ =	sdelay $0x2  }
0x55d: {  	v3 =	vshll.u32 v23, $0x3  }
0x55e: {  	v24 =	vld [tilespmem:$0xA0];
	v3 =	vand.u32 $0xFFFFFC00, v3;
	[tilespmem:$0x1DB70] =	vst v2;
	v2 =	vand.u32 $0x7F, v23  }
0x55f: {  	v1 =	vld.idx.msk [tilespmem:v1+s12+$0x0], $0xffff;
	v2 =	vor.u32 v2, v3  }
0x560: {  	v2 =	vadd.s32 v0, v2;
	_ =	sdelay $0x2  }
0x561: {  	v3 =	vshll.u32 v24, $0x3  }
0x562: {  	v25 =	vld [tilespmem:$0xB0];
	v3 =	vand.u32 $0xFFFFFC00, v3;
	[tilespmem:$0x1DF00] =	vst v1;
	v1 =	vand.u32 $0x7F, v24  }
0x563: {  	v2 =	vld.idx.msk [tilespmem:v2+s12+$0x0], $0xffff;
	v1 =	vor.u32 v1, v3  }
0x564: {  	v1 =	vadd.s32 v0, v1;
	_ =	sdelay $0x2  }
0x565: {  	v3 =	vshll.u32 v25, $0x3  }
0x566: {  	v26 =	vld [tilespmem:$0xC0];
	v3 =	vand.u32 $0xFFFFFC00, v3;
	[tilespmem:$0x1DF10] =	vst v2;
	v2 =	vand.u32 $0x7F, v25  }
0x567: {  	v1 =	vld.idx.msk [tilespmem:v1+s12+$0x0], $0xffff;
	v2 =	vor.u32 v2, v3  }
0x568: {  	v2 =	vadd.s32 v0, v2;
	_ =	sdelay $0x2  }
0x569: {  	v3 =	vshll.u32 v26, $0x3  }
0x56a: {  	v27 =	vld [tilespmem:$0xD0];
	v3 =	vand.u32 $0xFFFFFC00, v3;
	[tilespmem:$0x1DF20] =	vst v1;
	v1 =	vand.u32 $0x7F, v26  }
0x56b: {  	v2 =	vld.idx.msk [tilespmem:v2+s12+$0x0], $0xffff;
	v1 =	vor.u32 v1, v3  }
0x56c: {  	v1 =	vadd.s32 v0, v1;
	_ =	sdelay $0x2  }
0x56d: {  	v3 =	vshll.u32 v27, $0x3  }
0x56e: {  	v28 =	vld [tilespmem:$0xE0];
	v3 =	vand.u32 $0xFFFFFC00, v3;
	[tilespmem:$0x1DF30] =	vst v2;
	v2 =	vand.u32 $0x7F, v27  }
0x56f: {  	v1 =	vld.idx.msk [tilespmem:v1+s12+$0x0], $0xffff;
	v2 =	vor.u32 v2, v3  }
0x570: {  	v2 =	vadd.s32 v0, v2;
	_ =	sdelay $0x2  }
0x571: {  	v3 =	vshll.u32 v28, $0x3  }
0x572: {  	v29 =	vld [tilespmem:$0xF0];
	v3 =	vand.u32 $0xFFFFFC00, v3;
	[tilespmem:$0x1DF40] =	vst v1;
	v1 =	vand.u32 $0x7F, v28  }
0x573: {  	v2 =	vld.idx.msk [tilespmem:v2+s12+$0x0], $0xffff;
	v1 =	vor.u32 v1, v3  }
0x574: {  	v1 =	vadd.s32 v0, v1;
	_ =	sdelay $0x2  }
0x575: {  	v3 =	vshll.u32 v29, $0x3  }
0x576: {  	v30 =	vld [tilespmem:$0x100];
	v3 =	vand.u32 $0xFFFFFC00, v3;
	[tilespmem:$0x1DF50] =	vst v2;
	v2 =	vand.u32 $0x7F, v29  }
0x577: {  	v1 =	vld.idx.msk [tilespmem:v1+s12+$0x0], $0xffff;
	v2 =	vor.u32 v2, v3  }
0x578: {  	v2 =	vadd.s32 v0, v2;
	_ =	sdelay $0x2  }
0x579: {  	v3 =	vshll.u32 v30, $0x3  }
0x57a: {  	v31 =	vld [tilespmem:$0x110];
	v3 =	vand.u32 $0xFFFFFC00, v3;
	[tilespmem:$0x1DF60] =	vst v1;
	v1 =	vand.u32 $0x7F, v30  }
0x57b: {  	v2 =	vld.idx.msk [tilespmem:v2+s12+$0x0], $0xffff;
	v1 =	vor.u32 v1, v3  }
0x57c: {  	v1 =	vadd.s32 v0, v1;
	_ =	sdelay $0x2  }
0x57d: {  	v3 =	vshll.u32 v31, $0x3  }
0x57e: {  	v32 =	vld [tilespmem:$0x120];
	v3 =	vand.u32 $0xFFFFFC00, v3;
	[tilespmem:$0x1DF70] =	vst v2;
	v2 =	vand.u32 $0x7F, v31  }
0x57f: {  	v1 =	vld.idx.msk [tilespmem:v1+s12+$0x0], $0xffff;
	v2 =	vor.u32 v2, v3  }
0x580: {  	v2 =	vadd.s32 v0, v2;
	_ =	sdelay $0x2  }
0x581: {  	v3 =	vshll.u32 v32, $0x3  }
0x582: {  	v33 =	vld [tilespmem:$0x130];
	v3 =	vand.u32 $0xFFFFFC00, v3;
	[tilespmem:$0x1E300] =	vst v1;
	v1 =	vand.u32 $0x7F, v32  }
0x583: {  	v2 =	vld.idx.msk [tilespmem:v2+s12+$0x0], $0xffff;
	v1 =	vor.u32 v1, v3  }
0x584: {  	v1 =	vadd.s32 v0, v1;
	_ =	sdelay $0x2  }
0x585: {  	v3 =	vshll.u32 v33, $0x3  }
0x586: {  	v34 =	vld [tilespmem:$0x140];
	v3 =	vand.u32 $0xFFFFFC00, v3;
	[tilespmem:$0x1E310] =	vst v2;
	v2 =	vand.u32 $0x7F, v33  }
0x587: {  	v1 =	vld.idx.msk [tilespmem:v1+s12+$0x0], $0xffff;
	v2 =	vor.u32 v2, v3  }
0x588: {  	v2 =	vadd.s32 v0, v2;
	_ =	sdelay $0x2  }
0x589: {  	v3 =	vshll.u32 v34, $0x3  }
0x58a: {  	v35 =	vld [tilespmem:$0x150];
	v3 =	vand.u32 $0xFFFFFC00, v3;
	[tilespmem:$0x1E320] =	vst v1;
	v1 =	vand.u32 $0x7F, v34  }
0x58b: {  	v2 =	vld.idx.msk [tilespmem:v2+s12+$0x0], $0xffff;
	v1 =	vor.u32 v1, v3  }
0x58c: {  	v1 =	vadd.s32 v0, v1;
	_ =	sdelay $0x2  }
0x58d: {  	v3 =	vshll.u32 v35, $0x3  }
0x58e: {  	v36 =	vld [tilespmem:$0x160];
	v3 =	vand.u32 $0xFFFFFC00, v3;
	[tilespmem:$0x1E330] =	vst v2;
	v2 =	vand.u32 $0x7F, v35  }
0x58f: {  	v1 =	vld.idx.msk [tilespmem:v1+s12+$0x0], $0xffff;
	v2 =	vor.u32 v2, v3  }
0x590: {  	v2 =	vadd.s32 v0, v2;
	_ =	sdelay $0x2  }
0x591: {  	v3 =	vshll.u32 v36, $0x3  }
0x592: {  	v37 =	vld [tilespmem:$0x170];
	v3 =	vand.u32 $0xFFFFFC00, v3;
	[tilespmem:$0x1E340] =	vst v1;
	v1 =	vand.u32 $0x7F, v36  }
0x593: {  	v2 =	vld.idx.msk [tilespmem:v2+s12+$0x0], $0xffff;
	v1 =	vor.u32 v1, v3  }
0x594: {  	v1 =	vadd.s32 v0, v1;
	_ =	sdelay $0x2  }
0x595: {  	v3 =	vshll.u32 v37, $0x3  }
0x596: {  	v38 =	vld [tilespmem:$0x180];
	v3 =	vand.u32 $0xFFFFFC00, v3;
	[tilespmem:$0x1E350] =	vst v2;
	v2 =	vand.u32 $0x7F, v37  }
0x597: {  	v1 =	vld.idx.msk [tilespmem:v1+s12+$0x0], $0xffff;
	v2 =	vor.u32 v2, v3  }
0x598: {  	v2 =	vadd.s32 v0, v2;
	_ =	sdelay $0x2  }
0x599: {  	v3 =	vshll.u32 v38, $0x3  }
0x59a: {  	v39 =	vld [tilespmem:$0x190];
	v3 =	vand.u32 $0xFFFFFC00, v3;
	[tilespmem:$0x1E360] =	vst v1;
	v1 =	vand.u32 $0x7F, v38  }
0x59b: {  	v2 =	vld.idx.msk [tilespmem:v2+s12+$0x0], $0xffff;
	v1 =	vor.u32 v1, v3  }
0x59c: {  	v1 =	vadd.s32 v0, v1;
	_ =	sdelay $0x2  }
0x59d: {  	v3 =	vshll.u32 v39, $0x3  }
0x59e: {  	v40 =	vld [tilespmem:$0x1A0];
	v3 =	vand.u32 $0xFFFFFC00, v3;
	[tilespmem:$0x1E370] =	vst v2;
	v2 =	vand.u32 $0x7F, v39  }
0x59f: {  	v1 =	vld.idx.msk [tilespmem:v1+s12+$0x0], $0xffff;
	v2 =	vor.u32 v2, v3  }
0x5a0: {  	v2 =	vadd.s32 v0, v2;
	_ =	sdelay $0x2  }
0x5a1: {  	v3 =	vshll.u32 v40, $0x3  }
0x5a2: {  	v41 =	vld [tilespmem:$0x1B0];
	v3 =	vand.u32 $0xFFFFFC00, v3;
	[tilespmem:$0x1E700] =	vst v1;
	v1 =	vand.u32 $0x7F, v40  }
0x5a3: {  	v2 =	vld.idx.msk [tilespmem:v2+s12+$0x0], $0xffff;
	v1 =	vor.u32 v1, v3  }
0x5a4: {  	v1 =	vadd.s32 v0, v1;
	_ =	sdelay $0x2  }
0x5a5: {  	v3 =	vshll.u32 v41, $0x3  }
0x5a6: {  	v42 =	vld [tilespmem:$0x1C0];
	v3 =	vand.u32 $0xFFFFFC00, v3;
	[tilespmem:$0x1E710] =	vst v2;
	v2 =	vand.u32 $0x7F, v41  }
0x5a7: {  	v1 =	vld.idx.msk [tilespmem:v1+s12+$0x0], $0xffff;
	v2 =	vor.u32 v2, v3  }
0x5a8: {  	v2 =	vadd.s32 v0, v2;
	_ =	sdelay $0x2  }
0x5a9: {  	v3 =	vshll.u32 v42, $0x3  }
0x5aa: {  	v43 =	vld [tilespmem:$0x1D0];
	v3 =	vand.u32 $0xFFFFFC00, v3;
	[tilespmem:$0x1E720] =	vst v1;
	v1 =	vand.u32 $0x7F, v42  }
0x5ab: {  	v2 =	vld.idx.msk [tilespmem:v2+s12+$0x0], $0xffff;
	v1 =	vor.u32 v1, v3  }
0x5ac: {  	v1 =	vadd.s32 v0, v1;
	_ =	sdelay $0x2  }
0x5ad: {  	v3 =	vshll.u32 v43, $0x3  }
0x5ae: {  	v44 =	vld [tilespmem:$0x1E0];
	v3 =	vand.u32 $0xFFFFFC00, v3;
	[tilespmem:$0x1E730] =	vst v2;
	v2 =	vand.u32 $0x7F, v43  }
0x5af: {  	v1 =	vld.idx.msk [tilespmem:v1+s12+$0x0], $0xffff;
	v2 =	vor.u32 v2, v3  }
0x5b0: {  	v2 =	vadd.s32 v0, v2;
	_ =	sdelay $0x2  }
0x5b1: {  	v3 =	vshll.u32 v44, $0x3  }
0x5b2: {  	v45 =	vld [tilespmem:$0x1F0];
	v3 =	vand.u32 $0xFFFFFC00, v3;
	[tilespmem:$0x1E740] =	vst v1;
	v1 =	vand.u32 $0x7F, v44  }
0x5b3: {  	v2 =	vld.idx.msk [tilespmem:v2+s12+$0x0], $0xffff;
	v1 =	vor.u32 v1, v3  }
0x5b4: {  	v1 =	vadd.s32 v0, v1;
	_ =	sdelay $0x2  }
0x5b5: {  	v3 =	vshll.u32 v45, $0x3  }
0x5b6: {  	v46 =	vld [tilespmem:$0x200];
	v3 =	vand.u32 $0xFFFFFC00, v3;
	[tilespmem:$0x1E750] =	vst v2;
	v2 =	vand.u32 $0x7F, v45  }
0x5b7: {  	v1 =	vld.idx.msk [tilespmem:v1+s12+$0x0], $0xffff;
	v2 =	vor.u32 v2, v3  }
0x5b8: {  	v2 =	vadd.s32 v0, v2;
	_ =	sdelay $0x2  }
0x5b9: {  	v3 =	vshll.u32 v46, $0x3  }
0x5ba: {  	v47 =	vld [tilespmem:$0x210];
	v3 =	vand.u32 $0xFFFFFC00, v3;
	[tilespmem:$0x1E760] =	vst v1;
	v1 =	vand.u32 $0x7F, v46  }
0x5bb: {  	v2 =	vld.idx.msk [tilespmem:v2+s12+$0x0], $0xffff;
	v1 =	vor.u32 v1, v3  }
0x5bc: {  	v1 =	vadd.s32 v0, v1;
	_ =	sdelay $0x2  }
0x5bd: {  	v3 =	vshll.u32 v47, $0x3  }
0x5be: {  	v48 =	vld [tilespmem:$0x220];
	v3 =	vand.u32 $0xFFFFFC00, v3;
	[tilespmem:$0x1E770] =	vst v2;
	v2 =	vand.u32 $0x7F, v47  }
0x5bf: {  	v1 =	vld.idx.msk [tilespmem:v1+s12+$0x0], $0xffff;
	v2 =	vor.u32 v2, v3  }
0x5c0: {  	v2 =	vadd.s32 v0, v2;
	_ =	sdelay $0x2  }
0x5c1: {  	v3 =	vshll.u32 v48, $0x3  }
0x5c2: {  	v49 =	vld [tilespmem:$0x230];
	v3 =	vand.u32 $0xFFFFFC00, v3;
	[tilespmem:$0x1EB00] =	vst v1;
	v1 =	vand.u32 $0x7F, v48  }
0x5c3: {  	v2 =	vld.idx.msk [tilespmem:v2+s12+$0x0], $0xffff;
	v1 =	vor.u32 v1, v3  }
0x5c4: {  	v1 =	vadd.s32 v0, v1;
	_ =	sdelay $0x2  }
0x5c5: {  	v3 =	vshll.u32 v49, $0x3  }
0x5c6: {  	v50 =	vld [tilespmem:$0x240];
	v3 =	vand.u32 $0xFFFFFC00, v3;
	[tilespmem:$0x1EB10] =	vst v2;
	v2 =	vand.u32 $0x7F, v49  }
0x5c7: {  	v1 =	vld.idx.msk [tilespmem:v1+s12+$0x0], $0xffff;
	v2 =	vor.u32 v2, v3  }
0x5c8: {  	v2 =	vadd.s32 v0, v2;
	_ =	sdelay $0x2  }
0x5c9: {  	v3 =	vshll.u32 v50, $0x3  }
0x5ca: {  	v51 =	vld [tilespmem:$0x250];
	v3 =	vand.u32 $0xFFFFFC00, v3;
	[tilespmem:$0x1EB20] =	vst v1;
	v1 =	vand.u32 $0x7F, v50  }
0x5cb: {  	v2 =	vld.idx.msk [tilespmem:v2+s12+$0x0], $0xffff;
	v1 =	vor.u32 v1, v3  }
0x5cc: {  	v1 =	vadd.s32 v0, v1;
	_ =	sdelay $0x2  }
0x5cd: {  	v3 =	vshll.u32 v51, $0x3  }
0x5ce: {  	v52 =	vld [tilespmem:$0x260];
	v3 =	vand.u32 $0xFFFFFC00, v3;
	[tilespmem:$0x1EB30] =	vst v2;
	v2 =	vand.u32 $0x7F, v51  }
0x5cf: {  	v1 =	vld.idx.msk [tilespmem:v1+s12+$0x0], $0xffff;
	v2 =	vor.u32 v2, v3  }
0x5d0: {  	v2 =	vadd.s32 v0, v2;
	_ =	sdelay $0x2  }
0x5d1: {  	v3 =	vshll.u32 v52, $0x3  }
0x5d2: {  	v53 =	vld [tilespmem:$0x270];
	v3 =	vand.u32 $0xFFFFFC00, v3;
	[tilespmem:$0x1EB40] =	vst v1;
	v1 =	vand.u32 $0x7F, v52  }
0x5d3: {  	v2 =	vld.idx.msk [tilespmem:v2+s12+$0x0], $0xffff;
	v1 =	vor.u32 v1, v3  }
0x5d4: {  	v1 =	vadd.s32 v0, v1;
	_ =	sdelay $0x2  }
0x5d5: {  	v3 =	vshll.u32 v53, $0x3  }
0x5d6: {  	v54 =	vld [tilespmem:$0x280];
	v3 =	vand.u32 $0xFFFFFC00, v3;
	[tilespmem:$0x1EB50] =	vst v2;
	v2 =	vand.u32 $0x7F, v53  }
0x5d7: {  	v1 =	vld.idx.msk [tilespmem:v1+s12+$0x0], $0xffff;
	v2 =	vor.u32 v2, v3  }
0x5d8: {  	v2 =	vadd.s32 v0, v2;
	_ =	sdelay $0x2  }
0x5d9: {  	v3 =	vshll.u32 v54, $0x3  }
0x5da: {  	v55 =	vld [tilespmem:$0x290];
	v3 =	vand.u32 $0xFFFFFC00, v3;
	[tilespmem:$0x1EB60] =	vst v1;
	v1 =	vand.u32 $0x7F, v54  }
0x5db: {  	v2 =	vld.idx.msk [tilespmem:v2+s12+$0x0], $0xffff;
	v1 =	vor.u32 v1, v3  }
0x5dc: {  	v1 =	vadd.s32 v0, v1;
	_ =	sdelay $0x2  }
0x5dd: {  	v3 =	vshll.u32 v55, $0x3  }
0x5de: {  	v56 =	vld [tilespmem:$0x2A0];
	v3 =	vand.u32 $0xFFFFFC00, v3;
	[tilespmem:$0x1EB70] =	vst v2;
	v2 =	vand.u32 $0x7F, v55  }
0x5df: {  	v1 =	vld.idx.msk [tilespmem:v1+s12+$0x0], $0xffff;
	v2 =	vor.u32 v2, v3  }
0x5e0: {  	v2 =	vadd.s32 v0, v2;
	_ =	sdelay $0x2  }
0x5e1: {  	v3 =	vshll.u32 v56, $0x3  }
0x5e2: {  	v57 =	vld [tilespmem:$0x2B0];
	v3 =	vand.u32 $0xFFFFFC00, v3;
	[tilespmem:$0x1EF00] =	vst v1;
	v1 =	vand.u32 $0x7F, v56  }
0x5e3: {  	v2 =	vld.idx.msk [tilespmem:v2+s12+$0x0], $0xffff;
	v1 =	vor.u32 v1, v3  }
0x5e4: {  	v1 =	vadd.s32 v0, v1;
	_ =	sdelay $0x2  }
0x5e5: {  	v3 =	vshll.u32 v57, $0x3  }
0x5e6: {  	v58 =	vld [tilespmem:$0x2C0];
	v3 =	vand.u32 $0xFFFFFC00, v3;
	[tilespmem:$0x1EF10] =	vst v2;
	v2 =	vand.u32 $0x7F, v57  }
0x5e7: {  	v1 =	vld.idx.msk [tilespmem:v1+s12+$0x0], $0xffff;
	v2 =	vor.u32 v2, v3  }
0x5e8: {  	v2 =	vadd.s32 v0, v2;
	_ =	sdelay $0x2  }
0x5e9: {  	v3 =	vshll.u32 v58, $0x3  }
0x5ea: {  	v59 =	vld [tilespmem:$0x2D0];
	v3 =	vand.u32 $0xFFFFFC00, v3;
	[tilespmem:$0x1EF20] =	vst v1;
	v1 =	vand.u32 $0x7F, v58  }
0x5eb: {  	v2 =	vld.idx.msk [tilespmem:v2+s12+$0x0], $0xffff;
	v1 =	vor.u32 v1, v3  }
0x5ec: {  	v1 =	vadd.s32 v0, v1;
	_ =	sdelay $0x2  }
0x5ed: {  	v3 =	vshll.u32 v59, $0x3  }
0x5ee: {  	v60 =	vld [tilespmem:$0x2E0];
	v3 =	vand.u32 $0xFFFFFC00, v3;
	[tilespmem:$0x1EF30] =	vst v2;
	v2 =	vand.u32 $0x7F, v59  }
0x5ef: {  	v1 =	vld.idx.msk [tilespmem:v1+s12+$0x0], $0xffff;
	v2 =	vor.u32 v2, v3  }
0x5f0: {  	v2 =	vadd.s32 v0, v2;
	_ =	sdelay $0x2  }
0x5f1: {  	v3 =	vshll.u32 v60, $0x3  }
0x5f2: {  	v61 =	vld [tilespmem:$0x2F0];
	v3 =	vand.u32 $0xFFFFFC00, v3;
	[tilespmem:$0x1EF40] =	vst v1;
	v1 =	vand.u32 $0x7F, v60  }
0x5f3: {  	v2 =	vld.idx.msk [tilespmem:v2+s12+$0x0], $0xffff;
	v1 =	vor.u32 v1, v3  }
0x5f4: {  	v1 =	vadd.s32 v0, v1;
	_ =	sdelay $0x2  }
0x5f5: {  	v3 =	vshll.u32 v61, $0x3  }
0x5f6: {  	v62 =	vld [tilespmem:$0x300];
	v3 =	vand.u32 $0xFFFFFC00, v3;
	[tilespmem:$0x1EF50] =	vst v2;
	v2 =	vand.u32 $0x7F, v61  }
0x5f7: {  	v1 =	vld.idx.msk [tilespmem:v1+s12+$0x0], $0xffff;
	v2 =	vor.u32 v2, v3  }
0x5f8: {  	v2 =	vadd.s32 v0, v2;
	_ =	sdelay $0x2  }
0x5f9: {  	v3 =	vshll.u32 v62, $0x3  }
0x5fa: {  	v63 =	vld [tilespmem:$0x310];
	v3 =	vand.u32 $0xFFFFFC00, v3;
	[tilespmem:$0x1EF60] =	vst v1;
	v1 =	vand.u32 $0x7F, v62  }
0x5fb: {  	v2 =	vld.idx.msk [tilespmem:v2+s12+$0x0], $0xffff;
	v1 =	vor.u32 v1, v3  }
0x5fc: {  	v1 =	vadd.s32 v0, v1;
	_ =	sdelay $0x2  }
0x5fd: {  	v3 =	vshll.u32 v63, $0x3  }
0x5fe: {  	v3 =	vand.u32 $0xFFFFFC00, v3;
	[tilespmem:$0x1EF70] =	vst v2;
	v2 =	vand.u32 $0x7F, v63  }
0x5ff: {  	v2 =	vor.u32 v2, v3;
	v1 =	vld.idx.msk [tilespmem:v1+s12+$0x0], $0xffff  }
0x600: {  	v2 =	vadd.s32 v0, v2;
	_ =	sdelay $0x3  }
0x601: {  	[tilespmem:$0x1F300] =	vst v1  }
0x602: {  	v1 =	vld.idx.msk [tilespmem:v2+s12+$0x0], $0xffff;
	_ =	sdelay $0x2  }
0x603: {  	s18 =	sadd.s32 $0x1, s18  }
0x604: {  	p0 =	sne.s32 s18, s8  }
.Ltmp1:
0x605: {  	[tilespmem:$0x1F310] =	vst v1;
	(pc) =	sbr.rel @p0 .LBB2_1-.Ltmp1, $4  }
0x606: {  	[hbm4b:s7+s3] =	stream.linear.scatter [tilespmem:s17], [sflag:$0x4], $0x7000, $0x38;
	[tilespmem:$0x1F380] =	vst v63  }
0x607: {  	_ =	swait.ge [sflag:s10], $0x7000  }
0x608: {  	[sflag:s10] =	ssyncset.done $0x0  }
0x609: {  	[sflag:s10] =	ssyncadd.s32 $0xFFFF9000  }
0x60a: {  	_ =	sfence.sel $0x180000  }
0x60b: {  	[bflag:$0x0] =	sbarrier.arrive $0xFFFF  }
0x60c: {  	p0 =	sne.s32 s0, $0x0;
	_ =	strace $0x90000047  }
0x60d: {  	s0 =	sadd.s32 @!p0 $0x100000, s2;
	[bflag:$0x2] =	sbarrier.arrive $0xFFFF  }
0x60e: {  	[sflag:s0] =	ssyncadd.tile.s32 @!p0 $0x1;
	_ =	shalt  }
.Lfunc_end2:
_tile_overlayer_lowered:
.L_overlay_start_2:
0x60f: {  	(tag) =	ssettag $0x2  }
0x610: {  	s0 =	rddreg [dreg:$0x0];
	s2 =	stileid.u32  }
0x611: {  	s1 =	rddreg [dreg:$0x1];
	p0 =	sne.s32 s2, $0x0  }
0x612: {  	s3 =	rddreg [dreg:$0x2];
	[bflag:$0x3] =	sbarrier.arrive $0xFFFF;
	s2 =	simm.s32 @!p0 $0x1C04  }
0x613: {  	[timem:s3], [sflag:s2] =	dma.local @!p0 [hbm:s0], s1  }
0x614: {  	s0 =	simm.s32 @!p0 $0x4  }
0x615: {  	_ =	swait.ge @!p0 [sflag:s0], s1  }
0x616: {  	s1 =	ssub.s32 @!p0 $0x0, s1;
	[sflag:s0] =	ssyncset.done @!p0 $0x0  }
0x617: {  	[sflag:s0] =	ssyncadd.s32 @!p0 s1  }
0x618: {  	[bflag:$0x3] =	sbarrier.arrive $0xFFFF  }
0x619: {  	_ =	shalt  }

</sc_bundles>
